<compile_context>
chip_gen: v7x
topology: tpu7x:2x2x1
jax: 0.10.2.dev20260603
libtpu: 0.0.44.dev20260713+nightly
codegen_flags: <defaults>
</compile_context>

<pallas_src>
import functools

import jax
import jax.numpy as jnp
from jax import lax
from jax.experimental import pallas as pl
from jax.experimental.pallas import tpu as pltpu
from jax.experimental.pallas import tpu_sc as plsc

_N = 10000
_E = 320000
_H = 128
_NC = 2
_NS = 16
_NW = _NC * _NS
_K = 128
_NPAD = 10240
_ROWS = _NPAD // _NS
_CH = 80
_EPAD = _CH * _NW * _K


def _sc_mesh():
    return plsc.VectorSubcoreMesh(core_axis_name="c", subcore_axis_name="s")



def _sc_degree_body(srcs, dsts, ones_h, zeros_h, out,
                    src_slab, dst_slab, ones_v, acc, sem):
    c = lax.axis_index("c")
    s = lax.axis_index("s")
    wid = s * _NC + c
    r0 = s * _ROWS

    pltpu.sync_copy(zeros_h, acc.at[pl.ds(r0, _ROWS)])
    pltpu.sync_copy(ones_h, ones_v)
    pltpu.sync_copy(srcs.at[pl.ds(wid * _CH, _CH)], src_slab)
    pltpu.sync_copy(dsts.at[pl.ds(wid * _CH, _CH)], dst_slab)
    plsc.subcore_barrier()

    def step_s(j, carry):
        pltpu.sync_copy(ones_v, acc.at[src_slab.at[j]], add=True)
        return carry

    lax.fori_loop(0, _CH, step_s, 0)
    plsc.subcore_barrier()
    pltpu.sync_copy(acc.at[pl.ds(r0, _ROWS)], out.at[c, 0, pl.ds(r0, _ROWS)])
    pltpu.sync_copy(zeros_h, acc.at[pl.ds(r0, _ROWS)])
    plsc.subcore_barrier()

    def step_d(j, carry):
        pltpu.sync_copy(ones_v, acc.at[dst_slab.at[j]], add=True)
        return carry

    lax.fori_loop(0, _CH, step_d, 0)
    plsc.subcore_barrier()
    pltpu.sync_copy(acc.at[pl.ds(r0, _ROWS)], out.at[c, 1, pl.ds(r0, _ROWS)])


def _sc_degree(src_slabs, dst_slabs, ones_h, zeros_h):
    kfn = pl.kernel(
        _sc_degree_body,
        mesh=_sc_mesh(),
        out_type=jax.ShapeDtypeStruct((_NC, 2, _NPAD, 16), jnp.float32),
        scratch_types=[
            pltpu.VMEM((_CH, _K), jnp.int32),
            pltpu.VMEM((_CH, _K), jnp.int32),
            pltpu.VMEM((_K, 16), jnp.float32),
            pltpu.VMEM_SHARED((_NPAD, 16), jnp.float32),
            pltpu.SemaphoreType.DMA,
        ],
        compiler_params=pltpu.CompilerParams(use_tc_tiling_on_sc=False),
    )
    return kfn(src_slabs, dst_slabs, ones_h, zeros_h)


_CH0 = 80
_CH1 = 80
_BLK = 16


def _sc_spmm_body(z, srcs, dsts, zeros_h, out,
                  src_slab, dst_slab, rows0, rows1, acc, gsem0, gsem1):
    c = lax.axis_index("c")
    s = lax.axis_index("s")
    r0 = s * _ROWS
    cnt = _CH0 + c * (_CH1 - _CH0)
    start = c * (_NS * _CH0) + s * cnt

    pltpu.sync_copy(zeros_h, acc.at[pl.ds(r0, _ROWS)])
    plsc.subcore_barrier()

    def blk(b, carry):
        base = start + b * _BLK
        pltpu.sync_copy(srcs.at[pl.ds(base, _BLK)], src_slab)
        pltpu.sync_copy(dsts.at[pl.ds(base, _BLK)], dst_slab)
        pltpu.async_copy(z.at[src_slab.at[0]], rows0, gsem0)

        def step(jj, carry2):
            j0 = 2 * jj
            j1 = j0 + 1
            pltpu.make_async_copy(z.at[src_slab.at[j0]], rows0, gsem0).wait()
            pltpu.async_copy(z.at[src_slab.at[j1]], rows1, gsem1)
            pltpu.sync_copy(rows0, acc.at[dst_slab.at[j0]], add=True)
            pltpu.make_async_copy(z.at[src_slab.at[j1]], rows1, gsem1).wait()

            @pl.when(j1 + 1 < _BLK)
            def _():
                pltpu.async_copy(z.at[src_slab.at[j1 + 1]], rows0, gsem0)

            pltpu.sync_copy(rows1, acc.at[dst_slab.at[j1]], add=True)
            return carry2

        lax.fori_loop(0, _BLK // 2, step, 0)
        return carry

    lax.fori_loop(0, cnt // _BLK, blk, 0)
    plsc.subcore_barrier()
    pltpu.sync_copy(acc.at[pl.ds(r0, _ROWS)], out.at[c, pl.ds(r0, _ROWS)])


def _sc_spmm(z, src_flat, dst_flat, zeros_h):
    w = z.shape[1]
    kfn = pl.kernel(
        _sc_spmm_body,
        mesh=_sc_mesh(),
        out_type=jax.ShapeDtypeStruct((_NC, _NPAD, w), jnp.float32),
        scratch_types=[
            pltpu.VMEM((_BLK, _K), jnp.int32),
            pltpu.VMEM((_BLK, _K), jnp.int32),
            pltpu.VMEM((_K, w), jnp.float32),
            pltpu.VMEM((_K, w), jnp.float32),
            pltpu.VMEM_SHARED((_NPAD, w), jnp.float32),
            pltpu.SemaphoreType.DMA,
            pltpu.SemaphoreType.DMA,
        ],
    )
    return kfn(z, src_flat, dst_flat, zeros_h)



_M = 512


def _norms_from_hist(h4):
    deg_s = h4[0, 0, :, 0:1] + h4[1, 0, :, 0:1]
    deg_d = h4[0, 1, :, 0:1] + h4[1, 1, :, 0:1]
    norm_s = lax.rsqrt(jnp.maximum(deg_s, 1.0))
    norm_d = lax.rsqrt(jnp.maximum(deg_d, 1.0))
    return norm_s, norm_d


def _tc_z0_body(hist_ref, x_ref, w_ref, o_ref):
    norm_s, _ = _norms_from_hist(hist_ref[...])
    o_ref[...] = jnp.dot(x_ref[...] * norm_s, w_ref[...],
                         preferred_element_type=jnp.float32)


def _tc_z0(hist, x, w):
    return pl.pallas_call(
        _tc_z0_body,
        grid=(_NPAD // _M,),
        in_specs=[
            pl.BlockSpec((_NC, 2, _M, 16), lambda i: (0, 0, i, 0)),
            pl.BlockSpec((_M, _H), lambda i: (i, 0)),
            pl.BlockSpec((_H, _H), lambda i: (0, 0)),
        ],
        out_specs=pl.BlockSpec((_M, _H), lambda i: (i, 0)),
        out_shape=jax.ShapeDtypeStruct((_NPAD, _H), jnp.float32),
    )(hist, x, w)


def _tc_mid_body(hist_ref, acc_ref, b_ref, w_ref, o_ref):
    norm_s, norm_d = _norms_from_hist(hist_ref[...])
    a = acc_ref[...]
    y = (a[0] + a[1]) * norm_d + b_ref[...]
    h = jnp.maximum(y, 0.0)
    o_ref[...] = jnp.dot(h * norm_s, w_ref[...],
                         preferred_element_type=jnp.float32)


def _tc_mid(hist, acc, b, w):
    wo = w.shape[1]
    return pl.pallas_call(
        _tc_mid_body,
        grid=(_NPAD // _M,),
        in_specs=[
            pl.BlockSpec((_NC, 2, _M, 16), lambda i: (0, 0, i, 0)),
            pl.BlockSpec((_NC, _M, _H), lambda i: (0, i, 0)),
            pl.BlockSpec((1, _H), lambda i: (0, 0)),
            pl.BlockSpec((_H, wo), lambda i: (0, 0)),
        ],
        out_specs=pl.BlockSpec((_M, wo), lambda i: (i, 0)),
        out_shape=jax.ShapeDtypeStruct((_NPAD, wo), jnp.float32),
    )(hist, acc, b, w)


def _tc_colors_body(hist_ref, acc_ref, b2_ref, colors_ref):
    h4 = hist_ref[...]
    deg_d = h4[0, 1, :, 0:1] + h4[1, 1, :, 0:1]
    norm_d = lax.rsqrt(jnp.maximum(deg_d, 1.0))
    a = acc_ref[...]
    y = (a[0] + a[1]) * norm_d + b2_ref[...]
    neg = jnp.float32(-1e30)
    col = lax.broadcasted_iota(jnp.int32, (_M, _H), 1)
    colmask = col < 3
    logits = jnp.where(colmask, y, neg)
    m = jnp.max(logits, axis=1, keepdims=True)
    e = jnp.where(colmask, jnp.exp(logits - m), 0.0)
    colors = e / jnp.sum(e, axis=1, keepdims=True)
    colors_ref[...] = colors[:, :16]


def _tc_colors(hist, acc, b2):
    return pl.pallas_call(
        _tc_colors_body,
        grid=(_NPAD // _M,),
        in_specs=[
            pl.BlockSpec((_NC, 2, _M, 16), lambda i: (0, 0, i, 0)),
            pl.BlockSpec((_NC, _M, _H), lambda i: (0, i, 0)),
            pl.BlockSpec((1, _H), lambda i: (0, 0)),
        ],
        out_specs=pl.BlockSpec((_M, 16), lambda i: (i, 0)),
        out_shape=jax.ShapeDtypeStruct((_NPAD, 16), jnp.float32),
    )(hist, acc, b2)


def _tc_pool_body(colors_ref, wp_ref, bp_ref, wo_ref, bo_ref, sat_ref):
    colors = colors_ref[...]
    neg = jnp.float32(-1e30)
    gate = jnp.sum(colors * wp_ref[...], axis=1, keepdims=True) + bp_ref[0, 0]
    row = lax.broadcasted_iota(jnp.int32, (_NPAD, 1), 0)
    rowmask = row < _N
    glog = jnp.where(rowmask, gate, neg)
    gm = jnp.max(glog, axis=0, keepdims=True)
    ge = jnp.where(rowmask, jnp.exp(glog - gm), 0.0)
    gw = ge / jnp.sum(ge, axis=0, keepdims=True)
    readout = jnp.sum(gw * colors, axis=0, keepdims=True)
    logit = jnp.sum(readout * wo_ref[...]) + bo_ref[0, 0]
    sat = 1.0 / (1.0 + jnp.exp(-logit))
    sat_ref[...] = jnp.reshape(sat, (1, 1))


def _tc_pool(colors, wp, bp, wo, bo):
    return pl.pallas_call(
        _tc_pool_body,
        out_shape=jax.ShapeDtypeStruct((1, 1), jnp.float32),
    )(colors, wp, bp, wo, bo)



def kernel(x, edge_index, W0, b0, W1, b1, W2, b2, Wp, bp, Wo, bo):
    f32 = jnp.float32
    src = edge_index[0]
    dst = edge_index[1]
    pad = _N + (jnp.arange(_EPAD - _E, dtype=jnp.int32) % (_NPAD - _N))
    src_flat = jnp.concatenate([src, pad]).reshape(_NW * _CH, _K)
    dst_flat = jnp.concatenate([dst, pad]).reshape(_NW * _CH, _K)

    x_pad = jnp.zeros((_NPAD, _H), f32).at[:_N].set(x)
    zeros128 = jnp.zeros((_ROWS, _H), f32)
    zeros16 = jnp.zeros((_ROWS, 16), f32)
    ones16 = jnp.ones((_K, 16), f32)

    b0r = b0.reshape(1, _H)
    b1r = b1.reshape(1, _H)
    W2p = jnp.zeros((_H, _H), f32).at[:, :3].set(W2)
    b2r = jnp.zeros((1, _H), f32).at[0, :3].set(b2)
    wp_row = jnp.zeros((1, 16), f32).at[0, :3].set(Wp[:, 0])
    wo_row = jnp.zeros((1, 16), f32).at[0, :3].set(Wo[:, 0])
    bpr = bp.reshape(1, 1)
    bor = bo.reshape(1, 1)

    hist = _sc_degree(src_flat, dst_flat, ones16, zeros16)

    z0 = _tc_z0(hist, x_pad, W0)
    acc1 = _sc_spmm(z0, src_flat, dst_flat, zeros128)
    z1 = _tc_mid(hist, acc1, b0r, W1)
    acc2 = _sc_spmm(z1, src_flat, dst_flat, zeros128)
    z2 = _tc_mid(hist, acc2, b1r, W2p)
    acc3 = _sc_spmm(z2, src_flat, dst_flat, zeros128)
    colors_pad = _tc_colors(hist, acc3, b2r)
    sat = _tc_pool(colors_pad, wp_row, bpr, wo_row, bor)

    return colors_pad[:_N, :3], sat[0, 0]

# --- scband reference (transcript-rebuilt; emitter-appended) ---
"""Pipeline reference for scband-hash-sat-35862976921619 (READ-ONLY COPY).

The authoritative reference and input builder live on the scoring server;
editing this copy changes nothing except your own understanding.
"""

import jax, jax.numpy as jnp
import numpy as np

N = 10000
E = 320000
H = 128
NUM_COLORS = 3


def setup_inputs(seed: int = 0) -> dict:
    key = jax.random.key(seed)
    ks = jax.random.split(key, 12)
    # Original torch forward creates x = rand(N, H)/sqrt(H) internally; we materialize it as input
    x = jax.random.uniform(ks[0], (N, H), dtype=jnp.float32) / (H ** 0.5)
    edge_index = jax.random.randint(ks[1], (2, E), 0, N, dtype=jnp.int32)
    s0 = 1.0 / (H ** 0.5)
    sC = 1.0 / (NUM_COLORS ** 0.5)
    W0 = jax.random.normal(ks[2], (H, H), dtype=jnp.float32) * s0
    b0 = jnp.zeros((H,), dtype=jnp.float32)
    W1 = jax.random.normal(ks[3], (H, H), dtype=jnp.float32) * s0
    b1 = jnp.zeros((H,), dtype=jnp.float32)
    W2 = jax.random.normal(ks[4], (H, NUM_COLORS), dtype=jnp.float32) * s0
    b2 = jnp.zeros((NUM_COLORS,), dtype=jnp.float32)
    Wp = jax.random.normal(ks[5], (NUM_COLORS, 1), dtype=jnp.float32) * sC
    bp = jnp.zeros((1,), dtype=jnp.float32)
    Wo = jax.random.normal(ks[6], (NUM_COLORS, 1), dtype=jnp.float32) * sC
    bo = jnp.zeros((1,), dtype=jnp.float32)
    return {"x": x, "edge_index": edge_index, "W0": W0, "b0": b0, "W1": W1, "b1": b1,
            "W2": W2, "b2": b2, "Wp": Wp, "bp": bp, "Wo": Wo, "bo": bo}


def reference(x, edge_index, W0, b0, W1, b1, W2, b2, Wp, bp, Wo, bo):
    src = edge_index[0]
    dst = edge_index[1]
    # DGL GraphConv norm='both': D_src^{-1/2} A D_dst^{-1/2} X W + b
    out_deg = jnp.clip(jnp.bincount(src, length=N), 1).astype(jnp.float32)
    in_deg = jnp.clip(jnp.bincount(dst, length=N), 1).astype(jnp.float32)
    norm_src = (out_deg ** -0.5)[:, None]
    norm_dst = (in_deg ** -0.5)[:, None]

    def conv(h, W, b, activ):
        h = h * norm_src
        h = h @ W
        h = jax.ops.segment_sum(h[src], dst, num_segments=N)
        h = h * norm_dst + b
        if activ is not None:
            h = activ(h)
        return h

    h = conv(x, W0, b0, jax.nn.relu)
    h = conv(h, W1, b1, jax.nn.relu)
    h = conv(h, W2, b2, None)

    colors = jax.nn.softmax(h, axis=1)
    # GlobalAttentionPooling over the single graph
    gate = colors @ Wp + bp            # [N, 1]
    gate = jax.nn.softmax(gate, axis=0)
    readout = jnp.sum(gate * colors, axis=0, keepdims=True)  # [1, NUM_COLORS]
    sat = jax.nn.sigmoid(readout @ Wo + bo).squeeze()
    return colors, sat

if __name__ == "__main__":
    import jax
    _d = setup_inputs()
    print(jax.jit(kernel)(*tuple(_d.values())))

</pallas_src>

<mosaic_0001>
#map = affine_map<(d0, d1) -> (0, 0)>
#map1 = affine_map<(d0, d1) -> (0, 0, 0)>
module attributes {stable_mosaic.version = 14 : i64} {
  func.func @_sc_spmm_body(%arg0: i32, %arg1: i32, %arg2: memref<10240x128xf32, #tpu.memory_space<hbm>>, %arg3: memref<2560x128xi32, #tpu.memory_space<hbm>>, %arg4: memref<2560x128xi32, #tpu.memory_space<hbm>>, %arg5: memref<640x128xf32, #tpu.memory_space<hbm>>, %arg6: memref<2x10240x128xf32, #tpu.memory_space<hbm>>, %arg7: memref<16x128xi32, #tpu.memory_space<vmem>>, %arg8: memref<16x128xi32, #tpu.memory_space<vmem>>, %arg9: memref<128x128xf32, #tpu.memory_space<vmem>>, %arg10: memref<128x128xf32, #tpu.memory_space<vmem>>, %arg11: memref<10240x128xf32, #tpu.memory_space<vmem_shared>>, %arg12: memref<!tpu.dma_semaphore, #tpu.memory_space<semaphore_mem>>, %arg13: memref<!tpu.dma_semaphore, #tpu.memory_space<semaphore_mem>>) attributes {dimension_semantics = [#tpu.dimension_semantics<core_parallel>, #tpu.dimension_semantics<subcore_parallel>], iteration_bounds = array<i64: 2, 16>, scalar_prefetch = 0 : i64, scratch_operands = 7 : i64, tpu.core_type = #tpu.core_type<sc_vector_subcore>, window_params = [{transform_indices = #map}, {transform_indices = #map}, {transform_indices = #map}, {transform_indices = #map}, {transform_indices = #map1}]} {
    %mul3A = arith.constant 640 : i32
    %mul3A_0 = arith.muli %arg1, %mul3A : i32
    %mul3A_1 = arith.constant 0 : i32
    %mul3A_2 = arith.muli %arg0, %mul3A_1 : i32
    %add3A = arith.constant 80 : i32
    %add3A_3 = arith.addi %add3A, %mul3A_2 : i32
    %mul3A_4 = arith.constant 1280 : i32
    %mul3A_5 = arith.muli %arg0, %mul3A_4 : i32
    %mul3A_6 = arith.muli %arg1, %add3A_3 : i32
    %add3A_7 = arith.addi %mul3A_5, %mul3A_6 : i32
    "tpu.region"() ({
      %run_scoped3A = tpu.sem_alloc : memref<!tpu.dma_semaphore, #tpu.memory_space<semaphore_mem>>
      %dma_start3A = arith.constant 0 : i32
      %dma_start3A_34 = tpu.memref_slice %arg11[%mul3A_0, %dma_start3A] : memref<10240x128xf32, #tpu.memory_space<vmem_shared>> -> memref<640x128xf32, #tpu.memory_space<vmem_shared>>
      tpu.enqueue_dma source(%arg5 : memref<640x128xf32, #tpu.memory_space<hbm>>) target(%dma_start3A_34 : memref<640x128xf32, #tpu.memory_space<vmem_shared>>) target_semaphore(%run_scoped3A : memref<!tpu.dma_semaphore, #tpu.memory_space<semaphore_mem>>)
      %dma_wait3A = arith.constant 0 : i32
      %dma_wait3A_35 = tpu.memref_slice %arg11[%mul3A_0, %dma_wait3A] : memref<10240x128xf32, #tpu.memory_space<vmem_shared>> -> memref<640x128xf32, #tpu.memory_space<vmem_shared>>
      tpu.wait_dma2 semaphore(%run_scoped3A : memref<!tpu.dma_semaphore, #tpu.memory_space<semaphore_mem>>) src(%arg5 : memref<640x128xf32, #tpu.memory_space<hbm>>) dst(%dma_wait3A_35 : memref<640x128xf32, #tpu.memory_space<vmem_shared>>)
      tpu.yield
    }) : () -> ()
    %barrier3A = arith.constant 0 : index
    tpu.barrier barrier_id(%barrier3A)
    %jit3A = arith.constant 16 : i32
    %div3A = arith.divsi %add3A_3, %jit3A : i32
    %sign3A = arith.constant 0 : i32
    %sign3A_8 = arith.cmpi sgt, %add3A_3, %sign3A : i32
    %sign3A_9 = arith.extui %sign3A_8 : i1 to i32
    %sign3A_10 = arith.constant 0 : i32
    %sign3A_11 = arith.cmpi slt, %add3A_3, %sign3A_10 : i32
    %sign3A_12 = arith.extui %sign3A_11 : i1 to i32
    %sign3A_13 = arith.subi %sign3A_9, %sign3A_12 : i32
    %sign3A_14 = arith.constant 0 : i32
    %sign3A_15 = arith.cmpi sgt, %jit3A, %sign3A_14 : i32
    %sign3A_16 = arith.extui %sign3A_15 : i1 to i32
    %sign3A_17 = arith.constant 0 : i32
    %sign3A_18 = arith.cmpi slt, %jit3A, %sign3A_17 : i32
    %sign3A_19 = arith.extui %sign3A_18 : i1 to i32
    %sign3A_20 = arith.subi %sign3A_16, %sign3A_19 : i32
    %ne3A = arith.cmpi ne, %sign3A_13, %sign3A_20 : i32
    %rem3A = arith.remsi %add3A_3, %jit3A : i32
    %ne3A_21 = arith.constant 0 : i32
    %ne3A_22 = arith.cmpi ne, %rem3A, %ne3A_21 : i32
    %and3A = arith.andi %ne3A, %ne3A_22 : i1
    %sub3A = arith.constant 1 : i32
    %sub3A_23 = arith.subi %div3A, %sub3A : i32
    %select_n3A = arith.select %and3A, %sub3A_23, %div3A : i32
    %while3A = arith.constant 0 : i32
    %while3A_24 = arith.constant 0 : i32
    %while3A_25 = arith.subi %select_n3A, %while3A_24 : i32
    %while3A_26 = arith.addi %while3A_24, %while3A_25 : i32
    %while3A_27 = arith.constant 1 : i32
    %while3A_28 = arith.divsi %while3A_25, %while3A_27 : i32
    %while3A_29 = arith.muli %while3A_28, %while3A_27 : i32
    %while3A_30 = arith.addi %while3A_24, %while3A_29 : i32
    %while3A_31 = arith.constant 1 : i32
    scf.for %while3A_34 = %while3A_24 to %while3A_30 step %while3A_31  : i32 {
      %mul3A_35 = arith.constant 16 : i32
      %mul3A_36 = arith.muli %while3A_34, %mul3A_35 : i32
      %add3A_37 = arith.addi %add3A_7, %mul3A_36 : i32
      "tpu.region"() ({
        %run_scoped3A = tpu.sem_alloc : memref<!tpu.dma_semaphore, #tpu.memory_space<semaphore_mem>>
        %dma_start3A_49 = arith.constant 0 : i32
        %dma_start3A_50 = tpu.memref_slice %arg3[%add3A_37, %dma_start3A_49] : memref<2560x128xi32, #tpu.memory_space<hbm>> -> memref<16x128xi32, #tpu.memory_space<hbm>>
        %dma_start3A_51 = arith.constant 0 : i32
        %dma_start3A_52 = tpu.memref_slice %arg3[%add3A_37, %dma_start3A_51] : memref<2560x128xi32, #tpu.memory_space<hbm>> -> memref<16x128xi32, #tpu.memory_space<hbm>>
        tpu.enqueue_dma source(%dma_start3A_52 : memref<16x128xi32, #tpu.memory_space<hbm>>) target(%arg7 : memref<16x128xi32, #tpu.memory_space<vmem>>) target_semaphore(%run_scoped3A : memref<!tpu.dma_semaphore, #tpu.memory_space<semaphore_mem>>)
        %dma_wait3A = arith.constant 0 : i32
        %dma_wait3A_53 = tpu.memref_slice %arg3[%add3A_37, %dma_wait3A] : memref<2560x128xi32, #tpu.memory_space<hbm>> -> memref<16x128xi32, #tpu.memory_space<hbm>>
        %dma_wait3A_54 = arith.constant 0 : i32
        %dma_wait3A_55 = tpu.memref_slice %arg3[%add3A_37, %dma_wait3A_54] : memref<2560x128xi32, #tpu.memory_space<hbm>> -> memref<16x128xi32, #tpu.memory_space<hbm>>
        tpu.wait_dma2 semaphore(%run_scoped3A : memref<!tpu.dma_semaphore, #tpu.memory_space<semaphore_mem>>) src(%dma_wait3A_55 : memref<16x128xi32, #tpu.memory_space<hbm>>) dst(%arg7 : memref<16x128xi32, #tpu.memory_space<vmem>>)
        tpu.yield
      }) : () -> ()
      "tpu.region"() ({
        %run_scoped3A = tpu.sem_alloc : memref<!tpu.dma_semaphore, #tpu.memory_space<semaphore_mem>>
        %dma_start3A_49 = arith.constant 0 : i32
        %dma_start3A_50 = tpu.memref_slice %arg4[%add3A_37, %dma_start3A_49] : memref<2560x128xi32, #tpu.memory_space<hbm>> -> memref<16x128xi32, #tpu.memory_space<hbm>>
        %dma_start3A_51 = arith.constant 0 : i32
        %dma_start3A_52 = tpu.memref_slice %arg4[%add3A_37, %dma_start3A_51] : memref<2560x128xi32, #tpu.memory_space<hbm>> -> memref<16x128xi32, #tpu.memory_space<hbm>>
        tpu.enqueue_dma source(%dma_start3A_52 : memref<16x128xi32, #tpu.memory_space<hbm>>) target(%arg8 : memref<16x128xi32, #tpu.memory_space<vmem>>) target_semaphore(%run_scoped3A : memref<!tpu.dma_semaphore, #tpu.memory_space<semaphore_mem>>)
        %dma_wait3A = arith.constant 0 : i32
        %dma_wait3A_53 = tpu.memref_slice %arg4[%add3A_37, %dma_wait3A] : memref<2560x128xi32, #tpu.memory_space<hbm>> -> memref<16x128xi32, #tpu.memory_space<hbm>>
        %dma_wait3A_54 = arith.constant 0 : i32
        %dma_wait3A_55 = tpu.memref_slice %arg4[%add3A_37, %dma_wait3A_54] : memref<2560x128xi32, #tpu.memory_space<hbm>> -> memref<16x128xi32, #tpu.memory_space<hbm>>
        tpu.wait_dma2 semaphore(%run_scoped3A : memref<!tpu.dma_semaphore, #tpu.memory_space<semaphore_mem>>) src(%dma_wait3A_55 : memref<16x128xi32, #tpu.memory_space<hbm>>) dst(%arg8 : memref<16x128xi32, #tpu.memory_space<vmem>>)
        tpu.yield
      }) : () -> ()
      %dma_start3A = arith.constant 0 : i32
      %dma_start3A_38 = arith.constant 0 : i32
      %dma_start3A_39 = tpu.memref_slice %arg7[%dma_start3A, %dma_start3A_38] : memref<16x128xi32, #tpu.memory_space<vmem>> -> memref<1x128xi32, #tpu.memory_space<vmem>>
      %dma_start3A_40 = tpu.memref_squeeze %dma_start3A_39 : memref<1x128xi32, #tpu.memory_space<vmem>> -> memref<128xi32, #tpu.memory_space<vmem>>
      %dma_start3A_41 = arith.constant 0 : i32
      %dma_start3A_42 = arith.constant 0 : i32
      %dma_start3A_43 = tpu.memref_slice %arg2[%dma_start3A_41, %dma_start3A_42] : memref<10240x128xf32, #tpu.memory_space<hbm>> -> memref<10240x128xf32, #tpu.memory_space<hbm>>
      tpu.enqueue_indirect_dma source(%dma_start3A_43 : memref<10240x128xf32, #tpu.memory_space<hbm>>) target(%arg9 : memref<128x128xf32, #tpu.memory_space<vmem>>) offsets(%dma_start3A_40 : memref<128xi32, #tpu.memory_space<vmem>>) semaphore(%arg12 : memref<!tpu.dma_semaphore, #tpu.memory_space<semaphore_mem>>)
      %scan3A = arith.constant 0 : i32
      %scan3A_44 = arith.constant 0 : i32
      %scan3A_45 = arith.constant 8 : i32
      %scan3A_46 = arith.addi %scan3A_44, %scan3A_45 : i32
      %scan3A_47 = arith.constant 1 : i32
      scf.for %scan3A_49 = %scan3A_44 to %scan3A_46 step %scan3A_47  : i32 {
        %mul3A_50 = arith.constant 2 : i32
        %mul3A_51 = arith.muli %mul3A_50, %scan3A_49 : i32
        %add3A_52 = arith.constant 1 : i32
        %add3A_53 = arith.addi %mul3A_51, %add3A_52 : i32
        %dma_wait3A = arith.constant 0 : i32
        %dma_wait3A_54 = tpu.memref_slice %arg7[%mul3A_51, %dma_wait3A] : memref<16x128xi32, #tpu.memory_space<vmem>> -> memref<1x128xi32, #tpu.memory_space<vmem>>
        %dma_wait3A_55 = tpu.memref_squeeze %dma_wait3A_54 : memref<1x128xi32, #tpu.memory_space<vmem>> -> memref<128xi32, #tpu.memory_space<vmem>>
        %dma_wait3A_56 = arith.constant 0 : i32
        %dma_wait3A_57 = arith.constant 0 : i32
        %dma_wait3A_58 = tpu.memref_slice %arg2[%dma_wait3A_56, %dma_wait3A_57] : memref<10240x128xf32, #tpu.memory_space<hbm>> -> memref<10240x128xf32, #tpu.memory_space<hbm>>
        tpu.wait_indirect_dma semaphore(%arg12 : memref<!tpu.dma_semaphore, #tpu.memory_space<semaphore_mem>>) src(%dma_wait3A_58 : memref<10240x128xf32, #tpu.memory_space<hbm>>) dst(%arg9 : memref<128x128xf32, #tpu.memory_space<vmem>>)
        %dma_start3A_59 = arith.constant 0 : i32
        %dma_start3A_60 = tpu.memref_slice %arg7[%add3A_53, %dma_start3A_59] : memref<16x128xi32, #tpu.memory_space<vmem>> -> memref<1x128xi32, #tpu.memory_space<vmem>>
        %dma_start3A_61 = tpu.memref_squeeze %dma_start3A_60 : memref<1x128xi32, #tpu.memory_space<vmem>> -> memref<128xi32, #tpu.memory_space<vmem>>
        %dma_start3A_62 = arith.constant 0 : i32
        %dma_start3A_63 = arith.constant 0 : i32
        %dma_start3A_64 = tpu.memref_slice %arg2[%dma_start3A_62, %dma_start3A_63] : memref<10240x128xf32, #tpu.memory_space<hbm>> -> memref<10240x128xf32, #tpu.memory_space<hbm>>
        tpu.enqueue_indirect_dma source(%dma_start3A_64 : memref<10240x128xf32, #tpu.memory_space<hbm>>) target(%arg10 : memref<128x128xf32, #tpu.memory_space<vmem>>) offsets(%dma_start3A_61 : memref<128xi32, #tpu.memory_space<vmem>>) semaphore(%arg13 : memref<!tpu.dma_semaphore, #tpu.memory_space<semaphore_mem>>)
        "tpu.region"() ({
          %run_scoped3A = tpu.sem_alloc : memref<!tpu.dma_semaphore, #tpu.memory_space<semaphore_mem>>
          %dma_start3A_75 = arith.constant 0 : i32
          %dma_start3A_76 = tpu.memref_slice %arg8[%mul3A_51, %dma_start3A_75] : memref<16x128xi32, #tpu.memory_space<vmem>> -> memref<1x128xi32, #tpu.memory_space<vmem>>
          %dma_start3A_77 = tpu.memref_squeeze %dma_start3A_76 : memref<1x128xi32, #tpu.memory_space<vmem>> -> memref<128xi32, #tpu.memory_space<vmem>>
          %dma_start3A_78 = arith.constant 0 : i32
          %dma_start3A_79 = arith.constant 0 : i32
          %dma_start3A_80 = tpu.memref_slice %arg11[%dma_start3A_78, %dma_start3A_79] : memref<10240x128xf32, #tpu.memory_space<vmem_shared>> -> memref<10240x128xf32, #tpu.memory_space<vmem_shared>>
          tpu.enqueue_indirect_dma source(%arg9 : memref<128x128xf32, #tpu.memory_space<vmem>>) target(%dma_start3A_80 : memref<10240x128xf32, #tpu.memory_space<vmem_shared>>) offsets(%dma_start3A_77 : memref<128xi32, #tpu.memory_space<vmem>>) semaphore(%run_scoped3A : memref<!tpu.dma_semaphore, #tpu.memory_space<semaphore_mem>>) {add = true}
          %dma_wait3A_81 = arith.constant 0 : i32
          %dma_wait3A_82 = tpu.memref_slice %arg8[%mul3A_51, %dma_wait3A_81] : memref<16x128xi32, #tpu.memory_space<vmem>> -> memref<1x128xi32, #tpu.memory_space<vmem>>
          %dma_wait3A_83 = tpu.memref_squeeze %dma_wait3A_82 : memref<1x128xi32, #tpu.memory_space<vmem>> -> memref<128xi32, #tpu.memory_space<vmem>>
          %dma_wait3A_84 = arith.constant 0 : i32
          %dma_wait3A_85 = arith.constant 0 : i32
          %dma_wait3A_86 = tpu.memref_slice %arg11[%dma_wait3A_84, %dma_wait3A_85] : memref<10240x128xf32, #tpu.memory_space<vmem_shared>> -> memref<10240x128xf32, #tpu.memory_space<vmem_shared>>
          tpu.wait_indirect_dma semaphore(%run_scoped3A : memref<!tpu.dma_semaphore, #tpu.memory_space<semaphore_mem>>) src(%arg9 : memref<128x128xf32, #tpu.memory_space<vmem>>) dst(%dma_wait3A_86 : memref<10240x128xf32, #tpu.memory_space<vmem_shared>>)
          tpu.yield
        }) : () -> ()
        %dma_wait3A_65 = arith.constant 0 : i32
        %dma_wait3A_66 = tpu.memref_slice %arg7[%add3A_53, %dma_wait3A_65] : memref<16x128xi32, #tpu.memory_space<vmem>> -> memref<1x128xi32, #tpu.memory_space<vmem>>
        %dma_wait3A_67 = tpu.memref_squeeze %dma_wait3A_66 : memref<1x128xi32, #tpu.memory_space<vmem>> -> memref<128xi32, #tpu.memory_space<vmem>>
        %dma_wait3A_68 = arith.constant 0 : i32
        %dma_wait3A_69 = arith.constant 0 : i32
        %dma_wait3A_70 = tpu.memref_slice %arg2[%dma_wait3A_68, %dma_wait3A_69] : memref<10240x128xf32, #tpu.memory_space<hbm>> -> memref<10240x128xf32, #tpu.memory_space<hbm>>
        tpu.wait_indirect_dma semaphore(%arg13 : memref<!tpu.dma_semaphore, #tpu.memory_space<semaphore_mem>>) src(%dma_wait3A_70 : memref<10240x128xf32, #tpu.memory_space<hbm>>) dst(%arg10 : memref<128x128xf32, #tpu.memory_space<vmem>>)
        %add3A_71 = arith.constant 1 : i32
        %add3A_72 = arith.addi %add3A_53, %add3A_71 : i32
        %lt3A = arith.constant 16 : i32
        %lt3A_73 = arith.cmpi slt, %add3A_72, %lt3A : i32
        %convert_element_type3A = arith.extui %lt3A_73 : i1 to i32
        %cond3A = arith.constant 0 : i32
        %cond3A_74 = arith.cmpi ne, %convert_element_type3A, %cond3A : i32
        scf.if %cond3A_74 {
          %add3A_75 = arith.constant 1 : i32
          %add3A_76 = arith.addi %add3A_53, %add3A_75 : i32
          %dma_start3A_77 = arith.constant 0 : i32
          %dma_start3A_78 = tpu.memref_slice %arg7[%add3A_76, %dma_start3A_77] : memref<16x128xi32, #tpu.memory_space<vmem>> -> memref<1x128xi32, #tpu.memory_space<vmem>>
          %dma_start3A_79 = tpu.memref_squeeze %dma_start3A_78 : memref<1x128xi32, #tpu.memory_space<vmem>> -> memref<128xi32, #tpu.memory_space<vmem>>
          %dma_start3A_80 = arith.constant 0 : i32
          %dma_start3A_81 = arith.constant 0 : i32
          %dma_start3A_82 = tpu.memref_slice %arg2[%dma_start3A_80, %dma_start3A_81] : memref<10240x128xf32, #tpu.memory_space<hbm>> -> memref<10240x128xf32, #tpu.memory_space<hbm>>
          tpu.enqueue_indirect_dma source(%dma_start3A_82 : memref<10240x128xf32, #tpu.memory_space<hbm>>) target(%arg9 : memref<128x128xf32, #tpu.memory_space<vmem>>) offsets(%dma_start3A_79 : memref<128xi32, #tpu.memory_space<vmem>>) semaphore(%arg12 : memref<!tpu.dma_semaphore, #tpu.memory_space<semaphore_mem>>)
        } else {
        }
        "tpu.region"() ({
          %run_scoped3A = tpu.sem_alloc : memref<!tpu.dma_semaphore, #tpu.memory_space<semaphore_mem>>
          %dma_start3A_75 = arith.constant 0 : i32
          %dma_start3A_76 = tpu.memref_slice %arg8[%add3A_53, %dma_start3A_75] : memref<16x128xi32, #tpu.memory_space<vmem>> -> memref<1x128xi32, #tpu.memory_space<vmem>>
          %dma_start3A_77 = tpu.memref_squeeze %dma_start3A_76 : memref<1x128xi32, #tpu.memory_space<vmem>> -> memref<128xi32, #tpu.memory_space<vmem>>
          %dma_start3A_78 = arith.constant 0 : i32
          %dma_start3A_79 = arith.constant 0 : i32
          %dma_start3A_80 = tpu.memref_slice %arg11[%dma_start3A_78, %dma_start3A_79] : memref<10240x128xf32, #tpu.memory_space<vmem_shared>> -> memref<10240x128xf32, #tpu.memory_space<vmem_shared>>
          tpu.enqueue_indirect_dma source(%arg10 : memref<128x128xf32, #tpu.memory_space<vmem>>) target(%dma_start3A_80 : memref<10240x128xf32, #tpu.memory_space<vmem_shared>>) offsets(%dma_start3A_77 : memref<128xi32, #tpu.memory_space<vmem>>) semaphore(%run_scoped3A : memref<!tpu.dma_semaphore, #tpu.memory_space<semaphore_mem>>) {add = true}
          %dma_wait3A_81 = arith.constant 0 : i32
          %dma_wait3A_82 = tpu.memref_slice %arg8[%add3A_53, %dma_wait3A_81] : memref<16x128xi32, #tpu.memory_space<vmem>> -> memref<1x128xi32, #tpu.memory_space<vmem>>
          %dma_wait3A_83 = tpu.memref_squeeze %dma_wait3A_82 : memref<1x128xi32, #tpu.memory_space<vmem>> -> memref<128xi32, #tpu.memory_space<vmem>>
          %dma_wait3A_84 = arith.constant 0 : i32
          %dma_wait3A_85 = arith.constant 0 : i32
          %dma_wait3A_86 = tpu.memref_slice %arg11[%dma_wait3A_84, %dma_wait3A_85] : memref<10240x128xf32, #tpu.memory_space<vmem_shared>> -> memref<10240x128xf32, #tpu.memory_space<vmem_shared>>
          tpu.wait_indirect_dma semaphore(%run_scoped3A : memref<!tpu.dma_semaphore, #tpu.memory_space<semaphore_mem>>) src(%arg10 : memref<128x128xf32, #tpu.memory_space<vmem>>) dst(%dma_wait3A_86 : memref<10240x128xf32, #tpu.memory_space<vmem_shared>>)
          tpu.yield
        }) : () -> ()
      }
      %scan3A_48 = arith.constant 8 : i32
    }
    %while3A_32 = arith.constant 1 : i32
    scf.for %while3A_34 = %while3A_30 to %while3A_26 step %while3A_32  : i32 {
      %mul3A_35 = arith.constant 16 : i32
      %mul3A_36 = arith.muli %while3A_34, %mul3A_35 : i32
      %add3A_37 = arith.addi %add3A_7, %mul3A_36 : i32
      "tpu.region"() ({
        %run_scoped3A = tpu.sem_alloc : memref<!tpu.dma_semaphore, #tpu.memory_space<semaphore_mem>>
        %dma_start3A_49 = arith.constant 0 : i32
        %dma_start3A_50 = tpu.memref_slice %arg3[%add3A_37, %dma_start3A_49] : memref<2560x128xi32, #tpu.memory_space<hbm>> -> memref<16x128xi32, #tpu.memory_space<hbm>>
        %dma_start3A_51 = arith.constant 0 : i32
        %dma_start3A_52 = tpu.memref_slice %arg3[%add3A_37, %dma_start3A_51] : memref<2560x128xi32, #tpu.memory_space<hbm>> -> memref<16x128xi32, #tpu.memory_space<hbm>>
        tpu.enqueue_dma source(%dma_start3A_52 : memref<16x128xi32, #tpu.memory_space<hbm>>) target(%arg7 : memref<16x128xi32, #tpu.memory_space<vmem>>) target_semaphore(%run_scoped3A : memref<!tpu.dma_semaphore, #tpu.memory_space<semaphore_mem>>)
        %dma_wait3A = arith.constant 0 : i32
        %dma_wait3A_53 = tpu.memref_slice %arg3[%add3A_37, %dma_wait3A] : memref<2560x128xi32, #tpu.memory_space<hbm>> -> memref<16x128xi32, #tpu.memory_space<hbm>>
        %dma_wait3A_54 = arith.constant 0 : i32
        %dma_wait3A_55 = tpu.memref_slice %arg3[%add3A_37, %dma_wait3A_54] : memref<2560x128xi32, #tpu.memory_space<hbm>> -> memref<16x128xi32, #tpu.memory_space<hbm>>
        tpu.wait_dma2 semaphore(%run_scoped3A : memref<!tpu.dma_semaphore, #tpu.memory_space<semaphore_mem>>) src(%dma_wait3A_55 : memref<16x128xi32, #tpu.memory_space<hbm>>) dst(%arg7 : memref<16x128xi32, #tpu.memory_space<vmem>>)
        tpu.yield
      }) : () -> ()
      "tpu.region"() ({
        %run_scoped3A = tpu.sem_alloc : memref<!tpu.dma_semaphore, #tpu.memory_space<semaphore_mem>>
        %dma_start3A_49 = arith.constant 0 : i32
        %dma_start3A_50 = tpu.memref_slice %arg4[%add3A_37, %dma_start3A_49] : memref<2560x128xi32, #tpu.memory_space<hbm>> -> memref<16x128xi32, #tpu.memory_space<hbm>>
        %dma_start3A_51 = arith.constant 0 : i32
        %dma_start3A_52 = tpu.memref_slice %arg4[%add3A_37, %dma_start3A_51] : memref<2560x128xi32, #tpu.memory_space<hbm>> -> memref<16x128xi32, #tpu.memory_space<hbm>>
        tpu.enqueue_dma source(%dma_start3A_52 : memref<16x128xi32, #tpu.memory_space<hbm>>) target(%arg8 : memref<16x128xi32, #tpu.memory_space<vmem>>) target_semaphore(%run_scoped3A : memref<!tpu.dma_semaphore, #tpu.memory_space<semaphore_mem>>)
        %dma_wait3A = arith.constant 0 : i32
        %dma_wait3A_53 = tpu.memref_slice %arg4[%add3A_37, %dma_wait3A] : memref<2560x128xi32, #tpu.memory_space<hbm>> -> memref<16x128xi32, #tpu.memory_space<hbm>>
        %dma_wait3A_54 = arith.constant 0 : i32
        %dma_wait3A_55 = tpu.memref_slice %arg4[%add3A_37, %dma_wait3A_54] : memref<2560x128xi32, #tpu.memory_space<hbm>> -> memref<16x128xi32, #tpu.memory_space<hbm>>
        tpu.wait_dma2 semaphore(%run_scoped3A : memref<!tpu.dma_semaphore, #tpu.memory_space<semaphore_mem>>) src(%dma_wait3A_55 : memref<16x128xi32, #tpu.memory_space<hbm>>) dst(%arg8 : memref<16x128xi32, #tpu.memory_space<vmem>>)
        tpu.yield
      }) : () -> ()
      %dma_start3A = arith.constant 0 : i32
      %dma_start3A_38 = arith.constant 0 : i32
      %dma_start3A_39 = tpu.memref_slice %arg7[%dma_start3A, %dma_start3A_38] : memref<16x128xi32, #tpu.memory_space<vmem>> -> memref<1x128xi32, #tpu.memory_space<vmem>>
      %dma_start3A_40 = tpu.memref_squeeze %dma_start3A_39 : memref<1x128xi32, #tpu.memory_space<vmem>> -> memref<128xi32, #tpu.memory_space<vmem>>
      %dma_start3A_41 = arith.constant 0 : i32
      %dma_start3A_42 = arith.constant 0 : i32
      %dma_start3A_43 = tpu.memref_slice %arg2[%dma_start3A_41, %dma_start3A_42] : memref<10240x128xf32, #tpu.memory_space<hbm>> -> memref<10240x128xf32, #tpu.memory_space<hbm>>
      tpu.enqueue_indirect_dma source(%dma_start3A_43 : memref<10240x128xf32, #tpu.memory_space<hbm>>) target(%arg9 : memref<128x128xf32, #tpu.memory_space<vmem>>) offsets(%dma_start3A_40 : memref<128xi32, #tpu.memory_space<vmem>>) semaphore(%arg12 : memref<!tpu.dma_semaphore, #tpu.memory_space<semaphore_mem>>)
      %scan3A = arith.constant 0 : i32
      %scan3A_44 = arith.constant 0 : i32
      %scan3A_45 = arith.constant 8 : i32
      %scan3A_46 = arith.addi %scan3A_44, %scan3A_45 : i32
      %scan3A_47 = arith.constant 1 : i32
      scf.for %scan3A_49 = %scan3A_44 to %scan3A_46 step %scan3A_47  : i32 {
        %mul3A_50 = arith.constant 2 : i32
        %mul3A_51 = arith.muli %mul3A_50, %scan3A_49 : i32
        %add3A_52 = arith.constant 1 : i32
        %add3A_53 = arith.addi %mul3A_51, %add3A_52 : i32
        %dma_wait3A = arith.constant 0 : i32
        %dma_wait3A_54 = tpu.memref_slice %arg7[%mul3A_51, %dma_wait3A] : memref<16x128xi32, #tpu.memory_space<vmem>> -> memref<1x128xi32, #tpu.memory_space<vmem>>
        %dma_wait3A_55 = tpu.memref_squeeze %dma_wait3A_54 : memref<1x128xi32, #tpu.memory_space<vmem>> -> memref<128xi32, #tpu.memory_space<vmem>>
        %dma_wait3A_56 = arith.constant 0 : i32
        %dma_wait3A_57 = arith.constant 0 : i32
        %dma_wait3A_58 = tpu.memref_slice %arg2[%dma_wait3A_56, %dma_wait3A_57] : memref<10240x128xf32, #tpu.memory_space<hbm>> -> memref<10240x128xf32, #tpu.memory_space<hbm>>
        tpu.wait_indirect_dma semaphore(%arg12 : memref<!tpu.dma_semaphore, #tpu.memory_space<semaphore_mem>>) src(%dma_wait3A_58 : memref<10240x128xf32, #tpu.memory_space<hbm>>) dst(%arg9 : memref<128x128xf32, #tpu.memory_space<vmem>>)
        %dma_start3A_59 = arith.constant 0 : i32
        %dma_start3A_60 = tpu.memref_slice %arg7[%add3A_53, %dma_start3A_59] : memref<16x128xi32, #tpu.memory_space<vmem>> -> memref<1x128xi32, #tpu.memory_space<vmem>>
        %dma_start3A_61 = tpu.memref_squeeze %dma_start3A_60 : memref<1x128xi32, #tpu.memory_space<vmem>> -> memref<128xi32, #tpu.memory_space<vmem>>
        %dma_start3A_62 = arith.constant 0 : i32
        %dma_start3A_63 = arith.constant 0 : i32
        %dma_start3A_64 = tpu.memref_slice %arg2[%dma_start3A_62, %dma_start3A_63] : memref<10240x128xf32, #tpu.memory_space<hbm>> -> memref<10240x128xf32, #tpu.memory_space<hbm>>
        tpu.enqueue_indirect_dma source(%dma_start3A_64 : memref<10240x128xf32, #tpu.memory_space<hbm>>) target(%arg10 : memref<128x128xf32, #tpu.memory_space<vmem>>) offsets(%dma_start3A_61 : memref<128xi32, #tpu.memory_space<vmem>>) semaphore(%arg13 : memref<!tpu.dma_semaphore, #tpu.memory_space<semaphore_mem>>)
        "tpu.region"() ({
          %run_scoped3A = tpu.sem_alloc : memref<!tpu.dma_semaphore, #tpu.memory_space<semaphore_mem>>
          %dma_start3A_75 = arith.constant 0 : i32
          %dma_start3A_76 = tpu.memref_slice %arg8[%mul3A_51, %dma_start3A_75] : memref<16x128xi32, #tpu.memory_space<vmem>> -> memref<1x128xi32, #tpu.memory_space<vmem>>
          %dma_start3A_77 = tpu.memref_squeeze %dma_start3A_76 : memref<1x128xi32, #tpu.memory_space<vmem>> -> memref<128xi32, #tpu.memory_space<vmem>>
          %dma_start3A_78 = arith.constant 0 : i32
          %dma_start3A_79 = arith.constant 0 : i32
          %dma_start3A_80 = tpu.memref_slice %arg11[%dma_start3A_78, %dma_start3A_79] : memref<10240x128xf32, #tpu.memory_space<vmem_shared>> -> memref<10240x128xf32, #tpu.memory_space<vmem_shared>>
          tpu.enqueue_indirect_dma source(%arg9 : memref<128x128xf32, #tpu.memory_space<vmem>>) target(%dma_start3A_80 : memref<10240x128xf32, #tpu.memory_space<vmem_shared>>) offsets(%dma_start3A_77 : memref<128xi32, #tpu.memory_space<vmem>>) semaphore(%run_scoped3A : memref<!tpu.dma_semaphore, #tpu.memory_space<semaphore_mem>>) {add = true}
          %dma_wait3A_81 = arith.constant 0 : i32
          %dma_wait3A_82 = tpu.memref_slice %arg8[%mul3A_51, %dma_wait3A_81] : memref<16x128xi32, #tpu.memory_space<vmem>> -> memref<1x128xi32, #tpu.memory_space<vmem>>
          %dma_wait3A_83 = tpu.memref_squeeze %dma_wait3A_82 : memref<1x128xi32, #tpu.memory_space<vmem>> -> memref<128xi32, #tpu.memory_space<vmem>>
          %dma_wait3A_84 = arith.constant 0 : i32
          %dma_wait3A_85 = arith.constant 0 : i32
          %dma_wait3A_86 = tpu.memref_slice %arg11[%dma_wait3A_84, %dma_wait3A_85] : memref<10240x128xf32, #tpu.memory_space<vmem_shared>> -> memref<10240x128xf32, #tpu.memory_space<vmem_shared>>
          tpu.wait_indirect_dma semaphore(%run_scoped3A : memref<!tpu.dma_semaphore, #tpu.memory_space<semaphore_mem>>) src(%arg9 : memref<128x128xf32, #tpu.memory_space<vmem>>) dst(%dma_wait3A_86 : memref<10240x128xf32, #tpu.memory_space<vmem_shared>>)
          tpu.yield
        }) : () -> ()
        %dma_wait3A_65 = arith.constant 0 : i32
        %dma_wait3A_66 = tpu.memref_slice %arg7[%add3A_53, %dma_wait3A_65] : memref<16x128xi32, #tpu.memory_space<vmem>> -> memref<1x128xi32, #tpu.memory_space<vmem>>
        %dma_wait3A_67 = tpu.memref_squeeze %dma_wait3A_66 : memref<1x128xi32, #tpu.memory_space<vmem>> -> memref<128xi32, #tpu.memory_space<vmem>>
        %dma_wait3A_68 = arith.constant 0 : i32
        %dma_wait3A_69 = arith.constant 0 : i32
        %dma_wait3A_70 = tpu.memref_slice %arg2[%dma_wait3A_68, %dma_wait3A_69] : memref<10240x128xf32, #tpu.memory_space<hbm>> -> memref<10240x128xf32, #tpu.memory_space<hbm>>
        tpu.wait_indirect_dma semaphore(%arg13 : memref<!tpu.dma_semaphore, #tpu.memory_space<semaphore_mem>>) src(%dma_wait3A_70 : memref<10240x128xf32, #tpu.memory_space<hbm>>) dst(%arg10 : memref<128x128xf32, #tpu.memory_space<vmem>>)
        %add3A_71 = arith.constant 1 : i32
        %add3A_72 = arith.addi %add3A_53, %add3A_71 : i32
        %lt3A = arith.constant 16 : i32
        %lt3A_73 = arith.cmpi slt, %add3A_72, %lt3A : i32
        %convert_element_type3A = arith.extui %lt3A_73 : i1 to i32
        %cond3A = arith.constant 0 : i32
        %cond3A_74 = arith.cmpi ne, %convert_element_type3A, %cond3A : i32
        scf.if %cond3A_74 {
          %add3A_75 = arith.constant 1 : i32
          %add3A_76 = arith.addi %add3A_53, %add3A_75 : i32
          %dma_start3A_77 = arith.constant 0 : i32
          %dma_start3A_78 = tpu.memref_slice %arg7[%add3A_76, %dma_start3A_77] : memref<16x128xi32, #tpu.memory_space<vmem>> -> memref<1x128xi32, #tpu.memory_space<vmem>>
          %dma_start3A_79 = tpu.memref_squeeze %dma_start3A_78 : memref<1x128xi32, #tpu.memory_space<vmem>> -> memref<128xi32, #tpu.memory_space<vmem>>
          %dma_start3A_80 = arith.constant 0 : i32
          %dma_start3A_81 = arith.constant 0 : i32
          %dma_start3A_82 = tpu.memref_slice %arg2[%dma_start3A_80, %dma_start3A_81] : memref<10240x128xf32, #tpu.memory_space<hbm>> -> memref<10240x128xf32, #tpu.memory_space<hbm>>
          tpu.enqueue_indirect_dma source(%dma_start3A_82 : memref<10240x128xf32, #tpu.memory_space<hbm>>) target(%arg9 : memref<128x128xf32, #tpu.memory_space<vmem>>) offsets(%dma_start3A_79 : memref<128xi32, #tpu.memory_space<vmem>>) semaphore(%arg12 : memref<!tpu.dma_semaphore, #tpu.memory_space<semaphore_mem>>)
        } else {
        }
        "tpu.region"() ({
          %run_scoped3A = tpu.sem_alloc : memref<!tpu.dma_semaphore, #tpu.memory_space<semaphore_mem>>
          %dma_start3A_75 = arith.constant 0 : i32
          %dma_start3A_76 = tpu.memref_slice %arg8[%add3A_53, %dma_start3A_75] : memref<16x128xi32, #tpu.memory_space<vmem>> -> memref<1x128xi32, #tpu.memory_space<vmem>>
          %dma_start3A_77 = tpu.memref_squeeze %dma_start3A_76 : memref<1x128xi32, #tpu.memory_space<vmem>> -> memref<128xi32, #tpu.memory_space<vmem>>
          %dma_start3A_78 = arith.constant 0 : i32
          %dma_start3A_79 = arith.constant 0 : i32
          %dma_start3A_80 = tpu.memref_slice %arg11[%dma_start3A_78, %dma_start3A_79] : memref<10240x128xf32, #tpu.memory_space<vmem_shared>> -> memref<10240x128xf32, #tpu.memory_space<vmem_shared>>
          tpu.enqueue_indirect_dma source(%arg10 : memref<128x128xf32, #tpu.memory_space<vmem>>) target(%dma_start3A_80 : memref<10240x128xf32, #tpu.memory_space<vmem_shared>>) offsets(%dma_start3A_77 : memref<128xi32, #tpu.memory_space<vmem>>) semaphore(%run_scoped3A : memref<!tpu.dma_semaphore, #tpu.memory_space<semaphore_mem>>) {add = true}
          %dma_wait3A_81 = arith.constant 0 : i32
          %dma_wait3A_82 = tpu.memref_slice %arg8[%add3A_53, %dma_wait3A_81] : memref<16x128xi32, #tpu.memory_space<vmem>> -> memref<1x128xi32, #tpu.memory_space<vmem>>
          %dma_wait3A_83 = tpu.memref_squeeze %dma_wait3A_82 : memref<1x128xi32, #tpu.memory_space<vmem>> -> memref<128xi32, #tpu.memory_space<vmem>>
          %dma_wait3A_84 = arith.constant 0 : i32
          %dma_wait3A_85 = arith.constant 0 : i32
          %dma_wait3A_86 = tpu.memref_slice %arg11[%dma_wait3A_84, %dma_wait3A_85] : memref<10240x128xf32, #tpu.memory_space<vmem_shared>> -> memref<10240x128xf32, #tpu.memory_space<vmem_shared>>
          tpu.wait_indirect_dma semaphore(%run_scoped3A : memref<!tpu.dma_semaphore, #tpu.memory_space<semaphore_mem>>) src(%arg10 : memref<128x128xf32, #tpu.memory_space<vmem>>) dst(%dma_wait3A_86 : memref<10240x128xf32, #tpu.memory_space<vmem_shared>>)
          tpu.yield
        }) : () -> ()
      }
      %scan3A_48 = arith.constant 8 : i32
    }
    %barrier3A_33 = arith.constant 0 : index
    tpu.barrier barrier_id(%barrier3A_33)
    "tpu.region"() ({
      %run_scoped3A = tpu.sem_alloc : memref<!tpu.dma_semaphore, #tpu.memory_space<semaphore_mem>>
      %dma_start3A = arith.constant 0 : i32
      %dma_start3A_34 = tpu.memref_slice %arg6[%arg0, %mul3A_0, %dma_start3A] : memref<2x10240x128xf32, #tpu.memory_space<hbm>> -> memref<1x640x128xf32, #tpu.memory_space<hbm>>
      %dma_start3A_35 = tpu.memref_squeeze %dma_start3A_34 : memref<1x640x128xf32, #tpu.memory_space<hbm>> -> memref<640x128xf32, #tpu.memory_space<hbm>>
      %dma_start3A_36 = arith.constant 0 : i32
      %dma_start3A_37 = tpu.memref_slice %arg11[%mul3A_0, %dma_start3A_36] : memref<10240x128xf32, #tpu.memory_space<vmem_shared>> -> memref<640x128xf32, #tpu.memory_space<vmem_shared>>
      tpu.enqueue_dma source(%dma_start3A_37 : memref<640x128xf32, #tpu.memory_space<vmem_shared>>) target(%dma_start3A_35 : memref<640x128xf32, #tpu.memory_space<hbm>>) target_semaphore(%run_scoped3A : memref<!tpu.dma_semaphore, #tpu.memory_space<semaphore_mem>>)
      %dma_wait3A = arith.constant 0 : i32
      %dma_wait3A_38 = tpu.memref_slice %arg6[%arg0, %mul3A_0, %dma_wait3A] : memref<2x10240x128xf32, #tpu.memory_space<hbm>> -> memref<1x640x128xf32, #tpu.memory_space<hbm>>
      %dma_wait3A_39 = tpu.memref_squeeze %dma_wait3A_38 : memref<1x640x128xf32, #tpu.memory_space<hbm>> -> memref<640x128xf32, #tpu.memory_space<hbm>>
      %dma_wait3A_40 = arith.constant 0 : i32
      %dma_wait3A_41 = tpu.memref_slice %arg11[%mul3A_0, %dma_wait3A_40] : memref<10240x128xf32, #tpu.memory_space<vmem_shared>> -> memref<640x128xf32, #tpu.memory_space<vmem_shared>>
      tpu.wait_dma2 semaphore(%run_scoped3A : memref<!tpu.dma_semaphore, #tpu.memory_space<semaphore_mem>>) src(%dma_wait3A_41 : memref<640x128xf32, #tpu.memory_space<vmem_shared>>) dst(%dma_wait3A_39 : memref<640x128xf32, #tpu.memory_space<hbm>>)
      tpu.yield
    }) : () -> ()
    return
  }
}

#map = affine_map<(d0, d1) -> (0, 0)>
#map1 = affine_map<(d0, d1) -> (0, 0, 0)>
module attributes {stable_mosaic.version = 14 : i64} {
  func.func @_sc_spmm_body(%arg0: i32, %arg1: i32, %arg2: memref<10240x128xf32, #tpu.memory_space<hbm>>, %arg3: memref<2560x128xi32, #tpu.memory_space<hbm>>, %arg4: memref<2560x128xi32, #tpu.memory_space<hbm>>, %arg5: memref<640x128xf32, #tpu.memory_space<hbm>>, %arg6: memref<2x10240x128xf32, #tpu.memory_space<hbm>>, %arg7: memref<16x128xi32, #tpu.memory_space<vmem>>, %arg8: memref<16x128xi32, #tpu.memory_space<vmem>>, %arg9: memref<128x128xf32, #tpu.memory_space<vmem>>, %arg10: memref<128x128xf32, #tpu.memory_space<vmem>>, %arg11: memref<10240x128xf32, #tpu.memory_space<vmem_shared>>, %arg12: memref<!tpu.dma_semaphore, #tpu.memory_space<semaphore_mem>>, %arg13: memref<!tpu.dma_semaphore, #tpu.memory_space<semaphore_mem>>) attributes {dimension_semantics = [#tpu.dimension_semantics<core_parallel>, #tpu.dimension_semantics<subcore_parallel>], iteration_bounds = array<i64: 2, 16>, scalar_prefetch = 0 : i64, scratch_operands = 7 : i64, tpu.core_type = #tpu.core_type<sc_vector_subcore>, window_params = [{transform_indices = #map}, {transform_indices = #map}, {transform_indices = #map}, {transform_indices = #map}, {transform_indices = #map1}]} {
    %mul3A = arith.constant 640 : i32
    %mul3A_0 = arith.muli %arg1, %mul3A : i32
    %mul3A_1 = arith.constant 0 : i32
    %mul3A_2 = arith.muli %arg0, %mul3A_1 : i32
    %add3A = arith.constant 80 : i32
    %add3A_3 = arith.addi %add3A, %mul3A_2 : i32
    %mul3A_4 = arith.constant 1280 : i32
    %mul3A_5 = arith.muli %arg0, %mul3A_4 : i32
    %mul3A_6 = arith.muli %arg1, %add3A_3 : i32
    %add3A_7 = arith.addi %mul3A_5, %mul3A_6 : i32
    "tpu.region"() ({
      %run_scoped3A = tpu.sem_alloc : memref<!tpu.dma_semaphore, #tpu.memory_space<semaphore_mem>>
      %dma_start3A = arith.constant 0 : i32
      %dma_start3A_34 = tpu.memref_slice %arg11[%mul3A_0, %dma_start3A] : memref<10240x128xf32, #tpu.memory_space<vmem_shared>> -> memref<640x128xf32, #tpu.memory_space<vmem_shared>>
      tpu.enqueue_dma source(%arg5 : memref<640x128xf32, #tpu.memory_space<hbm>>) target(%dma_start3A_34 : memref<640x128xf32, #tpu.memory_space<vmem_shared>>) target_semaphore(%run_scoped3A : memref<!tpu.dma_semaphore, #tpu.memory_space<semaphore_mem>>)
      %dma_wait3A = arith.constant 0 : i32
      %dma_wait3A_35 = tpu.memref_slice %arg11[%mul3A_0, %dma_wait3A] : memref<10240x128xf32, #tpu.memory_space<vmem_shared>> -> memref<640x128xf32, #tpu.memory_space<vmem_shared>>
      tpu.wait_dma2 semaphore(%run_scoped3A : memref<!tpu.dma_semaphore, #tpu.memory_space<semaphore_mem>>) src(%arg5 : memref<640x128xf32, #tpu.memory_space<hbm>>) dst(%dma_wait3A_35 : memref<640x128xf32, #tpu.memory_space<vmem_shared>>)
      tpu.yield
    }) : () -> ()
    %barrier3A = arith.constant 0 : index
    tpu.barrier barrier_id(%barrier3A)
    %jit3A = arith.constant 16 : i32
    %div3A = arith.divsi %add3A_3, %jit3A : i32
    %sign3A = arith.constant 0 : i32
    %sign3A_8 = arith.cmpi sgt, %add3A_3, %sign3A : i32
    %sign3A_9 = arith.extui %sign3A_8 : i1 to i32
    %sign3A_10 = arith.constant 0 : i32
    %sign3A_11 = arith.cmpi slt, %add3A_3, %sign3A_10 : i32
    %sign3A_12 = arith.extui %sign3A_11 : i1 to i32
    %sign3A_13 = arith.subi %sign3A_9, %sign3A_12 : i32
    %sign3A_14 = arith.constant 0 : i32
    %sign3A_15 = arith.cmpi sgt, %jit3A, %sign3A_14 : i32
    %sign3A_16 = arith.extui %sign3A_15 : i1 to i32
    %sign3A_17 = arith.constant 0 : i32
    %sign3A_18 = arith.cmpi slt, %jit3A, %sign3A_17 : i32
    %sign3A_19 = arith.extui %sign3A_18 : i1 to i32
    %sign3A_20 = arith.subi %sign3A_16, %sign3A_19 : i32
    %ne3A = arith.cmpi ne, %sign3A_13, %sign3A_20 : i32
    %rem3A = arith.remsi %add3A_3, %jit3A : i32
    %ne3A_21 = arith.constant 0 : i32
    %ne3A_22 = arith.cmpi ne, %rem3A, %ne3A_21 : i32
    %and3A = arith.andi %ne3A, %ne3A_22 : i1
    %sub3A = arith.constant 1 : i32
    %sub3A_23 = arith.subi %div3A, %sub3A : i32
    %select_n3A = arith.select %and3A, %sub3A_23, %div3A : i32
    %while3A = arith.constant 0 : i32
    %while3A_24 = arith.constant 0 : i32
    %while3A_25 = arith.subi %select_n3A, %while3A_24 : i32
    %while3A_26 = arith.addi %while3A_24, %while3A_25 : i32
    %while3A_27 = arith.constant 1 : i32
    %while3A_28 = arith.divsi %while3A_25, %while3A_27 : i32
    %while3A_29 = arith.muli %while3A_28, %while3A_27 : i32
    %while3A_30 = arith.addi %while3A_24, %while3A_29 : i32
    %while3A_31 = arith.constant 1 : i32
    scf.for %while3A_34 = %while3A_24 to %while3A_30 step %while3A_31  : i32 {
      %mul3A_35 = arith.constant 16 : i32
      %mul3A_36 = arith.muli %while3A_34, %mul3A_35 : i32
      %add3A_37 = arith.addi %add3A_7, %mul3A_36 : i32
      "tpu.region"() ({
        %run_scoped3A = tpu.sem_alloc : memref<!tpu.dma_semaphore, #tpu.memory_space<semaphore_mem>>
        %dma_start3A_49 = arith.constant 0 : i32
        %dma_start3A_50 = tpu.memref_slice %arg3[%add3A_37, %dma_start3A_49] : memref<2560x128xi32, #tpu.memory_space<hbm>> -> memref<16x128xi32, #tpu.memory_space<hbm>>
        %dma_start3A_51 = arith.constant 0 : i32
        %dma_start3A_52 = tpu.memref_slice %arg3[%add3A_37, %dma_start3A_51] : memref<2560x128xi32, #tpu.memory_space<hbm>> -> memref<16x128xi32, #tpu.memory_space<hbm>>
        tpu.enqueue_dma source(%dma_start3A_52 : memref<16x128xi32, #tpu.memory_space<hbm>>) target(%arg7 : memref<16x128xi32, #tpu.memory_space<vmem>>) target_semaphore(%run_scoped3A : memref<!tpu.dma_semaphore, #tpu.memory_space<semaphore_mem>>)
        %dma_wait3A = arith.constant 0 : i32
        %dma_wait3A_53 = tpu.memref_slice %arg3[%add3A_37, %dma_wait3A] : memref<2560x128xi32, #tpu.memory_space<hbm>> -> memref<16x128xi32, #tpu.memory_space<hbm>>
        %dma_wait3A_54 = arith.constant 0 : i32
        %dma_wait3A_55 = tpu.memref_slice %arg3[%add3A_37, %dma_wait3A_54] : memref<2560x128xi32, #tpu.memory_space<hbm>> -> memref<16x128xi32, #tpu.memory_space<hbm>>
        tpu.wait_dma2 semaphore(%run_scoped3A : memref<!tpu.dma_semaphore, #tpu.memory_space<semaphore_mem>>) src(%dma_wait3A_55 : memref<16x128xi32, #tpu.memory_space<hbm>>) dst(%arg7 : memref<16x128xi32, #tpu.memory_space<vmem>>)
        tpu.yield
      }) : () -> ()
      "tpu.region"() ({
        %run_scoped3A = tpu.sem_alloc : memref<!tpu.dma_semaphore, #tpu.memory_space<semaphore_mem>>
        %dma_start3A_49 = arith.constant 0 : i32
        %dma_start3A_50 = tpu.memref_slice %arg4[%add3A_37, %dma_start3A_49] : memref<2560x128xi32, #tpu.memory_space<hbm>> -> memref<16x128xi32, #tpu.memory_space<hbm>>
        %dma_start3A_51 = arith.constant 0 : i32
        %dma_start3A_52 = tpu.memref_slice %arg4[%add3A_37, %dma_start3A_51] : memref<2560x128xi32, #tpu.memory_space<hbm>> -> memref<16x128xi32, #tpu.memory_space<hbm>>
        tpu.enqueue_dma source(%dma_start3A_52 : memref<16x128xi32, #tpu.memory_space<hbm>>) target(%arg8 : memref<16x128xi32, #tpu.memory_space<vmem>>) target_semaphore(%run_scoped3A : memref<!tpu.dma_semaphore, #tpu.memory_space<semaphore_mem>>)
        %dma_wait3A = arith.constant 0 : i32
        %dma_wait3A_53 = tpu.memref_slice %arg4[%add3A_37, %dma_wait3A] : memref<2560x128xi32, #tpu.memory_space<hbm>> -> memref<16x128xi32, #tpu.memory_space<hbm>>
        %dma_wait3A_54 = arith.constant 0 : i32
        %dma_wait3A_55 = tpu.memref_slice %arg4[%add3A_37, %dma_wait3A_54] : memref<2560x128xi32, #tpu.memory_space<hbm>> -> memref<16x128xi32, #tpu.memory_space<hbm>>
        tpu.wait_dma2 semaphore(%run_scoped3A : memref<!tpu.dma_semaphore, #tpu.memory_space<semaphore_mem>>) src(%dma_wait3A_55 : memref<16x128xi32, #tpu.memory_space<hbm>>) dst(%arg8 : memref<16x128xi32, #tpu.memory_space<vmem>>)
        tpu.yield
      }) : () -> ()
      %dma_start3A = arith.constant 0 : i32
      %dma_start3A_38 = arith.constant 0 : i32
      %dma_start3A_39 = tpu.memref_slice %arg7[%dma_start3A, %dma_start3A_38] : memref<16x128xi32, #tpu.memory_space<vmem>> -> memref<1x128xi32, #tpu.memory_space<vmem>>
      %dma_start3A_40 = tpu.memref_squeeze %dma_start3A_39 : memref<1x128xi32, #tpu.memory_space<vmem>> -> memref<128xi32, #tpu.memory_space<vmem>>
      %dma_start3A_41 = arith.constant 0 : i32
      %dma_start3A_42 = arith.constant 0 : i32
      %dma_start3A_43 = tpu.memref_slice %arg2[%dma_start3A_41, %dma_start3A_42] : memref<10240x128xf32, #tpu.memory_space<hbm>> -> memref<10240x128xf32, #tpu.memory_space<hbm>>
      tpu.enqueue_indirect_dma source(%dma_start3A_43 : memref<10240x128xf32, #tpu.memory_space<hbm>>) target(%arg9 : memref<128x128xf32, #tpu.memory_space<vmem>>) offsets(%dma_start3A_40 : memref<128xi32, #tpu.memory_space<vmem>>) semaphore(%arg12 : memref<!tpu.dma_semaphore, #tpu.memory_space<semaphore_mem>>)
      %scan3A = arith.constant 0 : i32
      %scan3A_44 = arith.constant 0 : i32
      %scan3A_45 = arith.constant 8 : i32
      %scan3A_46 = arith.addi %scan3A_44, %scan3A_45 : i32
      %scan3A_47 = arith.constant 1 : i32
      scf.for %scan3A_49 = %scan3A_44 to %scan3A_46 step %scan3A_47  : i32 {
        %mul3A_50 = arith.constant 2 : i32
        %mul3A_51 = arith.muli %mul3A_50, %scan3A_49 : i32
        %add3A_52 = arith.constant 1 : i32
        %add3A_53 = arith.addi %mul3A_51, %add3A_52 : i32
        %dma_wait3A = arith.constant 0 : i32
        %dma_wait3A_54 = tpu.memref_slice %arg7[%mul3A_51, %dma_wait3A] : memref<16x128xi32, #tpu.memory_space<vmem>> -> memref<1x128xi32, #tpu.memory_space<vmem>>
        %dma_wait3A_55 = tpu.memref_squeeze %dma_wait3A_54 : memref<1x128xi32, #tpu.memory_space<vmem>> -> memref<128xi32, #tpu.memory_space<vmem>>
        %dma_wait3A_56 = arith.constant 0 : i32
        %dma_wait3A_57 = arith.constant 0 : i32
        %dma_wait3A_58 = tpu.memref_slice %arg2[%dma_wait3A_56, %dma_wait3A_57] : memref<10240x128xf32, #tpu.memory_space<hbm>> -> memref<10240x128xf32, #tpu.memory_space<hbm>>
        tpu.wait_indirect_dma semaphore(%arg12 : memref<!tpu.dma_semaphore, #tpu.memory_space<semaphore_mem>>) src(%dma_wait3A_58 : memref<10240x128xf32, #tpu.memory_space<hbm>>) dst(%arg9 : memref<128x128xf32, #tpu.memory_space<vmem>>)
        %dma_start3A_59 = arith.constant 0 : i32
        %dma_start3A_60 = tpu.memref_slice %arg7[%add3A_53, %dma_start3A_59] : memref<16x128xi32, #tpu.memory_space<vmem>> -> memref<1x128xi32, #tpu.memory_space<vmem>>
        %dma_start3A_61 = tpu.memref_squeeze %dma_start3A_60 : memref<1x128xi32, #tpu.memory_space<vmem>> -> memref<128xi32, #tpu.memory_space<vmem>>
        %dma_start3A_62 = arith.constant 0 : i32
        %dma_start3A_63 = arith.constant 0 : i32
        %dma_start3A_64 = tpu.memref_slice %arg2[%dma_start3A_62, %dma_start3A_63] : memref<10240x128xf32, #tpu.memory_space<hbm>> -> memref<10240x128xf32, #tpu.memory_space<hbm>>
        tpu.enqueue_indirect_dma source(%dma_start3A_64 : memref<10240x128xf32, #tpu.memory_space<hbm>>) target(%arg10 : memref<128x128xf32, #tpu.memory_space<vmem>>) offsets(%dma_start3A_61 : memref<128xi32, #tpu.memory_space<vmem>>) semaphore(%arg13 : memref<!tpu.dma_semaphore, #tpu.memory_space<semaphore_mem>>)
        "tpu.region"() ({
          %run_scoped3A = tpu.sem_alloc : memref<!tpu.dma_semaphore, #tpu.memory_space<semaphore_mem>>
          %dma_start3A_75 = arith.constant 0 : i32
          %dma_start3A_76 = tpu.memref_slice %arg8[%mul3A_51, %dma_start3A_75] : memref<16x128xi32, #tpu.memory_space<vmem>> -> memref<1x128xi32, #tpu.memory_space<vmem>>
          %dma_start3A_77 = tpu.memref_squeeze %dma_start3A_76 : memref<1x128xi32, #tpu.memory_space<vmem>> -> memref<128xi32, #tpu.memory_space<vmem>>
          %dma_start3A_78 = arith.constant 0 : i32
          %dma_start3A_79 = arith.constant 0 : i32
          %dma_start3A_80 = tpu.memref_slice %arg11[%dma_start3A_78, %dma_start3A_79] : memref<10240x128xf32, #tpu.memory_space<vmem_shared>> -> memref<10240x128xf32, #tpu.memory_space<vmem_shared>>
          tpu.enqueue_indirect_dma source(%arg9 : memref<128x128xf32, #tpu.memory_space<vmem>>) target(%dma_start3A_80 : memref<10240x128xf32, #tpu.memory_space<vmem_shared>>) offsets(%dma_start3A_77 : memref<128xi32, #tpu.memory_space<vmem>>) semaphore(%run_scoped3A : memref<!tpu.dma_semaphore, #tpu.memory_space<semaphore_mem>>) {add = true}
          %dma_wait3A_81 = arith.constant 0 : i32
          %dma_wait3A_82 = tpu.memref_slice %arg8[%mul3A_51, %dma_wait3A_81] : memref<16x128xi32, #tpu.memory_space<vmem>> -> memref<1x128xi32, #tpu.memory_space<vmem>>
          %dma_wait3A_83 = tpu.memref_squeeze %dma_wait3A_82 : memref<1x128xi32, #tpu.memory_space<vmem>> -> memref<128xi32, #tpu.memory_space<vmem>>
          %dma_wait3A_84 = arith.constant 0 : i32
          %dma_wait3A_85 = arith.constant 0 : i32
          %dma_wait3A_86 = tpu.memref_slice %arg11[%dma_wait3A_84, %dma_wait3A_85] : memref<10240x128xf32, #tpu.memory_space<vmem_shared>> -> memref<10240x128xf32, #tpu.memory_space<vmem_shared>>
          tpu.wait_indirect_dma semaphore(%run_scoped3A : memref<!tpu.dma_semaphore, #tpu.memory_space<semaphore_mem>>) src(%arg9 : memref<128x128xf32, #tpu.memory_space<vmem>>) dst(%dma_wait3A_86 : memref<10240x128xf32, #tpu.memory_space<vmem_shared>>)
          tpu.yield
        }) : () -> ()
        %dma_wait3A_65 = arith.constant 0 : i32
        %dma_wait3A_66 = tpu.memref_slice %arg7[%add3A_53, %dma_wait3A_65] : memref<16x128xi32, #tpu.memory_space<vmem>> -> memref<1x128xi32, #tpu.memory_space<vmem>>
        %dma_wait3A_67 = tpu.memref_squeeze %dma_wait3A_66 : memref<1x128xi32, #tpu.memory_space<vmem>> -> memref<128xi32, #tpu.memory_space<vmem>>
        %dma_wait3A_68 = arith.constant 0 : i32
        %dma_wait3A_69 = arith.constant 0 : i32
        %dma_wait3A_70 = tpu.memref_slice %arg2[%dma_wait3A_68, %dma_wait3A_69] : memref<10240x128xf32, #tpu.memory_space<hbm>> -> memref<10240x128xf32, #tpu.memory_space<hbm>>
        tpu.wait_indirect_dma semaphore(%arg13 : memref<!tpu.dma_semaphore, #tpu.memory_space<semaphore_mem>>) src(%dma_wait3A_70 : memref<10240x128xf32, #tpu.memory_space<hbm>>) dst(%arg10 : memref<128x128xf32, #tpu.memory_space<vmem>>)
        %add3A_71 = arith.constant 1 : i32
        %add3A_72 = arith.addi %add3A_53, %add3A_71 : i32
        %lt3A = arith.constant 16 : i32
        %lt3A_73 = arith.cmpi slt, %add3A_72, %lt3A : i32
        %convert_element_type3A = arith.extui %lt3A_73 : i1 to i32
        %cond3A = arith.constant 0 : i32
        %cond3A_74 = arith.cmpi ne, %convert_element_type3A, %cond3A : i32
        scf.if %cond3A_74 {
          %add3A_75 = arith.constant 1 : i32
          %add3A_76 = arith.addi %add3A_53, %add3A_75 : i32
          %dma_start3A_77 = arith.constant 0 : i32
          %dma_start3A_78 = tpu.memref_slice %arg7[%add3A_76, %dma_start3A_77] : memref<16x128xi32, #tpu.memory_space<vmem>> -> memref<1x128xi32, #tpu.memory_space<vmem>>
          %dma_start3A_79 = tpu.memref_squeeze %dma_start3A_78 : memref<1x128xi32, #tpu.memory_space<vmem>> -> memref<128xi32, #tpu.memory_space<vmem>>
          %dma_start3A_80 = arith.constant 0 : i32
          %dma_start3A_81 = arith.constant 0 : i32
          %dma_start3A_82 = tpu.memref_slice %arg2[%dma_start3A_80, %dma_start3A_81] : memref<10240x128xf32, #tpu.memory_space<hbm>> -> memref<10240x128xf32, #tpu.memory_space<hbm>>
          tpu.enqueue_indirect_dma source(%dma_start3A_82 : memref<10240x128xf32, #tpu.memory_space<hbm>>) target(%arg9 : memref<128x128xf32, #tpu.memory_space<vmem>>) offsets(%dma_start3A_79 : memref<128xi32, #tpu.memory_space<vmem>>) semaphore(%arg12 : memref<!tpu.dma_semaphore, #tpu.memory_space<semaphore_mem>>)
        } else {
        }
        "tpu.region"() ({
          %run_scoped3A = tpu.sem_alloc : memref<!tpu.dma_semaphore, #tpu.memory_space<semaphore_mem>>
          %dma_start3A_75 = arith.constant 0 : i32
          %dma_start3A_76 = tpu.memref_slice %arg8[%add3A_53, %dma_start3A_75] : memref<16x128xi32, #tpu.memory_space<vmem>> -> memref<1x128xi32, #tpu.memory_space<vmem>>
          %dma_start3A_77 = tpu.memref_squeeze %dma_start3A_76 : memref<1x128xi32, #tpu.memory_space<vmem>> -> memref<128xi32, #tpu.memory_space<vmem>>
          %dma_start3A_78 = arith.constant 0 : i32
          %dma_start3A_79 = arith.constant 0 : i32
          %dma_start3A_80 = tpu.memref_slice %arg11[%dma_start3A_78, %dma_start3A_79] : memref<10240x128xf32, #tpu.memory_space<vmem_shared>> -> memref<10240x128xf32, #tpu.memory_space<vmem_shared>>
          tpu.enqueue_indirect_dma source(%arg10 : memref<128x128xf32, #tpu.memory_space<vmem>>) target(%dma_start3A_80 : memref<10240x128xf32, #tpu.memory_space<vmem_shared>>) offsets(%dma_start3A_77 : memref<128xi32, #tpu.memory_space<vmem>>) semaphore(%run_scoped3A : memref<!tpu.dma_semaphore, #tpu.memory_space<semaphore_mem>>) {add = true}
          %dma_wait3A_81 = arith.constant 0 : i32
          %dma_wait3A_82 = tpu.memref_slice %arg8[%add3A_53, %dma_wait3A_81] : memref<16x128xi32, #tpu.memory_space<vmem>> -> memref<1x128xi32, #tpu.memory_space<vmem>>
          %dma_wait3A_83 = tpu.memref_squeeze %dma_wait3A_82 : memref<1x128xi32, #tpu.memory_space<vmem>> -> memref<128xi32, #tpu.memory_space<vmem>>
          %dma_wait3A_84 = arith.constant 0 : i32
          %dma_wait3A_85 = arith.constant 0 : i32
          %dma_wait3A_86 = tpu.memref_slice %arg11[%dma_wait3A_84, %dma_wait3A_85] : memref<10240x128xf32, #tpu.memory_space<vmem_shared>> -> memref<10240x128xf32, #tpu.memory_space<vmem_shared>>
          tpu.wait_indirect_dma semaphore(%run_scoped3A : memref<!tpu.dma_semaphore, #tpu.memory_space<semaphore_mem>>) src(%arg10 : memref<128x128xf32, #tpu.memory_space<vmem>>) dst(%dma_wait3A_86 : memref<10240x128xf32, #tpu.memory_space<vmem_shared>>)
          tpu.yield
        }) : () -> ()
      }
      %scan3A_48 = arith.constant 8 : i32
    }
    %while3A_32 = arith.constant 1 : i32
    scf.for %while3A_34 = %while3A_30 to %while3A_26 step %while3A_32  : i32 {
      %mul3A_35 = arith.constant 16 : i32
      %mul3A_36 = arith.muli %while3A_34, %mul3A_35 : i32
      %add3A_37 = arith.addi %add3A_7, %mul3A_36 : i32
      "tpu.region"() ({
        %run_scoped3A = tpu.sem_alloc : memref<!tpu.dma_semaphore, #tpu.memory_space<semaphore_mem>>
        %dma_start3A_49 = arith.constant 0 : i32
        %dma_start3A_50 = tpu.memref_slice %arg3[%add3A_37, %dma_start3A_49] : memref<2560x128xi32, #tpu.memory_space<hbm>> -> memref<16x128xi32, #tpu.memory_space<hbm>>
        %dma_start3A_51 = arith.constant 0 : i32
        %dma_start3A_52 = tpu.memref_slice %arg3[%add3A_37, %dma_start3A_51] : memref<2560x128xi32, #tpu.memory_space<hbm>> -> memref<16x128xi32, #tpu.memory_space<hbm>>
        tpu.enqueue_dma source(%dma_start3A_52 : memref<16x128xi32, #tpu.memory_space<hbm>>) target(%arg7 : memref<16x128xi32, #tpu.memory_space<vmem>>) target_semaphore(%run_scoped3A : memref<!tpu.dma_semaphore, #tpu.memory_space<semaphore_mem>>)
        %dma_wait3A = arith.constant 0 : i32
        %dma_wait3A_53 = tpu.memref_slice %arg3[%add3A_37, %dma_wait3A] : memref<2560x128xi32, #tpu.memory_space<hbm>> -> memref<16x128xi32, #tpu.memory_space<hbm>>
        %dma_wait3A_54 = arith.constant 0 : i32
        %dma_wait3A_55 = tpu.memref_slice %arg3[%add3A_37, %dma_wait3A_54] : memref<2560x128xi32, #tpu.memory_space<hbm>> -> memref<16x128xi32, #tpu.memory_space<hbm>>
        tpu.wait_dma2 semaphore(%run_scoped3A : memref<!tpu.dma_semaphore, #tpu.memory_space<semaphore_mem>>) src(%dma_wait3A_55 : memref<16x128xi32, #tpu.memory_space<hbm>>) dst(%arg7 : memref<16x128xi32, #tpu.memory_space<vmem>>)
        tpu.yield
      }) : () -> ()
      "tpu.region"() ({
        %run_scoped3A = tpu.sem_alloc : memref<!tpu.dma_semaphore, #tpu.memory_space<semaphore_mem>>
        %dma_start3A_49 = arith.constant 0 : i32
        %dma_start3A_50 = tpu.memref_slice %arg4[%add3A_37, %dma_start3A_49] : memref<2560x128xi32, #tpu.memory_space<hbm>> -> memref<16x128xi32, #tpu.memory_space<hbm>>
        %dma_start3A_51 = arith.constant 0 : i32
        %dma_start3A_52 = tpu.memref_slice %arg4[%add3A_37, %dma_start3A_51] : memref<2560x128xi32, #tpu.memory_space<hbm>> -> memref<16x128xi32, #tpu.memory_space<hbm>>
        tpu.enqueue_dma source(%dma_start3A_52 : memref<16x128xi32, #tpu.memory_space<hbm>>) target(%arg8 : memref<16x128xi32, #tpu.memory_space<vmem>>) target_semaphore(%run_scoped3A : memref<!tpu.dma_semaphore, #tpu.memory_space<semaphore_mem>>)
        %dma_wait3A = arith.constant 0 : i32
        %dma_wait3A_53 = tpu.memref_slice %arg4[%add3A_37, %dma_wait3A] : memref<2560x128xi32, #tpu.memory_space<hbm>> -> memref<16x128xi32, #tpu.memory_space<hbm>>
        %dma_wait3A_54 = arith.constant 0 : i32
        %dma_wait3A_55 = tpu.memref_slice %arg4[%add3A_37, %dma_wait3A_54] : memref<2560x128xi32, #tpu.memory_space<hbm>> -> memref<16x128xi32, #tpu.memory_space<hbm>>
        tpu.wait_dma2 semaphore(%run_scoped3A : memref<!tpu.dma_semaphore, #tpu.memory_space<semaphore_mem>>) src(%dma_wait3A_55 : memref<16x128xi32, #tpu.memory_space<hbm>>) dst(%arg8 : memref<16x128xi32, #tpu.memory_space<vmem>>)
        tpu.yield
      }) : () -> ()
      %dma_start3A = arith.constant 0 : i32
      %dma_start3A_38 = arith.constant 0 : i32
      %dma_start3A_39 = tpu.memref_slice %arg7[%dma_start3A, %dma_start3A_38] : memref<16x128xi32, #tpu.memory_space<vmem>> -> memref<1x128xi32, #tpu.memory_space<vmem>>
      %dma_start3A_40 = tpu.memref_squeeze %dma_start3A_39 : memref<1x128xi32, #tpu.memory_space<vmem>> -> memref<128xi32, #tpu.memory_space<vmem>>
      %dma_start3A_41 = arith.constant 0 : i32
      %dma_start3A_42 = arith.constant 0 : i32
      %dma_start3A_43 = tpu.memref_slice %arg2[%dma_start3A_41, %dma_start3A_42] : memref<10240x128xf32, #tpu.memory_space<hbm>> -> memref<10240x128xf32, #tpu.memory_space<hbm>>
      tpu.enqueue_indirect_dma source(%dma_start3A_43 : memref<10240x128xf32, #tpu.memory_space<hbm>>) target(%arg9 : memref<128x128xf32, #tpu.memory_space<vmem>>) offsets(%dma_start3A_40 : memref<128xi32, #tpu.memory_space<vmem>>) semaphore(%arg12 : memref<!tpu.dma_semaphore, #tpu.memory_space<semaphore_mem>>)
      %scan3A = arith.constant 0 : i32
      %scan3A_44 = arith.constant 0 : i32
      %scan3A_45 = arith.constant 8 : i32
      %scan3A_46 = arith.addi %scan3A_44, %scan3A_45 : i32
      %scan3A_47 = arith.constant 1 : i32
      scf.for %scan3A_49 = %scan3A_44 to %scan3A_46 step %scan3A_47  : i32 {
        %mul3A_50 = arith.constant 2 : i32
        %mul3A_51 = arith.muli %mul3A_50, %scan3A_49 : i32
        %add3A_52 = arith.constant 1 : i32
        %add3A_53 = arith.addi %mul3A_51, %add3A_52 : i32
        %dma_wait3A = arith.constant 0 : i32
        %dma_wait3A_54 = tpu.memref_slice %arg7[%mul3A_51, %dma_wait3A] : memref<16x128xi32, #tpu.memory_space<vmem>> -> memref<1x128xi32, #tpu.memory_space<vmem>>
        %dma_wait3A_55 = tpu.memref_squeeze %dma_wait3A_54 : memref<1x128xi32, #tpu.memory_space<vmem>> -> memref<128xi32, #tpu.memory_space<vmem>>
        %dma_wait3A_56 = arith.constant 0 : i32
        %dma_wait3A_57 = arith.constant 0 : i32
        %dma_wait3A_58 = tpu.memref_slice %arg2[%dma_wait3A_56, %dma_wait3A_57] : memref<10240x128xf32, #tpu.memory_space<hbm>> -> memref<10240x128xf32, #tpu.memory_space<hbm>>
        tpu.wait_indirect_dma semaphore(%arg12 : memref<!tpu.dma_semaphore, #tpu.memory_space<semaphore_mem>>) src(%dma_wait3A_58 : memref<10240x128xf32, #tpu.memory_space<hbm>>) dst(%arg9 : memref<128x128xf32, #tpu.memory_space<vmem>>)
        %dma_start3A_59 = arith.constant 0 : i32
        %dma_start3A_60 = tpu.memref_slice %arg7[%add3A_53, %dma_start3A_59] : memref<16x128xi32, #tpu.memory_space<vmem>> -> memref<1x128xi32, #tpu.memory_space<vmem>>
        %dma_start3A_61 = tpu.memref_squeeze %dma_start3A_60 : memref<1x128xi32, #tpu.memory_space<vmem>> -> memref<128xi32, #tpu.memory_space<vmem>>
        %dma_start3A_62 = arith.constant 0 : i32
        %dma_start3A_63 = arith.constant 0 : i32
        %dma_start3A_64 = tpu.memref_slice %arg2[%dma_start3A_62, %dma_start3A_63] : memref<10240x128xf32, #tpu.memory_space<hbm>> -> memref<10240x128xf32, #tpu.memory_space<hbm>>
        tpu.enqueue_indirect_dma source(%dma_start3A_64 : memref<10240x128xf32, #tpu.memory_space<hbm>>) target(%arg10 : memref<128x128xf32, #tpu.memory_space<vmem>>) offsets(%dma_start3A_61 : memref<128xi32, #tpu.memory_space<vmem>>) semaphore(%arg13 : memref<!tpu.dma_semaphore, #tpu.memory_space<semaphore_mem>>)
        "tpu.region"() ({
          %run_scoped3A = tpu.sem_alloc : memref<!tpu.dma_semaphore, #tpu.memory_space<semaphore_mem>>
          %dma_start3A_75 = arith.constant 0 : i32
          %dma_start3A_76 = tpu.memref_slice %arg8[%mul3A_51, %dma_start3A_75] : memref<16x128xi32, #tpu.memory_space<vmem>> -> memref<1x128xi32, #tpu.memory_space<vmem>>
          %dma_start3A_77 = tpu.memref_squeeze %dma_start3A_76 : memref<1x128xi32, #tpu.memory_space<vmem>> -> memref<128xi32, #tpu.memory_space<vmem>>
          %dma_start3A_78 = arith.constant 0 : i32
          %dma_start3A_79 = arith.constant 0 : i32
          %dma_start3A_80 = tpu.memref_slice %arg11[%dma_start3A_78, %dma_start3A_79] : memref<10240x128xf32, #tpu.memory_space<vmem_shared>> -> memref<10240x128xf32, #tpu.memory_space<vmem_shared>>
          tpu.enqueue_indirect_dma source(%arg9 : memref<128x128xf32, #tpu.memory_space<vmem>>) target(%dma_start3A_80 : memref<10240x128xf32, #tpu.memory_space<vmem_shared>>) offsets(%dma_start3A_77 : memref<128xi32, #tpu.memory_space<vmem>>) semaphore(%run_scoped3A : memref<!tpu.dma_semaphore, #tpu.memory_space<semaphore_mem>>) {add = true}
          %dma_wait3A_81 = arith.constant 0 : i32
          %dma_wait3A_82 = tpu.memref_slice %arg8[%mul3A_51, %dma_wait3A_81] : memref<16x128xi32, #tpu.memory_space<vmem>> -> memref<1x128xi32, #tpu.memory_space<vmem>>
          %dma_wait3A_83 = tpu.memref_squeeze %dma_wait3A_82 : memref<1x128xi32, #tpu.memory_space<vmem>> -> memref<128xi32, #tpu.memory_space<vmem>>
          %dma_wait3A_84 = arith.constant 0 : i32
          %dma_wait3A_85 = arith.constant 0 : i32
          %dma_wait3A_86 = tpu.memref_slice %arg11[%dma_wait3A_84, %dma_wait3A_85] : memref<10240x128xf32, #tpu.memory_space<vmem_shared>> -> memref<10240x128xf32, #tpu.memory_space<vmem_shared>>
          tpu.wait_indirect_dma semaphore(%run_scoped3A : memref<!tpu.dma_semaphore, #tpu.memory_space<semaphore_mem>>) src(%arg9 : memref<128x128xf32, #tpu.memory_space<vmem>>) dst(%dma_wait3A_86 : memref<10240x128xf32, #tpu.memory_space<vmem_shared>>)
          tpu.yield
        }) : () -> ()
        %dma_wait3A_65 = arith.constant 0 : i32
        %dma_wait3A_66 = tpu.memref_slice %arg7[%add3A_53, %dma_wait3A_65] : memref<16x128xi32, #tpu.memory_space<vmem>> -> memref<1x128xi32, #tpu.memory_space<vmem>>
        %dma_wait3A_67 = tpu.memref_squeeze %dma_wait3A_66 : memref<1x128xi32, #tpu.memory_space<vmem>> -> memref<128xi32, #tpu.memory_space<vmem>>
        %dma_wait3A_68 = arith.constant 0 : i32
        %dma_wait3A_69 = arith.constant 0 : i32
        %dma_wait3A_70 = tpu.memref_slice %arg2[%dma_wait3A_68, %dma_wait3A_69] : memref<10240x128xf32, #tpu.memory_space<hbm>> -> memref<10240x128xf32, #tpu.memory_space<hbm>>
        tpu.wait_indirect_dma semaphore(%arg13 : memref<!tpu.dma_semaphore, #tpu.memory_space<semaphore_mem>>) src(%dma_wait3A_70 : memref<10240x128xf32, #tpu.memory_space<hbm>>) dst(%arg10 : memref<128x128xf32, #tpu.memory_space<vmem>>)
        %add3A_71 = arith.constant 1 : i32
        %add3A_72 = arith.addi %add3A_53, %add3A_71 : i32
        %lt3A = arith.constant 16 : i32
        %lt3A_73 = arith.cmpi slt, %add3A_72, %lt3A : i32
        %convert_element_type3A = arith.extui %lt3A_73 : i1 to i32
        %cond3A = arith.constant 0 : i32
        %cond3A_74 = arith.cmpi ne, %convert_element_type3A, %cond3A : i32
        scf.if %cond3A_74 {
          %add3A_75 = arith.constant 1 : i32
          %add3A_76 = arith.addi %add3A_53, %add3A_75 : i32
          %dma_start3A_77 = arith.constant 0 : i32
          %dma_start3A_78 = tpu.memref_slice %arg7[%add3A_76, %dma_start3A_77] : memref<16x128xi32, #tpu.memory_space<vmem>> -> memref<1x128xi32, #tpu.memory_space<vmem>>
          %dma_start3A_79 = tpu.memref_squeeze %dma_start3A_78 : memref<1x128xi32, #tpu.memory_space<vmem>> -> memref<128xi32, #tpu.memory_space<vmem>>
          %dma_start3A_80 = arith.constant 0 : i32
          %dma_start3A_81 = arith.constant 0 : i32
          %dma_start3A_82 = tpu.memref_slice %arg2[%dma_start3A_80, %dma_start3A_81] : memref<10240x128xf32, #tpu.memory_space<hbm>> -> memref<10240x128xf32, #tpu.memory_space<hbm>>
          tpu.enqueue_indirect_dma source(%dma_start3A_82 : memref<10240x128xf32, #tpu.memory_space<hbm>>) target(%arg9 : memref<128x128xf32, #tpu.memory_space<vmem>>) offsets(%dma_start3A_79 : memref<128xi32, #tpu.memory_space<vmem>>) semaphore(%arg12 : memref<!tpu.dma_semaphore, #tpu.memory_space<semaphore_mem>>)
        } else {
        }
        "tpu.region"() ({
          %run_scoped3A = tpu.sem_alloc : memref<!tpu.dma_semaphore, #tpu.memory_space<semaphore_mem>>
          %dma_start3A_75 = arith.constant 0 : i32
          %dma_start3A_76 = tpu.memref_slice %arg8[%add3A_53, %dma_start3A_75] : memref<16x128xi32, #tpu.memory_space<vmem>> -> memref<1x128xi32, #tpu.memory_space<vmem>>
          %dma_start3A_77 = tpu.memref_squeeze %dma_start3A_76 : memref<1x128xi32, #tpu.memory_space<vmem>> -> memref<128xi32, #tpu.memory_space<vmem>>
          %dma_start3A_78 = arith.constant 0 : i32
          %dma_start3A_79 = arith.constant 0 : i32
          %dma_start3A_80 = tpu.memref_slice %arg11[%dma_start3A_78, %dma_start3A_79] : memref<10240x128xf32, #tpu.memory_space<vmem_shared>> -> memref<10240x128xf32, #tpu.memory_space<vmem_shared>>
          tpu.enqueue_indirect_dma source(%arg10 : memref<128x128xf32, #tpu.memory_space<vmem>>) target(%dma_start3A_80 : memref<10240x128xf32, #tpu.memory_space<vmem_shared>>) offsets(%dma_start3A_77 : memref<128xi32, #tpu.memory_space<vmem>>) semaphore(%run_scoped3A : memref<!tpu.dma_semaphore, #tpu.memory_space<semaphore_mem>>) {add = true}
          %dma_wait3A_81 = arith.constant 0 : i32
          %dma_wait3A_82 = tpu.memref_slice %arg8[%add3A_53, %dma_wait3A_81] : memref<16x128xi32, #tpu.memory_space<vmem>> -> memref<1x128xi32, #tpu.memory_space<vmem>>
          %dma_wait3A_83 = tpu.memref_squeeze %dma_wait3A_82 : memref<1x128xi32, #tpu.memory_space<vmem>> -> memref<128xi32, #tpu.memory_space<vmem>>
          %dma_wait3A_84 = arith.constant 0 : i32
          %dma_wait3A_85 = arith.constant 0 : i32
          %dma_wait3A_86 = tpu.memref_slice %arg11[%dma_wait3A_84, %dma_wait3A_85] : memref<10240x128xf32, #tpu.memory_space<vmem_shared>> -> memref<10240x128xf32, #tpu.memory_space<vmem_shared>>
          tpu.wait_indirect_dma semaphore(%run_scoped3A : memref<!tpu.dma_semaphore, #tpu.memory_space<semaphore_mem>>) src(%arg10 : memref<128x128xf32, #tpu.memory_space<vmem>>) dst(%dma_wait3A_86 : memref<10240x128xf32, #tpu.memory_space<vmem_shared>>)
          tpu.yield
        }) : () -> ()
      }
      %scan3A_48 = arith.constant 8 : i32
    }
    %barrier3A_33 = arith.constant 0 : index
    tpu.barrier barrier_id(%barrier3A_33)
    "tpu.region"() ({
      %run_scoped3A = tpu.sem_alloc : memref<!tpu.dma_semaphore, #tpu.memory_space<semaphore_mem>>
      %dma_start3A = arith.constant 0 : i32
      %dma_start3A_34 = tpu.memref_slice %arg6[%arg0, %mul3A_0, %dma_start3A] : memref<2x10240x128xf32, #tpu.memory_space<hbm>> -> memref<1x640x128xf32, #tpu.memory_space<hbm>>
      %dma_start3A_35 = tpu.memref_squeeze %dma_start3A_34 : memref<1x640x128xf32, #tpu.memory_space<hbm>> -> memref<640x128xf32, #tpu.memory_space<hbm>>
      %dma_start3A_36 = arith.constant 0 : i32
      %dma_start3A_37 = tpu.memref_slice %arg11[%mul3A_0, %dma_start3A_36] : memref<10240x128xf32, #tpu.memory_space<vmem_shared>> -> memref<640x128xf32, #tpu.memory_space<vmem_shared>>
      tpu.enqueue_dma source(%dma_start3A_37 : memref<640x128xf32, #tpu.memory_space<vmem_shared>>) target(%dma_start3A_35 : memref<640x128xf32, #tpu.memory_space<hbm>>) target_semaphore(%run_scoped3A : memref<!tpu.dma_semaphore, #tpu.memory_space<semaphore_mem>>)
      %dma_wait3A = arith.constant 0 : i32
      %dma_wait3A_38 = tpu.memref_slice %arg6[%arg0, %mul3A_0, %dma_wait3A] : memref<2x10240x128xf32, #tpu.memory_space<hbm>> -> memref<1x640x128xf32, #tpu.memory_space<hbm>>
      %dma_wait3A_39 = tpu.memref_squeeze %dma_wait3A_38 : memref<1x640x128xf32, #tpu.memory_space<hbm>> -> memref<640x128xf32, #tpu.memory_space<hbm>>
      %dma_wait3A_40 = arith.constant 0 : i32
      %dma_wait3A_41 = tpu.memref_slice %arg11[%mul3A_0, %dma_wait3A_40] : memref<10240x128xf32, #tpu.memory_space<vmem_shared>> -> memref<640x128xf32, #tpu.memory_space<vmem_shared>>
      tpu.wait_dma2 semaphore(%run_scoped3A : memref<!tpu.dma_semaphore, #tpu.memory_space<semaphore_mem>>) src(%dma_wait3A_41 : memref<640x128xf32, #tpu.memory_space<vmem_shared>>) dst(%dma_wait3A_39 : memref<640x128xf32, #tpu.memory_space<hbm>>)
      tpu.yield
    }) : () -> ()
    return
  }
}

#map = affine_map<(d0, d1) -> (0, 0)>
#map1 = affine_map<(d0, d1) -> (0, 0, 0, 0)>
module attributes {stable_mosaic.version = 14 : i64} {
  func.func @_sc_degree_body(%arg0: i32, %arg1: i32, %arg2: memref<2560x128xi32, #tpu.memory_space<hbm>>, %arg3: memref<2560x128xi32, #tpu.memory_space<hbm>>, %arg4: memref<128x16xf32, #tpu.memory_space<hbm>>, %arg5: memref<640x16xf32, #tpu.memory_space<hbm>>, %arg6: memref<2x2x10240x16xf32, #tpu.memory_space<hbm>>, %arg7: memref<80x128xi32, #tpu.memory_space<vmem>>, %arg8: memref<80x128xi32, #tpu.memory_space<vmem>>, %arg9: memref<128x16xf32, #tpu.memory_space<vmem>>, %arg10: memref<10240x16xf32, #tpu.memory_space<vmem_shared>>, %arg11: memref<!tpu.dma_semaphore, #tpu.memory_space<semaphore_mem>>) attributes {dimension_semantics = [#tpu.dimension_semantics<core_parallel>, #tpu.dimension_semantics<subcore_parallel>], iteration_bounds = array<i64: 2, 16>, scalar_prefetch = 0 : i64, scratch_operands = 5 : i64, tpu.core_type = #tpu.core_type<sc_vector_subcore>, window_params = [{transform_indices = #map}, {transform_indices = #map}, {transform_indices = #map}, {transform_indices = #map}, {transform_indices = #map1}]} {
    %mul3A = arith.constant 2 : i32
    %mul3A_0 = arith.muli %arg1, %mul3A : i32
    %add3A = arith.addi %mul3A_0, %arg0 : i32
    %mul3A_1 = arith.constant 640 : i32
    %mul3A_2 = arith.muli %arg1, %mul3A_1 : i32
    "tpu.region"() ({
      %run_scoped3A_22 = tpu.sem_alloc : memref<!tpu.dma_semaphore, #tpu.memory_space<semaphore_mem>>
      %dma_start3A = arith.constant 0 : i32
      %dma_start3A_23 = tpu.memref_slice %arg10[%mul3A_2, %dma_start3A] : memref<10240x16xf32, #tpu.memory_space<vmem_shared>> -> memref<640x16xf32, #tpu.memory_space<vmem_shared>>
      tpu.enqueue_dma source(%arg5 : memref<640x16xf32, #tpu.memory_space<hbm>>) target(%dma_start3A_23 : memref<640x16xf32, #tpu.memory_space<vmem_shared>>) target_semaphore(%run_scoped3A_22 : memref<!tpu.dma_semaphore, #tpu.memory_space<semaphore_mem>>)
      %dma_wait3A = arith.constant 0 : i32
      %dma_wait3A_24 = tpu.memref_slice %arg10[%mul3A_2, %dma_wait3A] : memref<10240x16xf32, #tpu.memory_space<vmem_shared>> -> memref<640x16xf32, #tpu.memory_space<vmem_shared>>
      tpu.wait_dma2 semaphore(%run_scoped3A_22 : memref<!tpu.dma_semaphore, #tpu.memory_space<semaphore_mem>>) src(%arg5 : memref<640x16xf32, #tpu.memory_space<hbm>>) dst(%dma_wait3A_24 : memref<640x16xf32, #tpu.memory_space<vmem_shared>>)
      tpu.yield
    }) : () -> ()
    "tpu.region"() ({
      %run_scoped3A_22 = tpu.sem_alloc : memref<!tpu.dma_semaphore, #tpu.memory_space<semaphore_mem>>
      tpu.enqueue_dma source(%arg4 : memref<128x16xf32, #tpu.memory_space<hbm>>) target(%arg9 : memref<128x16xf32, #tpu.memory_space<vmem>>) target_semaphore(%run_scoped3A_22 : memref<!tpu.dma_semaphore, #tpu.memory_space<semaphore_mem>>)
      tpu.wait_dma2 semaphore(%run_scoped3A_22 : memref<!tpu.dma_semaphore, #tpu.memory_space<semaphore_mem>>) src(%arg4 : memref<128x16xf32, #tpu.memory_space<hbm>>) dst(%arg9 : memref<128x16xf32, #tpu.memory_space<vmem>>)
      tpu.yield
    }) : () -> ()
    %mul3A_3 = arith.constant 80 : i32
    %mul3A_4 = arith.muli %add3A, %mul3A_3 : i32
    "tpu.region"() ({
      %run_scoped3A_22 = tpu.sem_alloc : memref<!tpu.dma_semaphore, #tpu.memory_space<semaphore_mem>>
      %dma_start3A = arith.constant 0 : i32
      %dma_start3A_23 = tpu.memref_slice %arg2[%mul3A_4, %dma_start3A] : memref<2560x128xi32, #tpu.memory_space<hbm>> -> memref<80x128xi32, #tpu.memory_space<hbm>>
      %dma_start3A_24 = arith.constant 0 : i32
      %dma_start3A_25 = tpu.memref_slice %arg2[%mul3A_4, %dma_start3A_24] : memref<2560x128xi32, #tpu.memory_space<hbm>> -> memref<80x128xi32, #tpu.memory_space<hbm>>
      tpu.enqueue_dma source(%dma_start3A_25 : memref<80x128xi32, #tpu.memory_space<hbm>>) target(%arg7 : memref<80x128xi32, #tpu.memory_space<vmem>>) target_semaphore(%run_scoped3A_22 : memref<!tpu.dma_semaphore, #tpu.memory_space<semaphore_mem>>)
      %dma_wait3A = arith.constant 0 : i32
      %dma_wait3A_26 = tpu.memref_slice %arg2[%mul3A_4, %dma_wait3A] : memref<2560x128xi32, #tpu.memory_space<hbm>> -> memref<80x128xi32, #tpu.memory_space<hbm>>
      %dma_wait3A_27 = arith.constant 0 : i32
      %dma_wait3A_28 = tpu.memref_slice %arg2[%mul3A_4, %dma_wait3A_27] : memref<2560x128xi32, #tpu.memory_space<hbm>> -> memref<80x128xi32, #tpu.memory_space<hbm>>
      tpu.wait_dma2 semaphore(%run_scoped3A_22 : memref<!tpu.dma_semaphore, #tpu.memory_space<semaphore_mem>>) src(%dma_wait3A_28 : memref<80x128xi32, #tpu.memory_space<hbm>>) dst(%arg7 : memref<80x128xi32, #tpu.memory_space<vmem>>)
      tpu.yield
    }) : () -> ()
    %mul3A_5 = arith.constant 80 : i32
    %mul3A_6 = arith.muli %add3A, %mul3A_5 : i32
    "tpu.region"() ({
      %run_scoped3A_22 = tpu.sem_alloc : memref<!tpu.dma_semaphore, #tpu.memory_space<semaphore_mem>>
      %dma_start3A = arith.constant 0 : i32
      %dma_start3A_23 = tpu.memref_slice %arg3[%mul3A_6, %dma_start3A] : memref<2560x128xi32, #tpu.memory_space<hbm>> -> memref<80x128xi32, #tpu.memory_space<hbm>>
      %dma_start3A_24 = arith.constant 0 : i32
      %dma_start3A_25 = tpu.memref_slice %arg3[%mul3A_6, %dma_start3A_24] : memref<2560x128xi32, #tpu.memory_space<hbm>> -> memref<80x128xi32, #tpu.memory_space<hbm>>
      tpu.enqueue_dma source(%dma_start3A_25 : memref<80x128xi32, #tpu.memory_space<hbm>>) target(%arg8 : memref<80x128xi32, #tpu.memory_space<vmem>>) target_semaphore(%run_scoped3A_22 : memref<!tpu.dma_semaphore, #tpu.memory_space<semaphore_mem>>)
      %dma_wait3A = arith.constant 0 : i32
      %dma_wait3A_26 = tpu.memref_slice %arg3[%mul3A_6, %dma_wait3A] : memref<2560x128xi32, #tpu.memory_space<hbm>> -> memref<80x128xi32, #tpu.memory_space<hbm>>
      %dma_wait3A_27 = arith.constant 0 : i32
      %dma_wait3A_28 = tpu.memref_slice %arg3[%mul3A_6, %dma_wait3A_27] : memref<2560x128xi32, #tpu.memory_space<hbm>> -> memref<80x128xi32, #tpu.memory_space<hbm>>
      tpu.wait_dma2 semaphore(%run_scoped3A_22 : memref<!tpu.dma_semaphore, #tpu.memory_space<semaphore_mem>>) src(%dma_wait3A_28 : memref<80x128xi32, #tpu.memory_space<hbm>>) dst(%arg8 : memref<80x128xi32, #tpu.memory_space<vmem>>)
      tpu.yield
    }) : () -> ()
    %barrier3A = arith.constant 0 : index
    tpu.barrier barrier_id(%barrier3A)
    %scan3A = arith.constant 0 : i32
    %scan3A_7 = arith.constant 0 : i32
    %scan3A_8 = arith.constant 80 : i32
    %scan3A_9 = arith.addi %scan3A_7, %scan3A_8 : i32
    %scan3A_10 = arith.constant 1 : i32
    scf.for %scan3A_22 = %scan3A_7 to %scan3A_9 step %scan3A_10  : i32 {
      "tpu.region"() ({
        %run_scoped3A_23 = tpu.sem_alloc : memref<!tpu.dma_semaphore, #tpu.memory_space<semaphore_mem>>
        %dma_start3A = arith.constant 0 : i32
        %dma_start3A_24 = tpu.memref_slice %arg7[%scan3A_22, %dma_start3A] : memref<80x128xi32, #tpu.memory_space<vmem>> -> memref<1x128xi32, #tpu.memory_space<vmem>>
        %dma_start3A_25 = tpu.memref_squeeze %dma_start3A_24 : memref<1x128xi32, #tpu.memory_space<vmem>> -> memref<128xi32, #tpu.memory_space<vmem>>
        %dma_start3A_26 = arith.constant 0 : i32
        %dma_start3A_27 = arith.constant 0 : i32
        %dma_start3A_28 = tpu.memref_slice %arg10[%dma_start3A_26, %dma_start3A_27] : memref<10240x16xf32, #tpu.memory_space<vmem_shared>> -> memref<10240x16xf32, #tpu.memory_space<vmem_shared>>
        tpu.enqueue_indirect_dma source(%arg9 : memref<128x16xf32, #tpu.memory_space<vmem>>) target(%dma_start3A_28 : memref<10240x16xf32, #tpu.memory_space<vmem_shared>>) offsets(%dma_start3A_25 : memref<128xi32, #tpu.memory_space<vmem>>) semaphore(%run_scoped3A_23 : memref<!tpu.dma_semaphore, #tpu.memory_space<semaphore_mem>>) {add = true}
        %dma_wait3A = arith.constant 0 : i32
        %dma_wait3A_29 = tpu.memref_slice %arg7[%scan3A_22, %dma_wait3A] : memref<80x128xi32, #tpu.memory_space<vmem>> -> memref<1x128xi32, #tpu.memory_space<vmem>>
        %dma_wait3A_30 = tpu.memref_squeeze %dma_wait3A_29 : memref<1x128xi32, #tpu.memory_space<vmem>> -> memref<128xi32, #tpu.memory_space<vmem>>
        %dma_wait3A_31 = arith.constant 0 : i32
        %dma_wait3A_32 = arith.constant 0 : i32
        %dma_wait3A_33 = tpu.memref_slice %arg10[%dma_wait3A_31, %dma_wait3A_32] : memref<10240x16xf32, #tpu.memory_space<vmem_shared>> -> memref<10240x16xf32, #tpu.memory_space<vmem_shared>>
        tpu.wait_indirect_dma semaphore(%run_scoped3A_23 : memref<!tpu.dma_semaphore, #tpu.memory_space<semaphore_mem>>) src(%arg9 : memref<128x16xf32, #tpu.memory_space<vmem>>) dst(%dma_wait3A_33 : memref<10240x16xf32, #tpu.memory_space<vmem_shared>>)
        tpu.yield
      }) : () -> ()
    }
    %scan3A_11 = arith.constant 80 : i32
    %barrier3A_12 = arith.constant 0 : index
    tpu.barrier barrier_id(%barrier3A_12)
    %run_scoped3A = arith.constant 0 : i32
    "tpu.region"() ({
      %run_scoped3A_22 = tpu.sem_alloc : memref<!tpu.dma_semaphore, #tpu.memory_space<semaphore_mem>>
      %dma_start3A = arith.constant 0 : i32
      %dma_start3A_23 = tpu.memref_slice %arg6[%arg0, %run_scoped3A, %mul3A_2, %dma_start3A] : memref<2x2x10240x16xf32, #tpu.memory_space<hbm>> -> memref<1x1x640x16xf32, #tpu.memory_space<hbm>>
      %dma_start3A_24 = tpu.memref_squeeze %dma_start3A_23 : memref<1x1x640x16xf32, #tpu.memory_space<hbm>> -> memref<640x16xf32, #tpu.memory_space<hbm>>
      %dma_start3A_25 = arith.constant 0 : i32
      %dma_start3A_26 = tpu.memref_slice %arg10[%mul3A_2, %dma_start3A_25] : memref<10240x16xf32, #tpu.memory_space<vmem_shared>> -> memref<640x16xf32, #tpu.memory_space<vmem_shared>>
      tpu.enqueue_dma source(%dma_start3A_26 : memref<640x16xf32, #tpu.memory_space<vmem_shared>>) target(%dma_start3A_24 : memref<640x16xf32, #tpu.memory_space<hbm>>) target_semaphore(%run_scoped3A_22 : memref<!tpu.dma_semaphore, #tpu.memory_space<semaphore_mem>>)
      %dma_wait3A = arith.constant 0 : i32
      %dma_wait3A_27 = tpu.memref_slice %arg6[%arg0, %run_scoped3A, %mul3A_2, %dma_wait3A] : memref<2x2x10240x16xf32, #tpu.memory_space<hbm>> -> memref<1x1x640x16xf32, #tpu.memory_space<hbm>>
      %dma_wait3A_28 = tpu.memref_squeeze %dma_wait3A_27 : memref<1x1x640x16xf32, #tpu.memory_space<hbm>> -> memref<640x16xf32, #tpu.memory_space<hbm>>
      %dma_wait3A_29 = arith.constant 0 : i32
      %dma_wait3A_30 = tpu.memref_slice %arg10[%mul3A_2, %dma_wait3A_29] : memref<10240x16xf32, #tpu.memory_space<vmem_shared>> -> memref<640x16xf32, #tpu.memory_space<vmem_shared>>
      tpu.wait_dma2 semaphore(%run_scoped3A_22 : memref<!tpu.dma_semaphore, #tpu.memory_space<semaphore_mem>>) src(%dma_wait3A_30 : memref<640x16xf32, #tpu.memory_space<vmem_shared>>) dst(%dma_wait3A_28 : memref<640x16xf32, #tpu.memory_space<hbm>>)
      tpu.yield
    }) : () -> ()
    "tpu.region"() ({
      %run_scoped3A_22 = tpu.sem_alloc : memref<!tpu.dma_semaphore, #tpu.memory_space<semaphore_mem>>
      %dma_start3A = arith.constant 0 : i32
      %dma_start3A_23 = tpu.memref_slice %arg10[%mul3A_2, %dma_start3A] : memref<10240x16xf32, #tpu.memory_space<vmem_shared>> -> memref<640x16xf32, #tpu.memory_space<vmem_shared>>
      tpu.enqueue_dma source(%arg5 : memref<640x16xf32, #tpu.memory_space<hbm>>) target(%dma_start3A_23 : memref<640x16xf32, #tpu.memory_space<vmem_shared>>) target_semaphore(%run_scoped3A_22 : memref<!tpu.dma_semaphore, #tpu.memory_space<semaphore_mem>>)
      %dma_wait3A = arith.constant 0 : i32
      %dma_wait3A_24 = tpu.memref_slice %arg10[%mul3A_2, %dma_wait3A] : memref<10240x16xf32, #tpu.memory_space<vmem_shared>> -> memref<640x16xf32, #tpu.memory_space<vmem_shared>>
      tpu.wait_dma2 semaphore(%run_scoped3A_22 : memref<!tpu.dma_semaphore, #tpu.memory_space<semaphore_mem>>) src(%arg5 : memref<640x16xf32, #tpu.memory_space<hbm>>) dst(%dma_wait3A_24 : memref<640x16xf32, #tpu.memory_space<vmem_shared>>)
      tpu.yield
    }) : () -> ()
    %barrier3A_13 = arith.constant 0 : index
    tpu.barrier barrier_id(%barrier3A_13)
    %scan3A_14 = arith.constant 0 : i32
    %scan3A_15 = arith.constant 0 : i32
    %scan3A_16 = arith.constant 80 : i32
    %scan3A_17 = arith.addi %scan3A_15, %scan3A_16 : i32
    %scan3A_18 = arith.constant 1 : i32
    scf.for %scan3A_22 = %scan3A_15 to %scan3A_17 step %scan3A_18  : i32 {
      "tpu.region"() ({
        %run_scoped3A_23 = tpu.sem_alloc : memref<!tpu.dma_semaphore, #tpu.memory_space<semaphore_mem>>
        %dma_start3A = arith.constant 0 : i32
        %dma_start3A_24 = tpu.memref_slice %arg8[%scan3A_22, %dma_start3A] : memref<80x128xi32, #tpu.memory_space<vmem>> -> memref<1x128xi32, #tpu.memory_space<vmem>>
        %dma_start3A_25 = tpu.memref_squeeze %dma_start3A_24 : memref<1x128xi32, #tpu.memory_space<vmem>> -> memref<128xi32, #tpu.memory_space<vmem>>
        %dma_start3A_26 = arith.constant 0 : i32
        %dma_start3A_27 = arith.constant 0 : i32
        %dma_start3A_28 = tpu.memref_slice %arg10[%dma_start3A_26, %dma_start3A_27] : memref<10240x16xf32, #tpu.memory_space<vmem_shared>> -> memref<10240x16xf32, #tpu.memory_space<vmem_shared>>
        tpu.enqueue_indirect_dma source(%arg9 : memref<128x16xf32, #tpu.memory_space<vmem>>) target(%dma_start3A_28 : memref<10240x16xf32, #tpu.memory_space<vmem_shared>>) offsets(%dma_start3A_25 : memref<128xi32, #tpu.memory_space<vmem>>) semaphore(%run_scoped3A_23 : memref<!tpu.dma_semaphore, #tpu.memory_space<semaphore_mem>>) {add = true}
        %dma_wait3A = arith.constant 0 : i32
        %dma_wait3A_29 = tpu.memref_slice %arg8[%scan3A_22, %dma_wait3A] : memref<80x128xi32, #tpu.memory_space<vmem>> -> memref<1x128xi32, #tpu.memory_space<vmem>>
        %dma_wait3A_30 = tpu.memref_squeeze %dma_wait3A_29 : memref<1x128xi32, #tpu.memory_space<vmem>> -> memref<128xi32, #tpu.memory_space<vmem>>
        %dma_wait3A_31 = arith.constant 0 : i32
        %dma_wait3A_32 = arith.constant 0 : i32
        %dma_wait3A_33 = tpu.memref_slice %arg10[%dma_wait3A_31, %dma_wait3A_32] : memref<10240x16xf32, #tpu.memory_space<vmem_shared>> -> memref<10240x16xf32, #tpu.memory_space<vmem_shared>>
        tpu.wait_indirect_dma semaphore(%run_scoped3A_23 : memref<!tpu.dma_semaphore, #tpu.memory_space<semaphore_mem>>) src(%arg9 : memref<128x16xf32, #tpu.memory_space<vmem>>) dst(%dma_wait3A_33 : memref<10240x16xf32, #tpu.memory_space<vmem_shared>>)
        tpu.yield
      }) : () -> ()
    }
    %scan3A_19 = arith.constant 80 : i32
    %barrier3A_20 = arith.constant 0 : index
    tpu.barrier barrier_id(%barrier3A_20)
    %run_scoped3A_21 = arith.constant 1 : i32
    "tpu.region"() ({
      %run_scoped3A_22 = tpu.sem_alloc : memref<!tpu.dma_semaphore, #tpu.memory_space<semaphore_mem>>
      %dma_start3A = arith.constant 0 : i32
      %dma_start3A_23 = tpu.memref_slice %arg6[%arg0, %run_scoped3A_21, %mul3A_2, %dma_start3A] : memref<2x2x10240x16xf32, #tpu.memory_space<hbm>> -> memref<1x1x640x16xf32, #tpu.memory_space<hbm>>
      %dma_start3A_24 = tpu.memref_squeeze %dma_start3A_23 : memref<1x1x640x16xf32, #tpu.memory_space<hbm>> -> memref<640x16xf32, #tpu.memory_space<hbm>>
      %dma_start3A_25 = arith.constant 0 : i32
      %dma_start3A_26 = tpu.memref_slice %arg10[%mul3A_2, %dma_start3A_25] : memref<10240x16xf32, #tpu.memory_space<vmem_shared>> -> memref<640x16xf32, #tpu.memory_space<vmem_shared>>
      tpu.enqueue_dma source(%dma_start3A_26 : memref<640x16xf32, #tpu.memory_space<vmem_shared>>) target(%dma_start3A_24 : memref<640x16xf32, #tpu.memory_space<hbm>>) target_semaphore(%run_scoped3A_22 : memref<!tpu.dma_semaphore, #tpu.memory_space<semaphore_mem>>)
      %dma_wait3A = arith.constant 0 : i32
      %dma_wait3A_27 = tpu.memref_slice %arg6[%arg0, %run_scoped3A_21, %mul3A_2, %dma_wait3A] : memref<2x2x10240x16xf32, #tpu.memory_space<hbm>> -> memref<1x1x640x16xf32, #tpu.memory_space<hbm>>
      %dma_wait3A_28 = tpu.memref_squeeze %dma_wait3A_27 : memref<1x1x640x16xf32, #tpu.memory_space<hbm>> -> memref<640x16xf32, #tpu.memory_space<hbm>>
      %dma_wait3A_29 = arith.constant 0 : i32
      %dma_wait3A_30 = tpu.memref_slice %arg10[%mul3A_2, %dma_wait3A_29] : memref<10240x16xf32, #tpu.memory_space<vmem_shared>> -> memref<640x16xf32, #tpu.memory_space<vmem_shared>>
      tpu.wait_dma2 semaphore(%run_scoped3A_22 : memref<!tpu.dma_semaphore, #tpu.memory_space<semaphore_mem>>) src(%dma_wait3A_30 : memref<640x16xf32, #tpu.memory_space<vmem_shared>>) dst(%dma_wait3A_28 : memref<640x16xf32, #tpu.memory_space<hbm>>)
      tpu.yield
    }) : () -> ()
    return
  }
}

#map = affine_map<(d0, d1) -> (0, 0)>
#map1 = affine_map<(d0, d1) -> (0, 0, 0)>
module attributes {stable_mosaic.version = 14 : i64} {
  func.func @_sc_spmm_body(%arg0: i32, %arg1: i32, %arg2: memref<10240x128xf32, #tpu.memory_space<hbm>>, %arg3: memref<2560x128xi32, #tpu.memory_space<hbm>>, %arg4: memref<2560x128xi32, #tpu.memory_space<hbm>>, %arg5: memref<640x128xf32, #tpu.memory_space<hbm>>, %arg6: memref<2x10240x128xf32, #tpu.memory_space<hbm>>, %arg7: memref<16x128xi32, #tpu.memory_space<vmem>>, %arg8: memref<16x128xi32, #tpu.memory_space<vmem>>, %arg9: memref<128x128xf32, #tpu.memory_space<vmem>>, %arg10: memref<128x128xf32, #tpu.memory_space<vmem>>, %arg11: memref<10240x128xf32, #tpu.memory_space<vmem_shared>>, %arg12: memref<!tpu.dma_semaphore, #tpu.memory_space<semaphore_mem>>, %arg13: memref<!tpu.dma_semaphore, #tpu.memory_space<semaphore_mem>>) attributes {dimension_semantics = [#tpu.dimension_semantics<core_parallel>, #tpu.dimension_semantics<subcore_parallel>], iteration_bounds = array<i64: 2, 16>, scalar_prefetch = 0 : i64, scratch_operands = 7 : i64, tpu.core_type = #tpu.core_type<sc_vector_subcore>, window_params = [{transform_indices = #map}, {transform_indices = #map}, {transform_indices = #map}, {transform_indices = #map}, {transform_indices = #map1}]} {
    %mul3A = arith.constant 640 : i32
    %mul3A_0 = arith.muli %arg1, %mul3A : i32
    %mul3A_1 = arith.constant 0 : i32
    %mul3A_2 = arith.muli %arg0, %mul3A_1 : i32
    %add3A = arith.constant 80 : i32
    %add3A_3 = arith.addi %add3A, %mul3A_2 : i32
    %mul3A_4 = arith.constant 1280 : i32
    %mul3A_5 = arith.muli %arg0, %mul3A_4 : i32
    %mul3A_6 = arith.muli %arg1, %add3A_3 : i32
    %add3A_7 = arith.addi %mul3A_5, %mul3A_6 : i32
    "tpu.region"() ({
      %run_scoped3A = tpu.sem_alloc : memref<!tpu.dma_semaphore, #tpu.memory_space<semaphore_mem>>
      %dma_start3A = arith.constant 0 : i32
      %dma_start3A_34 = tpu.memref_slice %arg11[%mul3A_0, %dma_start3A] : memref<10240x128xf32, #tpu.memory_space<vmem_shared>> -> memref<640x128xf32, #tpu.memory_space<vmem_shared>>
      tpu.enqueue_dma source(%arg5 : memref<640x128xf32, #tpu.memory_space<hbm>>) target(%dma_start3A_34 : memref<640x128xf32, #tpu.memory_space<vmem_shared>>) target_semaphore(%run_scoped3A : memref<!tpu.dma_semaphore, #tpu.memory_space<semaphore_mem>>)
      %dma_wait3A = arith.constant 0 : i32
      %dma_wait3A_35 = tpu.memref_slice %arg11[%mul3A_0, %dma_wait3A] : memref<10240x128xf32, #tpu.memory_space<vmem_shared>> -> memref<640x128xf32, #tpu.memory_space<vmem_shared>>
      tpu.wait_dma2 semaphore(%run_scoped3A : memref<!tpu.dma_semaphore, #tpu.memory_space<semaphore_mem>>) src(%arg5 : memref<640x128xf32, #tpu.memory_space<hbm>>) dst(%dma_wait3A_35 : memref<640x128xf32, #tpu.memory_space<vmem_shared>>)
      tpu.yield
    }) : () -> ()
    %barrier3A = arith.constant 0 : index
    tpu.barrier barrier_id(%barrier3A)
    %jit3A = arith.constant 16 : i32
    %div3A = arith.divsi %add3A_3, %jit3A : i32
    %sign3A = arith.constant 0 : i32
    %sign3A_8 = arith.cmpi sgt, %add3A_3, %sign3A : i32
    %sign3A_9 = arith.extui %sign3A_8 : i1 to i32
    %sign3A_10 = arith.constant 0 : i32
    %sign3A_11 = arith.cmpi slt, %add3A_3, %sign3A_10 : i32
    %sign3A_12 = arith.extui %sign3A_11 : i1 to i32
    %sign3A_13 = arith.subi %sign3A_9, %sign3A_12 : i32
    %sign3A_14 = arith.constant 0 : i32
    %sign3A_15 = arith.cmpi sgt, %jit3A, %sign3A_14 : i32
    %sign3A_16 = arith.extui %sign3A_15 : i1 to i32
    %sign3A_17 = arith.constant 0 : i32
    %sign3A_18 = arith.cmpi slt, %jit3A, %sign3A_17 : i32
    %sign3A_19 = arith.extui %sign3A_18 : i1 to i32
    %sign3A_20 = arith.subi %sign3A_16, %sign3A_19 : i32
    %ne3A = arith.cmpi ne, %sign3A_13, %sign3A_20 : i32
    %rem3A = arith.remsi %add3A_3, %jit3A : i32
    %ne3A_21 = arith.constant 0 : i32
    %ne3A_22 = arith.cmpi ne, %rem3A, %ne3A_21 : i32
    %and3A = arith.andi %ne3A, %ne3A_22 : i1
    %sub3A = arith.constant 1 : i32
    %sub3A_23 = arith.subi %div3A, %sub3A : i32
    %select_n3A = arith.select %and3A, %sub3A_23, %div3A : i32
    %while3A = arith.constant 0 : i32
    %while3A_24 = arith.constant 0 : i32
    %while3A_25 = arith.subi %select_n3A, %while3A_24 : i32
    %while3A_26 = arith.addi %while3A_24, %while3A_25 : i32
    %while3A_27 = arith.constant 1 : i32
    %while3A_28 = arith.divsi %while3A_25, %while3A_27 : i32
    %while3A_29 = arith.muli %while3A_28, %while3A_27 : i32
    %while3A_30 = arith.addi %while3A_24, %while3A_29 : i32
    %while3A_31 = arith.constant 1 : i32
    scf.for %while3A_34 = %while3A_24 to %while3A_30 step %while3A_31  : i32 {
      %mul3A_35 = arith.constant 16 : i32
      %mul3A_36 = arith.muli %while3A_34, %mul3A_35 : i32
      %add3A_37 = arith.addi %add3A_7, %mul3A_36 : i32
      "tpu.region"() ({
        %run_scoped3A = tpu.sem_alloc : memref<!tpu.dma_semaphore, #tpu.memory_space<semaphore_mem>>
        %dma_start3A_49 = arith.constant 0 : i32
        %dma_start3A_50 = tpu.memref_slice %arg3[%add3A_37, %dma_start3A_49] : memref<2560x128xi32, #tpu.memory_space<hbm>> -> memref<16x128xi32, #tpu.memory_space<hbm>>
        %dma_start3A_51 = arith.constant 0 : i32
        %dma_start3A_52 = tpu.memref_slice %arg3[%add3A_37, %dma_start3A_51] : memref<2560x128xi32, #tpu.memory_space<hbm>> -> memref<16x128xi32, #tpu.memory_space<hbm>>
        tpu.enqueue_dma source(%dma_start3A_52 : memref<16x128xi32, #tpu.memory_space<hbm>>) target(%arg7 : memref<16x128xi32, #tpu.memory_space<vmem>>) target_semaphore(%run_scoped3A : memref<!tpu.dma_semaphore, #tpu.memory_space<semaphore_mem>>)
        %dma_wait3A = arith.constant 0 : i32
        %dma_wait3A_53 = tpu.memref_slice %arg3[%add3A_37, %dma_wait3A] : memref<2560x128xi32, #tpu.memory_space<hbm>> -> memref<16x128xi32, #tpu.memory_space<hbm>>
        %dma_wait3A_54 = arith.constant 0 : i32
        %dma_wait3A_55 = tpu.memref_slice %arg3[%add3A_37, %dma_wait3A_54] : memref<2560x128xi32, #tpu.memory_space<hbm>> -> memref<16x128xi32, #tpu.memory_space<hbm>>
        tpu.wait_dma2 semaphore(%run_scoped3A : memref<!tpu.dma_semaphore, #tpu.memory_space<semaphore_mem>>) src(%dma_wait3A_55 : memref<16x128xi32, #tpu.memory_space<hbm>>) dst(%arg7 : memref<16x128xi32, #tpu.memory_space<vmem>>)
        tpu.yield
      }) : () -> ()
      "tpu.region"() ({
        %run_scoped3A = tpu.sem_alloc : memref<!tpu.dma_semaphore, #tpu.memory_space<semaphore_mem>>
        %dma_start3A_49 = arith.constant 0 : i32
        %dma_start3A_50 = tpu.memref_slice %arg4[%add3A_37, %dma_start3A_49] : memref<2560x128xi32, #tpu.memory_space<hbm>> -> memref<16x128xi32, #tpu.memory_space<hbm>>
        %dma_start3A_51 = arith.constant 0 : i32
        %dma_start3A_52 = tpu.memref_slice %arg4[%add3A_37, %dma_start3A_51] : memref<2560x128xi32, #tpu.memory_space<hbm>> -> memref<16x128xi32, #tpu.memory_space<hbm>>
        tpu.enqueue_dma source(%dma_start3A_52 : memref<16x128xi32, #tpu.memory_space<hbm>>) target(%arg8 : memref<16x128xi32, #tpu.memory_space<vmem>>) target_semaphore(%run_scoped3A : memref<!tpu.dma_semaphore, #tpu.memory_space<semaphore_mem>>)
        %dma_wait3A = arith.constant 0 : i32
        %dma_wait3A_53 = tpu.memref_slice %arg4[%add3A_37, %dma_wait3A] : memref<2560x128xi32, #tpu.memory_space<hbm>> -> memref<16x128xi32, #tpu.memory_space<hbm>>
        %dma_wait3A_54 = arith.constant 0 : i32
        %dma_wait3A_55 = tpu.memref_slice %arg4[%add3A_37, %dma_wait3A_54] : memref<2560x128xi32, #tpu.memory_space<hbm>> -> memref<16x128xi32, #tpu.memory_space<hbm>>
        tpu.wait_dma2 semaphore(%run_scoped3A : memref<!tpu.dma_semaphore, #tpu.memory_space<semaphore_mem>>) src(%dma_wait3A_55 : memref<16x128xi32, #tpu.memory_space<hbm>>) dst(%arg8 : memref<16x128xi32, #tpu.memory_space<vmem>>)
        tpu.yield
      }) : () -> ()
      %dma_start3A = arith.constant 0 : i32
      %dma_start3A_38 = arith.constant 0 : i32
      %dma_start3A_39 = tpu.memref_slice %arg7[%dma_start3A, %dma_start3A_38] : memref<16x128xi32, #tpu.memory_space<vmem>> -> memref<1x128xi32, #tpu.memory_space<vmem>>
      %dma_start3A_40 = tpu.memref_squeeze %dma_start3A_39 : memref<1x128xi32, #tpu.memory_space<vmem>> -> memref<128xi32, #tpu.memory_space<vmem>>
      %dma_start3A_41 = arith.constant 0 : i32
      %dma_start3A_42 = arith.constant 0 : i32
      %dma_start3A_43 = tpu.memref_slice %arg2[%dma_start3A_41, %dma_start3A_42] : memref<10240x128xf32, #tpu.memory_space<hbm>> -> memref<10240x128xf32, #tpu.memory_space<hbm>>
      tpu.enqueue_indirect_dma source(%dma_start3A_43 : memref<10240x128xf32, #tpu.memory_space<hbm>>) target(%arg9 : memref<128x128xf32, #tpu.memory_space<vmem>>) offsets(%dma_start3A_40 : memref<128xi32, #tpu.memory_space<vmem>>) semaphore(%arg12 : memref<!tpu.dma_semaphore, #tpu.memory_space<semaphore_mem>>)
      %scan3A = arith.constant 0 : i32
      %scan3A_44 = arith.constant 0 : i32
      %scan3A_45 = arith.constant 8 : i32
      %scan3A_46 = arith.addi %scan3A_44, %scan3A_45 : i32
      %scan3A_47 = arith.constant 1 : i32
      scf.for %scan3A_49 = %scan3A_44 to %scan3A_46 step %scan3A_47  : i32 {
        %mul3A_50 = arith.constant 2 : i32
        %mul3A_51 = arith.muli %mul3A_50, %scan3A_49 : i32
        %add3A_52 = arith.constant 1 : i32
        %add3A_53 = arith.addi %mul3A_51, %add3A_52 : i32
        %dma_wait3A = arith.constant 0 : i32
        %dma_wait3A_54 = tpu.memref_slice %arg7[%mul3A_51, %dma_wait3A] : memref<16x128xi32, #tpu.memory_space<vmem>> -> memref<1x128xi32, #tpu.memory_space<vmem>>
        %dma_wait3A_55 = tpu.memref_squeeze %dma_wait3A_54 : memref<1x128xi32, #tpu.memory_space<vmem>> -> memref<128xi32, #tpu.memory_space<vmem>>
        %dma_wait3A_56 = arith.constant 0 : i32
        %dma_wait3A_57 = arith.constant 0 : i32
        %dma_wait3A_58 = tpu.memref_slice %arg2[%dma_wait3A_56, %dma_wait3A_57] : memref<10240x128xf32, #tpu.memory_space<hbm>> -> memref<10240x128xf32, #tpu.memory_space<hbm>>
        tpu.wait_indirect_dma semaphore(%arg12 : memref<!tpu.dma_semaphore, #tpu.memory_space<semaphore_mem>>) src(%dma_wait3A_58 : memref<10240x128xf32, #tpu.memory_space<hbm>>) dst(%arg9 : memref<128x128xf32, #tpu.memory_space<vmem>>)
        %dma_start3A_59 = arith.constant 0 : i32
        %dma_start3A_60 = tpu.memref_slice %arg7[%add3A_53, %dma_start3A_59] : memref<16x128xi32, #tpu.memory_space<vmem>> -> memref<1x128xi32, #tpu.memory_space<vmem>>
        %dma_start3A_61 = tpu.memref_squeeze %dma_start3A_60 : memref<1x128xi32, #tpu.memory_space<vmem>> -> memref<128xi32, #tpu.memory_space<vmem>>
        %dma_start3A_62 = arith.constant 0 : i32
        %dma_start3A_63 = arith.constant 0 : i32
        %dma_start3A_64 = tpu.memref_slice %arg2[%dma_start3A_62, %dma_start3A_63] : memref<10240x128xf32, #tpu.memory_space<hbm>> -> memref<10240x128xf32, #tpu.memory_space<hbm>>
        tpu.enqueue_indirect_dma source(%dma_start3A_64 : memref<10240x128xf32, #tpu.memory_space<hbm>>) target(%arg10 : memref<128x128xf32, #tpu.memory_space<vmem>>) offsets(%dma_start3A_61 : memref<128xi32, #tpu.memory_space<vmem>>) semaphore(%arg13 : memref<!tpu.dma_semaphore, #tpu.memory_space<semaphore_mem>>)
        "tpu.region"() ({
          %run_scoped3A = tpu.sem_alloc : memref<!tpu.dma_semaphore, #tpu.memory_space<semaphore_mem>>
          %dma_start3A_75 = arith.constant 0 : i32
          %dma_start3A_76 = tpu.memref_slice %arg8[%mul3A_51, %dma_start3A_75] : memref<16x128xi32, #tpu.memory_space<vmem>> -> memref<1x128xi32, #tpu.memory_space<vmem>>
          %dma_start3A_77 = tpu.memref_squeeze %dma_start3A_76 : memref<1x128xi32, #tpu.memory_space<vmem>> -> memref<128xi32, #tpu.memory_space<vmem>>
          %dma_start3A_78 = arith.constant 0 : i32
          %dma_start3A_79 = arith.constant 0 : i32
          %dma_start3A_80 = tpu.memref_slice %arg11[%dma_start3A_78, %dma_start3A_79] : memref<10240x128xf32, #tpu.memory_space<vmem_shared>> -> memref<10240x128xf32, #tpu.memory_space<vmem_shared>>
          tpu.enqueue_indirect_dma source(%arg9 : memref<128x128xf32, #tpu.memory_space<vmem>>) target(%dma_start3A_80 : memref<10240x128xf32, #tpu.memory_space<vmem_shared>>) offsets(%dma_start3A_77 : memref<128xi32, #tpu.memory_space<vmem>>) semaphore(%run_scoped3A : memref<!tpu.dma_semaphore, #tpu.memory_space<semaphore_mem>>) {add = true}
          %dma_wait3A_81 = arith.constant 0 : i32
          %dma_wait3A_82 = tpu.memref_slice %arg8[%mul3A_51, %dma_wait3A_81] : memref<16x128xi32, #tpu.memory_space<vmem>> -> memref<1x128xi32, #tpu.memory_space<vmem>>
          %dma_wait3A_83 = tpu.memref_squeeze %dma_wait3A_82 : memref<1x128xi32, #tpu.memory_space<vmem>> -> memref<128xi32, #tpu.memory_space<vmem>>
          %dma_wait3A_84 = arith.constant 0 : i32
          %dma_wait3A_85 = arith.constant 0 : i32
          %dma_wait3A_86 = tpu.memref_slice %arg11[%dma_wait3A_84, %dma_wait3A_85] : memref<10240x128xf32, #tpu.memory_space<vmem_shared>> -> memref<10240x128xf32, #tpu.memory_space<vmem_shared>>
          tpu.wait_indirect_dma semaphore(%run_scoped3A : memref<!tpu.dma_semaphore, #tpu.memory_space<semaphore_mem>>) src(%arg9 : memref<128x128xf32, #tpu.memory_space<vmem>>) dst(%dma_wait3A_86 : memref<10240x128xf32, #tpu.memory_space<vmem_shared>>)
          tpu.yield
        }) : () -> ()
        %dma_wait3A_65 = arith.constant 0 : i32
        %dma_wait3A_66 = tpu.memref_slice %arg7[%add3A_53, %dma_wait3A_65] : memref<16x128xi32, #tpu.memory_space<vmem>> -> memref<1x128xi32, #tpu.memory_space<vmem>>
        %dma_wait3A_67 = tpu.memref_squeeze %dma_wait3A_66 : memref<1x128xi32, #tpu.memory_space<vmem>> -> memref<128xi32, #tpu.memory_space<vmem>>
        %dma_wait3A_68 = arith.constant 0 : i32
        %dma_wait3A_69 = arith.constant 0 : i32
        %dma_wait3A_70 = tpu.memref_slice %arg2[%dma_wait3A_68, %dma_wait3A_69] : memref<10240x128xf32, #tpu.memory_space<hbm>> -> memref<10240x128xf32, #tpu.memory_space<hbm>>
        tpu.wait_indirect_dma semaphore(%arg13 : memref<!tpu.dma_semaphore, #tpu.memory_space<semaphore_mem>>) src(%dma_wait3A_70 : memref<10240x128xf32, #tpu.memory_space<hbm>>) dst(%arg10 : memref<128x128xf32, #tpu.memory_space<vmem>>)
        %add3A_71 = arith.constant 1 : i32
        %add3A_72 = arith.addi %add3A_53, %add3A_71 : i32
        %lt3A = arith.constant 16 : i32
        %lt3A_73 = arith.cmpi slt, %add3A_72, %lt3A : i32
        %convert_element_type3A = arith.extui %lt3A_73 : i1 to i32
        %cond3A = arith.constant 0 : i32
        %cond3A_74 = arith.cmpi ne, %convert_element_type3A, %cond3A : i32
        scf.if %cond3A_74 {
          %add3A_75 = arith.constant 1 : i32
          %add3A_76 = arith.addi %add3A_53, %add3A_75 : i32
          %dma_start3A_77 = arith.constant 0 : i32
          %dma_start3A_78 = tpu.memref_slice %arg7[%add3A_76, %dma_start3A_77] : memref<16x128xi32, #tpu.memory_space<vmem>> -> memref<1x128xi32, #tpu.memory_space<vmem>>
          %dma_start3A_79 = tpu.memref_squeeze %dma_start3A_78 : memref<1x128xi32, #tpu.memory_space<vmem>> -> memref<128xi32, #tpu.memory_space<vmem>>
          %dma_start3A_80 = arith.constant 0 : i32
          %dma_start3A_81 = arith.constant 0 : i32
          %dma_start3A_82 = tpu.memref_slice %arg2[%dma_start3A_80, %dma_start3A_81] : memref<10240x128xf32, #tpu.memory_space<hbm>> -> memref<10240x128xf32, #tpu.memory_space<hbm>>
          tpu.enqueue_indirect_dma source(%dma_start3A_82 : memref<10240x128xf32, #tpu.memory_space<hbm>>) target(%arg9 : memref<128x128xf32, #tpu.memory_space<vmem>>) offsets(%dma_start3A_79 : memref<128xi32, #tpu.memory_space<vmem>>) semaphore(%arg12 : memref<!tpu.dma_semaphore, #tpu.memory_space<semaphore_mem>>)
        } else {
        }
        "tpu.region"() ({
          %run_scoped3A = tpu.sem_alloc : memref<!tpu.dma_semaphore, #tpu.memory_space<semaphore_mem>>
          %dma_start3A_75 = arith.constant 0 : i32
          %dma_start3A_76 = tpu.memref_slice %arg8[%add3A_53, %dma_start3A_75] : memref<16x128xi32, #tpu.memory_space<vmem>> -> memref<1x128xi32, #tpu.memory_space<vmem>>
          %dma_start3A_77 = tpu.memref_squeeze %dma_start3A_76 : memref<1x128xi32, #tpu.memory_space<vmem>> -> memref<128xi32, #tpu.memory_space<vmem>>
          %dma_start3A_78 = arith.constant 0 : i32
          %dma_start3A_79 = arith.constant 0 : i32
          %dma_start3A_80 = tpu.memref_slice %arg11[%dma_start3A_78, %dma_start3A_79] : memref<10240x128xf32, #tpu.memory_space<vmem_shared>> -> memref<10240x128xf32, #tpu.memory_space<vmem_shared>>
          tpu.enqueue_indirect_dma source(%arg10 : memref<128x128xf32, #tpu.memory_space<vmem>>) target(%dma_start3A_80 : memref<10240x128xf32, #tpu.memory_space<vmem_shared>>) offsets(%dma_start3A_77 : memref<128xi32, #tpu.memory_space<vmem>>) semaphore(%run_scoped3A : memref<!tpu.dma_semaphore, #tpu.memory_space<semaphore_mem>>) {add = true}
          %dma_wait3A_81 = arith.constant 0 : i32
          %dma_wait3A_82 = tpu.memref_slice %arg8[%add3A_53, %dma_wait3A_81] : memref<16x128xi32, #tpu.memory_space<vmem>> -> memref<1x128xi32, #tpu.memory_space<vmem>>
          %dma_wait3A_83 = tpu.memref_squeeze %dma_wait3A_82 : memref<1x128xi32, #tpu.memory_space<vmem>> -> memref<128xi32, #tpu.memory_space<vmem>>
          %dma_wait3A_84 = arith.constant 0 : i32
          %dma_wait3A_85 = arith.constant 0 : i32
          %dma_wait3A_86 = tpu.memref_slice %arg11[%dma_wait3A_84, %dma_wait3A_85] : memref<10240x128xf32, #tpu.memory_space<vmem_shared>> -> memref<10240x128xf32, #tpu.memory_space<vmem_shared>>
          tpu.wait_indirect_dma semaphore(%run_scoped3A : memref<!tpu.dma_semaphore, #tpu.memory_space<semaphore_mem>>) src(%arg10 : memref<128x128xf32, #tpu.memory_space<vmem>>) dst(%dma_wait3A_86 : memref<10240x128xf32, #tpu.memory_space<vmem_shared>>)
          tpu.yield
        }) : () -> ()
      }
      %scan3A_48 = arith.constant 8 : i32
    }
    %while3A_32 = arith.constant 1 : i32
    scf.for %while3A_34 = %while3A_30 to %while3A_26 step %while3A_32  : i32 {
      %mul3A_35 = arith.constant 16 : i32
      %mul3A_36 = arith.muli %while3A_34, %mul3A_35 : i32
      %add3A_37 = arith.addi %add3A_7, %mul3A_36 : i32
      "tpu.region"() ({
        %run_scoped3A = tpu.sem_alloc : memref<!tpu.dma_semaphore, #tpu.memory_space<semaphore_mem>>
        %dma_start3A_49 = arith.constant 0 : i32
        %dma_start3A_50 = tpu.memref_slice %arg3[%add3A_37, %dma_start3A_49] : memref<2560x128xi32, #tpu.memory_space<hbm>> -> memref<16x128xi32, #tpu.memory_space<hbm>>
        %dma_start3A_51 = arith.constant 0 : i32
        %dma_start3A_52 = tpu.memref_slice %arg3[%add3A_37, %dma_start3A_51] : memref<2560x128xi32, #tpu.memory_space<hbm>> -> memref<16x128xi32, #tpu.memory_space<hbm>>
        tpu.enqueue_dma source(%dma_start3A_52 : memref<16x128xi32, #tpu.memory_space<hbm>>) target(%arg7 : memref<16x128xi32, #tpu.memory_space<vmem>>) target_semaphore(%run_scoped3A : memref<!tpu.dma_semaphore, #tpu.memory_space<semaphore_mem>>)
        %dma_wait3A = arith.constant 0 : i32
        %dma_wait3A_53 = tpu.memref_slice %arg3[%add3A_37, %dma_wait3A] : memref<2560x128xi32, #tpu.memory_space<hbm>> -> memref<16x128xi32, #tpu.memory_space<hbm>>
        %dma_wait3A_54 = arith.constant 0 : i32
        %dma_wait3A_55 = tpu.memref_slice %arg3[%add3A_37, %dma_wait3A_54] : memref<2560x128xi32, #tpu.memory_space<hbm>> -> memref<16x128xi32, #tpu.memory_space<hbm>>
        tpu.wait_dma2 semaphore(%run_scoped3A : memref<!tpu.dma_semaphore, #tpu.memory_space<semaphore_mem>>) src(%dma_wait3A_55 : memref<16x128xi32, #tpu.memory_space<hbm>>) dst(%arg7 : memref<16x128xi32, #tpu.memory_space<vmem>>)
        tpu.yield
      }) : () -> ()
      "tpu.region"() ({
        %run_scoped3A = tpu.sem_alloc : memref<!tpu.dma_semaphore, #tpu.memory_space<semaphore_mem>>
        %dma_start3A_49 = arith.constant 0 : i32
        %dma_start3A_50 = tpu.memref_slice %arg4[%add3A_37, %dma_start3A_49] : memref<2560x128xi32, #tpu.memory_space<hbm>> -> memref<16x128xi32, #tpu.memory_space<hbm>>
        %dma_start3A_51 = arith.constant 0 : i32
        %dma_start3A_52 = tpu.memref_slice %arg4[%add3A_37, %dma_start3A_51] : memref<2560x128xi32, #tpu.memory_space<hbm>> -> memref<16x128xi32, #tpu.memory_space<hbm>>
        tpu.enqueue_dma source(%dma_start3A_52 : memref<16x128xi32, #tpu.memory_space<hbm>>) target(%arg8 : memref<16x128xi32, #tpu.memory_space<vmem>>) target_semaphore(%run_scoped3A : memref<!tpu.dma_semaphore, #tpu.memory_space<semaphore_mem>>)
        %dma_wait3A = arith.constant 0 : i32
        %dma_wait3A_53 = tpu.memref_slice %arg4[%add3A_37, %dma_wait3A] : memref<2560x128xi32, #tpu.memory_space<hbm>> -> memref<16x128xi32, #tpu.memory_space<hbm>>
        %dma_wait3A_54 = arith.constant 0 : i32
        %dma_wait3A_55 = tpu.memref_slice %arg4[%add3A_37, %dma_wait3A_54] : memref<2560x128xi32, #tpu.memory_space<hbm>> -> memref<16x128xi32, #tpu.memory_space<hbm>>
        tpu.wait_dma2 semaphore(%run_scoped3A : memref<!tpu.dma_semaphore, #tpu.memory_space<semaphore_mem>>) src(%dma_wait3A_55 : memref<16x128xi32, #tpu.memory_space<hbm>>) dst(%arg8 : memref<16x128xi32, #tpu.memory_space<vmem>>)
        tpu.yield
      }) : () -> ()
      %dma_start3A = arith.constant 0 : i32
      %dma_start3A_38 = arith.constant 0 : i32
      %dma_start3A_39 = tpu.memref_slice %arg7[%dma_start3A, %dma_start3A_38] : memref<16x128xi32, #tpu.memory_space<vmem>> -> memref<1x128xi32, #tpu.memory_space<vmem>>
      %dma_start3A_40 = tpu.memref_squeeze %dma_start3A_39 : memref<1x128xi32, #tpu.memory_space<vmem>> -> memref<128xi32, #tpu.memory_space<vmem>>
      %dma_start3A_41 = arith.constant 0 : i32
      %dma_start3A_42 = arith.constant 0 : i32
      %dma_start3A_43 = tpu.memref_slice %arg2[%dma_start3A_41, %dma_start3A_42] : memref<10240x128xf32, #tpu.memory_space<hbm>> -> memref<10240x128xf32, #tpu.memory_space<hbm>>
      tpu.enqueue_indirect_dma source(%dma_start3A_43 : memref<10240x128xf32, #tpu.memory_space<hbm>>) target(%arg9 : memref<128x128xf32, #tpu.memory_space<vmem>>) offsets(%dma_start3A_40 : memref<128xi32, #tpu.memory_space<vmem>>) semaphore(%arg12 : memref<!tpu.dma_semaphore, #tpu.memory_space<semaphore_mem>>)
      %scan3A = arith.constant 0 : i32
      %scan3A_44 = arith.constant 0 : i32
      %scan3A_45 = arith.constant 8 : i32
      %scan3A_46 = arith.addi %scan3A_44, %scan3A_45 : i32
      %scan3A_47 = arith.constant 1 : i32
      scf.for %scan3A_49 = %scan3A_44 to %scan3A_46 step %scan3A_47  : i32 {
        %mul3A_50 = arith.constant 2 : i32
        %mul3A_51 = arith.muli %mul3A_50, %scan3A_49 : i32
        %add3A_52 = arith.constant 1 : i32
        %add3A_53 = arith.addi %mul3A_51, %add3A_52 : i32
        %dma_wait3A = arith.constant 0 : i32
        %dma_wait3A_54 = tpu.memref_slice %arg7[%mul3A_51, %dma_wait3A] : memref<16x128xi32, #tpu.memory_space<vmem>> -> memref<1x128xi32, #tpu.memory_space<vmem>>
        %dma_wait3A_55 = tpu.memref_squeeze %dma_wait3A_54 : memref<1x128xi32, #tpu.memory_space<vmem>> -> memref<128xi32, #tpu.memory_space<vmem>>
        %dma_wait3A_56 = arith.constant 0 : i32
        %dma_wait3A_57 = arith.constant 0 : i32
        %dma_wait3A_58 = tpu.memref_slice %arg2[%dma_wait3A_56, %dma_wait3A_57] : memref<10240x128xf32, #tpu.memory_space<hbm>> -> memref<10240x128xf32, #tpu.memory_space<hbm>>
        tpu.wait_indirect_dma semaphore(%arg12 : memref<!tpu.dma_semaphore, #tpu.memory_space<semaphore_mem>>) src(%dma_wait3A_58 : memref<10240x128xf32, #tpu.memory_space<hbm>>) dst(%arg9 : memref<128x128xf32, #tpu.memory_space<vmem>>)
        %dma_start3A_59 = arith.constant 0 : i32
        %dma_start3A_60 = tpu.memref_slice %arg7[%add3A_53, %dma_start3A_59] : memref<16x128xi32, #tpu.memory_space<vmem>> -> memref<1x128xi32, #tpu.memory_space<vmem>>
        %dma_start3A_61 = tpu.memref_squeeze %dma_start3A_60 : memref<1x128xi32, #tpu.memory_space<vmem>> -> memref<128xi32, #tpu.memory_space<vmem>>
        %dma_start3A_62 = arith.constant 0 : i32
        %dma_start3A_63 = arith.constant 0 : i32
        %dma_start3A_64 = tpu.memref_slice %arg2[%dma_start3A_62, %dma_start3A_63] : memref<10240x128xf32, #tpu.memory_space<hbm>> -> memref<10240x128xf32, #tpu.memory_space<hbm>>
        tpu.enqueue_indirect_dma source(%dma_start3A_64 : memref<10240x128xf32, #tpu.memory_space<hbm>>) target(%arg10 : memref<128x128xf32, #tpu.memory_space<vmem>>) offsets(%dma_start3A_61 : memref<128xi32, #tpu.memory_space<vmem>>) semaphore(%arg13 : memref<!tpu.dma_semaphore, #tpu.memory_space<semaphore_mem>>)
        "tpu.region"() ({
          %run_scoped3A = tpu.sem_alloc : memref<!tpu.dma_semaphore, #tpu.memory_space<semaphore_mem>>
          %dma_start3A_75 = arith.constant 0 : i32
          %dma_start3A_76 = tpu.memref_slice %arg8[%mul3A_51, %dma_start3A_75] : memref<16x128xi32, #tpu.memory_space<vmem>> -> memref<1x128xi32, #tpu.memory_space<vmem>>
          %dma_start3A_77 = tpu.memref_squeeze %dma_start3A_76 : memref<1x128xi32, #tpu.memory_space<vmem>> -> memref<128xi32, #tpu.memory_space<vmem>>
          %dma_start3A_78 = arith.constant 0 : i32
          %dma_start3A_79 = arith.constant 0 : i32
          %dma_start3A_80 = tpu.memref_slice %arg11[%dma_start3A_78, %dma_start3A_79] : memref<10240x128xf32, #tpu.memory_space<vmem_shared>> -> memref<10240x128xf32, #tpu.memory_space<vmem_shared>>
          tpu.enqueue_indirect_dma source(%arg9 : memref<128x128xf32, #tpu.memory_space<vmem>>) target(%dma_start3A_80 : memref<10240x128xf32, #tpu.memory_space<vmem_shared>>) offsets(%dma_start3A_77 : memref<128xi32, #tpu.memory_space<vmem>>) semaphore(%run_scoped3A : memref<!tpu.dma_semaphore, #tpu.memory_space<semaphore_mem>>) {add = true}
          %dma_wait3A_81 = arith.constant 0 : i32
          %dma_wait3A_82 = tpu.memref_slice %arg8[%mul3A_51, %dma_wait3A_81] : memref<16x128xi32, #tpu.memory_space<vmem>> -> memref<1x128xi32, #tpu.memory_space<vmem>>
          %dma_wait3A_83 = tpu.memref_squeeze %dma_wait3A_82 : memref<1x128xi32, #tpu.memory_space<vmem>> -> memref<128xi32, #tpu.memory_space<vmem>>
          %dma_wait3A_84 = arith.constant 0 : i32
          %dma_wait3A_85 = arith.constant 0 : i32
          %dma_wait3A_86 = tpu.memref_slice %arg11[%dma_wait3A_84, %dma_wait3A_85] : memref<10240x128xf32, #tpu.memory_space<vmem_shared>> -> memref<10240x128xf32, #tpu.memory_space<vmem_shared>>
          tpu.wait_indirect_dma semaphore(%run_scoped3A : memref<!tpu.dma_semaphore, #tpu.memory_space<semaphore_mem>>) src(%arg9 : memref<128x128xf32, #tpu.memory_space<vmem>>) dst(%dma_wait3A_86 : memref<10240x128xf32, #tpu.memory_space<vmem_shared>>)
          tpu.yield
        }) : () -> ()
        %dma_wait3A_65 = arith.constant 0 : i32
        %dma_wait3A_66 = tpu.memref_slice %arg7[%add3A_53, %dma_wait3A_65] : memref<16x128xi32, #tpu.memory_space<vmem>> -> memref<1x128xi32, #tpu.memory_space<vmem>>
        %dma_wait3A_67 = tpu.memref_squeeze %dma_wait3A_66 : memref<1x128xi32, #tpu.memory_space<vmem>> -> memref<128xi32, #tpu.memory_space<vmem>>
        %dma_wait3A_68 = arith.constant 0 : i32
        %dma_wait3A_69 = arith.constant 0 : i32
        %dma_wait3A_70 = tpu.memref_slice %arg2[%dma_wait3A_68, %dma_wait3A_69] : memref<10240x128xf32, #tpu.memory_space<hbm>> -> memref<10240x128xf32, #tpu.memory_space<hbm>>
        tpu.wait_indirect_dma semaphore(%arg13 : memref<!tpu.dma_semaphore, #tpu.memory_space<semaphore_mem>>) src(%dma_wait3A_70 : memref<10240x128xf32, #tpu.memory_space<hbm>>) dst(%arg10 : memref<128x128xf32, #tpu.memory_space<vmem>>)
        %add3A_71 = arith.constant 1 : i32
        %add3A_72 = arith.addi %add3A_53, %add3A_71 : i32
        %lt3A = arith.constant 16 : i32
        %lt3A_73 = arith.cmpi slt, %add3A_72, %lt3A : i32
        %convert_element_type3A = arith.extui %lt3A_73 : i1 to i32
        %cond3A = arith.constant 0 : i32
        %cond3A_74 = arith.cmpi ne, %convert_element_type3A, %cond3A : i32
        scf.if %cond3A_74 {
          %add3A_75 = arith.constant 1 : i32
          %add3A_76 = arith.addi %add3A_53, %add3A_75 : i32
          %dma_start3A_77 = arith.constant 0 : i32
          %dma_start3A_78 = tpu.memref_slice %arg7[%add3A_76, %dma_start3A_77] : memref<16x128xi32, #tpu.memory_space<vmem>> -> memref<1x128xi32, #tpu.memory_space<vmem>>
          %dma_start3A_79 = tpu.memref_squeeze %dma_start3A_78 : memref<1x128xi32, #tpu.memory_space<vmem>> -> memref<128xi32, #tpu.memory_space<vmem>>
          %dma_start3A_80 = arith.constant 0 : i32
          %dma_start3A_81 = arith.constant 0 : i32
          %dma_start3A_82 = tpu.memref_slice %arg2[%dma_start3A_80, %dma_start3A_81] : memref<10240x128xf32, #tpu.memory_space<hbm>> -> memref<10240x128xf32, #tpu.memory_space<hbm>>
          tpu.enqueue_indirect_dma source(%dma_start3A_82 : memref<10240x128xf32, #tpu.memory_space<hbm>>) target(%arg9 : memref<128x128xf32, #tpu.memory_space<vmem>>) offsets(%dma_start3A_79 : memref<128xi32, #tpu.memory_space<vmem>>) semaphore(%arg12 : memref<!tpu.dma_semaphore, #tpu.memory_space<semaphore_mem>>)
        } else {
        }
        "tpu.region"() ({
          %run_scoped3A = tpu.sem_alloc : memref<!tpu.dma_semaphore, #tpu.memory_space<semaphore_mem>>
          %dma_start3A_75 = arith.constant 0 : i32
          %dma_start3A_76 = tpu.memref_slice %arg8[%add3A_53, %dma_start3A_75] : memref<16x128xi32, #tpu.memory_space<vmem>> -> memref<1x128xi32, #tpu.memory_space<vmem>>
          %dma_start3A_77 = tpu.memref_squeeze %dma_start3A_76 : memref<1x128xi32, #tpu.memory_space<vmem>> -> memref<128xi32, #tpu.memory_space<vmem>>
          %dma_start3A_78 = arith.constant 0 : i32
          %dma_start3A_79 = arith.constant 0 : i32
          %dma_start3A_80 = tpu.memref_slice %arg11[%dma_start3A_78, %dma_start3A_79] : memref<10240x128xf32, #tpu.memory_space<vmem_shared>> -> memref<10240x128xf32, #tpu.memory_space<vmem_shared>>
          tpu.enqueue_indirect_dma source(%arg10 : memref<128x128xf32, #tpu.memory_space<vmem>>) target(%dma_start3A_80 : memref<10240x128xf32, #tpu.memory_space<vmem_shared>>) offsets(%dma_start3A_77 : memref<128xi32, #tpu.memory_space<vmem>>) semaphore(%run_scoped3A : memref<!tpu.dma_semaphore, #tpu.memory_space<semaphore_mem>>) {add = true}
          %dma_wait3A_81 = arith.constant 0 : i32
          %dma_wait3A_82 = tpu.memref_slice %arg8[%add3A_53, %dma_wait3A_81] : memref<16x128xi32, #tpu.memory_space<vmem>> -> memref<1x128xi32, #tpu.memory_space<vmem>>
          %dma_wait3A_83 = tpu.memref_squeeze %dma_wait3A_82 : memref<1x128xi32, #tpu.memory_space<vmem>> -> memref<128xi32, #tpu.memory_space<vmem>>
          %dma_wait3A_84 = arith.constant 0 : i32
          %dma_wait3A_85 = arith.constant 0 : i32
          %dma_wait3A_86 = tpu.memref_slice %arg11[%dma_wait3A_84, %dma_wait3A_85] : memref<10240x128xf32, #tpu.memory_space<vmem_shared>> -> memref<10240x128xf32, #tpu.memory_space<vmem_shared>>
          tpu.wait_indirect_dma semaphore(%run_scoped3A : memref<!tpu.dma_semaphore, #tpu.memory_space<semaphore_mem>>) src(%arg10 : memref<128x128xf32, #tpu.memory_space<vmem>>) dst(%dma_wait3A_86 : memref<10240x128xf32, #tpu.memory_space<vmem_shared>>)
          tpu.yield
        }) : () -> ()
      }
      %scan3A_48 = arith.constant 8 : i32
    }
    %barrier3A_33 = arith.constant 0 : index
    tpu.barrier barrier_id(%barrier3A_33)
    "tpu.region"() ({
      %run_scoped3A = tpu.sem_alloc : memref<!tpu.dma_semaphore, #tpu.memory_space<semaphore_mem>>
      %dma_start3A = arith.constant 0 : i32
      %dma_start3A_34 = tpu.memref_slice %arg6[%arg0, %mul3A_0, %dma_start3A] : memref<2x10240x128xf32, #tpu.memory_space<hbm>> -> memref<1x640x128xf32, #tpu.memory_space<hbm>>
      %dma_start3A_35 = tpu.memref_squeeze %dma_start3A_34 : memref<1x640x128xf32, #tpu.memory_space<hbm>> -> memref<640x128xf32, #tpu.memory_space<hbm>>
      %dma_start3A_36 = arith.constant 0 : i32
      %dma_start3A_37 = tpu.memref_slice %arg11[%mul3A_0, %dma_start3A_36] : memref<10240x128xf32, #tpu.memory_space<vmem_shared>> -> memref<640x128xf32, #tpu.memory_space<vmem_shared>>
      tpu.enqueue_dma source(%dma_start3A_37 : memref<640x128xf32, #tpu.memory_space<vmem_shared>>) target(%dma_start3A_35 : memref<640x128xf32, #tpu.memory_space<hbm>>) target_semaphore(%run_scoped3A : memref<!tpu.dma_semaphore, #tpu.memory_space<semaphore_mem>>)
      %dma_wait3A = arith.constant 0 : i32
      %dma_wait3A_38 = tpu.memref_slice %arg6[%arg0, %mul3A_0, %dma_wait3A] : memref<2x10240x128xf32, #tpu.memory_space<hbm>> -> memref<1x640x128xf32, #tpu.memory_space<hbm>>
      %dma_wait3A_39 = tpu.memref_squeeze %dma_wait3A_38 : memref<1x640x128xf32, #tpu.memory_space<hbm>> -> memref<640x128xf32, #tpu.memory_space<hbm>>
      %dma_wait3A_40 = arith.constant 0 : i32
      %dma_wait3A_41 = tpu.memref_slice %arg11[%mul3A_0, %dma_wait3A_40] : memref<10240x128xf32, #tpu.memory_space<vmem_shared>> -> memref<640x128xf32, #tpu.memory_space<vmem_shared>>
      tpu.wait_dma2 semaphore(%run_scoped3A : memref<!tpu.dma_semaphore, #tpu.memory_space<semaphore_mem>>) src(%dma_wait3A_41 : memref<640x128xf32, #tpu.memory_space<vmem_shared>>) dst(%dma_wait3A_39 : memref<640x128xf32, #tpu.memory_space<hbm>>)
      tpu.yield
    }) : () -> ()
    return
  }
}

module attributes {stable_mosaic.version = 14 : i64} {
  func.func @_tc_z0_body(%arg0: i32, %arg1: memref<2x2x512x16xf32, #tpu.memory_space<vmem>>, %arg2: memref<512x128xf32, #tpu.memory_space<vmem>>, %arg3: memref<128x128xf32, #tpu.memory_space<vmem>>, %arg4: memref<512x128xf32, #tpu.memory_space<vmem>>) attributes {dimension_semantics = [#tpu.dimension_semantics<arbitrary>], iteration_bounds = array<i64: 20>, scalar_prefetch = 0 : i64, scratch_operands = 0 : i64, tpu.core_type = #tpu.core_type<tc>, window_params = [{transform_indices = @transform_0, window_bounds = array<i64: 2, 2, 512, 16>}, {transform_indices = @transform_1, window_bounds = array<i64: 512, 128>}, {pipeline_mode = #tpu.pipeline_mode<synchronous>, transform_indices = @transform_2, window_bounds = array<i64: 128, 128>}, {transform_indices = @transform_3, window_bounds = array<i64: 512, 128>}]} {
    %get3A = arith.constant 0 : index
    %get3A_0 = arith.constant 0 : index
    %get3A_1 = arith.constant 0 : index
    %get3A_2 = arith.constant 0 : index
    %get3A_3 = vector.load %arg1[%get3A, %get3A_0, %get3A_1, %get3A_2] : memref<2x2x512x16xf32, #tpu.memory_space<vmem>>, vector<2x2x512x16xf32>
    %slice3A = vector.extract_strided_slice %get3A_3 {offsets = [0, 0, 0, 0], sizes = [1, 1, 512, 1], strides = [1, 1, 1, 1]} : vector<2x2x512x16xf32> to vector<1x1x512x1xf32>
    %squeeze3A = vector.shape_cast %slice3A : vector<1x1x512x1xf32> to vector<512x1xf32>
    %slice3A_4 = vector.extract_strided_slice %get3A_3 {offsets = [1, 0, 0, 0], sizes = [1, 1, 512, 1], strides = [1, 1, 1, 1]} : vector<2x2x512x16xf32> to vector<1x1x512x1xf32>
    %squeeze3A_5 = vector.shape_cast %slice3A_4 : vector<1x1x512x1xf32> to vector<512x1xf32>
    %add3A = arith.addf %squeeze3A, %squeeze3A_5 : vector<512x1xf32>
    %max3A = arith.constant 1.000000e+00 : f32
    %max3A_6 = vector.broadcast %max3A : f32 to vector<512x1xf32>
    %max3A_7 = arith.maximumf %add3A, %max3A_6 : vector<512x1xf32>
    %rsqrt3A = math.rsqrt %max3A_7 : vector<512x1xf32>
    %get3A_8 = arith.constant 0 : index
    %get3A_9 = arith.constant 0 : index
    %get3A_10 = vector.load %arg2[%get3A_8, %get3A_9] : memref<512x128xf32, #tpu.memory_space<vmem>>, vector<512x128xf32>
    %mul3A = vector.broadcast %rsqrt3A : vector<512x1xf32> to vector<512x128xf32>
    %mul3A_11 = arith.mulf %get3A_10, %mul3A : vector<512x128xf32>
    %get3A_12 = arith.constant 0 : index
    %get3A_13 = arith.constant 0 : index
    %get3A_14 = vector.load %arg3[%get3A_12, %get3A_13] : memref<128x128xf32, #tpu.memory_space<vmem>>, vector<128x128xf32>
    %dot_general3A = arith.constant dense<0.000000e+00> : vector<512x128xf32>
    %dot_general3A_15 = tpu.matmul %mul3A_11, %get3A_14, %dot_general3A {dimension_numbers = #tpu.dot_dimension_numbers<[1], [0], [0], [1], [0, 0, 1, 1], [], []>, transpose_lhs_hint = false} : vector<512x128xf32>, vector<128x128xf32>, vector<512x128xf32> -> vector<512x128xf32>
    %swap3A = arith.constant 0 : index
    %swap3A_16 = arith.constant 0 : index
    %swap3A_17 = vector.load %arg4[%swap3A, %swap3A_16] : memref<512x128xf32, #tpu.memory_space<vmem>>, vector<512x128xf32>
    tpu.vector_store %arg4[%swap3A, %swap3A_16], %dot_general3A_15 {strides = array<i32>} : memref<512x128xf32, #tpu.memory_space<vmem>>, vector<512x128xf32>,
    return
  }
  func.func @transform_0(%arg0: i32) -> (i32, i32, i32, i32) {
    %c0_i32 = arith.constant 0 : i32
    %c0_i32_0 = arith.constant 0 : i32
    %c0_i32_1 = arith.constant 0 : i32
    %c0_i32_2 = arith.constant 0 : i32
    return %c0_i32, %c0_i32_0, %arg0, %c0_i32_1 : i32, i32, i32, i32
  }
  func.func @transform_1(%arg0: i32) -> (i32, i32) {
    %c0_i32 = arith.constant 0 : i32
    %c0_i32_0 = arith.constant 0 : i32
    return %arg0, %c0_i32 : i32, i32
  }
  func.func @transform_2(%arg0: i32) -> (i32, i32) {
    %c0_i32 = arith.constant 0 : i32
    %c0_i32_0 = arith.constant 0 : i32
    %c0_i32_1 = arith.constant 0 : i32
    return %c0_i32, %c0_i32_0 : i32, i32
  }
  func.func @transform_3(%arg0: i32) -> (i32, i32) {
    %c0_i32 = arith.constant 0 : i32
    %c0_i32_0 = arith.constant 0 : i32
    return %arg0, %c0_i32 : i32, i32
  }
}

module attributes {stable_mosaic.version = 14 : i64} {
  func.func @_tc_mid_body(%arg0: i32, %arg1: memref<2x2x512x16xf32, #tpu.memory_space<vmem>>, %arg2: memref<2x512x128xf32, #tpu.memory_space<vmem>>, %arg3: memref<1x128xf32, #tpu.memory_space<vmem>>, %arg4: memref<128x128xf32, #tpu.memory_space<vmem>>, %arg5: memref<512x128xf32, #tpu.memory_space<vmem>>) attributes {dimension_semantics = [#tpu.dimension_semantics<arbitrary>], iteration_bounds = array<i64: 20>, scalar_prefetch = 0 : i64, scratch_operands = 0 : i64, tpu.core_type = #tpu.core_type<tc>, window_params = [{transform_indices = @transform_0, window_bounds = array<i64: 2, 2, 512, 16>}, {transform_indices = @transform_1, window_bounds = array<i64: 2, 512, 128>}, {pipeline_mode = #tpu.pipeline_mode<synchronous>, transform_indices = @transform_2, window_bounds = array<i64: 1, 128>}, {pipeline_mode = #tpu.pipeline_mode<synchronous>, transform_indices = @transform_3, window_bounds = array<i64: 128, 128>}, {transform_indices = @transform_4, window_bounds = array<i64: 512, 128>}]} {
    %get3A = arith.constant 0 : index
    %get3A_0 = arith.constant 0 : index
    %get3A_1 = arith.constant 0 : index
    %get3A_2 = arith.constant 0 : index
    %get3A_3 = vector.load %arg1[%get3A, %get3A_0, %get3A_1, %get3A_2] : memref<2x2x512x16xf32, #tpu.memory_space<vmem>>, vector<2x2x512x16xf32>
    %slice3A = vector.extract_strided_slice %get3A_3 {offsets = [0, 0, 0, 0], sizes = [1, 1, 512, 1], strides = [1, 1, 1, 1]} : vector<2x2x512x16xf32> to vector<1x1x512x1xf32>
    %squeeze3A = vector.shape_cast %slice3A : vector<1x1x512x1xf32> to vector<512x1xf32>
    %slice3A_4 = vector.extract_strided_slice %get3A_3 {offsets = [1, 0, 0, 0], sizes = [1, 1, 512, 1], strides = [1, 1, 1, 1]} : vector<2x2x512x16xf32> to vector<1x1x512x1xf32>
    %squeeze3A_5 = vector.shape_cast %slice3A_4 : vector<1x1x512x1xf32> to vector<512x1xf32>
    %add3A = arith.addf %squeeze3A, %squeeze3A_5 : vector<512x1xf32>
    %slice3A_6 = vector.extract_strided_slice %get3A_3 {offsets = [0, 1, 0, 0], sizes = [1, 1, 512, 1], strides = [1, 1, 1, 1]} : vector<2x2x512x16xf32> to vector<1x1x512x1xf32>
    %squeeze3A_7 = vector.shape_cast %slice3A_6 : vector<1x1x512x1xf32> to vector<512x1xf32>
    %slice3A_8 = vector.extract_strided_slice %get3A_3 {offsets = [1, 1, 0, 0], sizes = [1, 1, 512, 1], strides = [1, 1, 1, 1]} : vector<2x2x512x16xf32> to vector<1x1x512x1xf32>
    %squeeze3A_9 = vector.shape_cast %slice3A_8 : vector<1x1x512x1xf32> to vector<512x1xf32>
    %add3A_10 = arith.addf %squeeze3A_7, %squeeze3A_9 : vector<512x1xf32>
    %max3A = arith.constant 1.000000e+00 : f32
    %max3A_11 = vector.broadcast %max3A : f32 to vector<512x1xf32>
    %max3A_12 = arith.maximumf %add3A, %max3A_11 : vector<512x1xf32>
    %rsqrt3A = math.rsqrt %max3A_12 : vector<512x1xf32>
    %max3A_13 = arith.constant 1.000000e+00 : f32
    %max3A_14 = vector.broadcast %max3A_13 : f32 to vector<512x1xf32>
    %max3A_15 = arith.maximumf %add3A_10, %max3A_14 : vector<512x1xf32>
    %rsqrt3A_16 = math.rsqrt %max3A_15 : vector<512x1xf32>
    %get3A_17 = arith.constant 0 : index
    %get3A_18 = arith.constant 0 : index
    %get3A_19 = arith.constant 0 : index
    %get3A_20 = vector.load %arg2[%get3A_17, %get3A_18, %get3A_19] : memref<2x512x128xf32, #tpu.memory_space<vmem>>, vector<2x512x128xf32>
    %slice3A_21 = vector.extract_strided_slice %get3A_20 {offsets = [0, 0, 0], sizes = [1, 512, 128], strides = [1, 1, 1]} : vector<2x512x128xf32> to vector<1x512x128xf32>
    %squeeze3A_22 = vector.shape_cast %slice3A_21 : vector<1x512x128xf32> to vector<512x128xf32>
    %slice3A_23 = vector.extract_strided_slice %get3A_20 {offsets = [1, 0, 0], sizes = [1, 512, 128], strides = [1, 1, 1]} : vector<2x512x128xf32> to vector<1x512x128xf32>
    %squeeze3A_24 = vector.shape_cast %slice3A_23 : vector<1x512x128xf32> to vector<512x128xf32>
    %add3A_25 = arith.addf %squeeze3A_22, %squeeze3A_24 : vector<512x128xf32>
    %mul3A = vector.broadcast %rsqrt3A_16 : vector<512x1xf32> to vector<512x128xf32>
    %mul3A_26 = arith.mulf %add3A_25, %mul3A : vector<512x128xf32>
    %get3A_27 = arith.constant 0 : index
    %get3A_28 = arith.constant 0 : index
    %get3A_29 = vector.load %arg3[%get3A_27, %get3A_28] : memref<1x128xf32, #tpu.memory_space<vmem>>, vector<1x128xf32>
    %add3A_30 = vector.broadcast %get3A_29 : vector<1x128xf32> to vector<512x128xf32>
    %add3A_31 = arith.addf %mul3A_26, %add3A_30 : vector<512x128xf32>
    %max3A_32 = arith.constant 0.000000e+00 : f32
    %max3A_33 = vector.broadcast %max3A_32 : f32 to vector<512x128xf32>
    %max3A_34 = arith.maximumf %add3A_31, %max3A_33 : vector<512x128xf32>
    %mul3A_35 = vector.broadcast %rsqrt3A : vector<512x1xf32> to vector<512x128xf32>
    %mul3A_36 = arith.mulf %max3A_34, %mul3A_35 : vector<512x128xf32>
    %get3A_37 = arith.constant 0 : index
    %get3A_38 = arith.constant 0 : index
    %get3A_39 = vector.load %arg4[%get3A_37, %get3A_38] : memref<128x128xf32, #tpu.memory_space<vmem>>, vector<128x128xf32>
    %dot_general3A = arith.constant dense<0.000000e+00> : vector<512x128xf32>
    %dot_general3A_40 = tpu.matmul %mul3A_36, %get3A_39, %dot_general3A {dimension_numbers = #tpu.dot_dimension_numbers<[1], [0], [0], [1], [0, 0, 1, 1], [], []>, transpose_lhs_hint = false} : vector<512x128xf32>, vector<128x128xf32>, vector<512x128xf32> -> vector<512x128xf32>
    %swap3A = arith.constant 0 : index
    %swap3A_41 = arith.constant 0 : index
    %swap3A_42 = vector.load %arg5[%swap3A, %swap3A_41] : memref<512x128xf32, #tpu.memory_space<vmem>>, vector<512x128xf32>
    tpu.vector_store %arg5[%swap3A, %swap3A_41], %dot_general3A_40 {strides = array<i32>} : memref<512x128xf32, #tpu.memory_space<vmem>>, vector<512x128xf32>,
    return
  }
  func.func @transform_0(%arg0: i32) -> (i32, i32, i32, i32) {
    %c0_i32 = arith.constant 0 : i32
    %c0_i32_0 = arith.constant 0 : i32
    %c0_i32_1 = arith.constant 0 : i32
    %c0_i32_2 = arith.constant 0 : i32
    return %c0_i32, %c0_i32_0, %arg0, %c0_i32_1 : i32, i32, i32, i32
  }
  func.func @transform_1(%arg0: i32) -> (i32, i32, i32) {
    %c0_i32 = arith.constant 0 : i32
    %c0_i32_0 = arith.constant 0 : i32
    %c0_i32_1 = arith.constant 0 : i32
    return %c0_i32, %arg0, %c0_i32_0 : i32, i32, i32
  }
  func.func @transform_2(%arg0: i32) -> (i32, i32) {
    %c0_i32 = arith.constant 0 : i32
    %c0_i32_0 = arith.constant 0 : i32
    %c0_i32_1 = arith.constant 0 : i32
    return %c0_i32, %c0_i32_0 : i32, i32
  }
  func.func @transform_3(%arg0: i32) -> (i32, i32) {
    %c0_i32 = arith.constant 0 : i32
    %c0_i32_0 = arith.constant 0 : i32
    %c0_i32_1 = arith.constant 0 : i32
    return %c0_i32, %c0_i32_0 : i32, i32
  }
  func.func @transform_4(%arg0: i32) -> (i32, i32) {
    %c0_i32 = arith.constant 0 : i32
    %c0_i32_0 = arith.constant 0 : i32
    return %arg0, %c0_i32 : i32, i32
  }
}

module attributes {stable_mosaic.version = 14 : i64} {
  func.func @_tc_colors_body(%arg0: i32, %arg1: memref<2x2x512x16xf32, #tpu.memory_space<vmem>>, %arg2: memref<2x512x128xf32, #tpu.memory_space<vmem>>, %arg3: memref<1x128xf32, #tpu.memory_space<vmem>>, %arg4: memref<512x16xf32, #tpu.memory_space<vmem>>) attributes {dimension_semantics = [#tpu.dimension_semantics<arbitrary>], iteration_bounds = array<i64: 20>, scalar_prefetch = 0 : i64, scratch_operands = 0 : i64, tpu.core_type = #tpu.core_type<tc>, window_params = [{transform_indices = @transform_0, window_bounds = array<i64: 2, 2, 512, 16>}, {transform_indices = @transform_1, window_bounds = array<i64: 2, 512, 128>}, {pipeline_mode = #tpu.pipeline_mode<synchronous>, transform_indices = @transform_2, window_bounds = array<i64: 1, 128>}, {transform_indices = @transform_3, window_bounds = array<i64: 512, 16>}]} {
    %get3A = arith.constant 0 : index
    %get3A_0 = arith.constant 0 : index
    %get3A_1 = arith.constant 0 : index
    %get3A_2 = arith.constant 0 : index
    %get3A_3 = vector.load %arg1[%get3A, %get3A_0, %get3A_1, %get3A_2] : memref<2x2x512x16xf32, #tpu.memory_space<vmem>>, vector<2x2x512x16xf32>
    %slice3A = vector.extract_strided_slice %get3A_3 {offsets = [0, 1, 0, 0], sizes = [1, 1, 512, 1], strides = [1, 1, 1, 1]} : vector<2x2x512x16xf32> to vector<1x1x512x1xf32>
    %squeeze3A = vector.shape_cast %slice3A : vector<1x1x512x1xf32> to vector<512x1xf32>
    %slice3A_4 = vector.extract_strided_slice %get3A_3 {offsets = [1, 1, 0, 0], sizes = [1, 1, 512, 1], strides = [1, 1, 1, 1]} : vector<2x2x512x16xf32> to vector<1x1x512x1xf32>
    %squeeze3A_5 = vector.shape_cast %slice3A_4 : vector<1x1x512x1xf32> to vector<512x1xf32>
    %add3A = arith.addf %squeeze3A, %squeeze3A_5 : vector<512x1xf32>
    %max3A = arith.constant 1.000000e+00 : f32
    %max3A_6 = vector.broadcast %max3A : f32 to vector<512x1xf32>
    %max3A_7 = arith.maximumf %add3A, %max3A_6 : vector<512x1xf32>
    %rsqrt3A = math.rsqrt %max3A_7 : vector<512x1xf32>
    %get3A_8 = arith.constant 0 : index
    %get3A_9 = arith.constant 0 : index
    %get3A_10 = arith.constant 0 : index
    %get3A_11 = vector.load %arg2[%get3A_8, %get3A_9, %get3A_10] : memref<2x512x128xf32, #tpu.memory_space<vmem>>, vector<2x512x128xf32>
    %slice3A_12 = vector.extract_strided_slice %get3A_11 {offsets = [0, 0, 0], sizes = [1, 512, 128], strides = [1, 1, 1]} : vector<2x512x128xf32> to vector<1x512x128xf32>
    %squeeze3A_13 = vector.shape_cast %slice3A_12 : vector<1x512x128xf32> to vector<512x128xf32>
    %slice3A_14 = vector.extract_strided_slice %get3A_11 {offsets = [1, 0, 0], sizes = [1, 512, 128], strides = [1, 1, 1]} : vector<2x512x128xf32> to vector<1x512x128xf32>
    %squeeze3A_15 = vector.shape_cast %slice3A_14 : vector<1x512x128xf32> to vector<512x128xf32>
    %add3A_16 = arith.addf %squeeze3A_13, %squeeze3A_15 : vector<512x128xf32>
    %mul3A = vector.broadcast %rsqrt3A : vector<512x1xf32> to vector<512x128xf32>
    %mul3A_17 = arith.mulf %add3A_16, %mul3A : vector<512x128xf32>
    %get3A_18 = arith.constant 0 : index
    %get3A_19 = arith.constant 0 : index
    %get3A_20 = vector.load %arg3[%get3A_18, %get3A_19] : memref<1x128xf32, #tpu.memory_space<vmem>>, vector<1x128xf32>
    %add3A_21 = vector.broadcast %get3A_20 : vector<1x128xf32> to vector<512x128xf32>
    %add3A_22 = arith.addf %mul3A_17, %add3A_21 : vector<512x128xf32>
    %iota3A = tpu.iota {dimensions = array<i32: 1>} : vector<512x128xi32>
    %lt3A = arith.constant 3 : i32
    %lt3A_23 = vector.broadcast %lt3A : i32 to vector<512x128xi32>
    %lt3A_24 = arith.cmpi slt, %iota3A, %lt3A_23 : vector<512x128xi32>
    %jit3A = arith.constant -1.000000e+30 : f32
    %broadcast_in_dim3A = vector.broadcast %jit3A : f32 to vector<512x128xf32>
    %select_n3A = arith.select %lt3A_24, %add3A_22, %broadcast_in_dim3A : vector<512x128xi1>, vector<512x128xf32>
    %reduce_max3A = arith.constant dense<0xFF800000> : vector<512xf32>
    %reduce_max3A_25 = vector.multi_reduction <maximumf>, %select_n3A, %reduce_max3A [1] : vector<512x128xf32> to vector<512xf32>
    %broadcast_in_dim3A_26 = vector.shape_cast %reduce_max3A_25 : vector<512xf32> to vector<512x1xf32>
    %sub3A = vector.broadcast %broadcast_in_dim3A_26 : vector<512x1xf32> to vector<512x128xf32>
    %sub3A_27 = arith.subf %select_n3A, %sub3A : vector<512x128xf32>
    %exp3A = math.exp %sub3A_27 : vector<512x128xf32>
    %jit3A_28 = arith.constant 0.000000e+00 : f32
    %broadcast_in_dim3A_29 = vector.broadcast %jit3A_28 : f32 to vector<512x128xf32>
    %select_n3A_30 = arith.select %lt3A_24, %exp3A, %broadcast_in_dim3A_29 : vector<512x128xi1>, vector<512x128xf32>
    %reduce_sum3A = arith.constant dense<0.000000e+00> : vector<512xf32>
    %reduce_sum3A_31 = vector.multi_reduction <add>, %select_n3A_30, %reduce_sum3A [1] : vector<512x128xf32> to vector<512xf32>
    %broadcast_in_dim3A_32 = vector.shape_cast %reduce_sum3A_31 : vector<512xf32> to vector<512x1xf32>
    %div3A = vector.broadcast %broadcast_in_dim3A_32 : vector<512x1xf32> to vector<512x128xf32>
    %div3A_33 = arith.divf %select_n3A_30, %div3A : vector<512x128xf32>
    %slice3A_34 = vector.extract_strided_slice %div3A_33 {offsets = [0, 0], sizes = [512, 16], strides = [1, 1]} : vector<512x128xf32> to vector<512x16xf32>
    %swap3A = arith.constant 0 : index
    %swap3A_35 = arith.constant 0 : index
    %swap3A_36 = vector.load %arg4[%swap3A, %swap3A_35] : memref<512x16xf32, #tpu.memory_space<vmem>>, vector<512x16xf32>
    tpu.vector_store %arg4[%swap3A, %swap3A_35], %slice3A_34 {strides = array<i32>} : memref<512x16xf32, #tpu.memory_space<vmem>>, vector<512x16xf32>,
    return
  }
  func.func @transform_0(%arg0: i32) -> (i32, i32, i32, i32) {
    %c0_i32 = arith.constant 0 : i32
    %c0_i32_0 = arith.constant 0 : i32
    %c0_i32_1 = arith.constant 0 : i32
    %c0_i32_2 = arith.constant 0 : i32
    return %c0_i32, %c0_i32_0, %arg0, %c0_i32_1 : i32, i32, i32, i32
  }
  func.func @transform_1(%arg0: i32) -> (i32, i32, i32) {
    %c0_i32 = arith.constant 0 : i32
    %c0_i32_0 = arith.constant 0 : i32
    %c0_i32_1 = arith.constant 0 : i32
    return %c0_i32, %arg0, %c0_i32_0 : i32, i32, i32
  }
  func.func @transform_2(%arg0: i32) -> (i32, i32) {
    %c0_i32 = arith.constant 0 : i32
    %c0_i32_0 = arith.constant 0 : i32
    %c0_i32_1 = arith.constant 0 : i32
    return %c0_i32, %c0_i32_0 : i32, i32
  }
  func.func @transform_3(%arg0: i32) -> (i32, i32) {
    %c0_i32 = arith.constant 0 : i32
    %c0_i32_0 = arith.constant 0 : i32
    return %arg0, %c0_i32 : i32, i32
  }
}

module attributes {stable_mosaic.version = 14 : i64} {
  func.func @_tc_pool_body(%arg0: memref<10240x16xf32, #tpu.memory_space<vmem>>, %arg1: memref<1x16xf32, #tpu.memory_space<vmem>>, %arg2: memref<1x1xf32, #tpu.memory_space<vmem>>, %arg3: memref<1x16xf32, #tpu.memory_space<vmem>>, %arg4: memref<1x1xf32, #tpu.memory_space<vmem>>, %arg5: memref<1x1xf32, #tpu.memory_space<vmem>>) attributes {dimension_semantics = [], scalar_prefetch = 0 : i64, scratch_operands = 0 : i64, tpu.core_type = #tpu.core_type<tc>} {
    %get3A = arith.constant 0 : index
    %get3A_0 = arith.constant 0 : index
    %get3A_1 = vector.load %arg0[%get3A, %get3A_0] : memref<10240x16xf32, #tpu.memory_space<vmem>>, vector<10240x16xf32>
    %get3A_2 = arith.constant 0 : index
    %get3A_3 = arith.constant 0 : index
    %get3A_4 = vector.load %arg1[%get3A_2, %get3A_3] : memref<1x16xf32, #tpu.memory_space<vmem>>, vector<1x16xf32>
    %mul3A = vector.broadcast %get3A_4 : vector<1x16xf32> to vector<10240x16xf32>
    %mul3A_5 = arith.mulf %get3A_1, %mul3A : vector<10240x16xf32>
    %reduce_sum3A = arith.constant dense<0.000000e+00> : vector<10240xf32>
    %reduce_sum3A_6 = vector.multi_reduction <add>, %mul3A_5, %reduce_sum3A [1] : vector<10240x16xf32> to vector<10240xf32>
    %broadcast_in_dim3A = vector.shape_cast %reduce_sum3A_6 : vector<10240xf32> to vector<10240x1xf32>
    %get3A_7 = arith.constant 0 : index
    %get3A_8 = arith.constant 0 : index
    %get3A_9 = vector.load %arg2[%get3A_7, %get3A_8] : memref<1x1xf32, #tpu.memory_space<vmem>>, vector<1x1xf32>
    %get3A_10 = vector.extract %get3A_9[0, 0] : f32 from vector<1x1xf32>
    %add3A = vector.broadcast %get3A_10 : f32 to vector<10240x1xf32>
    %add3A_11 = arith.addf %broadcast_in_dim3A, %add3A : vector<10240x1xf32>
    %iota3A = tpu.iota {dimensions = array<i32: 0>} : vector<10240x1xi32>
    %lt3A = arith.constant 10000 : i32
    %lt3A_12 = vector.broadcast %lt3A : i32 to vector<10240x1xi32>
    %lt3A_13 = arith.cmpi slt, %iota3A, %lt3A_12 : vector<10240x1xi32>
    %jit3A = arith.constant -1.000000e+30 : f32
    %broadcast_in_dim3A_14 = vector.broadcast %jit3A : f32 to vector<10240x1xf32>
    %select_n3A = arith.select %lt3A_13, %add3A_11, %broadcast_in_dim3A_14 : vector<10240x1xi1>, vector<10240x1xf32>
    %reduce_max3A = arith.constant dense<0xFF800000> : vector<1xf32>
    %reduce_max3A_15 = vector.multi_reduction <maximumf>, %select_n3A, %reduce_max3A [0] : vector<10240x1xf32> to vector<1xf32>
    %broadcast_in_dim3A_16 = vector.shape_cast %reduce_max3A_15 : vector<1xf32> to vector<1x1xf32>
    %sub3A = vector.broadcast %broadcast_in_dim3A_16 : vector<1x1xf32> to vector<10240x1xf32>
    %sub3A_17 = arith.subf %select_n3A, %sub3A : vector<10240x1xf32>
    %exp3A = math.exp %sub3A_17 : vector<10240x1xf32>
    %jit3A_18 = arith.constant 0.000000e+00 : f32
    %broadcast_in_dim3A_19 = vector.broadcast %jit3A_18 : f32 to vector<10240x1xf32>
    %select_n3A_20 = arith.select %lt3A_13, %exp3A, %broadcast_in_dim3A_19 : vector<10240x1xi1>, vector<10240x1xf32>
    %reduce_sum3A_21 = arith.constant dense<0.000000e+00> : vector<1xf32>
    %reduce_sum3A_22 = vector.multi_reduction <add>, %select_n3A_20, %reduce_sum3A_21 [0] : vector<10240x1xf32> to vector<1xf32>
    %broadcast_in_dim3A_23 = vector.shape_cast %reduce_sum3A_22 : vector<1xf32> to vector<1x1xf32>
    %div3A = vector.broadcast %broadcast_in_dim3A_23 : vector<1x1xf32> to vector<10240x1xf32>
    %div3A_24 = arith.divf %select_n3A_20, %div3A : vector<10240x1xf32>
    %mul3A_25 = vector.broadcast %div3A_24 : vector<10240x1xf32> to vector<10240x16xf32>
    %mul3A_26 = arith.mulf %mul3A_25, %get3A_1 : vector<10240x16xf32>
    %reduce_sum3A_27 = arith.constant dense<0.000000e+00> : vector<16xf32>
    %reduce_sum3A_28 = vector.multi_reduction <add>, %mul3A_26, %reduce_sum3A_27 [0] : vector<10240x16xf32> to vector<16xf32>
    %broadcast_in_dim3A_29 = vector.shape_cast %reduce_sum3A_28 : vector<16xf32> to vector<1x16xf32>
    %get3A_30 = arith.constant 0 : index
    %get3A_31 = arith.constant 0 : index
    %get3A_32 = vector.load %arg3[%get3A_30, %get3A_31] : memref<1x16xf32, #tpu.memory_space<vmem>>, vector<1x16xf32>
    %mul3A_33 = arith.mulf %broadcast_in_dim3A_29, %get3A_32 : vector<1x16xf32>
    %reduce_sum3A_34 = vector.shape_cast %mul3A_33 : vector<1x16xf32> to vector<1x1x16xf32>
    %reduce_sum3A_35 = arith.constant dense<0.000000e+00> : vector<1xf32>
    %reduce_sum3A_36 = vector.multi_reduction <add>, %reduce_sum3A_34, %reduce_sum3A_35 [1, 2] : vector<1x1x16xf32> to vector<1xf32>
    %reduce_sum3A_37 = vector.shape_cast %reduce_sum3A_36 : vector<1xf32> to vector<1x1x1xf32>
    %reduce_sum3A_38 = vector.extract %reduce_sum3A_37[0, 0, 0] : f32 from vector<1x1x1xf32>
    %get3A_39 = arith.constant 0 : index
    %get3A_40 = arith.constant 0 : index
    %get3A_41 = vector.load %arg4[%get3A_39, %get3A_40] : memref<1x1xf32, #tpu.memory_space<vmem>>, vector<1x1xf32>
    %get3A_42 = vector.extract %get3A_41[0, 0] : f32 from vector<1x1xf32>
    %add3A_43 = arith.addf %reduce_sum3A_38, %get3A_42 : f32
    %neg3A = arith.constant 0.000000e+00 : f32
    %neg3A_44 = arith.subf %neg3A, %add3A_43 : f32
    %exp3A_45 = math.exp %neg3A_44 : f32
    %add3A_46 = arith.constant 1.000000e+00 : f32
    %add3A_47 = arith.addf %add3A_46, %exp3A_45 : f32
    %div3A_48 = arith.constant 1.000000e+00 : f32
    %div3A_49 = arith.divf %div3A_48, %add3A_47 : f32
    %reshape3A = vector.broadcast %div3A_49 : f32 to vector<1x1xf32>
    %swap3A = arith.constant 0 : index
    %swap3A_50 = arith.constant 0 : index
    %swap3A_51 = vector.load %arg5[%swap3A, %swap3A_50] : memref<1x1xf32, #tpu.memory_space<vmem>>, vector<1x1xf32>
    tpu.vector_store %arg5[%swap3A, %swap3A_50], %reshape3A {strides = array<i32>} : memref<1x1xf32, #tpu.memory_space<vmem>>, vector<1x1xf32>,
    return
  }
}

</mosaic_0001>

<sc_bundles>
// kernel: kernel.11.cloned.1.call-start
scs
__scs_entry_jumppad:
0x0: {  	(pc) =	sbr.rel $0x88, $3  }
0x1: {  	(tag) =	ssettag $0x0;
	lr =	simm.s32 $0x1  }
0x2: {  	[smem:$0x3F95] =	sst lr;
	_ =	strace $0xD0000000  }
0x3: {  	_ = 	snop  }
0x4: {  	_ = 	snop  }
0x5: {  	_ = 	snop  }
0x6: {  	_ = 	snop  }
0x7: {  	_ = 	snop  }
__scs_overlays_trampoline_lowered:
0x8: {  	[smem:$0x3FA4] =	sst s0  }
0x9: {  	[smem:$0x3FA5] =	sst s1  }
0xa: {  	[smem:$0x3FA6] =	sst s2  }
0xb: {  	[smem:$0x3FA7] =	sst s3  }
0xc: {  	[smem:$0x3FA8] =	sst s4  }
0xd: {  	[smem:$0x3FA9] =	sst s5  }
0xe: {  	[smem:$0x3FAA] =	sst s6  }
0xf: {  	[smem:$0x3FAB] =	sst s7  }
0x10: {  	[smem:$0x3FAC] =	sst s8  }
0x11: {  	[smem:$0x3FAD] =	sst s9;
	s0 =	simm.s32 @!p0 $0x0  }
0x12: {  	s1 =	sld [smem:$0x3F93];
	s0 =	simm.s32 @p0 $0x1  }
0x13: {  	[smem:$0x3FAE] =	sst s0;
	s0 =	simm.s32 @!p1 $0x0  }
0x14: {  	s2 =	sld [smem:$0x3F92];
	s0 =	simm.s32 @p1 $0x1  }
0x15: {  	[smem:$0x3FAF] =	sst s0;
	s0 =	simm.s32 @!p2 $0x0  }
0x16: {  	s3 =	sld [smem:$0x3FDB];
	s0 =	simm.s32 @p2 $0x1  }
0x17: {  	s4 =	simm.s32 $0x1BF5;
	[smem:$0x3FB1] =	sst s0  }
0x18: {  	s0 =	sld [smem:$0x3F94];
	_ =	swait.ge [sflag:s4], $0x0  }
0x19: {  	s7 =	sld [smem:$0x3F95]  }
0x1a: {  	s8 =	sadd.s32 $0xFFFFE003, lr  }
0x1b: {  	s9 =	sadd.s32 $0xFFFFFEF7, lr;
	s5 =	simm.s32 $0xFFFFFFFF;
	p2 =	slt.u32 s8, $0xFFFFF086  }
0x1c: {  	p1 =	slt.u32 s9, $0xF7A;
	s5 =	simm.s32 @!p2 $0x0  }
0x1d: {  	s5 =	simm.s32 @p1 $0x1;
	p0 =	seq.s32 s7, s2  }
0x1e: {  	s7 =	smul.u32 @!p0 $0xF7A, s2;
	p2 =	seq.s32 @!p0 s5, $0x0  }
0x1f: {  	s9 =	smul.u32 $0xF7A, s1;
	s8 =	simm.s32 @!p0 $0x1BF5;
	p2 =	por !p2, p0  }
0x20: {  	[sflag:s8] =	ssyncset.s32 @!p0 $0xFFFFF086;
	s6 =	sadd.s32 @!p0 s3, s7;
	s7 =	simm.s32 @!p0 $0x108  }
0x21: {  	s3 =	sadd.s32 s3, s9;
	s6 =	sadd.s32 @!p0 $0x88, s6;
	s7 =	simm.s32 @p2 $0x1082  }
0x22: {  	[simem:s7], [sflag:s8] =	dma.local @!p0 [hbm:s6], $0xF7A  }
0x23: {  	s9 =	sor.u32 $0xD0000000, s2;
	s6 =	simm.s32 $0x108;
	_ =	swait.ge @!p0 [sflag:s8], $0x0  }
0x24: {  	s3 =	sadd.s32 $0x88, s3;
	s6 =	simm.s32 @!p1 $0x1082;
	[sflag:s4] =	ssyncset.s32 $0xFFFFF086  }
0x25: {  	[simem:s6], [sflag:s4] =	dma.local [hbm:s3], $0xF7A  }
0x26: {  	[smem:$0x3F95] =	sst s1;
	(tag) =	ssettag s2;
	_ =	strace s9  }
0x27: {  	s1 =	sld [smem:$0x3FA5]  }
0x28: {  	s2 =	sld [smem:$0x3FA6]  }
0x29: {  	s4 =	sld [smem:$0x3FA8]  }
0x2a: {  	p0 =	seq.s32 s5, $0x0;
	s5 =	sld [smem:$0x3FA9]  }
0x2b: {  	s6 =	sld [smem:$0x3FAA]  }
0x2c: {  	s7 =	sld [smem:$0x3FAB]  }
0x2d: {  	s3 =	simm.s32 $0x108;
	s8 =	sld [smem:$0x3FAC]  }
0x2e: {  	s3 =	simm.s32 @!p0 $0x1082;
	s9 =	sld [smem:$0x3FAD]  }
0x2f: {  	lr =	sadd.s32 s0, s3;
	s0 =	sld [smem:$0x3FA4]  }
0x30: {  	s3 =	sld [smem:$0x3FA7]  }
0x31: {  	[smem:$0x3FB0] =	sst s10  }
0x32: {  	s10 =	sld [smem:$0x3FAE];
	_ =	sdelay $0x3  }
0x33: {  	p0 =	seq.s32 s10, $0x1;
	s10 =	sld [smem:$0x3FB0];
	_ =	sdelay $0x3  }
0x34: {  	[smem:$0x3FB0] =	sst s10  }
0x35: {  	s10 =	sld [smem:$0x3FAF];
	_ =	sdelay $0x3  }
0x36: {  	p1 =	seq.s32 s10, $0x1;
	s10 =	sld [smem:$0x3FB0];
	_ =	sdelay $0x3  }
0x37: {  	[smem:$0x3FB0] =	sst s10  }
0x38: {  	s10 =	sld [smem:$0x3FB1]  }
0x39: {  	_ = 	snop;
	(pc) =	sbr.ind lr, $3  }
0x3a: {  	_ = 	snop  }
0x3b: {  	_ = 	snop  }
0x3c: {  	p2 =	seq.s32 s10, $0x1;
	s10 =	sld [smem:$0x3FB0]  }
0x3d: {  	_ =	shalt  }
0x3e: {  	_ =	shalt  }
0x3f: {  	_ =	shalt  }
0x40: {  	_ =	shalt  }
0x41: {  	_ =	shalt  }
0x42: {  	_ =	shalt  }
0x43: {  	_ =	shalt  }
0x44: {  	_ =	shalt  }
0x45: {  	_ =	shalt  }
0x46: {  	_ =	shalt  }
0x47: {  	_ =	shalt  }
0x48: {  	_ =	shalt  }
0x49: {  	_ =	shalt  }
0x4a: {  	_ =	shalt  }
0x4b: {  	_ =	shalt  }
0x4c: {  	_ =	shalt  }
0x4d: {  	_ =	shalt  }
0x4e: {  	_ =	shalt  }
0x4f: {  	_ =	shalt  }
0x50: {  	_ =	shalt  }
0x51: {  	_ =	shalt  }
0x52: {  	_ =	shalt  }
0x53: {  	_ =	shalt  }
0x54: {  	_ =	shalt  }
0x55: {  	_ =	shalt  }
0x56: {  	_ =	shalt  }
0x57: {  	_ =	shalt  }
0x58: {  	_ =	shalt  }
0x59: {  	_ =	shalt  }
0x5a: {  	_ =	shalt  }
0x5b: {  	_ =	shalt  }
0x5c: {  	_ =	shalt  }
0x5d: {  	_ =	shalt  }
0x5e: {  	_ =	shalt  }
0x5f: {  	_ =	shalt  }
0x60: {  	_ =	shalt  }
0x61: {  	_ =	shalt  }
0x62: {  	_ =	shalt  }
0x63: {  	_ =	shalt  }
0x64: {  	_ =	shalt  }
0x65: {  	_ =	shalt  }
0x66: {  	_ =	shalt  }
0x67: {  	_ =	shalt  }
0x68: {  	_ =	shalt  }
0x69: {  	_ =	shalt  }
0x6a: {  	_ =	shalt  }
0x6b: {  	_ =	shalt  }
0x6c: {  	_ =	shalt  }
0x6d: {  	_ =	shalt  }
0x6e: {  	_ =	shalt  }
0x6f: {  	_ =	shalt  }
0x70: {  	_ =	shalt  }
0x71: {  	_ =	shalt  }
0x72: {  	_ =	shalt  }
0x73: {  	_ =	shalt  }
0x74: {  	_ =	shalt  }
0x75: {  	_ =	shalt  }
0x76: {  	_ =	shalt  }
0x77: {  	_ =	shalt  }
0x78: {  	_ =	shalt  }
0x79: {  	_ =	shalt  }
0x7a: {  	_ =	shalt  }
0x7b: {  	_ =	shalt  }
0x7c: {  	_ =	shalt  }
0x7d: {  	_ =	shalt  }
0x7e: {  	_ =	shalt  }
0x7f: {  	_ =	shalt  }
0x80: {  	_ =	shalt  }
0x81: {  	_ =	shalt  }
0x82: {  	_ =	shalt  }
0x83: {  	_ =	shalt  }
0x84: {  	_ =	shalt  }
0x85: {  	_ =	shalt  }
0x86: {  	_ =	shalt  }
0x87: {  	_ =	shalt  }
.Lfunc_end0:
.L_simem_size_0:
called_computation_lowered:
.L_overlay_start_0:
0x88: {  	s2 =	sld [smem:$0x3FD9]  }
0x89: {  	s3 =	sld [smem:$0x3FFE];
	_ =	sdelay $0x1  }
0x8a: {  	s1 =	srdreg.scid  }
0x8b: {  	s0 =	sand.u32 $0x1, s1  }
0x8c: {  	s14 =	sshll.u32 s0, $0xA;
	s2 =	sadd.s32 s3, s2  }
0x8d: {  	s2 =	sadd.s32 s2, s14  }
0x8e: {  	[smem:$0x3FBC] =	sst s2  }
0x8f: {  	_ = 	snop  }
0x90: {  	s2 =	sld [smem:$0x3FD0];
	_ =	sdelay $0x2  }
0x91: {  	s15 =	simm.s32 $0xA;
	s4 =	simm.s32 $0x10  }
0x92: {  	[smem:s4], [sflag:s15] =	dma.local [hbm:s2], $0x1  }
0x93: {  	_ =	swait.eq [sflag:s15], $0x1  }
0x94: {  	[sflag:s15] =	ssyncset.done $0x0  }
0x95: {  	[sflag:s15] =	ssyncadd.s32 $0xFFFFFFFF  }
0x96: {  	s16 =	sld [smem:$0x10];
	(tm) =	ssettm $0x1  }
0x97: {  	s17 =	sld [smem:$0x3FFB];
	_ =	sdelay $0x3  }
0x98: {  	_ =	strace s17  }
0x99: {  	s3 =	sld [smem:$0x3FFC];
	_ =	sdelay $0x3  }
0x9a: {  	_ =	strace s3  }
0x9b: {  	s3 =	sld [smem:$0x3FFD];
	_ =	sdelay $0x3  }
0x9c: {  	_ =	strace s3  }
0x9d: {  	_ =	strace $0x8FFFFFFF  }
0x9e: {  	s18 =	sld [smem:$0x3FDB];
	_ =	sdelay $0x1  }
0x9f: {  	s19 =	simm.s32 $_scs_section_size  }
0xa0: {  	s5 =	simm.s32 $_size__tile_overlayer_lowered;
	s6 =	simm.s32 $_tile_overlayer_lowered  }
0xa1: {  	s22 =	simm.s32 $0x1BFF;
	s21 =	sshll.u32 s6, $0x1;
	s3 =	sadd.s32 s19, s18  }
0xa2: {  	s7 =	simm.s32 $0x0;
	s20 =	sshll.u32 s5, $0x1;
	s5 =	sadd.s32 s21, s3  }
0xa3: {  	[timem:s7], [sflag:s22] =	dma.local [hbm:s5], s20  }
0xa4: {  	_ =	swait.ge [sflag:s22], s20  }
0xa5: {  	s4 =	ssub.s32 $0x0, s20;
	[sflag:s22] =	ssyncset.done $0x0  }
0xa6: {  	[sflag:s22] =	ssyncadd.s32 s4;
	_ =	sdelay $0x1  }
0xa7: {  	s23 =	simm.s32 $0x1B8B  }
0xa8: {  	_ =	swait.ge [sflag:s23], $0x1  }
0xa9: {  	[sflag:s23] =	ssyncset.done $0x0  }
0xaa: {  	s25 =	simm.s32 $0x1B8E;
	s24 =	sld [smem:$0x3FFE];
	[sflag:s23] =	ssyncadd.s32 $0xFFFFFFFF  }
0xab: {  	s26 =	simm.s32 $execute0_lowered;
	[smem:$0x3FD2] =	sst s25  }
0xac: {  	s5 =	sshll.u32 s26, $0x1;
	_ =	strace $0x80000046;
	[dreg:$0x1] =	wrdreg $0xFFFFFFFF  }
0xad: {  	s28 =	simm.s32 $_size_execute0_lowered;
	s3 =	sadd.s32 s3, s5;
	[dreg:$0x0] =	wrdreg $0x0  }
0xae: {  	s5 =	sshll.u32 s28, $0x1;
	[dreg:$0x2] =	wrdreg s3  }
0xaf: {  	[dreg:$0x3] =	wrdreg s5  }
0xb0: {  	[dreg:$0x4] =	wrdreg $0xC0  }
0xb1: {  	_ =	task [dreg:s7], $0x5FFFF  }
0xb2: {  	[dreg:$0x1] =	wrdreg $0xFFFFFFFF  }
0xb3: {  	[dreg:$0x0] =	wrdreg $0x60  }
0xb4: {  	[dreg:$0x2] =	wrdreg s24  }
0xb5: {  	[dreg:$0x3] =	wrdreg s16  }
0xb6: {  	[dreg:$0x4] =	wrdreg $0x58000  }
0xb7: {  	[dreg:$0x5] =	wrdreg $0x9  }
0xb8: {  	_ =	task.clear_ibuf [dreg:s7], $0x6FFFF;
	_ =	strace $0x90000046  }
0xb9: {  	s29 =	simm.s32 $0x9;
	_ =	strace $0x80000048  }
0xba: {  	_ =	swait.ge [sflag:s29], $0x1  }
0xbb: {  	[sflag:s29] =	ssyncadd.s32 $0xFFFFFFFF  }
0xbc: {  	_ =	strace $0x90000048  }
0xbd: {  	_ =	sfence  }
0xbe: {  	s30 =	sld [smem:$0x0];
	_ =	sdelay $0x2  }
0xbf: {  	s31 =	sshll.u32 s1, $0xD;
	s1 =	sshrl.u32 s1, $0x2  }
0xc0: {  	s3 =	sand.u32 $0x4000, s31;
	s1 =	sadd.s32 s1, s30  }
0xc1: {  	s0 =	sor.u32 s3, s0;
	s1 =	sshll.u32 s1, $0x11  }
0xc2: {  	s0 =	sor.u32 s1, s0  }
0xc3: {  	s0 =	sadd.s32 $0x8F2B, s0  }
0xc4: {  	[sflag:s0] =	ssyncadd.remote.s32 $0x1  }
0xc5: {  	_ =	sfence.sel $0xFFFF  }
0xc6: {  	[dreg:$0x0] =	wrdreg $0xFFFFFFFF;
	(pc) =	sbr.abs _section_cstart, $3  }
0xc7: {  	[dreg:$0x1] =	wrdreg $0xFFFFFFFF  }
0xc8: {  	_ =	task.clear_ibuf [dreg:s7], $0x2FFFF;
	_ =	strace $0x9FFFFFFF  }
0xc9: {  	(tm) =	ssettm $0x7FFFFFFF  }
tec
execute0_lowered:
.L_overlay_start_1:
0x0: {  	(tag) =	ssettag $0x1  }
0x1: {  	s6 =	rddreg [dreg:$0x0]  }
0x2: {  	s2 =	rddreg [dreg:$0x1]  }
0x3: {  	s3 =	rddreg [dreg:$0x2]  }
0x4: {  	s0 =	rddreg [dreg:$0x3]  }
0x5: {  	s4 =	srdreg.scid;
	s1 =	stileid.u32;
	s14 =	simm.s32 $0x5000  }
0x6: {  	s15 =	simm.s32 $0x2800;
	s16 =	simm.s32 $0x80;
	s17 =	simm.s32 $0x0  }
0x7: {  	s5 =	sand.u32 $0x1, s4;
	s7 =	sshll.u32 s1, $0x1;
	s8 =	smul.u32 $0x2800, s1  }
0x8: {  	s4 =	simm.s32 $0x0;
	s31 =	sshll.u32 s1, $0x6;
	s7 =	sor.u32 s5, s7  }
0x9: {  	s9 =	smul.u32 $0x50000, s5;
	[smem:$0x7FF] =	sst s4;
	s29 =	ssub.s32 $0x2, s5  }
0xa: {  	s5 =	sadd.s32 $0x16400, s6;
	s7 =	smul.u32 $0x500, s7;
	_ =	strace $0x80000047  }
0xb: {  	s30 =	sshrl.u32 s29, $0x1;
	s13 =	sadd.s32 s8, s3;
	s9 =	sadd.s32 s8, s9  }
0xc: {  	s12 =	ssub.s32 s29, s30;
	s10 =	sadd.s32 s7, s6;
	s28 =	sshrl.u32 s9, $0x3  }
0xd: {  	s11 =	sadd.s32 s28, s6;
	s6 =	sor.u32 $0x1C01, s31;
	s7 =	sadd.s32 $0xC400, s10  }
0xe: {  	s8 =	sadd.s32 $0x2400, s10;
	s9 =	sadd.s32 $0x16600, s11;
	s10 =	sadd.s32 $0x1B600, s11  }
0xf: {  	s11 =	smax.u32 s12, $0x1;
	s12 =	sshrl.u32 s13, $0x3;
	s13 =	simm.s32 $0x1  }
.LBB2_1:
0x10: {  	[spmem:s12], [sflag:s6] =	dma.local [hbm:s2], $0x500  }
0x11: {  	_ =	swait.ge [sflag:s13], $0x500  }
0x12: {  	[sflag:s13] =	ssyncset.done $0x0  }
0x13: {  	[sflag:s13] =	ssyncadd.s32 $0xFFFFFB00  }
0x14: {  	[tilespmem:s14], [sflag:$0x1] =	stream.linear.gather [hbm4b:s5+s4], $0x800, $0x38;
	[tilespmem:$0x8000] =	vst v63  }
0x15: {  	_ =	swait.ge [sflag:s13], $0x800  }
0x16: {  	[sflag:s13] =	ssyncset.done $0x0  }
0x17: {  	[sflag:s13] =	ssyncadd.s32 $0xFFFFF800  }
0x18: {  	[tilespmem:s4], [sflag:$0x1] =	stream.linear.gather [hbm4b:s7+s4], $0x2800, $0x38;
	[tilespmem:$0x8000] =	vst v63  }
0x19: {  	_ =	swait.ge [sflag:s13], $0x2800  }
0x1a: {  	[sflag:s13] =	ssyncset.done $0x0  }
0x1b: {  	[sflag:s13] =	ssyncadd.s32 $0xFFFFD800  }
0x1c: {  	[tilespmem:s15], [sflag:$0x1] =	stream.linear.gather [hbm4b:s8+s4], $0x2800, $0x38;
	[tilespmem:$0x8000] =	vst v63  }
0x1d: {  	_ =	swait.ge [sflag:s13], $0x2800  }
0x1e: {  	[sflag:s13] =	ssyncset.done $0x0  }
0x1f: {  	[sflag:s13] =	ssyncadd.s32 $0xFFFFD800  }
0x20: {  	s18 =	simm.s32 $0x0;
	[bflag:$0x0] =	sbarrier.arrive $0xFFFF  }
0x21: {  	[spmem:s3] =	stream.indirect.scatter.add.f32 [tilespmem:s14], [sflag:$0x1], $0x10, s18, s16, $0xb8;
	[tilespmem:$0x8000] =	vst v63  }
0x22: {  	_ =	swait.ge [sflag:s13], $0x800  }
0x23: {  	s18 =	simm.s32 $0x200;
	[sflag:s13] =	ssyncset.done $0x0  }
.LBB2_2:
0x24: {  	s19 =	sshra.s32 s18, $0x2;
	[sflag:s13] =	ssyncadd.s32 $0xFFFFF800;
	p0 =	sne.s32 s18, $0x9E00  }
0x25: {  	[spmem:s3] =	stream.indirect.scatter.add.f32 [tilespmem:s14], [sflag:$0x1], $0x10, s19, s16, $0xb8;
	[tilespmem:$0x8000] =	vst v63  }
.Ltmp0:
0x26: {  	_ = 	snop;
	(pc) =	sbr.rel @p0 .LBB2_2-.Ltmp0, $4  }
0x27: {  	_ = 	snop  }
0x28: {  	s18 =	sadd.s32 $0x200, s18  }
0x29: {  	_ =	swait.ge [sflag:s13], $0x800  }
0x2a: {  	[sflag:s13] =	ssyncset.done $0x0  }
0x2b: {  	[sflag:s13] =	ssyncadd.s32 $0xFFFFF800  }
0x2c: {  	[bflag:$0x0] =	sbarrier.arrive $0xFFFF  }
0x2d: {  	[hbm:s9], [sflag:s6] =	dma.local [spmem:s12], $0x500  }
0x2e: {  	_ =	swait.ge [sflag:s13], $0x500  }
0x2f: {  	[sflag:s13] =	ssyncset.done $0x0  }
0x30: {  	[sflag:s13] =	ssyncadd.s32 $0xFFFFFB00  }
0x31: {  	[spmem:s12], [sflag:s6] =	dma.local [hbm:s2], $0x500  }
0x32: {  	_ =	swait.ge [sflag:s13], $0x500  }
0x33: {  	[sflag:s13] =	ssyncset.done $0x0  }
0x34: {  	[sflag:s13] =	ssyncadd.s32 $0xFFFFFB00  }
0x35: {  	s18 =	simm.s32 $0x2800;
	[bflag:$0x0] =	sbarrier.arrive $0xFFFF  }
0x36: {  	[spmem:s3] =	stream.indirect.scatter.add.f32 [tilespmem:s14], [sflag:$0x1], $0x10, s18, s16, $0xb8;
	[tilespmem:$0x8000] =	vst v63  }
0x37: {  	s18 =	simm.s32 $0x200;
	_ =	swait.ge [sflag:s13], $0x800  }
.LBB2_4:
0x38: {  	s19 =	sshra.s32 s18, $0x2;
	[sflag:s13] =	ssyncset.done $0x0;
	p0 =	sne.s32 s18, $0x9E00  }
.Ltmp1:
0x39: {  	s19 =	sadd.s32 $0x2800, s19;
	[sflag:s13] =	ssyncadd.s32 $0xFFFFF800;
	(pc) =	sbr.rel @p0 .LBB2_4-.Ltmp1, $3  }
0x3a: {  	[spmem:s3] =	stream.indirect.scatter.add.f32 [tilespmem:s14], [sflag:$0x1], $0x10, s19, s16, $0xb8;
	[tilespmem:$0x8000] =	vst v63  }
0x3b: {  	s18 =	sadd.s32 $0x200, s18;
	_ =	sdelay $0x1  }
0x3c: {  	_ =	swait.ge [sflag:s13], $0x800  }
0x3d: {  	[sflag:s13] =	ssyncset.done $0x0;
	s17 =	sadd.s32 $0x1, s17  }
0x3e: {  	[sflag:s13] =	ssyncadd.s32 $0xFFFFF800;
	p0 =	sne.s32 s17, s11  }
.Ltmp2:
0x3f: {  	[bflag:$0x0] =	sbarrier.arrive $0xFFFF;
	(pc) =	sbr.rel @p0 .LBB2_1-.Ltmp2, $4  }
0x40: {  	[hbm:s10], [sflag:s6] =	dma.local [spmem:s12], $0x500  }
0x41: {  	_ =	swait.ge [sflag:s13], $0x500  }
0x42: {  	[sflag:s13] =	ssyncset.done $0x0  }
0x43: {  	[sflag:s13] =	ssyncadd.s32 $0xFFFFFB00  }
0x44: {  	_ =	sfence.sel $0x180000  }
0x45: {  	[bflag:$0x0] =	sbarrier.arrive $0xFFFF  }
0x46: {  	p0 =	sne.s32 s1, $0x0;
	_ =	strace $0x90000047  }
0x47: {  	s0 =	sadd.s32 @!p0 $0x100000, s0;
	[bflag:$0x2] =	sbarrier.arrive $0xFFFF  }
0x48: {  	[sflag:s0] =	ssyncadd.tile.s32 @!p0 $0x1;
	_ =	shalt  }
.Lfunc_end2:
_tile_overlayer_lowered:
.L_overlay_start_2:
0x49: {  	(tag) =	ssettag $0x2  }
0x4a: {  	s0 =	rddreg [dreg:$0x0];
	s2 =	stileid.u32  }
0x4b: {  	s1 =	rddreg [dreg:$0x1];
	p0 =	sne.s32 s2, $0x0  }
0x4c: {  	s3 =	rddreg [dreg:$0x2];
	[bflag:$0x3] =	sbarrier.arrive $0xFFFF;
	s2 =	simm.s32 @!p0 $0x1C01  }
0x4d: {  	[timem:s3], [sflag:s2] =	dma.local @!p0 [hbm:s0], s1  }
0x4e: {  	s0 =	simm.s32 @!p0 $0x1  }
0x4f: {  	_ =	swait.ge @!p0 [sflag:s0], s1  }
0x50: {  	s1 =	ssub.s32 @!p0 $0x0, s1;
	[sflag:s0] =	ssyncset.done @!p0 $0x0  }
0x51: {  	[sflag:s0] =	ssyncadd.s32 @!p0 s1  }
0x52: {  	[bflag:$0x3] =	sbarrier.arrive $0xFFFF  }
0x53: {  	_ =	shalt  }

// kernel: kernel.14.cloned.1.call-start
scs
__scs_entry_jumppad:
0x0: {  	(pc) =	sbr.rel $0x88, $3  }
0x1: {  	(tag) =	ssettag $0x0;
	lr =	simm.s32 $0x1  }
0x2: {  	[smem:$0x3F95] =	sst lr;
	_ =	strace $0xD0000000  }
0x3: {  	_ = 	snop  }
0x4: {  	_ = 	snop  }
0x5: {  	_ = 	snop  }
0x6: {  	_ = 	snop  }
0x7: {  	_ = 	snop  }
__scs_overlays_trampoline_lowered:
0x8: {  	[smem:$0x3FA4] =	sst s0  }
0x9: {  	[smem:$0x3FA5] =	sst s1  }
0xa: {  	[smem:$0x3FA6] =	sst s2  }
0xb: {  	[smem:$0x3FA7] =	sst s3  }
0xc: {  	[smem:$0x3FA8] =	sst s4  }
0xd: {  	[smem:$0x3FA9] =	sst s5  }
0xe: {  	[smem:$0x3FAA] =	sst s6  }
0xf: {  	[smem:$0x3FAB] =	sst s7  }
0x10: {  	[smem:$0x3FAC] =	sst s8  }
0x11: {  	[smem:$0x3FAD] =	sst s9;
	s0 =	simm.s32 @!p0 $0x0  }
0x12: {  	s1 =	sld [smem:$0x3F93];
	s0 =	simm.s32 @p0 $0x1  }
0x13: {  	[smem:$0x3FAE] =	sst s0;
	s0 =	simm.s32 @!p1 $0x0  }
0x14: {  	s2 =	sld [smem:$0x3F92];
	s0 =	simm.s32 @p1 $0x1  }
0x15: {  	[smem:$0x3FAF] =	sst s0;
	s0 =	simm.s32 @!p2 $0x0  }
0x16: {  	s3 =	sld [smem:$0x3FDB];
	s0 =	simm.s32 @p2 $0x1  }
0x17: {  	s4 =	simm.s32 $0x1BF5;
	[smem:$0x3FB1] =	sst s0  }
0x18: {  	s0 =	sld [smem:$0x3F94];
	_ =	swait.ge [sflag:s4], $0x0  }
0x19: {  	s7 =	sld [smem:$0x3F95]  }
0x1a: {  	s8 =	sadd.s32 $0xFFFFE003, lr  }
0x1b: {  	s9 =	sadd.s32 $0xFFFFFEF7, lr;
	s5 =	simm.s32 $0xFFFFFFFF;
	p2 =	slt.u32 s8, $0xFFFFF086  }
0x1c: {  	p1 =	slt.u32 s9, $0xF7A;
	s5 =	simm.s32 @!p2 $0x0  }
0x1d: {  	s5 =	simm.s32 @p1 $0x1;
	p0 =	seq.s32 s7, s2  }
0x1e: {  	s7 =	smul.u32 @!p0 $0xF7A, s2;
	p2 =	seq.s32 @!p0 s5, $0x0  }
0x1f: {  	s9 =	smul.u32 $0xF7A, s1;
	s8 =	simm.s32 @!p0 $0x1BF5;
	p2 =	por !p2, p0  }
0x20: {  	[sflag:s8] =	ssyncset.s32 @!p0 $0xFFFFF086;
	s6 =	sadd.s32 @!p0 s3, s7;
	s7 =	simm.s32 @!p0 $0x108  }
0x21: {  	s3 =	sadd.s32 s3, s9;
	s6 =	sadd.s32 @!p0 $0x88, s6;
	s7 =	simm.s32 @p2 $0x1082  }
0x22: {  	[simem:s7], [sflag:s8] =	dma.local @!p0 [hbm:s6], $0xF7A  }
0x23: {  	s9 =	sor.u32 $0xD0000000, s2;
	s6 =	simm.s32 $0x108;
	_ =	swait.ge @!p0 [sflag:s8], $0x0  }
0x24: {  	s3 =	sadd.s32 $0x88, s3;
	s6 =	simm.s32 @!p1 $0x1082;
	[sflag:s4] =	ssyncset.s32 $0xFFFFF086  }
0x25: {  	[simem:s6], [sflag:s4] =	dma.local [hbm:s3], $0xF7A  }
0x26: {  	[smem:$0x3F95] =	sst s1;
	(tag) =	ssettag s2;
	_ =	strace s9  }
0x27: {  	s1 =	sld [smem:$0x3FA5]  }
0x28: {  	s2 =	sld [smem:$0x3FA6]  }
0x29: {  	s4 =	sld [smem:$0x3FA8]  }
0x2a: {  	p0 =	seq.s32 s5, $0x0;
	s5 =	sld [smem:$0x3FA9]  }
0x2b: {  	s6 =	sld [smem:$0x3FAA]  }
0x2c: {  	s7 =	sld [smem:$0x3FAB]  }
0x2d: {  	s3 =	simm.s32 $0x108;
	s8 =	sld [smem:$0x3FAC]  }
0x2e: {  	s3 =	simm.s32 @!p0 $0x1082;
	s9 =	sld [smem:$0x3FAD]  }
0x2f: {  	lr =	sadd.s32 s0, s3;
	s0 =	sld [smem:$0x3FA4]  }
0x30: {  	s3 =	sld [smem:$0x3FA7]  }
0x31: {  	[smem:$0x3FB0] =	sst s10  }
0x32: {  	s10 =	sld [smem:$0x3FAE];
	_ =	sdelay $0x3  }
0x33: {  	p0 =	seq.s32 s10, $0x1;
	s10 =	sld [smem:$0x3FB0];
	_ =	sdelay $0x3  }
0x34: {  	[smem:$0x3FB0] =	sst s10  }
0x35: {  	s10 =	sld [smem:$0x3FAF];
	_ =	sdelay $0x3  }
0x36: {  	p1 =	seq.s32 s10, $0x1;
	s10 =	sld [smem:$0x3FB0];
	_ =	sdelay $0x3  }
0x37: {  	[smem:$0x3FB0] =	sst s10  }
0x38: {  	s10 =	sld [smem:$0x3FB1]  }
0x39: {  	_ = 	snop;
	(pc) =	sbr.ind lr, $3  }
0x3a: {  	_ = 	snop  }
0x3b: {  	_ = 	snop  }
0x3c: {  	p2 =	seq.s32 s10, $0x1;
	s10 =	sld [smem:$0x3FB0]  }
0x3d: {  	_ =	shalt  }
0x3e: {  	_ =	shalt  }
0x3f: {  	_ =	shalt  }
0x40: {  	_ =	shalt  }
0x41: {  	_ =	shalt  }
0x42: {  	_ =	shalt  }
0x43: {  	_ =	shalt  }
0x44: {  	_ =	shalt  }
0x45: {  	_ =	shalt  }
0x46: {  	_ =	shalt  }
0x47: {  	_ =	shalt  }
0x48: {  	_ =	shalt  }
0x49: {  	_ =	shalt  }
0x4a: {  	_ =	shalt  }
0x4b: {  	_ =	shalt  }
0x4c: {  	_ =	shalt  }
0x4d: {  	_ =	shalt  }
0x4e: {  	_ =	shalt  }
0x4f: {  	_ =	shalt  }
0x50: {  	_ =	shalt  }
0x51: {  	_ =	shalt  }
0x52: {  	_ =	shalt  }
0x53: {  	_ =	shalt  }
0x54: {  	_ =	shalt  }
0x55: {  	_ =	shalt  }
0x56: {  	_ =	shalt  }
0x57: {  	_ =	shalt  }
0x58: {  	_ =	shalt  }
0x59: {  	_ =	shalt  }
0x5a: {  	_ =	shalt  }
0x5b: {  	_ =	shalt  }
0x5c: {  	_ =	shalt  }
0x5d: {  	_ =	shalt  }
0x5e: {  	_ =	shalt  }
0x5f: {  	_ =	shalt  }
0x60: {  	_ =	shalt  }
0x61: {  	_ =	shalt  }
0x62: {  	_ =	shalt  }
0x63: {  	_ =	shalt  }
0x64: {  	_ =	shalt  }
0x65: {  	_ =	shalt  }
0x66: {  	_ =	shalt  }
0x67: {  	_ =	shalt  }
0x68: {  	_ =	shalt  }
0x69: {  	_ =	shalt  }
0x6a: {  	_ =	shalt  }
0x6b: {  	_ =	shalt  }
0x6c: {  	_ =	shalt  }
0x6d: {  	_ =	shalt  }
0x6e: {  	_ =	shalt  }
0x6f: {  	_ =	shalt  }
0x70: {  	_ =	shalt  }
0x71: {  	_ =	shalt  }
0x72: {  	_ =	shalt  }
0x73: {  	_ =	shalt  }
0x74: {  	_ =	shalt  }
0x75: {  	_ =	shalt  }
0x76: {  	_ =	shalt  }
0x77: {  	_ =	shalt  }
0x78: {  	_ =	shalt  }
0x79: {  	_ =	shalt  }
0x7a: {  	_ =	shalt  }
0x7b: {  	_ =	shalt  }
0x7c: {  	_ =	shalt  }
0x7d: {  	_ =	shalt  }
0x7e: {  	_ =	shalt  }
0x7f: {  	_ =	shalt  }
0x80: {  	_ =	shalt  }
0x81: {  	_ =	shalt  }
0x82: {  	_ =	shalt  }
0x83: {  	_ =	shalt  }
0x84: {  	_ =	shalt  }
0x85: {  	_ =	shalt  }
0x86: {  	_ =	shalt  }
0x87: {  	_ =	shalt  }
.Lfunc_end0:
.L_simem_size_0:
called_computation.1_lowered:
.L_overlay_start_0:
0x88: {  	s2 =	sld [smem:$0x3FD9]  }
0x89: {  	s3 =	sld [smem:$0x3FFE];
	_ =	sdelay $0x1  }
0x8a: {  	s1 =	srdreg.scid  }
0x8b: {  	s0 =	sand.u32 $0x1, s1  }
0x8c: {  	s16 =	sshll.u32 s0, $0xA;
	s2 =	sadd.s32 s3, s2  }
0x8d: {  	s2 =	sadd.s32 s2, s16  }
0x8e: {  	[smem:$0x3FBC] =	sst s2  }
0x8f: {  	_ = 	snop  }
0x90: {  	(tm) =	ssettm $0x1  }
0x91: {  	s17 =	sld [smem:$0x3FFB];
	_ =	sdelay $0x3  }
0x92: {  	_ =	strace s17  }
0x93: {  	s2 =	sld [smem:$0x3FFC];
	_ =	sdelay $0x3  }
0x94: {  	_ =	strace s2  }
0x95: {  	s2 =	sld [smem:$0x3FFD];
	_ =	sdelay $0x3  }
0x96: {  	_ =	strace s2  }
0x97: {  	_ =	strace $0x8FFFFFFF  }
0x98: {  	s18 =	sld [smem:$0x3FDB];
	_ =	sdelay $0x1  }
0x99: {  	s19 =	simm.s32 $_scs_section_size  }
0x9a: {  	s4 =	simm.s32 $_size__tile_overlayer_lowered;
	s5 =	simm.s32 $_tile_overlayer_lowered  }
0x9b: {  	s22 =	simm.s32 $0x1BFF;
	s21 =	sshll.u32 s5, $0x1;
	s2 =	sadd.s32 s19, s18  }
0x9c: {  	s6 =	simm.s32 $0x0;
	s20 =	sshll.u32 s4, $0x1;
	s4 =	sadd.s32 s21, s2  }
0x9d: {  	[timem:s6], [sflag:s22] =	dma.local [hbm:s4], s20  }
0x9e: {  	_ =	swait.ge [sflag:s22], s20  }
0x9f: {  	s3 =	ssub.s32 $0x0, s20;
	[sflag:s22] =	ssyncset.done $0x0  }
0xa0: {  	[sflag:s22] =	ssyncadd.s32 s3;
	_ =	sdelay $0x1  }
0xa1: {  	s23 =	simm.s32 $0x1B8B  }
0xa2: {  	_ =	swait.ge [sflag:s23], $0x1  }
0xa3: {  	[sflag:s23] =	ssyncset.done $0x0  }
0xa4: {  	s25 =	simm.s32 $0x1B8E;
	s24 =	sld [smem:$0x3FFE];
	[sflag:s23] =	ssyncadd.s32 $0xFFFFFFFF  }
0xa5: {  	s26 =	simm.s32 $execute0_lowered;
	[smem:$0x3FD2] =	sst s25  }
0xa6: {  	s4 =	sshll.u32 s26, $0x1;
	_ =	strace $0x80000049;
	[dreg:$0x1] =	wrdreg $0xFFFFFFFF  }
0xa7: {  	s28 =	simm.s32 $_size_execute0_lowered;
	s2 =	sadd.s32 s2, s4;
	[dreg:$0x0] =	wrdreg $0x0  }
0xa8: {  	s4 =	sshll.u32 s28, $0x1;
	[dreg:$0x2] =	wrdreg s2  }
0xa9: {  	[dreg:$0x3] =	wrdreg s4  }
0xaa: {  	[dreg:$0x4] =	wrdreg $0xC0  }
0xab: {  	_ =	task [dreg:s6], $0x5FFFF  }
0xac: {  	[dreg:$0x1] =	wrdreg $0xFFFFFFFF  }
0xad: {  	[dreg:$0x0] =	wrdreg $0x60  }
0xae: {  	[dreg:$0x2] =	wrdreg s24  }
0xaf: {  	[dreg:$0x3] =	wrdreg $0x90000  }
0xb0: {  	[dreg:$0x4] =	wrdreg $0x9  }
0xb1: {  	_ =	task.clear_ibuf [dreg:s6], $0x5FFFF;
	_ =	strace $0x90000049  }
0xb2: {  	s29 =	simm.s32 $0x9;
	_ =	strace $0x8000004B  }
0xb3: {  	_ =	swait.ge [sflag:s29], $0x1  }
0xb4: {  	[sflag:s29] =	ssyncadd.s32 $0xFFFFFFFF  }
0xb5: {  	_ =	strace $0x9000004B  }
0xb6: {  	_ =	sfence  }
0xb7: {  	s30 =	sld [smem:$0x0];
	_ =	sdelay $0x2  }
0xb8: {  	s31 =	sshll.u32 s1, $0xD;
	s1 =	sshrl.u32 s1, $0x2  }
0xb9: {  	s3 =	sand.u32 $0x4000, s31;
	s1 =	sadd.s32 s1, s30  }
0xba: {  	s0 =	sor.u32 s3, s0;
	s1 =	sshll.u32 s1, $0x11  }
0xbb: {  	s0 =	sor.u32 s1, s0  }
0xbc: {  	s0 =	sadd.s32 $0x8F2B, s0  }
0xbd: {  	[sflag:s0] =	ssyncadd.remote.s32 $0x1  }
0xbe: {  	_ =	sfence.sel $0xFFFF  }
0xbf: {  	[dreg:$0x0] =	wrdreg $0xFFFFFFFF;
	(pc) =	sbr.abs _section_cstart, $3  }
0xc0: {  	[dreg:$0x1] =	wrdreg $0xFFFFFFFF  }
0xc1: {  	_ =	task.clear_ibuf [dreg:s6], $0x2FFFF;
	_ =	strace $0x9FFFFFFF  }
0xc2: {  	(tm) =	ssettm $0x7FFFFFFF  }
0xc3: {  	_ =	shalt  }
tec
execute0_lowered:
.L_overlay_start_1:
0x0: {  	(tag) =	ssettag $0x1  }
0x1: {  	s0 =	rddreg [dreg:$0x0]  }
0x2: {  	s1 =	rddreg [dreg:$0x1];
	s2 =	srdreg.scid;
	s3 =	simm.s32 $0x0  }
0x3: {  	s9 =	stileid.u32;
	s14 =	simm.s32 $0x100;
	s15 =	simm.s32 $0x880  }
0x4: {  	s17 =	simm.s32 $0x180;
	[smem:$0x7FF] =	sst s3;
	s8 =	sadd.s32 $0x16400, s0  }
0x5: {  	s18 =	simm.s32 $0x900;
	_ =	strace $0x8000004A;
	[dreg:$0x11] =	wrdreg s8  }
0x6: {  	s19 =	simm.s32 $0x200;
	s20 =	simm.s32 $0x980;
	[dreg:$0x5] =	wrdreg s14  }
0x7: {  	s21 =	simm.s32 $0x280;
	s22 =	simm.s32 $0xA00;
	[dreg:$0x6] =	wrdreg s15  }
0x8: {  	s23 =	simm.s32 $0x300;
	s24 =	simm.s32 $0xA80;
	[dreg:$0x7] =	wrdreg s17  }
0x9: {  	s25 =	simm.s32 $0x380;
	s28 =	simm.s32 $0x680;
	[dreg:$0x8] =	wrdreg s18  }
0xa: {  	s29 =	simm.s32 $0xE00;
	s30 =	simm.s32 $0x700;
	[dreg:$0x9] =	wrdreg s19  }
0xb: {  	s31 =	simm.s32 $0xE80;
	s6 =	smul.u32 $0x14000, s9;
	[dreg:$0xa] =	wrdreg s20  }
0xc: {  	s2 =	sand.u32 $0x1, s2;
	s26 =	smul.u32 $0x500, s9;
	[dreg:$0xb] =	wrdreg s21  }
0xd: {  	s4 =	sadd.s32 $0xCA600, s0;
	s11 =	smul.u32 $0x50000, s9;
	[dreg:$0xc] =	wrdreg s22  }
0xe: {  	s16 =	sshll.u32 s9, $0x6;
	s5 =	smul.u32 $0x140000, s2;
	[dreg:$0xd] =	wrdreg s23  }
0xf: {  	s9 =	simm.s32 $0x0;
	s7 =	smul.u32 $0x5000, s2;
	[dreg:$0xe] =	wrdreg s24  }
0x10: {  	s2 =	ssub.s32 $0x2, s2;
	s14 =	simm.s32 $0x1;
	[dreg:$0xf] =	wrdreg s25  }
0x11: {  	s15 =	simm.s32 $0x5000;
	s17 =	simm.s32 $0x400;
	s18 =	simm.s32 $0xB80  }
0x12: {  	s19 =	simm.s32 $0x480;
	s20 =	simm.s32 $0xC00;
	s21 =	simm.s32 $0x500  }
0x13: {  	s22 =	simm.s32 $0xC80;
	s23 =	simm.s32 $0x580;
	s24 =	simm.s32 $0xD00  }
0x14: {  	s25 =	simm.s32 $0x600;
	s10 =	sshrl.u32 s2, $0x1;
	s13 =	sshrl.u32 s11, $0x2  }
0x15: {  	s11 =	simm.s32 $0x800;
	s5 =	sadd.s32 s6, s5;
	s7 =	sadd.s32 s7, s0  }
0x16: {  	s2 =	ssub.s32 s2, s10;
	s6 =	sadd.s32 s13, s1;
	s10 =	simm.s32 $0x3  }
0x17: {  	s13 =	simm.s32 $0x1000;
	s5 =	sshrl.u32 s5, $0x3;
	s2 =	smax.u32 s2, $0x1  }
0x18: {  	s7 =	sadd.s32 s26, s7;
	s26 =	simm.s32 $0xB00;
	[dreg:$0x14] =	wrdreg s2  }
0x19: {  	s8 =	sshrl.u32 s6, $0x3;
	s0 =	sadd.s32 s5, s0;
	[dreg:$0x10] =	wrdreg s26  }
0x1a: {  	s12 =	sadd.s32 $0xC400, s7;
	s5 =	sadd.s32 $0x2400, s7;
	[dreg:$0x15] =	wrdreg s8  }
0x1b: {  	s7 =	sor.u32 $0x1C03, s16;
	s16 =	simm.s32 $0x2;
	[dreg:$0x3] =	wrdreg s12  }
0x1c: {  	s26 =	simm.s32 $0xD80;
	s2 =	simm.s32 $0xF00;
	[dreg:$0x4] =	wrdreg s5  }
0x1d: {  	s0 =	sadd.s32 $0xF2600, s0;
	s12 =	simm.s32 $0x80;
	[dreg:$0x12] =	wrdreg s7  }
0x1e: {  	s5 =	simm.s32 $0xF80;
	[dreg:$0x13] =	wrdreg s0;
	s0 =	simm.s32 $0x780  }
.LBB2_1:
0x1f: {  	[dreg:$0x16] =	wrdreg s9  }
0x20: {  	s6 =	rddreg [dreg:$0x11]  }
0x21: {  	[spmem:s8], [sflag:s7] =	dma.local [hbm:s6], $0x2800  }
0x22: {  	_ =	swait.ge [sflag:s10], $0x2800  }
0x23: {  	[sflag:s10] =	ssyncset.done $0x0  }
0x24: {  	[sflag:s10] =	ssyncadd.s32 $0xFFFFD800  }
0x25: {  	[bflag:$0x0] =	sbarrier.arrive $0xFFFF  }
0x26: {  	s7 =	rddreg [dreg:$0x3]  }
0x27: {  	s6 =	sadd.s32 $0x0, s7  }
0x28: {  	[tilespmem:s3], [sflag:$0x3] =	stream.linear.gather [hbm4b:s6+s3], $0x800, $0x38;
	[tilespmem:$0x1D000] =	vst v63  }
0x29: {  	_ =	swait.ge [sflag:s10], $0x800  }
0x2a: {  	s8 =	rddreg [dreg:$0x4];
	[sflag:s10] =	ssyncset.done $0x0  }
0x2b: {  	[sflag:s10] =	ssyncadd.s32 $0xFFFFF800;
	s6 =	sadd.s32 $0x0, s8  }
0x2c: {  	[tilespmem:s11], [sflag:$0x3] =	stream.linear.gather [hbm4b:s6+s3], $0x800, $0x38;
	[tilespmem:$0x1D000] =	vst v63  }
0x2d: {  	_ =	swait.ge [sflag:s10], $0x800  }
0x2e: {  	[sflag:s10] =	ssyncset.done $0x0  }
0x2f: {  	[sflag:s10] =	ssyncadd.s32 $0xFFFFF800  }
0x30: {  	[tilespmem:s13], [sflag:$0x1] =	stream.indirect.gather [hbm4b:s4+s12], $0x80, s3, s12, $0xb8;
	[tilespmem:$0x1D000] =	vst v63  }
0x31: {  	_ =	swait.ge [sflag:s14], $0x4000  }
0x32: {  	[sflag:s14] =	ssyncset.done $0x0  }
0x33: {  	[sflag:s14] =	ssyncadd.s32 $0xFFFFC000  }
0x34: {  	[tilespmem:s15], [sflag:$0x2] =	stream.indirect.gather [hbm4b:s4+s12], $0x80, s12, s12, $0xb8;
	[tilespmem:$0x1D000] =	vst v63  }
0x35: {  	_ = 	snop  }
0x36: {  	[spmem:s1] =	stream.indirect.scatter.add.f32 [tilespmem:s13], [sflag:$0x3], $0x80, s11, s12, $0xb8;
	[tilespmem:$0x1D000] =	vst v63  }
0x37: {  	_ =	swait.ge [sflag:s10], $0x4000  }
0x38: {  	[sflag:s10] =	ssyncset.done $0x0  }
0x39: {  	[sflag:s10] =	ssyncadd.s32 $0xFFFFC000  }
0x3a: {  	_ =	swait.ge [sflag:s16], $0x4000  }
0x3b: {  	[sflag:s16] =	ssyncset.done $0x0  }
0x3c: {  	s9 =	rddreg [dreg:$0x5];
	[sflag:s16] =	ssyncadd.s32 $0xFFFFC000  }
0x3d: {  	[tilespmem:s13], [sflag:$0x1] =	stream.indirect.gather [hbm4b:s4+s12], $0x80, s9, s12, $0xb8;
	[tilespmem:$0x1D000] =	vst v63  }
0x3e: {  	s7 =	rddreg [dreg:$0x6]  }
0x3f: {  	[spmem:s1] =	stream.indirect.scatter.add.f32 [tilespmem:s15], [sflag:$0x3], $0x80, s7, s12, $0xb8;
	[tilespmem:$0x1D000] =	vst v63  }
0x40: {  	_ =	swait.ge [sflag:s10], $0x4000  }
0x41: {  	[sflag:s10] =	ssyncset.done $0x0  }
0x42: {  	[sflag:s10] =	ssyncadd.s32 $0xFFFFC000  }
0x43: {  	_ =	swait.ge [sflag:s14], $0x4000  }
0x44: {  	[sflag:s14] =	ssyncset.done $0x0  }
0x45: {  	s9 =	rddreg [dreg:$0x7];
	[sflag:s14] =	ssyncadd.s32 $0xFFFFC000  }
0x46: {  	[tilespmem:s15], [sflag:$0x2] =	stream.indirect.gather [hbm4b:s4+s12], $0x80, s9, s12, $0xb8;
	[tilespmem:$0x1D000] =	vst v63  }
0x47: {  	s7 =	rddreg [dreg:$0x8]  }
0x48: {  	[spmem:s1] =	stream.indirect.scatter.add.f32 [tilespmem:s13], [sflag:$0x3], $0x80, s7, s12, $0xb8;
	[tilespmem:$0x1D000] =	vst v63  }
0x49: {  	_ =	swait.ge [sflag:s10], $0x4000  }
0x4a: {  	[sflag:s10] =	ssyncset.done $0x0  }
0x4b: {  	[sflag:s10] =	ssyncadd.s32 $0xFFFFC000  }
0x4c: {  	_ =	swait.ge [sflag:s16], $0x4000  }
0x4d: {  	[sflag:s16] =	ssyncset.done $0x0  }
0x4e: {  	s9 =	rddreg [dreg:$0x9];
	[sflag:s16] =	ssyncadd.s32 $0xFFFFC000  }
0x4f: {  	[tilespmem:s13], [sflag:$0x1] =	stream.indirect.gather [hbm4b:s4+s12], $0x80, s9, s12, $0xb8;
	[tilespmem:$0x1D000] =	vst v63  }
0x50: {  	s7 =	rddreg [dreg:$0xa]  }
0x51: {  	[spmem:s1] =	stream.indirect.scatter.add.f32 [tilespmem:s15], [sflag:$0x3], $0x80, s7, s12, $0xb8;
	[tilespmem:$0x1D000] =	vst v63  }
0x52: {  	_ =	swait.ge [sflag:s10], $0x4000  }
0x53: {  	[sflag:s10] =	ssyncset.done $0x0  }
0x54: {  	[sflag:s10] =	ssyncadd.s32 $0xFFFFC000  }
0x55: {  	_ =	swait.ge [sflag:s14], $0x4000  }
0x56: {  	[sflag:s14] =	ssyncset.done $0x0  }
0x57: {  	s9 =	rddreg [dreg:$0xb];
	[sflag:s14] =	ssyncadd.s32 $0xFFFFC000  }
0x58: {  	[tilespmem:s15], [sflag:$0x2] =	stream.indirect.gather [hbm4b:s4+s12], $0x80, s9, s12, $0xb8;
	[tilespmem:$0x1D000] =	vst v63  }
0x59: {  	s7 =	rddreg [dreg:$0xc]  }
0x5a: {  	[spmem:s1] =	stream.indirect.scatter.add.f32 [tilespmem:s13], [sflag:$0x3], $0x80, s7, s12, $0xb8;
	[tilespmem:$0x1D000] =	vst v63  }
0x5b: {  	_ =	swait.ge [sflag:s10], $0x4000  }
0x5c: {  	[sflag:s10] =	ssyncset.done $0x0  }
0x5d: {  	[sflag:s10] =	ssyncadd.s32 $0xFFFFC000  }
0x5e: {  	_ =	swait.ge [sflag:s16], $0x4000  }
0x5f: {  	[sflag:s16] =	ssyncset.done $0x0  }
0x60: {  	s9 =	rddreg [dreg:$0xd];
	[sflag:s16] =	ssyncadd.s32 $0xFFFFC000  }
0x61: {  	[tilespmem:s13], [sflag:$0x1] =	stream.indirect.gather [hbm4b:s4+s12], $0x80, s9, s12, $0xb8;
	[tilespmem:$0x1D000] =	vst v63  }
0x62: {  	s7 =	rddreg [dreg:$0xe]  }
0x63: {  	[spmem:s1] =	stream.indirect.scatter.add.f32 [tilespmem:s15], [sflag:$0x3], $0x80, s7, s12, $0xb8;
	[tilespmem:$0x1D000] =	vst v63  }
0x64: {  	_ =	swait.ge [sflag:s10], $0x4000  }
0x65: {  	[sflag:s10] =	ssyncset.done $0x0  }
0x66: {  	[sflag:s10] =	ssyncadd.s32 $0xFFFFC000  }
0x67: {  	_ =	swait.ge [sflag:s14], $0x4000  }
0x68: {  	[sflag:s14] =	ssyncset.done $0x0  }
0x69: {  	s8 =	rddreg [dreg:$0xf];
	[sflag:s14] =	ssyncadd.s32 $0xFFFFC000  }
0x6a: {  	[tilespmem:s15], [sflag:$0x2] =	stream.indirect.gather [hbm4b:s4+s12], $0x80, s8, s12, $0xb8;
	[tilespmem:$0x1D000] =	vst v63  }
0x6b: {  	s9 =	rddreg [dreg:$0x10]  }
0x6c: {  	[spmem:s1] =	stream.indirect.scatter.add.f32 [tilespmem:s13], [sflag:$0x3], $0x80, s9, s12, $0xb8;
	[tilespmem:$0x1D000] =	vst v63  }
0x6d: {  	_ =	swait.ge [sflag:s10], $0x4000  }
0x6e: {  	[sflag:s10] =	ssyncset.done $0x0  }
0x6f: {  	[sflag:s10] =	ssyncadd.s32 $0xFFFFC000  }
0x70: {  	_ =	swait.ge [sflag:s16], $0x4000  }
0x71: {  	[sflag:s16] =	ssyncset.done $0x0  }
0x72: {  	[sflag:s16] =	ssyncadd.s32 $0xFFFFC000  }
0x73: {  	[tilespmem:s13], [sflag:$0x1] =	stream.indirect.gather [hbm4b:s4+s12], $0x80, s17, s12, $0xb8;
	[tilespmem:$0x1D000] =	vst v63  }
0x74: {  	_ = 	snop  }
0x75: {  	[spmem:s1] =	stream.indirect.scatter.add.f32 [tilespmem:s15], [sflag:$0x3], $0x80, s18, s12, $0xb8;
	[tilespmem:$0x1D000] =	vst v63  }
0x76: {  	_ =	swait.ge [sflag:s10], $0x4000  }
0x77: {  	[sflag:s10] =	ssyncset.done $0x0  }
0x78: {  	[sflag:s10] =	ssyncadd.s32 $0xFFFFC000  }
0x79: {  	_ =	swait.ge [sflag:s14], $0x4000  }
0x7a: {  	[sflag:s14] =	ssyncset.done $0x0  }
0x7b: {  	[sflag:s14] =	ssyncadd.s32 $0xFFFFC000  }
0x7c: {  	[tilespmem:s15], [sflag:$0x2] =	stream.indirect.gather [hbm4b:s4+s12], $0x80, s19, s12, $0xb8;
	[tilespmem:$0x1D000] =	vst v63  }
0x7d: {  	_ = 	snop  }
0x7e: {  	[spmem:s1] =	stream.indirect.scatter.add.f32 [tilespmem:s13], [sflag:$0x3], $0x80, s20, s12, $0xb8;
	[tilespmem:$0x1D000] =	vst v63  }
0x7f: {  	_ =	swait.ge [sflag:s10], $0x4000  }
0x80: {  	[sflag:s10] =	ssyncset.done $0x0  }
0x81: {  	[sflag:s10] =	ssyncadd.s32 $0xFFFFC000  }
0x82: {  	_ =	swait.ge [sflag:s16], $0x4000  }
0x83: {  	[sflag:s16] =	ssyncset.done $0x0  }
0x84: {  	[sflag:s16] =	ssyncadd.s32 $0xFFFFC000  }
0x85: {  	[tilespmem:s13], [sflag:$0x1] =	stream.indirect.gather [hbm4b:s4+s12], $0x80, s21, s12, $0xb8;
	[tilespmem:$0x1D000] =	vst v63  }
0x86: {  	_ = 	snop  }
0x87: {  	[spmem:s1] =	stream.indirect.scatter.add.f32 [tilespmem:s15], [sflag:$0x3], $0x80, s22, s12, $0xb8;
	[tilespmem:$0x1D000] =	vst v63  }
0x88: {  	_ =	swait.ge [sflag:s10], $0x4000  }
0x89: {  	[sflag:s10] =	ssyncset.done $0x0  }
0x8a: {  	[sflag:s10] =	ssyncadd.s32 $0xFFFFC000  }
0x8b: {  	_ =	swait.ge [sflag:s14], $0x4000  }
0x8c: {  	[sflag:s14] =	ssyncset.done $0x0  }
0x8d: {  	[sflag:s14] =	ssyncadd.s32 $0xFFFFC000  }
0x8e: {  	[tilespmem:s15], [sflag:$0x2] =	stream.indirect.gather [hbm4b:s4+s12], $0x80, s23, s12, $0xb8;
	[tilespmem:$0x1D000] =	vst v63  }
0x8f: {  	_ = 	snop  }
0x90: {  	[spmem:s1] =	stream.indirect.scatter.add.f32 [tilespmem:s13], [sflag:$0x3], $0x80, s24, s12, $0xb8;
	[tilespmem:$0x1D000] =	vst v63  }
0x91: {  	_ =	swait.ge [sflag:s10], $0x4000  }
0x92: {  	[sflag:s10] =	ssyncset.done $0x0  }
0x93: {  	[sflag:s10] =	ssyncadd.s32 $0xFFFFC000  }
0x94: {  	_ =	swait.ge [sflag:s16], $0x4000  }
0x95: {  	[sflag:s16] =	ssyncset.done $0x0  }
0x96: {  	[sflag:s16] =	ssyncadd.s32 $0xFFFFC000  }
0x97: {  	[tilespmem:s13], [sflag:$0x1] =	stream.indirect.gather [hbm4b:s4+s12], $0x80, s25, s12, $0xb8;
	[tilespmem:$0x1D000] =	vst v63  }
0x98: {  	_ = 	snop  }
0x99: {  	[spmem:s1] =	stream.indirect.scatter.add.f32 [tilespmem:s15], [sflag:$0x3], $0x80, s26, s12, $0xb8;
	[tilespmem:$0x1D000] =	vst v63  }
0x9a: {  	_ =	swait.ge [sflag:s10], $0x4000  }
0x9b: {  	[sflag:s10] =	ssyncset.done $0x0  }
0x9c: {  	[sflag:s10] =	ssyncadd.s32 $0xFFFFC000  }
0x9d: {  	_ =	swait.ge [sflag:s14], $0x4000  }
0x9e: {  	[sflag:s14] =	ssyncset.done $0x0  }
0x9f: {  	[sflag:s14] =	ssyncadd.s32 $0xFFFFC000  }
0xa0: {  	[tilespmem:s15], [sflag:$0x2] =	stream.indirect.gather [hbm4b:s4+s12], $0x80, s28, s12, $0xb8;
	[tilespmem:$0x1D000] =	vst v63  }
0xa1: {  	_ = 	snop  }
0xa2: {  	[spmem:s1] =	stream.indirect.scatter.add.f32 [tilespmem:s13], [sflag:$0x3], $0x80, s29, s12, $0xb8;
	[tilespmem:$0x1D000] =	vst v63  }
0xa3: {  	_ =	swait.ge [sflag:s10], $0x4000  }
0xa4: {  	[sflag:s10] =	ssyncset.done $0x0  }
0xa5: {  	[sflag:s10] =	ssyncadd.s32 $0xFFFFC000  }
0xa6: {  	_ =	swait.ge [sflag:s16], $0x4000  }
0xa7: {  	[sflag:s16] =	ssyncset.done $0x0  }
0xa8: {  	[sflag:s16] =	ssyncadd.s32 $0xFFFFC000  }
0xa9: {  	[tilespmem:s13], [sflag:$0x1] =	stream.indirect.gather [hbm4b:s4+s12], $0x80, s30, s12, $0xb8;
	[tilespmem:$0x1D000] =	vst v63  }
0xaa: {  	_ = 	snop  }
0xab: {  	[spmem:s1] =	stream.indirect.scatter.add.f32 [tilespmem:s15], [sflag:$0x3], $0x80, s31, s12, $0xb8;
	[tilespmem:$0x1D000] =	vst v63  }
0xac: {  	_ =	swait.ge [sflag:s10], $0x4000  }
0xad: {  	[sflag:s10] =	ssyncset.done $0x0  }
0xae: {  	[sflag:s10] =	ssyncadd.s32 $0xFFFFC000  }
0xaf: {  	_ =	swait.ge [sflag:s14], $0x4000  }
0xb0: {  	[sflag:s14] =	ssyncset.done $0x0  }
0xb1: {  	[sflag:s14] =	ssyncadd.s32 $0xFFFFC000  }
0xb2: {  	[tilespmem:s15], [sflag:$0x2] =	stream.indirect.gather [hbm4b:s4+s12], $0x80, s0, s12, $0xb8;
	[tilespmem:$0x1D000] =	vst v63  }
0xb3: {  	_ = 	snop  }
0xb4: {  	[spmem:s1] =	stream.indirect.scatter.add.f32 [tilespmem:s13], [sflag:$0x3], $0x80, s2, s12, $0xb8;
	[tilespmem:$0x1D000] =	vst v63  }
0xb5: {  	_ =	swait.ge [sflag:s10], $0x4000  }
0xb6: {  	[sflag:s10] =	ssyncset.done $0x0  }
0xb7: {  	[sflag:s10] =	ssyncadd.s32 $0xFFFFC000  }
0xb8: {  	_ =	swait.ge [sflag:s16], $0x4000  }
0xb9: {  	[sflag:s16] =	ssyncset.done $0x0  }
0xba: {  	[sflag:s16] =	ssyncadd.s32 $0xFFFFC000  }
0xbb: {  	[spmem:s1] =	stream.indirect.scatter.add.f32 [tilespmem:s15], [sflag:$0x3], $0x80, s5, s12, $0xb8;
	[tilespmem:$0x1D000] =	vst v63  }
0xbc: {  	s6 =	simm.s32 $0x200;
	_ =	swait.ge [sflag:s10], $0x4000  }
0xbd: {  	s8 =	simm.s32 $0x100;
	s9 =	rddreg [dreg:$0x3];
	[sflag:s10] =	ssyncset.done $0x0  }
.LBB2_2:
0xbe: {  	[sflag:s10] =	ssyncadd.s32 $0xFFFFC000;
	s9 =	sadd.s32 s8, s9  }
0xbf: {  	[tilespmem:s3], [sflag:$0x3] =	stream.linear.gather [hbm4b:s9+s3], $0x800, $0x38;
	[tilespmem:$0x1D000] =	vst v63  }
0xc0: {  	_ =	swait.ge [sflag:s10], $0x800  }
0xc1: {  	s9 =	rddreg [dreg:$0x4];
	[sflag:s10] =	ssyncset.done $0x0  }
0xc2: {  	[sflag:s10] =	ssyncadd.s32 $0xFFFFF800;
	s9 =	sadd.s32 s8, s9  }
0xc3: {  	[tilespmem:s11], [sflag:$0x3] =	stream.linear.gather [hbm4b:s9+s3], $0x800, $0x38;
	[tilespmem:$0x1D000] =	vst v63  }
0xc4: {  	_ =	swait.ge [sflag:s10], $0x800  }
0xc5: {  	[sflag:s10] =	ssyncset.done $0x0  }
0xc6: {  	[sflag:s10] =	ssyncadd.s32 $0xFFFFF800  }
0xc7: {  	[tilespmem:s13], [sflag:$0x1] =	stream.indirect.gather [hbm4b:s4+s12], $0x80, s3, s12, $0xb8;
	[tilespmem:$0x1D000] =	vst v63  }
0xc8: {  	_ =	swait.ge [sflag:s14], $0x4000  }
0xc9: {  	[sflag:s14] =	ssyncset.done $0x0  }
0xca: {  	[sflag:s14] =	ssyncadd.s32 $0xFFFFC000  }
0xcb: {  	[tilespmem:s15], [sflag:$0x2] =	stream.indirect.gather [hbm4b:s4+s12], $0x80, s12, s12, $0xb8;
	[tilespmem:$0x1D000] =	vst v63  }
0xcc: {  	_ = 	snop  }
0xcd: {  	[spmem:s1] =	stream.indirect.scatter.add.f32 [tilespmem:s13], [sflag:$0x3], $0x80, s11, s12, $0xb8;
	[tilespmem:$0x1D000] =	vst v63  }
0xce: {  	_ =	swait.ge [sflag:s10], $0x4000  }
0xcf: {  	[sflag:s10] =	ssyncset.done $0x0  }
0xd0: {  	[sflag:s10] =	ssyncadd.s32 $0xFFFFC000  }
0xd1: {  	_ =	swait.ge [sflag:s16], $0x4000  }
0xd2: {  	s7 =	smov.u32 s6;
	[sflag:s16] =	ssyncset.done $0x0  }
0xd3: {  	s8 =	smov.u32 s7;
	s7 =	rddreg [dreg:$0x5];
	[sflag:s16] =	ssyncadd.s32 $0xFFFFC000  }
0xd4: {  	[tilespmem:s13], [sflag:$0x1] =	stream.indirect.gather [hbm4b:s4+s12], $0x80, s7, s12, $0xb8;
	[tilespmem:$0x1D000] =	vst v63  }
0xd5: {  	s9 =	rddreg [dreg:$0x6]  }
0xd6: {  	[spmem:s1] =	stream.indirect.scatter.add.f32 [tilespmem:s15], [sflag:$0x3], $0x80, s9, s12, $0xb8;
	[tilespmem:$0x1D000] =	vst v63  }
0xd7: {  	_ =	swait.ge [sflag:s10], $0x4000  }
0xd8: {  	[sflag:s10] =	ssyncset.done $0x0  }
0xd9: {  	[sflag:s10] =	ssyncadd.s32 $0xFFFFC000  }
0xda: {  	_ =	swait.ge [sflag:s14], $0x4000  }
0xdb: {  	[sflag:s14] =	ssyncset.done $0x0  }
0xdc: {  	s7 =	rddreg [dreg:$0x7];
	[sflag:s14] =	ssyncadd.s32 $0xFFFFC000  }
0xdd: {  	[tilespmem:s15], [sflag:$0x2] =	stream.indirect.gather [hbm4b:s4+s12], $0x80, s7, s12, $0xb8;
	[tilespmem:$0x1D000] =	vst v63  }
0xde: {  	s9 =	rddreg [dreg:$0x8]  }
0xdf: {  	[spmem:s1] =	stream.indirect.scatter.add.f32 [tilespmem:s13], [sflag:$0x3], $0x80, s9, s12, $0xb8;
	[tilespmem:$0x1D000] =	vst v63  }
0xe0: {  	_ =	swait.ge [sflag:s10], $0x4000  }
0xe1: {  	[sflag:s10] =	ssyncset.done $0x0  }
0xe2: {  	[sflag:s10] =	ssyncadd.s32 $0xFFFFC000  }
0xe3: {  	_ =	swait.ge [sflag:s16], $0x4000  }
0xe4: {  	[sflag:s16] =	ssyncset.done $0x0  }
0xe5: {  	s7 =	rddreg [dreg:$0x9];
	[sflag:s16] =	ssyncadd.s32 $0xFFFFC000  }
0xe6: {  	[tilespmem:s13], [sflag:$0x1] =	stream.indirect.gather [hbm4b:s4+s12], $0x80, s7, s12, $0xb8;
	[tilespmem:$0x1D000] =	vst v63  }
0xe7: {  	s9 =	rddreg [dreg:$0xa]  }
0xe8: {  	[spmem:s1] =	stream.indirect.scatter.add.f32 [tilespmem:s15], [sflag:$0x3], $0x80, s9, s12, $0xb8;
	[tilespmem:$0x1D000] =	vst v63  }
0xe9: {  	_ =	swait.ge [sflag:s10], $0x4000  }
0xea: {  	[sflag:s10] =	ssyncset.done $0x0  }
0xeb: {  	[sflag:s10] =	ssyncadd.s32 $0xFFFFC000  }
0xec: {  	_ =	swait.ge [sflag:s14], $0x4000  }
0xed: {  	[sflag:s14] =	ssyncset.done $0x0  }
0xee: {  	s7 =	rddreg [dreg:$0xb];
	[sflag:s14] =	ssyncadd.s32 $0xFFFFC000  }
0xef: {  	[tilespmem:s15], [sflag:$0x2] =	stream.indirect.gather [hbm4b:s4+s12], $0x80, s7, s12, $0xb8;
	[tilespmem:$0x1D000] =	vst v63  }
0xf0: {  	s9 =	rddreg [dreg:$0xc]  }
0xf1: {  	[spmem:s1] =	stream.indirect.scatter.add.f32 [tilespmem:s13], [sflag:$0x3], $0x80, s9, s12, $0xb8;
	[tilespmem:$0x1D000] =	vst v63  }
0xf2: {  	_ =	swait.ge [sflag:s10], $0x4000  }
0xf3: {  	[sflag:s10] =	ssyncset.done $0x0  }
0xf4: {  	[sflag:s10] =	ssyncadd.s32 $0xFFFFC000  }
0xf5: {  	_ =	swait.ge [sflag:s16], $0x4000  }
0xf6: {  	[sflag:s16] =	ssyncset.done $0x0  }
0xf7: {  	s7 =	rddreg [dreg:$0xd];
	[sflag:s16] =	ssyncadd.s32 $0xFFFFC000  }
0xf8: {  	[tilespmem:s13], [sflag:$0x1] =	stream.indirect.gather [hbm4b:s4+s12], $0x80, s7, s12, $0xb8;
	[tilespmem:$0x1D000] =	vst v63  }
0xf9: {  	s9 =	rddreg [dreg:$0xe]  }
0xfa: {  	[spmem:s1] =	stream.indirect.scatter.add.f32 [tilespmem:s15], [sflag:$0x3], $0x80, s9, s12, $0xb8;
	[tilespmem:$0x1D000] =	vst v63  }
0xfb: {  	_ =	swait.ge [sflag:s10], $0x4000  }
0xfc: {  	[sflag:s10] =	ssyncset.done $0x0  }
0xfd: {  	[sflag:s10] =	ssyncadd.s32 $0xFFFFC000  }
0xfe: {  	_ =	swait.ge [sflag:s14], $0x4000  }
0xff: {  	[sflag:s14] =	ssyncset.done $0x0  }
0x100: {  	s7 =	rddreg [dreg:$0xf];
	[sflag:s14] =	ssyncadd.s32 $0xFFFFC000  }
0x101: {  	[tilespmem:s15], [sflag:$0x2] =	stream.indirect.gather [hbm4b:s4+s12], $0x80, s7, s12, $0xb8;
	[tilespmem:$0x1D000] =	vst v63  }
0x102: {  	s9 =	rddreg [dreg:$0x10]  }
0x103: {  	[spmem:s1] =	stream.indirect.scatter.add.f32 [tilespmem:s13], [sflag:$0x3], $0x80, s9, s12, $0xb8;
	[tilespmem:$0x1D000] =	vst v63  }
0x104: {  	_ =	swait.ge [sflag:s10], $0x4000  }
0x105: {  	[sflag:s10] =	ssyncset.done $0x0  }
0x106: {  	[sflag:s10] =	ssyncadd.s32 $0xFFFFC000  }
0x107: {  	_ =	swait.ge [sflag:s16], $0x4000  }
0x108: {  	[sflag:s16] =	ssyncset.done $0x0  }
0x109: {  	[sflag:s16] =	ssyncadd.s32 $0xFFFFC000  }
0x10a: {  	[tilespmem:s13], [sflag:$0x1] =	stream.indirect.gather [hbm4b:s4+s12], $0x80, s17, s12, $0xb8;
	[tilespmem:$0x1D000] =	vst v63  }
0x10b: {  	_ = 	snop  }
0x10c: {  	[spmem:s1] =	stream.indirect.scatter.add.f32 [tilespmem:s15], [sflag:$0x3], $0x80, s18, s12, $0xb8;
	[tilespmem:$0x1D000] =	vst v63  }
0x10d: {  	_ =	swait.ge [sflag:s10], $0x4000  }
0x10e: {  	[sflag:s10] =	ssyncset.done $0x0  }
0x10f: {  	[sflag:s10] =	ssyncadd.s32 $0xFFFFC000  }
0x110: {  	_ =	swait.ge [sflag:s14], $0x4000  }
0x111: {  	[sflag:s14] =	ssyncset.done $0x0  }
0x112: {  	[sflag:s14] =	ssyncadd.s32 $0xFFFFC000  }
0x113: {  	[tilespmem:s15], [sflag:$0x2] =	stream.indirect.gather [hbm4b:s4+s12], $0x80, s19, s12, $0xb8;
	[tilespmem:$0x1D000] =	vst v63  }
0x114: {  	_ = 	snop  }
0x115: {  	[spmem:s1] =	stream.indirect.scatter.add.f32 [tilespmem:s13], [sflag:$0x3], $0x80, s20, s12, $0xb8;
	[tilespmem:$0x1D000] =	vst v63  }
0x116: {  	_ =	swait.ge [sflag:s10], $0x4000  }
0x117: {  	[sflag:s10] =	ssyncset.done $0x0  }
0x118: {  	[sflag:s10] =	ssyncadd.s32 $0xFFFFC000  }
0x119: {  	_ =	swait.ge [sflag:s16], $0x4000  }
0x11a: {  	[sflag:s16] =	ssyncset.done $0x0  }
0x11b: {  	[sflag:s16] =	ssyncadd.s32 $0xFFFFC000  }
0x11c: {  	[tilespmem:s13], [sflag:$0x1] =	stream.indirect.gather [hbm4b:s4+s12], $0x80, s21, s12, $0xb8;
	[tilespmem:$0x1D000] =	vst v63  }
0x11d: {  	_ = 	snop  }
0x11e: {  	[spmem:s1] =	stream.indirect.scatter.add.f32 [tilespmem:s15], [sflag:$0x3], $0x80, s22, s12, $0xb8;
	[tilespmem:$0x1D000] =	vst v63  }
0x11f: {  	_ =	swait.ge [sflag:s10], $0x4000  }
0x120: {  	[sflag:s10] =	ssyncset.done $0x0  }
0x121: {  	[sflag:s10] =	ssyncadd.s32 $0xFFFFC000  }
0x122: {  	_ =	swait.ge [sflag:s14], $0x4000  }
0x123: {  	[sflag:s14] =	ssyncset.done $0x0  }
0x124: {  	[sflag:s14] =	ssyncadd.s32 $0xFFFFC000  }
0x125: {  	[tilespmem:s15], [sflag:$0x2] =	stream.indirect.gather [hbm4b:s4+s12], $0x80, s23, s12, $0xb8;
	[tilespmem:$0x1D000] =	vst v63  }
0x126: {  	_ = 	snop  }
0x127: {  	[spmem:s1] =	stream.indirect.scatter.add.f32 [tilespmem:s13], [sflag:$0x3], $0x80, s24, s12, $0xb8;
	[tilespmem:$0x1D000] =	vst v63  }
0x128: {  	_ =	swait.ge [sflag:s10], $0x4000  }
0x129: {  	[sflag:s10] =	ssyncset.done $0x0  }
0x12a: {  	[sflag:s10] =	ssyncadd.s32 $0xFFFFC000  }
0x12b: {  	_ =	swait.ge [sflag:s16], $0x4000  }
0x12c: {  	[sflag:s16] =	ssyncset.done $0x0  }
0x12d: {  	[sflag:s16] =	ssyncadd.s32 $0xFFFFC000  }
0x12e: {  	[tilespmem:s13], [sflag:$0x1] =	stream.indirect.gather [hbm4b:s4+s12], $0x80, s25, s12, $0xb8;
	[tilespmem:$0x1D000] =	vst v63  }
0x12f: {  	_ = 	snop  }
0x130: {  	[spmem:s1] =	stream.indirect.scatter.add.f32 [tilespmem:s15], [sflag:$0x3], $0x80, s26, s12, $0xb8;
	[tilespmem:$0x1D000] =	vst v63  }
0x131: {  	_ =	swait.ge [sflag:s10], $0x4000  }
0x132: {  	[sflag:s10] =	ssyncset.done $0x0  }
0x133: {  	[sflag:s10] =	ssyncadd.s32 $0xFFFFC000  }
0x134: {  	_ =	swait.ge [sflag:s14], $0x4000  }
0x135: {  	[sflag:s14] =	ssyncset.done $0x0  }
0x136: {  	[sflag:s14] =	ssyncadd.s32 $0xFFFFC000  }
0x137: {  	[tilespmem:s15], [sflag:$0x2] =	stream.indirect.gather [hbm4b:s4+s12], $0x80, s28, s12, $0xb8;
	[tilespmem:$0x1D000] =	vst v63  }
0x138: {  	_ = 	snop  }
0x139: {  	[spmem:s1] =	stream.indirect.scatter.add.f32 [tilespmem:s13], [sflag:$0x3], $0x80, s29, s12, $0xb8;
	[tilespmem:$0x1D000] =	vst v63  }
0x13a: {  	_ =	swait.ge [sflag:s10], $0x4000  }
0x13b: {  	[sflag:s10] =	ssyncset.done $0x0  }
0x13c: {  	[sflag:s10] =	ssyncadd.s32 $0xFFFFC000  }
0x13d: {  	_ =	swait.ge [sflag:s16], $0x4000  }
0x13e: {  	[sflag:s16] =	ssyncset.done $0x0  }
0x13f: {  	[sflag:s16] =	ssyncadd.s32 $0xFFFFC000  }
0x140: {  	[tilespmem:s13], [sflag:$0x1] =	stream.indirect.gather [hbm4b:s4+s12], $0x80, s30, s12, $0xb8;
	[tilespmem:$0x1D000] =	vst v63  }
0x141: {  	_ = 	snop  }
0x142: {  	[spmem:s1] =	stream.indirect.scatter.add.f32 [tilespmem:s15], [sflag:$0x3], $0x80, s31, s12, $0xb8;
	[tilespmem:$0x1D000] =	vst v63  }
0x143: {  	_ =	swait.ge [sflag:s10], $0x4000  }
0x144: {  	[sflag:s10] =	ssyncset.done $0x0  }
0x145: {  	[sflag:s10] =	ssyncadd.s32 $0xFFFFC000  }
0x146: {  	_ =	swait.ge [sflag:s14], $0x4000  }
0x147: {  	[sflag:s14] =	ssyncset.done $0x0  }
0x148: {  	[sflag:s14] =	ssyncadd.s32 $0xFFFFC000  }
0x149: {  	[tilespmem:s15], [sflag:$0x2] =	stream.indirect.gather [hbm4b:s4+s12], $0x80, s0, s12, $0xb8;
	[tilespmem:$0x1D000] =	vst v63  }
0x14a: {  	_ = 	snop  }
0x14b: {  	[spmem:s1] =	stream.indirect.scatter.add.f32 [tilespmem:s13], [sflag:$0x3], $0x80, s2, s12, $0xb8;
	[tilespmem:$0x1D000] =	vst v63  }
0x14c: {  	_ =	swait.ge [sflag:s10], $0x4000  }
0x14d: {  	[sflag:s10] =	ssyncset.done $0x0  }
0x14e: {  	[sflag:s10] =	ssyncadd.s32 $0xFFFFC000  }
0x14f: {  	p0 =	sne.s32 s6, $0x400;
	_ =	swait.ge [sflag:s16], $0x4000  }
.Ltmp0:
0x150: {  	[sflag:s16] =	ssyncset.done $0x0;
	(pc) =	sbr.rel @p0 .LBB2_2-.Ltmp0, $4  }
0x151: {  	[sflag:s16] =	ssyncadd.s32 $0xFFFFC000  }
0x152: {  	[spmem:s1] =	stream.indirect.scatter.add.f32 [tilespmem:s15], [sflag:$0x3], $0x80, s5, s12, $0xb8;
	[tilespmem:$0x1D000] =	vst v63  }
0x153: {  	_ =	swait.ge [sflag:s10], $0x4000  }
0x154: {  	s6 =	sadd.s32 $0x100, s6;
	s9 =	rddreg [dreg:$0x3];
	[sflag:s10] =	ssyncset.done $0x0  }
0x155: {  	[sflag:s10] =	ssyncadd.s32 $0xFFFFC000;
	s6 =	sadd.s32 s8, s9  }
0x156: {  	[tilespmem:s3], [sflag:$0x3] =	stream.linear.gather [hbm4b:s6+s3], $0x800, $0x38;
	[tilespmem:$0x1D000] =	vst v63  }
0x157: {  	_ =	swait.ge [sflag:s10], $0x800  }
0x158: {  	s7 =	rddreg [dreg:$0x4];
	[sflag:s10] =	ssyncset.done $0x0  }
0x159: {  	[sflag:s10] =	ssyncadd.s32 $0xFFFFF800;
	s6 =	sadd.s32 s8, s7  }
0x15a: {  	[tilespmem:s11], [sflag:$0x3] =	stream.linear.gather [hbm4b:s6+s3], $0x800, $0x38;
	[tilespmem:$0x1D000] =	vst v63  }
0x15b: {  	_ =	swait.ge [sflag:s10], $0x800  }
0x15c: {  	[sflag:s10] =	ssyncset.done $0x0  }
0x15d: {  	[sflag:s10] =	ssyncadd.s32 $0xFFFFF800  }
0x15e: {  	[tilespmem:s13], [sflag:$0x1] =	stream.indirect.gather [hbm4b:s4+s12], $0x80, s3, s12, $0xb8;
	[tilespmem:$0x1D000] =	vst v63  }
0x15f: {  	_ =	swait.ge [sflag:s14], $0x4000  }
0x160: {  	[sflag:s14] =	ssyncset.done $0x0  }
0x161: {  	[sflag:s14] =	ssyncadd.s32 $0xFFFFC000  }
0x162: {  	[tilespmem:s15], [sflag:$0x2] =	stream.indirect.gather [hbm4b:s4+s12], $0x80, s12, s12, $0xb8;
	[tilespmem:$0x1D000] =	vst v63  }
0x163: {  	_ = 	snop  }
0x164: {  	[spmem:s1] =	stream.indirect.scatter.add.f32 [tilespmem:s13], [sflag:$0x3], $0x80, s11, s12, $0xb8;
	[tilespmem:$0x1D000] =	vst v63  }
0x165: {  	_ =	swait.ge [sflag:s10], $0x4000  }
0x166: {  	[sflag:s10] =	ssyncset.done $0x0  }
0x167: {  	[sflag:s10] =	ssyncadd.s32 $0xFFFFC000  }
0x168: {  	_ =	swait.ge [sflag:s16], $0x4000  }
0x169: {  	[sflag:s16] =	ssyncset.done $0x0  }
0x16a: {  	s9 =	rddreg [dreg:$0x5];
	[sflag:s16] =	ssyncadd.s32 $0xFFFFC000  }
0x16b: {  	[tilespmem:s13], [sflag:$0x1] =	stream.indirect.gather [hbm4b:s4+s12], $0x80, s9, s12, $0xb8;
	[tilespmem:$0x1D000] =	vst v63  }
0x16c: {  	s7 =	rddreg [dreg:$0x6]  }
0x16d: {  	[spmem:s1] =	stream.indirect.scatter.add.f32 [tilespmem:s15], [sflag:$0x3], $0x80, s7, s12, $0xb8;
	[tilespmem:$0x1D000] =	vst v63  }
0x16e: {  	_ =	swait.ge [sflag:s10], $0x4000  }
0x16f: {  	[sflag:s10] =	ssyncset.done $0x0  }
0x170: {  	[sflag:s10] =	ssyncadd.s32 $0xFFFFC000  }
0x171: {  	_ =	swait.ge [sflag:s14], $0x4000  }
0x172: {  	[sflag:s14] =	ssyncset.done $0x0  }
0x173: {  	s8 =	rddreg [dreg:$0x7];
	[sflag:s14] =	ssyncadd.s32 $0xFFFFC000  }
0x174: {  	[tilespmem:s15], [sflag:$0x2] =	stream.indirect.gather [hbm4b:s4+s12], $0x80, s8, s12, $0xb8;
	[tilespmem:$0x1D000] =	vst v63  }
0x175: {  	s9 =	rddreg [dreg:$0x8]  }
0x176: {  	[spmem:s1] =	stream.indirect.scatter.add.f32 [tilespmem:s13], [sflag:$0x3], $0x80, s9, s12, $0xb8;
	[tilespmem:$0x1D000] =	vst v63  }
0x177: {  	_ =	swait.ge [sflag:s10], $0x4000  }
0x178: {  	[sflag:s10] =	ssyncset.done $0x0  }
0x179: {  	[sflag:s10] =	ssyncadd.s32 $0xFFFFC000  }
0x17a: {  	_ =	swait.ge [sflag:s16], $0x4000  }
0x17b: {  	[sflag:s16] =	ssyncset.done $0x0  }
0x17c: {  	s8 =	rddreg [dreg:$0x9];
	[sflag:s16] =	ssyncadd.s32 $0xFFFFC000  }
0x17d: {  	[tilespmem:s13], [sflag:$0x1] =	stream.indirect.gather [hbm4b:s4+s12], $0x80, s8, s12, $0xb8;
	[tilespmem:$0x1D000] =	vst v63  }
0x17e: {  	s9 =	rddreg [dreg:$0xa]  }
0x17f: {  	[spmem:s1] =	stream.indirect.scatter.add.f32 [tilespmem:s15], [sflag:$0x3], $0x80, s9, s12, $0xb8;
	[tilespmem:$0x1D000] =	vst v63  }
0x180: {  	_ =	swait.ge [sflag:s10], $0x4000  }
0x181: {  	[sflag:s10] =	ssyncset.done $0x0  }
0x182: {  	[sflag:s10] =	ssyncadd.s32 $0xFFFFC000  }
0x183: {  	_ =	swait.ge [sflag:s14], $0x4000  }
0x184: {  	[sflag:s14] =	ssyncset.done $0x0  }
0x185: {  	s8 =	rddreg [dreg:$0xb];
	[sflag:s14] =	ssyncadd.s32 $0xFFFFC000  }
0x186: {  	[tilespmem:s15], [sflag:$0x2] =	stream.indirect.gather [hbm4b:s4+s12], $0x80, s8, s12, $0xb8;
	[tilespmem:$0x1D000] =	vst v63  }
0x187: {  	s9 =	rddreg [dreg:$0xc]  }
0x188: {  	[spmem:s1] =	stream.indirect.scatter.add.f32 [tilespmem:s13], [sflag:$0x3], $0x80, s9, s12, $0xb8;
	[tilespmem:$0x1D000] =	vst v63  }
0x189: {  	_ =	swait.ge [sflag:s10], $0x4000  }
0x18a: {  	[sflag:s10] =	ssyncset.done $0x0  }
0x18b: {  	[sflag:s10] =	ssyncadd.s32 $0xFFFFC000  }
0x18c: {  	_ =	swait.ge [sflag:s16], $0x4000  }
0x18d: {  	[sflag:s16] =	ssyncset.done $0x0  }
0x18e: {  	s8 =	rddreg [dreg:$0xd];
	[sflag:s16] =	ssyncadd.s32 $0xFFFFC000  }
0x18f: {  	[tilespmem:s13], [sflag:$0x1] =	stream.indirect.gather [hbm4b:s4+s12], $0x80, s8, s12, $0xb8;
	[tilespmem:$0x1D000] =	vst v63  }
0x190: {  	s9 =	rddreg [dreg:$0xe]  }
0x191: {  	[spmem:s1] =	stream.indirect.scatter.add.f32 [tilespmem:s15], [sflag:$0x3], $0x80, s9, s12, $0xb8;
	[tilespmem:$0x1D000] =	vst v63  }
0x192: {  	_ =	swait.ge [sflag:s10], $0x4000  }
0x193: {  	[sflag:s10] =	ssyncset.done $0x0  }
0x194: {  	[sflag:s10] =	ssyncadd.s32 $0xFFFFC000  }
0x195: {  	_ =	swait.ge [sflag:s14], $0x4000  }
0x196: {  	[sflag:s14] =	ssyncset.done $0x0  }
0x197: {  	s7 =	rddreg [dreg:$0xf];
	[sflag:s14] =	ssyncadd.s32 $0xFFFFC000  }
0x198: {  	[tilespmem:s15], [sflag:$0x2] =	stream.indirect.gather [hbm4b:s4+s12], $0x80, s7, s12, $0xb8;
	[tilespmem:$0x1D000] =	vst v63  }
0x199: {  	s8 =	rddreg [dreg:$0x10]  }
0x19a: {  	[spmem:s1] =	stream.indirect.scatter.add.f32 [tilespmem:s13], [sflag:$0x3], $0x80, s8, s12, $0xb8;
	[tilespmem:$0x1D000] =	vst v63  }
0x19b: {  	_ =	swait.ge [sflag:s10], $0x4000  }
0x19c: {  	[sflag:s10] =	ssyncset.done $0x0  }
0x19d: {  	[sflag:s10] =	ssyncadd.s32 $0xFFFFC000  }
0x19e: {  	_ =	swait.ge [sflag:s16], $0x4000  }
0x19f: {  	[sflag:s16] =	ssyncset.done $0x0  }
0x1a0: {  	[sflag:s16] =	ssyncadd.s32 $0xFFFFC000  }
0x1a1: {  	[tilespmem:s13], [sflag:$0x1] =	stream.indirect.gather [hbm4b:s4+s12], $0x80, s17, s12, $0xb8;
	[tilespmem:$0x1D000] =	vst v63  }
0x1a2: {  	_ = 	snop  }
0x1a3: {  	[spmem:s1] =	stream.indirect.scatter.add.f32 [tilespmem:s15], [sflag:$0x3], $0x80, s18, s12, $0xb8;
	[tilespmem:$0x1D000] =	vst v63  }
0x1a4: {  	_ =	swait.ge [sflag:s10], $0x4000  }
0x1a5: {  	[sflag:s10] =	ssyncset.done $0x0  }
0x1a6: {  	[sflag:s10] =	ssyncadd.s32 $0xFFFFC000  }
0x1a7: {  	_ =	swait.ge [sflag:s14], $0x4000  }
0x1a8: {  	[sflag:s14] =	ssyncset.done $0x0  }
0x1a9: {  	[sflag:s14] =	ssyncadd.s32 $0xFFFFC000  }
0x1aa: {  	[tilespmem:s15], [sflag:$0x2] =	stream.indirect.gather [hbm4b:s4+s12], $0x80, s19, s12, $0xb8;
	[tilespmem:$0x1D000] =	vst v63  }
0x1ab: {  	_ = 	snop  }
0x1ac: {  	[spmem:s1] =	stream.indirect.scatter.add.f32 [tilespmem:s13], [sflag:$0x3], $0x80, s20, s12, $0xb8;
	[tilespmem:$0x1D000] =	vst v63  }
0x1ad: {  	_ =	swait.ge [sflag:s10], $0x4000  }
0x1ae: {  	[sflag:s10] =	ssyncset.done $0x0  }
0x1af: {  	[sflag:s10] =	ssyncadd.s32 $0xFFFFC000  }
0x1b0: {  	_ =	swait.ge [sflag:s16], $0x4000  }
0x1b1: {  	[sflag:s16] =	ssyncset.done $0x0  }
0x1b2: {  	[sflag:s16] =	ssyncadd.s32 $0xFFFFC000  }
0x1b3: {  	[tilespmem:s13], [sflag:$0x1] =	stream.indirect.gather [hbm4b:s4+s12], $0x80, s21, s12, $0xb8;
	[tilespmem:$0x1D000] =	vst v63  }
0x1b4: {  	_ = 	snop  }
0x1b5: {  	[spmem:s1] =	stream.indirect.scatter.add.f32 [tilespmem:s15], [sflag:$0x3], $0x80, s22, s12, $0xb8;
	[tilespmem:$0x1D000] =	vst v63  }
0x1b6: {  	_ =	swait.ge [sflag:s10], $0x4000  }
0x1b7: {  	[sflag:s10] =	ssyncset.done $0x0  }
0x1b8: {  	[sflag:s10] =	ssyncadd.s32 $0xFFFFC000  }
0x1b9: {  	_ =	swait.ge [sflag:s14], $0x4000  }
0x1ba: {  	[sflag:s14] =	ssyncset.done $0x0  }
0x1bb: {  	[sflag:s14] =	ssyncadd.s32 $0xFFFFC000  }
0x1bc: {  	[tilespmem:s15], [sflag:$0x2] =	stream.indirect.gather [hbm4b:s4+s12], $0x80, s23, s12, $0xb8;
	[tilespmem:$0x1D000] =	vst v63  }
0x1bd: {  	_ = 	snop  }
0x1be: {  	[spmem:s1] =	stream.indirect.scatter.add.f32 [tilespmem:s13], [sflag:$0x3], $0x80, s24, s12, $0xb8;
	[tilespmem:$0x1D000] =	vst v63  }
0x1bf: {  	_ =	swait.ge [sflag:s10], $0x4000  }
0x1c0: {  	[sflag:s10] =	ssyncset.done $0x0  }
0x1c1: {  	[sflag:s10] =	ssyncadd.s32 $0xFFFFC000  }
0x1c2: {  	_ =	swait.ge [sflag:s16], $0x4000  }
0x1c3: {  	[sflag:s16] =	ssyncset.done $0x0  }
0x1c4: {  	[sflag:s16] =	ssyncadd.s32 $0xFFFFC000  }
0x1c5: {  	[tilespmem:s13], [sflag:$0x1] =	stream.indirect.gather [hbm4b:s4+s12], $0x80, s25, s12, $0xb8;
	[tilespmem:$0x1D000] =	vst v63  }
0x1c6: {  	_ = 	snop  }
0x1c7: {  	[spmem:s1] =	stream.indirect.scatter.add.f32 [tilespmem:s15], [sflag:$0x3], $0x80, s26, s12, $0xb8;
	[tilespmem:$0x1D000] =	vst v63  }
0x1c8: {  	_ =	swait.ge [sflag:s10], $0x4000  }
0x1c9: {  	[sflag:s10] =	ssyncset.done $0x0  }
0x1ca: {  	[sflag:s10] =	ssyncadd.s32 $0xFFFFC000  }
0x1cb: {  	_ =	swait.ge [sflag:s14], $0x4000  }
0x1cc: {  	[sflag:s14] =	ssyncset.done $0x0  }
0x1cd: {  	[sflag:s14] =	ssyncadd.s32 $0xFFFFC000  }
0x1ce: {  	[tilespmem:s15], [sflag:$0x2] =	stream.indirect.gather [hbm4b:s4+s12], $0x80, s28, s12, $0xb8;
	[tilespmem:$0x1D000] =	vst v63  }
0x1cf: {  	_ = 	snop  }
0x1d0: {  	[spmem:s1] =	stream.indirect.scatter.add.f32 [tilespmem:s13], [sflag:$0x3], $0x80, s29, s12, $0xb8;
	[tilespmem:$0x1D000] =	vst v63  }
0x1d1: {  	_ =	swait.ge [sflag:s10], $0x4000  }
0x1d2: {  	[sflag:s10] =	ssyncset.done $0x0  }
0x1d3: {  	[sflag:s10] =	ssyncadd.s32 $0xFFFFC000  }
0x1d4: {  	_ =	swait.ge [sflag:s16], $0x4000  }
0x1d5: {  	[sflag:s16] =	ssyncset.done $0x0  }
0x1d6: {  	[sflag:s16] =	ssyncadd.s32 $0xFFFFC000  }
0x1d7: {  	[tilespmem:s13], [sflag:$0x1] =	stream.indirect.gather [hbm4b:s4+s12], $0x80, s30, s12, $0xb8;
	[tilespmem:$0x1D000] =	vst v63  }
0x1d8: {  	_ = 	snop  }
0x1d9: {  	[spmem:s1] =	stream.indirect.scatter.add.f32 [tilespmem:s15], [sflag:$0x3], $0x80, s31, s12, $0xb8;
	[tilespmem:$0x1D000] =	vst v63  }
0x1da: {  	_ =	swait.ge [sflag:s10], $0x4000  }
0x1db: {  	[sflag:s10] =	ssyncset.done $0x0  }
0x1dc: {  	[sflag:s10] =	ssyncadd.s32 $0xFFFFC000  }
0x1dd: {  	_ =	swait.ge [sflag:s14], $0x4000  }
0x1de: {  	[sflag:s14] =	ssyncset.done $0x0  }
0x1df: {  	[sflag:s14] =	ssyncadd.s32 $0xFFFFC000  }
0x1e0: {  	[tilespmem:s15], [sflag:$0x2] =	stream.indirect.gather [hbm4b:s4+s12], $0x80, s0, s12, $0xb8;
	[tilespmem:$0x1D000] =	vst v63  }
0x1e1: {  	_ = 	snop  }
0x1e2: {  	[spmem:s1] =	stream.indirect.scatter.add.f32 [tilespmem:s13], [sflag:$0x3], $0x80, s2, s12, $0xb8;
	[tilespmem:$0x1D000] =	vst v63  }
0x1e3: {  	_ =	swait.ge [sflag:s10], $0x4000  }
0x1e4: {  	[sflag:s10] =	ssyncset.done $0x0  }
0x1e5: {  	[sflag:s10] =	ssyncadd.s32 $0xFFFFC000  }
0x1e6: {  	_ =	swait.ge [sflag:s16], $0x4000  }
0x1e7: {  	[sflag:s16] =	ssyncset.done $0x0  }
0x1e8: {  	[sflag:s16] =	ssyncadd.s32 $0xFFFFC000  }
0x1e9: {  	[spmem:s1] =	stream.indirect.scatter.add.f32 [tilespmem:s15], [sflag:$0x3], $0x80, s5, s12, $0xb8;
	[tilespmem:$0x1D000] =	vst v63  }
0x1ea: {  	_ =	swait.ge [sflag:s10], $0x4000  }
0x1eb: {  	[sflag:s10] =	ssyncset.done $0x0  }
0x1ec: {  	[sflag:s10] =	ssyncadd.s32 $0xFFFFC000  }
0x1ed: {  	[bflag:$0x0] =	sbarrier.arrive $0xFFFF  }
0x1ee: {  	s7 =	rddreg [dreg:$0x12]  }
0x1ef: {  	s9 =	rddreg [dreg:$0x13]  }
0x1f0: {  	s8 =	rddreg [dreg:$0x15]  }
0x1f1: {  	[hbm:s9], [sflag:s7] =	dma.local [spmem:s8], $0x2800  }
0x1f2: {  	_ =	swait.ge [sflag:s10], $0x2800  }
0x1f3: {  	s6 =	rddreg [dreg:$0x16]  }
0x1f4: {  	s9 =	sadd.s32 $0x1, s6;
	s6 =	rddreg [dreg:$0x14]  }
0x1f5: {  	p0 =	sne.s32 s9, s6  }
.Ltmp1:
0x1f6: {  	_ = 	snop;
	(pc) =	sbr.rel @p0 .LBB2_1-.Ltmp1, $3  }
0x1f7: {  	_ =	sdelay $0x1  }
0x1f8: {  	[sflag:s10] =	ssyncset.done $0x0  }
0x1f9: {  	[sflag:s10] =	ssyncadd.s32 $0xFFFFD800  }
0x1fa: {  	_ =	sfence.sel $0x180000  }
0x1fb: {  	[bflag:$0x0] =	sbarrier.arrive $0xFFFF  }
0x1fc: {  	_ =	strace $0x9000004A  }
0x1fd: {  	s0 =	stileid.u32;
	[bflag:$0x2] =	sbarrier.arrive $0xFFFF  }
0x1fe: {  	p0 =	sne.s32 s0, $0x0;
	s0 =	rddreg [dreg:$0x2]  }
0x1ff: {  	s0 =	sadd.s32 @!p0 $0x100000, s0  }
0x200: {  	[sflag:s0] =	ssyncadd.tile.s32 @!p0 $0x1;
	_ =	shalt  }
.Lfunc_end2:
_tile_overlayer_lowered:
.L_overlay_start_2:
0x201: {  	(tag) =	ssettag $0x2  }
0x202: {  	s0 =	rddreg [dreg:$0x0];
	s2 =	stileid.u32  }
0x203: {  	s1 =	rddreg [dreg:$0x1];
	p0 =	sne.s32 s2, $0x0  }
0x204: {  	s3 =	rddreg [dreg:$0x2];
	[bflag:$0x3] =	sbarrier.arrive $0xFFFF;
	s2 =	simm.s32 @!p0 $0x1C03  }
0x205: {  	[timem:s3], [sflag:s2] =	dma.local @!p0 [hbm:s0], s1  }
0x206: {  	s0 =	simm.s32 @!p0 $0x3  }
0x207: {  	_ =	swait.ge @!p0 [sflag:s0], s1  }
0x208: {  	s1 =	ssub.s32 @!p0 $0x0, s1;
	[sflag:s0] =	ssyncset.done @!p0 $0x0  }
0x209: {  	[sflag:s0] =	ssyncadd.s32 @!p0 s1  }
0x20a: {  	[bflag:$0x3] =	sbarrier.arrive $0xFFFF  }
0x20b: {  	_ =	shalt  }

// kernel: kernel.17.cloned.1.call-start
scs
__scs_entry_jumppad:
0x0: {  	(pc) =	sbr.rel $0x88, $3  }
0x1: {  	(tag) =	ssettag $0x0;
	lr =	simm.s32 $0x1  }
0x2: {  	[smem:$0x3F95] =	sst lr;
	_ =	strace $0xD0000000  }
0x3: {  	_ = 	snop  }
0x4: {  	_ = 	snop  }
0x5: {  	_ = 	snop  }
0x6: {  	_ = 	snop  }
0x7: {  	_ = 	snop  }
__scs_overlays_trampoline_lowered:
0x8: {  	[smem:$0x3FA4] =	sst s0  }
0x9: {  	[smem:$0x3FA5] =	sst s1  }
0xa: {  	[smem:$0x3FA6] =	sst s2  }
0xb: {  	[smem:$0x3FA7] =	sst s3  }
0xc: {  	[smem:$0x3FA8] =	sst s4  }
0xd: {  	[smem:$0x3FA9] =	sst s5  }
0xe: {  	[smem:$0x3FAA] =	sst s6  }
0xf: {  	[smem:$0x3FAB] =	sst s7  }
0x10: {  	[smem:$0x3FAC] =	sst s8  }
0x11: {  	[smem:$0x3FAD] =	sst s9;
	s0 =	simm.s32 @!p0 $0x0  }
0x12: {  	s1 =	sld [smem:$0x3F93];
	s0 =	simm.s32 @p0 $0x1  }
0x13: {  	[smem:$0x3FAE] =	sst s0;
	s0 =	simm.s32 @!p1 $0x0  }
0x14: {  	s2 =	sld [smem:$0x3F92];
	s0 =	simm.s32 @p1 $0x1  }
0x15: {  	[smem:$0x3FAF] =	sst s0;
	s0 =	simm.s32 @!p2 $0x0  }
0x16: {  	s3 =	sld [smem:$0x3FDB];
	s0 =	simm.s32 @p2 $0x1  }
0x17: {  	s4 =	simm.s32 $0x1BF5;
	[smem:$0x3FB1] =	sst s0  }
0x18: {  	s0 =	sld [smem:$0x3F94];
	_ =	swait.ge [sflag:s4], $0x0  }
0x19: {  	s7 =	sld [smem:$0x3F95]  }
0x1a: {  	s8 =	sadd.s32 $0xFFFFE003, lr  }
0x1b: {  	s9 =	sadd.s32 $0xFFFFFEF7, lr;
	s5 =	simm.s32 $0xFFFFFFFF;
	p2 =	slt.u32 s8, $0xFFFFF086  }
0x1c: {  	p1 =	slt.u32 s9, $0xF7A;
	s5 =	simm.s32 @!p2 $0x0  }
0x1d: {  	s5 =	simm.s32 @p1 $0x1;
	p0 =	seq.s32 s7, s2  }
0x1e: {  	s7 =	smul.u32 @!p0 $0xF7A, s2;
	p2 =	seq.s32 @!p0 s5, $0x0  }
0x1f: {  	s9 =	smul.u32 $0xF7A, s1;
	s8 =	simm.s32 @!p0 $0x1BF5;
	p2 =	por !p2, p0  }
0x20: {  	[sflag:s8] =	ssyncset.s32 @!p0 $0xFFFFF086;
	s6 =	sadd.s32 @!p0 s3, s7;
	s7 =	simm.s32 @!p0 $0x108  }
0x21: {  	s3 =	sadd.s32 s3, s9;
	s6 =	sadd.s32 @!p0 $0x88, s6;
	s7 =	simm.s32 @p2 $0x1082  }
0x22: {  	[simem:s7], [sflag:s8] =	dma.local @!p0 [hbm:s6], $0xF7A  }
0x23: {  	s9 =	sor.u32 $0xD0000000, s2;
	s6 =	simm.s32 $0x108;
	_ =	swait.ge @!p0 [sflag:s8], $0x0  }
0x24: {  	s3 =	sadd.s32 $0x88, s3;
	s6 =	simm.s32 @!p1 $0x1082;
	[sflag:s4] =	ssyncset.s32 $0xFFFFF086  }
0x25: {  	[simem:s6], [sflag:s4] =	dma.local [hbm:s3], $0xF7A  }
0x26: {  	[smem:$0x3F95] =	sst s1;
	(tag) =	ssettag s2;
	_ =	strace s9  }
0x27: {  	s1 =	sld [smem:$0x3FA5]  }
0x28: {  	s2 =	sld [smem:$0x3FA6]  }
0x29: {  	s4 =	sld [smem:$0x3FA8]  }
0x2a: {  	p0 =	seq.s32 s5, $0x0;
	s5 =	sld [smem:$0x3FA9]  }
0x2b: {  	s6 =	sld [smem:$0x3FAA]  }
0x2c: {  	s7 =	sld [smem:$0x3FAB]  }
0x2d: {  	s3 =	simm.s32 $0x108;
	s8 =	sld [smem:$0x3FAC]  }
0x2e: {  	s3 =	simm.s32 @!p0 $0x1082;
	s9 =	sld [smem:$0x3FAD]  }
0x2f: {  	lr =	sadd.s32 s0, s3;
	s0 =	sld [smem:$0x3FA4]  }
0x30: {  	s3 =	sld [smem:$0x3FA7]  }
0x31: {  	[smem:$0x3FB0] =	sst s10  }
0x32: {  	s10 =	sld [smem:$0x3FAE];
	_ =	sdelay $0x3  }
0x33: {  	p0 =	seq.s32 s10, $0x1;
	s10 =	sld [smem:$0x3FB0];
	_ =	sdelay $0x3  }
0x34: {  	[smem:$0x3FB0] =	sst s10  }
0x35: {  	s10 =	sld [smem:$0x3FAF];
	_ =	sdelay $0x3  }
0x36: {  	p1 =	seq.s32 s10, $0x1;
	s10 =	sld [smem:$0x3FB0];
	_ =	sdelay $0x3  }
0x37: {  	[smem:$0x3FB0] =	sst s10  }
0x38: {  	s10 =	sld [smem:$0x3FB1]  }
0x39: {  	_ = 	snop;
	(pc) =	sbr.ind lr, $3  }
0x3a: {  	_ = 	snop  }
0x3b: {  	_ = 	snop  }
0x3c: {  	p2 =	seq.s32 s10, $0x1;
	s10 =	sld [smem:$0x3FB0]  }
0x3d: {  	_ =	shalt  }
0x3e: {  	_ =	shalt  }
0x3f: {  	_ =	shalt  }
0x40: {  	_ =	shalt  }
0x41: {  	_ =	shalt  }
0x42: {  	_ =	shalt  }
0x43: {  	_ =	shalt  }
0x44: {  	_ =	shalt  }
0x45: {  	_ =	shalt  }
0x46: {  	_ =	shalt  }
0x47: {  	_ =	shalt  }
0x48: {  	_ =	shalt  }
0x49: {  	_ =	shalt  }
0x4a: {  	_ =	shalt  }
0x4b: {  	_ =	shalt  }
0x4c: {  	_ =	shalt  }
0x4d: {  	_ =	shalt  }
0x4e: {  	_ =	shalt  }
0x4f: {  	_ =	shalt  }
0x50: {  	_ =	shalt  }
0x51: {  	_ =	shalt  }
0x52: {  	_ =	shalt  }
0x53: {  	_ =	shalt  }
0x54: {  	_ =	shalt  }
0x55: {  	_ =	shalt  }
0x56: {  	_ =	shalt  }
0x57: {  	_ =	shalt  }
0x58: {  	_ =	shalt  }
0x59: {  	_ =	shalt  }
0x5a: {  	_ =	shalt  }
0x5b: {  	_ =	shalt  }
0x5c: {  	_ =	shalt  }
0x5d: {  	_ =	shalt  }
0x5e: {  	_ =	shalt  }
0x5f: {  	_ =	shalt  }
0x60: {  	_ =	shalt  }
0x61: {  	_ =	shalt  }
0x62: {  	_ =	shalt  }
0x63: {  	_ =	shalt  }
0x64: {  	_ =	shalt  }
0x65: {  	_ =	shalt  }
0x66: {  	_ =	shalt  }
0x67: {  	_ =	shalt  }
0x68: {  	_ =	shalt  }
0x69: {  	_ =	shalt  }
0x6a: {  	_ =	shalt  }
0x6b: {  	_ =	shalt  }
0x6c: {  	_ =	shalt  }
0x6d: {  	_ =	shalt  }
0x6e: {  	_ =	shalt  }
0x6f: {  	_ =	shalt  }
0x70: {  	_ =	shalt  }
0x71: {  	_ =	shalt  }
0x72: {  	_ =	shalt  }
0x73: {  	_ =	shalt  }
0x74: {  	_ =	shalt  }
0x75: {  	_ =	shalt  }
0x76: {  	_ =	shalt  }
0x77: {  	_ =	shalt  }
0x78: {  	_ =	shalt  }
0x79: {  	_ =	shalt  }
0x7a: {  	_ =	shalt  }
0x7b: {  	_ =	shalt  }
0x7c: {  	_ =	shalt  }
0x7d: {  	_ =	shalt  }
0x7e: {  	_ =	shalt  }
0x7f: {  	_ =	shalt  }
0x80: {  	_ =	shalt  }
0x81: {  	_ =	shalt  }
0x82: {  	_ =	shalt  }
0x83: {  	_ =	shalt  }
0x84: {  	_ =	shalt  }
0x85: {  	_ =	shalt  }
0x86: {  	_ =	shalt  }
0x87: {  	_ =	shalt  }
.Lfunc_end0:
.L_simem_size_0:
called_computation.2_lowered:
.L_overlay_start_0:
0x88: {  	s2 =	sld [smem:$0x3FD9]  }
0x89: {  	s3 =	sld [smem:$0x3FFE];
	_ =	sdelay $0x1  }
0x8a: {  	s1 =	srdreg.scid  }
0x8b: {  	s0 =	sand.u32 $0x1, s1  }
0x8c: {  	s16 =	sshll.u32 s0, $0xA;
	s2 =	sadd.s32 s3, s2  }
0x8d: {  	s2 =	sadd.s32 s2, s16  }
0x8e: {  	[smem:$0x3FBC] =	sst s2  }
0x8f: {  	_ = 	snop  }
0x90: {  	(tm) =	ssettm $0x1  }
0x91: {  	s17 =	sld [smem:$0x3FFB];
	_ =	sdelay $0x3  }
0x92: {  	_ =	strace s17  }
0x93: {  	s2 =	sld [smem:$0x3FFC];
	_ =	sdelay $0x3  }
0x94: {  	_ =	strace s2  }
0x95: {  	s2 =	sld [smem:$0x3FFD];
	_ =	sdelay $0x3  }
0x96: {  	_ =	strace s2  }
0x97: {  	_ =	strace $0x8FFFFFFF  }
0x98: {  	s18 =	sld [smem:$0x3FDB];
	_ =	sdelay $0x1  }
0x99: {  	s19 =	simm.s32 $_scs_section_size  }
0x9a: {  	s4 =	simm.s32 $_size__tile_overlayer_lowered;
	s5 =	simm.s32 $_tile_overlayer_lowered  }
0x9b: {  	s22 =	simm.s32 $0x1BFF;
	s21 =	sshll.u32 s5, $0x1;
	s2 =	sadd.s32 s19, s18  }
0x9c: {  	s6 =	simm.s32 $0x0;
	s20 =	sshll.u32 s4, $0x1;
	s4 =	sadd.s32 s21, s2  }
0x9d: {  	[timem:s6], [sflag:s22] =	dma.local [hbm:s4], s20  }
0x9e: {  	_ =	swait.ge [sflag:s22], s20  }
0x9f: {  	s3 =	ssub.s32 $0x0, s20;
	[sflag:s22] =	ssyncset.done $0x0  }
0xa0: {  	[sflag:s22] =	ssyncadd.s32 s3;
	_ =	sdelay $0x1  }
0xa1: {  	s23 =	simm.s32 $0x1B8B  }
0xa2: {  	_ =	swait.ge [sflag:s23], $0x1  }
0xa3: {  	[sflag:s23] =	ssyncset.done $0x0  }
0xa4: {  	s25 =	simm.s32 $0x1B8E;
	s24 =	sld [smem:$0x3FFE];
	[sflag:s23] =	ssyncadd.s32 $0xFFFFFFFF  }
0xa5: {  	s26 =	simm.s32 $execute0_lowered;
	[smem:$0x3FD2] =	sst s25  }
0xa6: {  	s4 =	sshll.u32 s26, $0x1;
	_ =	strace $0x8000004C;
	[dreg:$0x1] =	wrdreg $0xFFFFFFFF  }
0xa7: {  	s28 =	simm.s32 $_size_execute0_lowered;
	s2 =	sadd.s32 s2, s4;
	[dreg:$0x0] =	wrdreg $0x0  }
0xa8: {  	s4 =	sshll.u32 s28, $0x1;
	[dreg:$0x2] =	wrdreg s2  }
0xa9: {  	[dreg:$0x3] =	wrdreg s4  }
0xaa: {  	[dreg:$0x4] =	wrdreg $0xC0  }
0xab: {  	_ =	task [dreg:s6], $0x5FFFF  }
0xac: {  	[dreg:$0x1] =	wrdreg $0xFFFFFFFF  }
0xad: {  	[dreg:$0x0] =	wrdreg $0x60  }
0xae: {  	[dreg:$0x2] =	wrdreg s24  }
0xaf: {  	[dreg:$0x3] =	wrdreg $0x90000  }
0xb0: {  	[dreg:$0x4] =	wrdreg $0x9  }
0xb1: {  	_ =	task.clear_ibuf [dreg:s6], $0x5FFFF;
	_ =	strace $0x9000004C  }
0xb2: {  	s29 =	simm.s32 $0x9;
	_ =	strace $0x8000004E  }
0xb3: {  	_ =	swait.ge [sflag:s29], $0x1  }
0xb4: {  	[sflag:s29] =	ssyncadd.s32 $0xFFFFFFFF  }
0xb5: {  	_ =	strace $0x9000004E  }
0xb6: {  	_ =	sfence  }
0xb7: {  	s30 =	sld [smem:$0x0];
	_ =	sdelay $0x2  }
0xb8: {  	s31 =	sshll.u32 s1, $0xD;
	s1 =	sshrl.u32 s1, $0x2  }
0xb9: {  	s3 =	sand.u32 $0x4000, s31;
	s1 =	sadd.s32 s1, s30  }
0xba: {  	s0 =	sor.u32 s3, s0;
	s1 =	sshll.u32 s1, $0x11  }
0xbb: {  	s0 =	sor.u32 s1, s0  }
0xbc: {  	s0 =	sadd.s32 $0x8F2B, s0  }
0xbd: {  	[sflag:s0] =	ssyncadd.remote.s32 $0x1  }
0xbe: {  	_ =	sfence.sel $0xFFFF  }
0xbf: {  	[dreg:$0x0] =	wrdreg $0xFFFFFFFF;
	(pc) =	sbr.abs _section_cstart, $3  }
0xc0: {  	[dreg:$0x1] =	wrdreg $0xFFFFFFFF  }
0xc1: {  	_ =	task.clear_ibuf [dreg:s6], $0x2FFFF;
	_ =	strace $0x9FFFFFFF  }
0xc2: {  	(tm) =	ssettm $0x7FFFFFFF  }
0xc3: {  	_ =	shalt  }
tec
execute0_lowered:
.L_overlay_start_1:
0x0: {  	(tag) =	ssettag $0x1  }
0x1: {  	s0 =	rddreg [dreg:$0x0]  }
0x2: {  	s1 =	rddreg [dreg:$0x1];
	s2 =	srdreg.scid;
	s3 =	simm.s32 $0x0  }
0x3: {  	s9 =	stileid.u32;
	s14 =	simm.s32 $0x100;
	s15 =	simm.s32 $0x880  }
0x4: {  	s17 =	simm.s32 $0x180;
	[smem:$0x7FF] =	sst s3;
	s8 =	sadd.s32 $0x16400, s0  }
0x5: {  	s18 =	simm.s32 $0x900;
	_ =	strace $0x8000004D;
	[dreg:$0x11] =	wrdreg s8  }
0x6: {  	s19 =	simm.s32 $0x200;
	s20 =	simm.s32 $0x980;
	[dreg:$0x5] =	wrdreg s14  }
0x7: {  	s21 =	simm.s32 $0x280;
	s22 =	simm.s32 $0xA00;
	[dreg:$0x6] =	wrdreg s15  }
0x8: {  	s23 =	simm.s32 $0x300;
	s24 =	simm.s32 $0xA80;
	[dreg:$0x7] =	wrdreg s17  }
0x9: {  	s25 =	simm.s32 $0x380;
	s28 =	simm.s32 $0x680;
	[dreg:$0x8] =	wrdreg s18  }
0xa: {  	s29 =	simm.s32 $0xE00;
	s30 =	simm.s32 $0x700;
	[dreg:$0x9] =	wrdreg s19  }
0xb: {  	s31 =	simm.s32 $0xE80;
	s6 =	smul.u32 $0x14000, s9;
	[dreg:$0xa] =	wrdreg s20  }
0xc: {  	s2 =	sand.u32 $0x1, s2;
	s26 =	smul.u32 $0x500, s9;
	[dreg:$0xb] =	wrdreg s21  }
0xd: {  	s4 =	sadd.s32 $0xCA600, s0;
	s11 =	smul.u32 $0x50000, s9;
	[dreg:$0xc] =	wrdreg s22  }
0xe: {  	s16 =	sshll.u32 s9, $0x6;
	s5 =	smul.u32 $0x140000, s2;
	[dreg:$0xd] =	wrdreg s23  }
0xf: {  	s9 =	simm.s32 $0x0;
	s7 =	smul.u32 $0x5000, s2;
	[dreg:$0xe] =	wrdreg s24  }
0x10: {  	s2 =	ssub.s32 $0x2, s2;
	s14 =	simm.s32 $0x1;
	[dreg:$0xf] =	wrdreg s25  }
0x11: {  	s15 =	simm.s32 $0x5000;
	s17 =	simm.s32 $0x400;
	s18 =	simm.s32 $0xB80  }
0x12: {  	s19 =	simm.s32 $0x480;
	s20 =	simm.s32 $0xC00;
	s21 =	simm.s32 $0x500  }
0x13: {  	s22 =	simm.s32 $0xC80;
	s23 =	simm.s32 $0x580;
	s24 =	simm.s32 $0xD00  }
0x14: {  	s25 =	simm.s32 $0x600;
	s10 =	sshrl.u32 s2, $0x1;
	s13 =	sshrl.u32 s11, $0x2  }
0x15: {  	s11 =	simm.s32 $0x800;
	s5 =	sadd.s32 s6, s5;
	s7 =	sadd.s32 s7, s0  }
0x16: {  	s2 =	ssub.s32 s2, s10;
	s6 =	sadd.s32 s13, s1;
	s10 =	simm.s32 $0x3  }
0x17: {  	s13 =	simm.s32 $0x1000;
	s5 =	sshrl.u32 s5, $0x3;
	s2 =	smax.u32 s2, $0x1  }
0x18: {  	s7 =	sadd.s32 s26, s7;
	s26 =	simm.s32 $0xB00;
	[dreg:$0x14] =	wrdreg s2  }
0x19: {  	s8 =	sshrl.u32 s6, $0x3;
	s0 =	sadd.s32 s5, s0;
	[dreg:$0x10] =	wrdreg s26  }
0x1a: {  	s12 =	sadd.s32 $0xC400, s7;
	s5 =	sadd.s32 $0x2400, s7;
	[dreg:$0x15] =	wrdreg s8  }
0x1b: {  	s7 =	sor.u32 $0x1C03, s16;
	s16 =	simm.s32 $0x2;
	[dreg:$0x3] =	wrdreg s12  }
0x1c: {  	s26 =	simm.s32 $0xD80;
	s2 =	simm.s32 $0xF00;
	[dreg:$0x4] =	wrdreg s5  }
0x1d: {  	s0 =	sadd.s32 $0xF2600, s0;
	s12 =	simm.s32 $0x80;
	[dreg:$0x12] =	wrdreg s7  }
0x1e: {  	s5 =	simm.s32 $0xF80;
	[dreg:$0x13] =	wrdreg s0;
	s0 =	simm.s32 $0x780  }
.LBB2_1:
0x1f: {  	[dreg:$0x16] =	wrdreg s9  }
0x20: {  	s6 =	rddreg [dreg:$0x11]  }
0x21: {  	[spmem:s8], [sflag:s7] =	dma.local [hbm:s6], $0x2800  }
0x22: {  	_ =	swait.ge [sflag:s10], $0x2800  }
0x23: {  	[sflag:s10] =	ssyncset.done $0x0  }
0x24: {  	[sflag:s10] =	ssyncadd.s32 $0xFFFFD800  }
0x25: {  	[bflag:$0x0] =	sbarrier.arrive $0xFFFF  }
0x26: {  	s7 =	rddreg [dreg:$0x3]  }
0x27: {  	s6 =	sadd.s32 $0x0, s7  }
0x28: {  	[tilespmem:s3], [sflag:$0x3] =	stream.linear.gather [hbm4b:s6+s3], $0x800, $0x38;
	[tilespmem:$0x1D000] =	vst v63  }
0x29: {  	_ =	swait.ge [sflag:s10], $0x800  }
0x2a: {  	s8 =	rddreg [dreg:$0x4];
	[sflag:s10] =	ssyncset.done $0x0  }
0x2b: {  	[sflag:s10] =	ssyncadd.s32 $0xFFFFF800;
	s6 =	sadd.s32 $0x0, s8  }
0x2c: {  	[tilespmem:s11], [sflag:$0x3] =	stream.linear.gather [hbm4b:s6+s3], $0x800, $0x38;
	[tilespmem:$0x1D000] =	vst v63  }
0x2d: {  	_ =	swait.ge [sflag:s10], $0x800  }
0x2e: {  	[sflag:s10] =	ssyncset.done $0x0  }
0x2f: {  	[sflag:s10] =	ssyncadd.s32 $0xFFFFF800  }
0x30: {  	[tilespmem:s13], [sflag:$0x1] =	stream.indirect.gather [hbm4b:s4+s12], $0x80, s3, s12, $0xb8;
	[tilespmem:$0x1D000] =	vst v63  }
0x31: {  	_ =	swait.ge [sflag:s14], $0x4000  }
0x32: {  	[sflag:s14] =	ssyncset.done $0x0  }
0x33: {  	[sflag:s14] =	ssyncadd.s32 $0xFFFFC000  }
0x34: {  	[tilespmem:s15], [sflag:$0x2] =	stream.indirect.gather [hbm4b:s4+s12], $0x80, s12, s12, $0xb8;
	[tilespmem:$0x1D000] =	vst v63  }
0x35: {  	_ = 	snop  }
0x36: {  	[spmem:s1] =	stream.indirect.scatter.add.f32 [tilespmem:s13], [sflag:$0x3], $0x80, s11, s12, $0xb8;
	[tilespmem:$0x1D000] =	vst v63  }
0x37: {  	_ =	swait.ge [sflag:s10], $0x4000  }
0x38: {  	[sflag:s10] =	ssyncset.done $0x0  }
0x39: {  	[sflag:s10] =	ssyncadd.s32 $0xFFFFC000  }
0x3a: {  	_ =	swait.ge [sflag:s16], $0x4000  }
0x3b: {  	[sflag:s16] =	ssyncset.done $0x0  }
0x3c: {  	s9 =	rddreg [dreg:$0x5];
	[sflag:s16] =	ssyncadd.s32 $0xFFFFC000  }
0x3d: {  	[tilespmem:s13], [sflag:$0x1] =	stream.indirect.gather [hbm4b:s4+s12], $0x80, s9, s12, $0xb8;
	[tilespmem:$0x1D000] =	vst v63  }
0x3e: {  	s7 =	rddreg [dreg:$0x6]  }
0x3f: {  	[spmem:s1] =	stream.indirect.scatter.add.f32 [tilespmem:s15], [sflag:$0x3], $0x80, s7, s12, $0xb8;
	[tilespmem:$0x1D000] =	vst v63  }
0x40: {  	_ =	swait.ge [sflag:s10], $0x4000  }
0x41: {  	[sflag:s10] =	ssyncset.done $0x0  }
0x42: {  	[sflag:s10] =	ssyncadd.s32 $0xFFFFC000  }
0x43: {  	_ =	swait.ge [sflag:s14], $0x4000  }
0x44: {  	[sflag:s14] =	ssyncset.done $0x0  }
0x45: {  	s9 =	rddreg [dreg:$0x7];
	[sflag:s14] =	ssyncadd.s32 $0xFFFFC000  }
0x46: {  	[tilespmem:s15], [sflag:$0x2] =	stream.indirect.gather [hbm4b:s4+s12], $0x80, s9, s12, $0xb8;
	[tilespmem:$0x1D000] =	vst v63  }
0x47: {  	s7 =	rddreg [dreg:$0x8]  }
0x48: {  	[spmem:s1] =	stream.indirect.scatter.add.f32 [tilespmem:s13], [sflag:$0x3], $0x80, s7, s12, $0xb8;
	[tilespmem:$0x1D000] =	vst v63  }
0x49: {  	_ =	swait.ge [sflag:s10], $0x4000  }
0x4a: {  	[sflag:s10] =	ssyncset.done $0x0  }
0x4b: {  	[sflag:s10] =	ssyncadd.s32 $0xFFFFC000  }
0x4c: {  	_ =	swait.ge [sflag:s16], $0x4000  }
0x4d: {  	[sflag:s16] =	ssyncset.done $0x0  }
0x4e: {  	s9 =	rddreg [dreg:$0x9];
	[sflag:s16] =	ssyncadd.s32 $0xFFFFC000  }
0x4f: {  	[tilespmem:s13], [sflag:$0x1] =	stream.indirect.gather [hbm4b:s4+s12], $0x80, s9, s12, $0xb8;
	[tilespmem:$0x1D000] =	vst v63  }
0x50: {  	s7 =	rddreg [dreg:$0xa]  }
0x51: {  	[spmem:s1] =	stream.indirect.scatter.add.f32 [tilespmem:s15], [sflag:$0x3], $0x80, s7, s12, $0xb8;
	[tilespmem:$0x1D000] =	vst v63  }
0x52: {  	_ =	swait.ge [sflag:s10], $0x4000  }
0x53: {  	[sflag:s10] =	ssyncset.done $0x0  }
0x54: {  	[sflag:s10] =	ssyncadd.s32 $0xFFFFC000  }
0x55: {  	_ =	swait.ge [sflag:s14], $0x4000  }
0x56: {  	[sflag:s14] =	ssyncset.done $0x0  }
0x57: {  	s9 =	rddreg [dreg:$0xb];
	[sflag:s14] =	ssyncadd.s32 $0xFFFFC000  }
0x58: {  	[tilespmem:s15], [sflag:$0x2] =	stream.indirect.gather [hbm4b:s4+s12], $0x80, s9, s12, $0xb8;
	[tilespmem:$0x1D000] =	vst v63  }
0x59: {  	s7 =	rddreg [dreg:$0xc]  }
0x5a: {  	[spmem:s1] =	stream.indirect.scatter.add.f32 [tilespmem:s13], [sflag:$0x3], $0x80, s7, s12, $0xb8;
	[tilespmem:$0x1D000] =	vst v63  }
0x5b: {  	_ =	swait.ge [sflag:s10], $0x4000  }
0x5c: {  	[sflag:s10] =	ssyncset.done $0x0  }
0x5d: {  	[sflag:s10] =	ssyncadd.s32 $0xFFFFC000  }
0x5e: {  	_ =	swait.ge [sflag:s16], $0x4000  }
0x5f: {  	[sflag:s16] =	ssyncset.done $0x0  }
0x60: {  	s9 =	rddreg [dreg:$0xd];
	[sflag:s16] =	ssyncadd.s32 $0xFFFFC000  }
0x61: {  	[tilespmem:s13], [sflag:$0x1] =	stream.indirect.gather [hbm4b:s4+s12], $0x80, s9, s12, $0xb8;
	[tilespmem:$0x1D000] =	vst v63  }
0x62: {  	s7 =	rddreg [dreg:$0xe]  }
0x63: {  	[spmem:s1] =	stream.indirect.scatter.add.f32 [tilespmem:s15], [sflag:$0x3], $0x80, s7, s12, $0xb8;
	[tilespmem:$0x1D000] =	vst v63  }
0x64: {  	_ =	swait.ge [sflag:s10], $0x4000  }
0x65: {  	[sflag:s10] =	ssyncset.done $0x0  }
0x66: {  	[sflag:s10] =	ssyncadd.s32 $0xFFFFC000  }
0x67: {  	_ =	swait.ge [sflag:s14], $0x4000  }
0x68: {  	[sflag:s14] =	ssyncset.done $0x0  }
0x69: {  	s8 =	rddreg [dreg:$0xf];
	[sflag:s14] =	ssyncadd.s32 $0xFFFFC000  }
0x6a: {  	[tilespmem:s15], [sflag:$0x2] =	stream.indirect.gather [hbm4b:s4+s12], $0x80, s8, s12, $0xb8;
	[tilespmem:$0x1D000] =	vst v63  }
0x6b: {  	s9 =	rddreg [dreg:$0x10]  }
0x6c: {  	[spmem:s1] =	stream.indirect.scatter.add.f32 [tilespmem:s13], [sflag:$0x3], $0x80, s9, s12, $0xb8;
	[tilespmem:$0x1D000] =	vst v63  }
0x6d: {  	_ =	swait.ge [sflag:s10], $0x4000  }
0x6e: {  	[sflag:s10] =	ssyncset.done $0x0  }
0x6f: {  	[sflag:s10] =	ssyncadd.s32 $0xFFFFC000  }
0x70: {  	_ =	swait.ge [sflag:s16], $0x4000  }
0x71: {  	[sflag:s16] =	ssyncset.done $0x0  }
0x72: {  	[sflag:s16] =	ssyncadd.s32 $0xFFFFC000  }
0x73: {  	[tilespmem:s13], [sflag:$0x1] =	stream.indirect.gather [hbm4b:s4+s12], $0x80, s17, s12, $0xb8;
	[tilespmem:$0x1D000] =	vst v63  }
0x74: {  	_ = 	snop  }
0x75: {  	[spmem:s1] =	stream.indirect.scatter.add.f32 [tilespmem:s15], [sflag:$0x3], $0x80, s18, s12, $0xb8;
	[tilespmem:$0x1D000] =	vst v63  }
0x76: {  	_ =	swait.ge [sflag:s10], $0x4000  }
0x77: {  	[sflag:s10] =	ssyncset.done $0x0  }
0x78: {  	[sflag:s10] =	ssyncadd.s32 $0xFFFFC000  }
0x79: {  	_ =	swait.ge [sflag:s14], $0x4000  }
0x7a: {  	[sflag:s14] =	ssyncset.done $0x0  }
0x7b: {  	[sflag:s14] =	ssyncadd.s32 $0xFFFFC000  }
0x7c: {  	[tilespmem:s15], [sflag:$0x2] =	stream.indirect.gather [hbm4b:s4+s12], $0x80, s19, s12, $0xb8;
	[tilespmem:$0x1D000] =	vst v63  }
0x7d: {  	_ = 	snop  }
0x7e: {  	[spmem:s1] =	stream.indirect.scatter.add.f32 [tilespmem:s13], [sflag:$0x3], $0x80, s20, s12, $0xb8;
	[tilespmem:$0x1D000] =	vst v63  }
0x7f: {  	_ =	swait.ge [sflag:s10], $0x4000  }
0x80: {  	[sflag:s10] =	ssyncset.done $0x0  }
0x81: {  	[sflag:s10] =	ssyncadd.s32 $0xFFFFC000  }
0x82: {  	_ =	swait.ge [sflag:s16], $0x4000  }
0x83: {  	[sflag:s16] =	ssyncset.done $0x0  }
0x84: {  	[sflag:s16] =	ssyncadd.s32 $0xFFFFC000  }
0x85: {  	[tilespmem:s13], [sflag:$0x1] =	stream.indirect.gather [hbm4b:s4+s12], $0x80, s21, s12, $0xb8;
	[tilespmem:$0x1D000] =	vst v63  }
0x86: {  	_ = 	snop  }
0x87: {  	[spmem:s1] =	stream.indirect.scatter.add.f32 [tilespmem:s15], [sflag:$0x3], $0x80, s22, s12, $0xb8;
	[tilespmem:$0x1D000] =	vst v63  }
0x88: {  	_ =	swait.ge [sflag:s10], $0x4000  }
0x89: {  	[sflag:s10] =	ssyncset.done $0x0  }
0x8a: {  	[sflag:s10] =	ssyncadd.s32 $0xFFFFC000  }
0x8b: {  	_ =	swait.ge [sflag:s14], $0x4000  }
0x8c: {  	[sflag:s14] =	ssyncset.done $0x0  }
0x8d: {  	[sflag:s14] =	ssyncadd.s32 $0xFFFFC000  }
0x8e: {  	[tilespmem:s15], [sflag:$0x2] =	stream.indirect.gather [hbm4b:s4+s12], $0x80, s23, s12, $0xb8;
	[tilespmem:$0x1D000] =	vst v63  }
0x8f: {  	_ = 	snop  }
0x90: {  	[spmem:s1] =	stream.indirect.scatter.add.f32 [tilespmem:s13], [sflag:$0x3], $0x80, s24, s12, $0xb8;
	[tilespmem:$0x1D000] =	vst v63  }
0x91: {  	_ =	swait.ge [sflag:s10], $0x4000  }
0x92: {  	[sflag:s10] =	ssyncset.done $0x0  }
0x93: {  	[sflag:s10] =	ssyncadd.s32 $0xFFFFC000  }
0x94: {  	_ =	swait.ge [sflag:s16], $0x4000  }
0x95: {  	[sflag:s16] =	ssyncset.done $0x0  }
0x96: {  	[sflag:s16] =	ssyncadd.s32 $0xFFFFC000  }
0x97: {  	[tilespmem:s13], [sflag:$0x1] =	stream.indirect.gather [hbm4b:s4+s12], $0x80, s25, s12, $0xb8;
	[tilespmem:$0x1D000] =	vst v63  }
0x98: {  	_ = 	snop  }
0x99: {  	[spmem:s1] =	stream.indirect.scatter.add.f32 [tilespmem:s15], [sflag:$0x3], $0x80, s26, s12, $0xb8;
	[tilespmem:$0x1D000] =	vst v63  }
0x9a: {  	_ =	swait.ge [sflag:s10], $0x4000  }
0x9b: {  	[sflag:s10] =	ssyncset.done $0x0  }
0x9c: {  	[sflag:s10] =	ssyncadd.s32 $0xFFFFC000  }
0x9d: {  	_ =	swait.ge [sflag:s14], $0x4000  }
0x9e: {  	[sflag:s14] =	ssyncset.done $0x0  }
0x9f: {  	[sflag:s14] =	ssyncadd.s32 $0xFFFFC000  }
0xa0: {  	[tilespmem:s15], [sflag:$0x2] =	stream.indirect.gather [hbm4b:s4+s12], $0x80, s28, s12, $0xb8;
	[tilespmem:$0x1D000] =	vst v63  }
0xa1: {  	_ = 	snop  }
0xa2: {  	[spmem:s1] =	stream.indirect.scatter.add.f32 [tilespmem:s13], [sflag:$0x3], $0x80, s29, s12, $0xb8;
	[tilespmem:$0x1D000] =	vst v63  }
0xa3: {  	_ =	swait.ge [sflag:s10], $0x4000  }
0xa4: {  	[sflag:s10] =	ssyncset.done $0x0  }
0xa5: {  	[sflag:s10] =	ssyncadd.s32 $0xFFFFC000  }
0xa6: {  	_ =	swait.ge [sflag:s16], $0x4000  }
0xa7: {  	[sflag:s16] =	ssyncset.done $0x0  }
0xa8: {  	[sflag:s16] =	ssyncadd.s32 $0xFFFFC000  }
0xa9: {  	[tilespmem:s13], [sflag:$0x1] =	stream.indirect.gather [hbm4b:s4+s12], $0x80, s30, s12, $0xb8;
	[tilespmem:$0x1D000] =	vst v63  }
0xaa: {  	_ = 	snop  }
0xab: {  	[spmem:s1] =	stream.indirect.scatter.add.f32 [tilespmem:s15], [sflag:$0x3], $0x80, s31, s12, $0xb8;
	[tilespmem:$0x1D000] =	vst v63  }
0xac: {  	_ =	swait.ge [sflag:s10], $0x4000  }
0xad: {  	[sflag:s10] =	ssyncset.done $0x0  }
0xae: {  	[sflag:s10] =	ssyncadd.s32 $0xFFFFC000  }
0xaf: {  	_ =	swait.ge [sflag:s14], $0x4000  }
0xb0: {  	[sflag:s14] =	ssyncset.done $0x0  }
0xb1: {  	[sflag:s14] =	ssyncadd.s32 $0xFFFFC000  }
0xb2: {  	[tilespmem:s15], [sflag:$0x2] =	stream.indirect.gather [hbm4b:s4+s12], $0x80, s0, s12, $0xb8;
	[tilespmem:$0x1D000] =	vst v63  }
0xb3: {  	_ = 	snop  }
0xb4: {  	[spmem:s1] =	stream.indirect.scatter.add.f32 [tilespmem:s13], [sflag:$0x3], $0x80, s2, s12, $0xb8;
	[tilespmem:$0x1D000] =	vst v63  }
0xb5: {  	_ =	swait.ge [sflag:s10], $0x4000  }
0xb6: {  	[sflag:s10] =	ssyncset.done $0x0  }
0xb7: {  	[sflag:s10] =	ssyncadd.s32 $0xFFFFC000  }
0xb8: {  	_ =	swait.ge [sflag:s16], $0x4000  }
0xb9: {  	[sflag:s16] =	ssyncset.done $0x0  }
0xba: {  	[sflag:s16] =	ssyncadd.s32 $0xFFFFC000  }
0xbb: {  	[spmem:s1] =	stream.indirect.scatter.add.f32 [tilespmem:s15], [sflag:$0x3], $0x80, s5, s12, $0xb8;
	[tilespmem:$0x1D000] =	vst v63  }
0xbc: {  	s6 =	simm.s32 $0x200;
	_ =	swait.ge [sflag:s10], $0x4000  }
0xbd: {  	s8 =	simm.s32 $0x100;
	s9 =	rddreg [dreg:$0x3];
	[sflag:s10] =	ssyncset.done $0x0  }
.LBB2_2:
0xbe: {  	[sflag:s10] =	ssyncadd.s32 $0xFFFFC000;
	s9 =	sadd.s32 s8, s9  }
0xbf: {  	[tilespmem:s3], [sflag:$0x3] =	stream.linear.gather [hbm4b:s9+s3], $0x800, $0x38;
	[tilespmem:$0x1D000] =	vst v63  }
0xc0: {  	_ =	swait.ge [sflag:s10], $0x800  }
0xc1: {  	s9 =	rddreg [dreg:$0x4];
	[sflag:s10] =	ssyncset.done $0x0  }
0xc2: {  	[sflag:s10] =	ssyncadd.s32 $0xFFFFF800;
	s9 =	sadd.s32 s8, s9  }
0xc3: {  	[tilespmem:s11], [sflag:$0x3] =	stream.linear.gather [hbm4b:s9+s3], $0x800, $0x38;
	[tilespmem:$0x1D000] =	vst v63  }
0xc4: {  	_ =	swait.ge [sflag:s10], $0x800  }
0xc5: {  	[sflag:s10] =	ssyncset.done $0x0  }
0xc6: {  	[sflag:s10] =	ssyncadd.s32 $0xFFFFF800  }
0xc7: {  	[tilespmem:s13], [sflag:$0x1] =	stream.indirect.gather [hbm4b:s4+s12], $0x80, s3, s12, $0xb8;
	[tilespmem:$0x1D000] =	vst v63  }
0xc8: {  	_ =	swait.ge [sflag:s14], $0x4000  }
0xc9: {  	[sflag:s14] =	ssyncset.done $0x0  }
0xca: {  	[sflag:s14] =	ssyncadd.s32 $0xFFFFC000  }
0xcb: {  	[tilespmem:s15], [sflag:$0x2] =	stream.indirect.gather [hbm4b:s4+s12], $0x80, s12, s12, $0xb8;
	[tilespmem:$0x1D000] =	vst v63  }
0xcc: {  	_ = 	snop  }
0xcd: {  	[spmem:s1] =	stream.indirect.scatter.add.f32 [tilespmem:s13], [sflag:$0x3], $0x80, s11, s12, $0xb8;
	[tilespmem:$0x1D000] =	vst v63  }
0xce: {  	_ =	swait.ge [sflag:s10], $0x4000  }
0xcf: {  	[sflag:s10] =	ssyncset.done $0x0  }
0xd0: {  	[sflag:s10] =	ssyncadd.s32 $0xFFFFC000  }
0xd1: {  	_ =	swait.ge [sflag:s16], $0x4000  }
0xd2: {  	s7 =	smov.u32 s6;
	[sflag:s16] =	ssyncset.done $0x0  }
0xd3: {  	s8 =	smov.u32 s7;
	s7 =	rddreg [dreg:$0x5];
	[sflag:s16] =	ssyncadd.s32 $0xFFFFC000  }
0xd4: {  	[tilespmem:s13], [sflag:$0x1] =	stream.indirect.gather [hbm4b:s4+s12], $0x80, s7, s12, $0xb8;
	[tilespmem:$0x1D000] =	vst v63  }
0xd5: {  	s9 =	rddreg [dreg:$0x6]  }
0xd6: {  	[spmem:s1] =	stream.indirect.scatter.add.f32 [tilespmem:s15], [sflag:$0x3], $0x80, s9, s12, $0xb8;
	[tilespmem:$0x1D000] =	vst v63  }
0xd7: {  	_ =	swait.ge [sflag:s10], $0x4000  }
0xd8: {  	[sflag:s10] =	ssyncset.done $0x0  }
0xd9: {  	[sflag:s10] =	ssyncadd.s32 $0xFFFFC000  }
0xda: {  	_ =	swait.ge [sflag:s14], $0x4000  }
0xdb: {  	[sflag:s14] =	ssyncset.done $0x0  }
0xdc: {  	s7 =	rddreg [dreg:$0x7];
	[sflag:s14] =	ssyncadd.s32 $0xFFFFC000  }
0xdd: {  	[tilespmem:s15], [sflag:$0x2] =	stream.indirect.gather [hbm4b:s4+s12], $0x80, s7, s12, $0xb8;
	[tilespmem:$0x1D000] =	vst v63  }
0xde: {  	s9 =	rddreg [dreg:$0x8]  }
0xdf: {  	[spmem:s1] =	stream.indirect.scatter.add.f32 [tilespmem:s13], [sflag:$0x3], $0x80, s9, s12, $0xb8;
	[tilespmem:$0x1D000] =	vst v63  }
0xe0: {  	_ =	swait.ge [sflag:s10], $0x4000  }
0xe1: {  	[sflag:s10] =	ssyncset.done $0x0  }
0xe2: {  	[sflag:s10] =	ssyncadd.s32 $0xFFFFC000  }
0xe3: {  	_ =	swait.ge [sflag:s16], $0x4000  }
0xe4: {  	[sflag:s16] =	ssyncset.done $0x0  }
0xe5: {  	s7 =	rddreg [dreg:$0x9];
	[sflag:s16] =	ssyncadd.s32 $0xFFFFC000  }
0xe6: {  	[tilespmem:s13], [sflag:$0x1] =	stream.indirect.gather [hbm4b:s4+s12], $0x80, s7, s12, $0xb8;
	[tilespmem:$0x1D000] =	vst v63  }
0xe7: {  	s9 =	rddreg [dreg:$0xa]  }
0xe8: {  	[spmem:s1] =	stream.indirect.scatter.add.f32 [tilespmem:s15], [sflag:$0x3], $0x80, s9, s12, $0xb8;
	[tilespmem:$0x1D000] =	vst v63  }
0xe9: {  	_ =	swait.ge [sflag:s10], $0x4000  }
0xea: {  	[sflag:s10] =	ssyncset.done $0x0  }
0xeb: {  	[sflag:s10] =	ssyncadd.s32 $0xFFFFC000  }
0xec: {  	_ =	swait.ge [sflag:s14], $0x4000  }
0xed: {  	[sflag:s14] =	ssyncset.done $0x0  }
0xee: {  	s7 =	rddreg [dreg:$0xb];
	[sflag:s14] =	ssyncadd.s32 $0xFFFFC000  }
0xef: {  	[tilespmem:s15], [sflag:$0x2] =	stream.indirect.gather [hbm4b:s4+s12], $0x80, s7, s12, $0xb8;
	[tilespmem:$0x1D000] =	vst v63  }
0xf0: {  	s9 =	rddreg [dreg:$0xc]  }
0xf1: {  	[spmem:s1] =	stream.indirect.scatter.add.f32 [tilespmem:s13], [sflag:$0x3], $0x80, s9, s12, $0xb8;
	[tilespmem:$0x1D000] =	vst v63  }
0xf2: {  	_ =	swait.ge [sflag:s10], $0x4000  }
0xf3: {  	[sflag:s10] =	ssyncset.done $0x0  }
0xf4: {  	[sflag:s10] =	ssyncadd.s32 $0xFFFFC000  }
0xf5: {  	_ =	swait.ge [sflag:s16], $0x4000  }
0xf6: {  	[sflag:s16] =	ssyncset.done $0x0  }
0xf7: {  	s7 =	rddreg [dreg:$0xd];
	[sflag:s16] =	ssyncadd.s32 $0xFFFFC000  }
0xf8: {  	[tilespmem:s13], [sflag:$0x1] =	stream.indirect.gather [hbm4b:s4+s12], $0x80, s7, s12, $0xb8;
	[tilespmem:$0x1D000] =	vst v63  }
0xf9: {  	s9 =	rddreg [dreg:$0xe]  }
0xfa: {  	[spmem:s1] =	stream.indirect.scatter.add.f32 [tilespmem:s15], [sflag:$0x3], $0x80, s9, s12, $0xb8;
	[tilespmem:$0x1D000] =	vst v63  }
0xfb: {  	_ =	swait.ge [sflag:s10], $0x4000  }
0xfc: {  	[sflag:s10] =	ssyncset.done $0x0  }
0xfd: {  	[sflag:s10] =	ssyncadd.s32 $0xFFFFC000  }
0xfe: {  	_ =	swait.ge [sflag:s14], $0x4000  }
0xff: {  	[sflag:s14] =	ssyncset.done $0x0  }
0x100: {  	s7 =	rddreg [dreg:$0xf];
	[sflag:s14] =	ssyncadd.s32 $0xFFFFC000  }
0x101: {  	[tilespmem:s15], [sflag:$0x2] =	stream.indirect.gather [hbm4b:s4+s12], $0x80, s7, s12, $0xb8;
	[tilespmem:$0x1D000] =	vst v63  }
0x102: {  	s9 =	rddreg [dreg:$0x10]  }
0x103: {  	[spmem:s1] =	stream.indirect.scatter.add.f32 [tilespmem:s13], [sflag:$0x3], $0x80, s9, s12, $0xb8;
	[tilespmem:$0x1D000] =	vst v63  }
0x104: {  	_ =	swait.ge [sflag:s10], $0x4000  }
0x105: {  	[sflag:s10] =	ssyncset.done $0x0  }
0x106: {  	[sflag:s10] =	ssyncadd.s32 $0xFFFFC000  }
0x107: {  	_ =	swait.ge [sflag:s16], $0x4000  }
0x108: {  	[sflag:s16] =	ssyncset.done $0x0  }
0x109: {  	[sflag:s16] =	ssyncadd.s32 $0xFFFFC000  }
0x10a: {  	[tilespmem:s13], [sflag:$0x1] =	stream.indirect.gather [hbm4b:s4+s12], $0x80, s17, s12, $0xb8;
	[tilespmem:$0x1D000] =	vst v63  }
0x10b: {  	_ = 	snop  }
0x10c: {  	[spmem:s1] =	stream.indirect.scatter.add.f32 [tilespmem:s15], [sflag:$0x3], $0x80, s18, s12, $0xb8;
	[tilespmem:$0x1D000] =	vst v63  }
0x10d: {  	_ =	swait.ge [sflag:s10], $0x4000  }
0x10e: {  	[sflag:s10] =	ssyncset.done $0x0  }
0x10f: {  	[sflag:s10] =	ssyncadd.s32 $0xFFFFC000  }
0x110: {  	_ =	swait.ge [sflag:s14], $0x4000  }
0x111: {  	[sflag:s14] =	ssyncset.done $0x0  }
0x112: {  	[sflag:s14] =	ssyncadd.s32 $0xFFFFC000  }
0x113: {  	[tilespmem:s15], [sflag:$0x2] =	stream.indirect.gather [hbm4b:s4+s12], $0x80, s19, s12, $0xb8;
	[tilespmem:$0x1D000] =	vst v63  }
0x114: {  	_ = 	snop  }
0x115: {  	[spmem:s1] =	stream.indirect.scatter.add.f32 [tilespmem:s13], [sflag:$0x3], $0x80, s20, s12, $0xb8;
	[tilespmem:$0x1D000] =	vst v63  }
0x116: {  	_ =	swait.ge [sflag:s10], $0x4000  }
0x117: {  	[sflag:s10] =	ssyncset.done $0x0  }
0x118: {  	[sflag:s10] =	ssyncadd.s32 $0xFFFFC000  }
0x119: {  	_ =	swait.ge [sflag:s16], $0x4000  }
0x11a: {  	[sflag:s16] =	ssyncset.done $0x0  }
0x11b: {  	[sflag:s16] =	ssyncadd.s32 $0xFFFFC000  }
0x11c: {  	[tilespmem:s13], [sflag:$0x1] =	stream.indirect.gather [hbm4b:s4+s12], $0x80, s21, s12, $0xb8;
	[tilespmem:$0x1D000] =	vst v63  }
0x11d: {  	_ = 	snop  }
0x11e: {  	[spmem:s1] =	stream.indirect.scatter.add.f32 [tilespmem:s15], [sflag:$0x3], $0x80, s22, s12, $0xb8;
	[tilespmem:$0x1D000] =	vst v63  }
0x11f: {  	_ =	swait.ge [sflag:s10], $0x4000  }
0x120: {  	[sflag:s10] =	ssyncset.done $0x0  }
0x121: {  	[sflag:s10] =	ssyncadd.s32 $0xFFFFC000  }
0x122: {  	_ =	swait.ge [sflag:s14], $0x4000  }
0x123: {  	[sflag:s14] =	ssyncset.done $0x0  }
0x124: {  	[sflag:s14] =	ssyncadd.s32 $0xFFFFC000  }
0x125: {  	[tilespmem:s15], [sflag:$0x2] =	stream.indirect.gather [hbm4b:s4+s12], $0x80, s23, s12, $0xb8;
	[tilespmem:$0x1D000] =	vst v63  }
0x126: {  	_ = 	snop  }
0x127: {  	[spmem:s1] =	stream.indirect.scatter.add.f32 [tilespmem:s13], [sflag:$0x3], $0x80, s24, s12, $0xb8;
	[tilespmem:$0x1D000] =	vst v63  }
0x128: {  	_ =	swait.ge [sflag:s10], $0x4000  }
0x129: {  	[sflag:s10] =	ssyncset.done $0x0  }
0x12a: {  	[sflag:s10] =	ssyncadd.s32 $0xFFFFC000  }
0x12b: {  	_ =	swait.ge [sflag:s16], $0x4000  }
0x12c: {  	[sflag:s16] =	ssyncset.done $0x0  }
0x12d: {  	[sflag:s16] =	ssyncadd.s32 $0xFFFFC000  }
0x12e: {  	[tilespmem:s13], [sflag:$0x1] =	stream.indirect.gather [hbm4b:s4+s12], $0x80, s25, s12, $0xb8;
	[tilespmem:$0x1D000] =	vst v63  }
0x12f: {  	_ = 	snop  }
0x130: {  	[spmem:s1] =	stream.indirect.scatter.add.f32 [tilespmem:s15], [sflag:$0x3], $0x80, s26, s12, $0xb8;
	[tilespmem:$0x1D000] =	vst v63  }
0x131: {  	_ =	swait.ge [sflag:s10], $0x4000  }
0x132: {  	[sflag:s10] =	ssyncset.done $0x0  }
0x133: {  	[sflag:s10] =	ssyncadd.s32 $0xFFFFC000  }
0x134: {  	_ =	swait.ge [sflag:s14], $0x4000  }
0x135: {  	[sflag:s14] =	ssyncset.done $0x0  }
0x136: {  	[sflag:s14] =	ssyncadd.s32 $0xFFFFC000  }
0x137: {  	[tilespmem:s15], [sflag:$0x2] =	stream.indirect.gather [hbm4b:s4+s12], $0x80, s28, s12, $0xb8;
	[tilespmem:$0x1D000] =	vst v63  }
0x138: {  	_ = 	snop  }
0x139: {  	[spmem:s1] =	stream.indirect.scatter.add.f32 [tilespmem:s13], [sflag:$0x3], $0x80, s29, s12, $0xb8;
	[tilespmem:$0x1D000] =	vst v63  }
0x13a: {  	_ =	swait.ge [sflag:s10], $0x4000  }
0x13b: {  	[sflag:s10] =	ssyncset.done $0x0  }
0x13c: {  	[sflag:s10] =	ssyncadd.s32 $0xFFFFC000  }
0x13d: {  	_ =	swait.ge [sflag:s16], $0x4000  }
0x13e: {  	[sflag:s16] =	ssyncset.done $0x0  }
0x13f: {  	[sflag:s16] =	ssyncadd.s32 $0xFFFFC000  }
0x140: {  	[tilespmem:s13], [sflag:$0x1] =	stream.indirect.gather [hbm4b:s4+s12], $0x80, s30, s12, $0xb8;
	[tilespmem:$0x1D000] =	vst v63  }
0x141: {  	_ = 	snop  }
0x142: {  	[spmem:s1] =	stream.indirect.scatter.add.f32 [tilespmem:s15], [sflag:$0x3], $0x80, s31, s12, $0xb8;
	[tilespmem:$0x1D000] =	vst v63  }
0x143: {  	_ =	swait.ge [sflag:s10], $0x4000  }
0x144: {  	[sflag:s10] =	ssyncset.done $0x0  }
0x145: {  	[sflag:s10] =	ssyncadd.s32 $0xFFFFC000  }
0x146: {  	_ =	swait.ge [sflag:s14], $0x4000  }
0x147: {  	[sflag:s14] =	ssyncset.done $0x0  }
0x148: {  	[sflag:s14] =	ssyncadd.s32 $0xFFFFC000  }
0x149: {  	[tilespmem:s15], [sflag:$0x2] =	stream.indirect.gather [hbm4b:s4+s12], $0x80, s0, s12, $0xb8;
	[tilespmem:$0x1D000] =	vst v63  }
0x14a: {  	_ = 	snop  }
0x14b: {  	[spmem:s1] =	stream.indirect.scatter.add.f32 [tilespmem:s13], [sflag:$0x3], $0x80, s2, s12, $0xb8;
	[tilespmem:$0x1D000] =	vst v63  }
0x14c: {  	_ =	swait.ge [sflag:s10], $0x4000  }
0x14d: {  	[sflag:s10] =	ssyncset.done $0x0  }
0x14e: {  	[sflag:s10] =	ssyncadd.s32 $0xFFFFC000  }
0x14f: {  	p0 =	sne.s32 s6, $0x400;
	_ =	swait.ge [sflag:s16], $0x4000  }
.Ltmp0:
0x150: {  	[sflag:s16] =	ssyncset.done $0x0;
	(pc) =	sbr.rel @p0 .LBB2_2-.Ltmp0, $4  }
0x151: {  	[sflag:s16] =	ssyncadd.s32 $0xFFFFC000  }
0x152: {  	[spmem:s1] =	stream.indirect.scatter.add.f32 [tilespmem:s15], [sflag:$0x3], $0x80, s5, s12, $0xb8;
	[tilespmem:$0x1D000] =	vst v63  }
0x153: {  	_ =	swait.ge [sflag:s10], $0x4000  }
0x154: {  	s6 =	sadd.s32 $0x100, s6;
	s9 =	rddreg [dreg:$0x3];
	[sflag:s10] =	ssyncset.done $0x0  }
0x155: {  	[sflag:s10] =	ssyncadd.s32 $0xFFFFC000;
	s6 =	sadd.s32 s8, s9  }
0x156: {  	[tilespmem:s3], [sflag:$0x3] =	stream.linear.gather [hbm4b:s6+s3], $0x800, $0x38;
	[tilespmem:$0x1D000] =	vst v63  }
0x157: {  	_ =	swait.ge [sflag:s10], $0x800  }
0x158: {  	s7 =	rddreg [dreg:$0x4];
	[sflag:s10] =	ssyncset.done $0x0  }
0x159: {  	[sflag:s10] =	ssyncadd.s32 $0xFFFFF800;
	s6 =	sadd.s32 s8, s7  }
0x15a: {  	[tilespmem:s11], [sflag:$0x3] =	stream.linear.gather [hbm4b:s6+s3], $0x800, $0x38;
	[tilespmem:$0x1D000] =	vst v63  }
0x15b: {  	_ =	swait.ge [sflag:s10], $0x800  }
0x15c: {  	[sflag:s10] =	ssyncset.done $0x0  }
0x15d: {  	[sflag:s10] =	ssyncadd.s32 $0xFFFFF800  }
0x15e: {  	[tilespmem:s13], [sflag:$0x1] =	stream.indirect.gather [hbm4b:s4+s12], $0x80, s3, s12, $0xb8;
	[tilespmem:$0x1D000] =	vst v63  }
0x15f: {  	_ =	swait.ge [sflag:s14], $0x4000  }
0x160: {  	[sflag:s14] =	ssyncset.done $0x0  }
0x161: {  	[sflag:s14] =	ssyncadd.s32 $0xFFFFC000  }
0x162: {  	[tilespmem:s15], [sflag:$0x2] =	stream.indirect.gather [hbm4b:s4+s12], $0x80, s12, s12, $0xb8;
	[tilespmem:$0x1D000] =	vst v63  }
0x163: {  	_ = 	snop  }
0x164: {  	[spmem:s1] =	stream.indirect.scatter.add.f32 [tilespmem:s13], [sflag:$0x3], $0x80, s11, s12, $0xb8;
	[tilespmem:$0x1D000] =	vst v63  }
0x165: {  	_ =	swait.ge [sflag:s10], $0x4000  }
0x166: {  	[sflag:s10] =	ssyncset.done $0x0  }
0x167: {  	[sflag:s10] =	ssyncadd.s32 $0xFFFFC000  }
0x168: {  	_ =	swait.ge [sflag:s16], $0x4000  }
0x169: {  	[sflag:s16] =	ssyncset.done $0x0  }
0x16a: {  	s9 =	rddreg [dreg:$0x5];
	[sflag:s16] =	ssyncadd.s32 $0xFFFFC000  }
0x16b: {  	[tilespmem:s13], [sflag:$0x1] =	stream.indirect.gather [hbm4b:s4+s12], $0x80, s9, s12, $0xb8;
	[tilespmem:$0x1D000] =	vst v63  }
0x16c: {  	s7 =	rddreg [dreg:$0x6]  }
0x16d: {  	[spmem:s1] =	stream.indirect.scatter.add.f32 [tilespmem:s15], [sflag:$0x3], $0x80, s7, s12, $0xb8;
	[tilespmem:$0x1D000] =	vst v63  }
0x16e: {  	_ =	swait.ge [sflag:s10], $0x4000  }
0x16f: {  	[sflag:s10] =	ssyncset.done $0x0  }
0x170: {  	[sflag:s10] =	ssyncadd.s32 $0xFFFFC000  }
0x171: {  	_ =	swait.ge [sflag:s14], $0x4000  }
0x172: {  	[sflag:s14] =	ssyncset.done $0x0  }
0x173: {  	s8 =	rddreg [dreg:$0x7];
	[sflag:s14] =	ssyncadd.s32 $0xFFFFC000  }
0x174: {  	[tilespmem:s15], [sflag:$0x2] =	stream.indirect.gather [hbm4b:s4+s12], $0x80, s8, s12, $0xb8;
	[tilespmem:$0x1D000] =	vst v63  }
0x175: {  	s9 =	rddreg [dreg:$0x8]  }
0x176: {  	[spmem:s1] =	stream.indirect.scatter.add.f32 [tilespmem:s13], [sflag:$0x3], $0x80, s9, s12, $0xb8;
	[tilespmem:$0x1D000] =	vst v63  }
0x177: {  	_ =	swait.ge [sflag:s10], $0x4000  }
0x178: {  	[sflag:s10] =	ssyncset.done $0x0  }
0x179: {  	[sflag:s10] =	ssyncadd.s32 $0xFFFFC000  }
0x17a: {  	_ =	swait.ge [sflag:s16], $0x4000  }
0x17b: {  	[sflag:s16] =	ssyncset.done $0x0  }
0x17c: {  	s8 =	rddreg [dreg:$0x9];
	[sflag:s16] =	ssyncadd.s32 $0xFFFFC000  }
0x17d: {  	[tilespmem:s13], [sflag:$0x1] =	stream.indirect.gather [hbm4b:s4+s12], $0x80, s8, s12, $0xb8;
	[tilespmem:$0x1D000] =	vst v63  }
0x17e: {  	s9 =	rddreg [dreg:$0xa]  }
0x17f: {  	[spmem:s1] =	stream.indirect.scatter.add.f32 [tilespmem:s15], [sflag:$0x3], $0x80, s9, s12, $0xb8;
	[tilespmem:$0x1D000] =	vst v63  }
0x180: {  	_ =	swait.ge [sflag:s10], $0x4000  }
0x181: {  	[sflag:s10] =	ssyncset.done $0x0  }
0x182: {  	[sflag:s10] =	ssyncadd.s32 $0xFFFFC000  }
0x183: {  	_ =	swait.ge [sflag:s14], $0x4000  }
0x184: {  	[sflag:s14] =	ssyncset.done $0x0  }
0x185: {  	s8 =	rddreg [dreg:$0xb];
	[sflag:s14] =	ssyncadd.s32 $0xFFFFC000  }
0x186: {  	[tilespmem:s15], [sflag:$0x2] =	stream.indirect.gather [hbm4b:s4+s12], $0x80, s8, s12, $0xb8;
	[tilespmem:$0x1D000] =	vst v63  }
0x187: {  	s9 =	rddreg [dreg:$0xc]  }
0x188: {  	[spmem:s1] =	stream.indirect.scatter.add.f32 [tilespmem:s13], [sflag:$0x3], $0x80, s9, s12, $0xb8;
	[tilespmem:$0x1D000] =	vst v63  }
0x189: {  	_ =	swait.ge [sflag:s10], $0x4000  }
0x18a: {  	[sflag:s10] =	ssyncset.done $0x0  }
0x18b: {  	[sflag:s10] =	ssyncadd.s32 $0xFFFFC000  }
0x18c: {  	_ =	swait.ge [sflag:s16], $0x4000  }
0x18d: {  	[sflag:s16] =	ssyncset.done $0x0  }
0x18e: {  	s8 =	rddreg [dreg:$0xd];
	[sflag:s16] =	ssyncadd.s32 $0xFFFFC000  }
0x18f: {  	[tilespmem:s13], [sflag:$0x1] =	stream.indirect.gather [hbm4b:s4+s12], $0x80, s8, s12, $0xb8;
	[tilespmem:$0x1D000] =	vst v63  }
0x190: {  	s9 =	rddreg [dreg:$0xe]  }
0x191: {  	[spmem:s1] =	stream.indirect.scatter.add.f32 [tilespmem:s15], [sflag:$0x3], $0x80, s9, s12, $0xb8;
	[tilespmem:$0x1D000] =	vst v63  }
0x192: {  	_ =	swait.ge [sflag:s10], $0x4000  }
0x193: {  	[sflag:s10] =	ssyncset.done $0x0  }
0x194: {  	[sflag:s10] =	ssyncadd.s32 $0xFFFFC000  }
0x195: {  	_ =	swait.ge [sflag:s14], $0x4000  }
0x196: {  	[sflag:s14] =	ssyncset.done $0x0  }
0x197: {  	s7 =	rddreg [dreg:$0xf];
	[sflag:s14] =	ssyncadd.s32 $0xFFFFC000  }
0x198: {  	[tilespmem:s15], [sflag:$0x2] =	stream.indirect.gather [hbm4b:s4+s12], $0x80, s7, s12, $0xb8;
	[tilespmem:$0x1D000] =	vst v63  }
0x199: {  	s8 =	rddreg [dreg:$0x10]  }
0x19a: {  	[spmem:s1] =	stream.indirect.scatter.add.f32 [tilespmem:s13], [sflag:$0x3], $0x80, s8, s12, $0xb8;
	[tilespmem:$0x1D000] =	vst v63  }
0x19b: {  	_ =	swait.ge [sflag:s10], $0x4000  }
0x19c: {  	[sflag:s10] =	ssyncset.done $0x0  }
0x19d: {  	[sflag:s10] =	ssyncadd.s32 $0xFFFFC000  }
0x19e: {  	_ =	swait.ge [sflag:s16], $0x4000  }
0x19f: {  	[sflag:s16] =	ssyncset.done $0x0  }
0x1a0: {  	[sflag:s16] =	ssyncadd.s32 $0xFFFFC000  }
0x1a1: {  	[tilespmem:s13], [sflag:$0x1] =	stream.indirect.gather [hbm4b:s4+s12], $0x80, s17, s12, $0xb8;
	[tilespmem:$0x1D000] =	vst v63  }
0x1a2: {  	_ = 	snop  }
0x1a3: {  	[spmem:s1] =	stream.indirect.scatter.add.f32 [tilespmem:s15], [sflag:$0x3], $0x80, s18, s12, $0xb8;
	[tilespmem:$0x1D000] =	vst v63  }
0x1a4: {  	_ =	swait.ge [sflag:s10], $0x4000  }
0x1a5: {  	[sflag:s10] =	ssyncset.done $0x0  }
0x1a6: {  	[sflag:s10] =	ssyncadd.s32 $0xFFFFC000  }
0x1a7: {  	_ =	swait.ge [sflag:s14], $0x4000  }
0x1a8: {  	[sflag:s14] =	ssyncset.done $0x0  }
0x1a9: {  	[sflag:s14] =	ssyncadd.s32 $0xFFFFC000  }
0x1aa: {  	[tilespmem:s15], [sflag:$0x2] =	stream.indirect.gather [hbm4b:s4+s12], $0x80, s19, s12, $0xb8;
	[tilespmem:$0x1D000] =	vst v63  }
0x1ab: {  	_ = 	snop  }
0x1ac: {  	[spmem:s1] =	stream.indirect.scatter.add.f32 [tilespmem:s13], [sflag:$0x3], $0x80, s20, s12, $0xb8;
	[tilespmem:$0x1D000] =	vst v63  }
0x1ad: {  	_ =	swait.ge [sflag:s10], $0x4000  }
0x1ae: {  	[sflag:s10] =	ssyncset.done $0x0  }
0x1af: {  	[sflag:s10] =	ssyncadd.s32 $0xFFFFC000  }
0x1b0: {  	_ =	swait.ge [sflag:s16], $0x4000  }
0x1b1: {  	[sflag:s16] =	ssyncset.done $0x0  }
0x1b2: {  	[sflag:s16] =	ssyncadd.s32 $0xFFFFC000  }
0x1b3: {  	[tilespmem:s13], [sflag:$0x1] =	stream.indirect.gather [hbm4b:s4+s12], $0x80, s21, s12, $0xb8;
	[tilespmem:$0x1D000] =	vst v63  }
0x1b4: {  	_ = 	snop  }
0x1b5: {  	[spmem:s1] =	stream.indirect.scatter.add.f32 [tilespmem:s15], [sflag:$0x3], $0x80, s22, s12, $0xb8;
	[tilespmem:$0x1D000] =	vst v63  }
0x1b6: {  	_ =	swait.ge [sflag:s10], $0x4000  }
0x1b7: {  	[sflag:s10] =	ssyncset.done $0x0  }
0x1b8: {  	[sflag:s10] =	ssyncadd.s32 $0xFFFFC000  }
0x1b9: {  	_ =	swait.ge [sflag:s14], $0x4000  }
0x1ba: {  	[sflag:s14] =	ssyncset.done $0x0  }
0x1bb: {  	[sflag:s14] =	ssyncadd.s32 $0xFFFFC000  }
0x1bc: {  	[tilespmem:s15], [sflag:$0x2] =	stream.indirect.gather [hbm4b:s4+s12], $0x80, s23, s12, $0xb8;
	[tilespmem:$0x1D000] =	vst v63  }
0x1bd: {  	_ = 	snop  }
0x1be: {  	[spmem:s1] =	stream.indirect.scatter.add.f32 [tilespmem:s13], [sflag:$0x3], $0x80, s24, s12, $0xb8;
	[tilespmem:$0x1D000] =	vst v63  }
0x1bf: {  	_ =	swait.ge [sflag:s10], $0x4000  }
0x1c0: {  	[sflag:s10] =	ssyncset.done $0x0  }
0x1c1: {  	[sflag:s10] =	ssyncadd.s32 $0xFFFFC000  }
0x1c2: {  	_ =	swait.ge [sflag:s16], $0x4000  }
0x1c3: {  	[sflag:s16] =	ssyncset.done $0x0  }
0x1c4: {  	[sflag:s16] =	ssyncadd.s32 $0xFFFFC000  }
0x1c5: {  	[tilespmem:s13], [sflag:$0x1] =	stream.indirect.gather [hbm4b:s4+s12], $0x80, s25, s12, $0xb8;
	[tilespmem:$0x1D000] =	vst v63  }
0x1c6: {  	_ = 	snop  }
0x1c7: {  	[spmem:s1] =	stream.indirect.scatter.add.f32 [tilespmem:s15], [sflag:$0x3], $0x80, s26, s12, $0xb8;
	[tilespmem:$0x1D000] =	vst v63  }
0x1c8: {  	_ =	swait.ge [sflag:s10], $0x4000  }
0x1c9: {  	[sflag:s10] =	ssyncset.done $0x0  }
0x1ca: {  	[sflag:s10] =	ssyncadd.s32 $0xFFFFC000  }
0x1cb: {  	_ =	swait.ge [sflag:s14], $0x4000  }
0x1cc: {  	[sflag:s14] =	ssyncset.done $0x0  }
0x1cd: {  	[sflag:s14] =	ssyncadd.s32 $0xFFFFC000  }
0x1ce: {  	[tilespmem:s15], [sflag:$0x2] =	stream.indirect.gather [hbm4b:s4+s12], $0x80, s28, s12, $0xb8;
	[tilespmem:$0x1D000] =	vst v63  }
0x1cf: {  	_ = 	snop  }
0x1d0: {  	[spmem:s1] =	stream.indirect.scatter.add.f32 [tilespmem:s13], [sflag:$0x3], $0x80, s29, s12, $0xb8;
	[tilespmem:$0x1D000] =	vst v63  }
0x1d1: {  	_ =	swait.ge [sflag:s10], $0x4000  }
0x1d2: {  	[sflag:s10] =	ssyncset.done $0x0  }
0x1d3: {  	[sflag:s10] =	ssyncadd.s32 $0xFFFFC000  }
0x1d4: {  	_ =	swait.ge [sflag:s16], $0x4000  }
0x1d5: {  	[sflag:s16] =	ssyncset.done $0x0  }
0x1d6: {  	[sflag:s16] =	ssyncadd.s32 $0xFFFFC000  }
0x1d7: {  	[tilespmem:s13], [sflag:$0x1] =	stream.indirect.gather [hbm4b:s4+s12], $0x80, s30, s12, $0xb8;
	[tilespmem:$0x1D000] =	vst v63  }
0x1d8: {  	_ = 	snop  }
0x1d9: {  	[spmem:s1] =	stream.indirect.scatter.add.f32 [tilespmem:s15], [sflag:$0x3], $0x80, s31, s12, $0xb8;
	[tilespmem:$0x1D000] =	vst v63  }
0x1da: {  	_ =	swait.ge [sflag:s10], $0x4000  }
0x1db: {  	[sflag:s10] =	ssyncset.done $0x0  }
0x1dc: {  	[sflag:s10] =	ssyncadd.s32 $0xFFFFC000  }
0x1dd: {  	_ =	swait.ge [sflag:s14], $0x4000  }
0x1de: {  	[sflag:s14] =	ssyncset.done $0x0  }
0x1df: {  	[sflag:s14] =	ssyncadd.s32 $0xFFFFC000  }
0x1e0: {  	[tilespmem:s15], [sflag:$0x2] =	stream.indirect.gather [hbm4b:s4+s12], $0x80, s0, s12, $0xb8;
	[tilespmem:$0x1D000] =	vst v63  }
0x1e1: {  	_ = 	snop  }
0x1e2: {  	[spmem:s1] =	stream.indirect.scatter.add.f32 [tilespmem:s13], [sflag:$0x3], $0x80, s2, s12, $0xb8;
	[tilespmem:$0x1D000] =	vst v63  }
0x1e3: {  	_ =	swait.ge [sflag:s10], $0x4000  }
0x1e4: {  	[sflag:s10] =	ssyncset.done $0x0  }
0x1e5: {  	[sflag:s10] =	ssyncadd.s32 $0xFFFFC000  }
0x1e6: {  	_ =	swait.ge [sflag:s16], $0x4000  }
0x1e7: {  	[sflag:s16] =	ssyncset.done $0x0  }
0x1e8: {  	[sflag:s16] =	ssyncadd.s32 $0xFFFFC000  }
0x1e9: {  	[spmem:s1] =	stream.indirect.scatter.add.f32 [tilespmem:s15], [sflag:$0x3], $0x80, s5, s12, $0xb8;
	[tilespmem:$0x1D000] =	vst v63  }
0x1ea: {  	_ =	swait.ge [sflag:s10], $0x4000  }
0x1eb: {  	[sflag:s10] =	ssyncset.done $0x0  }
0x1ec: {  	[sflag:s10] =	ssyncadd.s32 $0xFFFFC000  }
0x1ed: {  	[bflag:$0x0] =	sbarrier.arrive $0xFFFF  }
0x1ee: {  	s7 =	rddreg [dreg:$0x12]  }
0x1ef: {  	s9 =	rddreg [dreg:$0x13]  }
0x1f0: {  	s8 =	rddreg [dreg:$0x15]  }
0x1f1: {  	[hbm:s9], [sflag:s7] =	dma.local [spmem:s8], $0x2800  }
0x1f2: {  	_ =	swait.ge [sflag:s10], $0x2800  }
0x1f3: {  	s6 =	rddreg [dreg:$0x16]  }
0x1f4: {  	s9 =	sadd.s32 $0x1, s6;
	s6 =	rddreg [dreg:$0x14]  }
0x1f5: {  	p0 =	sne.s32 s9, s6  }
.Ltmp1:
0x1f6: {  	_ = 	snop;
	(pc) =	sbr.rel @p0 .LBB2_1-.Ltmp1, $3  }
0x1f7: {  	_ =	sdelay $0x1  }
0x1f8: {  	[sflag:s10] =	ssyncset.done $0x0  }
0x1f9: {  	[sflag:s10] =	ssyncadd.s32 $0xFFFFD800  }
0x1fa: {  	_ =	sfence.sel $0x180000  }
0x1fb: {  	[bflag:$0x0] =	sbarrier.arrive $0xFFFF  }
0x1fc: {  	_ =	strace $0x9000004D  }
0x1fd: {  	s0 =	stileid.u32;
	[bflag:$0x2] =	sbarrier.arrive $0xFFFF  }
0x1fe: {  	p0 =	sne.s32 s0, $0x0;
	s0 =	rddreg [dreg:$0x2]  }
0x1ff: {  	s0 =	sadd.s32 @!p0 $0x100000, s0  }
0x200: {  	[sflag:s0] =	ssyncadd.tile.s32 @!p0 $0x1;
	_ =	shalt  }
.Lfunc_end2:
_tile_overlayer_lowered:
.L_overlay_start_2:
0x201: {  	(tag) =	ssettag $0x2  }
0x202: {  	s0 =	rddreg [dreg:$0x0];
	s2 =	stileid.u32  }
0x203: {  	s1 =	rddreg [dreg:$0x1];
	p0 =	sne.s32 s2, $0x0  }
0x204: {  	s3 =	rddreg [dreg:$0x2];
	[bflag:$0x3] =	sbarrier.arrive $0xFFFF;
	s2 =	simm.s32 @!p0 $0x1C03  }
0x205: {  	[timem:s3], [sflag:s2] =	dma.local @!p0 [hbm:s0], s1  }
0x206: {  	s0 =	simm.s32 @!p0 $0x3  }
0x207: {  	_ =	swait.ge @!p0 [sflag:s0], s1  }
0x208: {  	s1 =	ssub.s32 @!p0 $0x0, s1;
	[sflag:s0] =	ssyncset.done @!p0 $0x0  }
0x209: {  	[sflag:s0] =	ssyncadd.s32 @!p0 s1  }
0x20a: {  	[bflag:$0x3] =	sbarrier.arrive $0xFFFF  }
0x20b: {  	_ =	shalt  }

// kernel: kernel.20.cloned.1.call-start
scs
__scs_entry_jumppad:
0x0: {  	(pc) =	sbr.rel $0x88, $3  }
0x1: {  	(tag) =	ssettag $0x0;
	lr =	simm.s32 $0x1  }
0x2: {  	[smem:$0x3F95] =	sst lr;
	_ =	strace $0xD0000000  }
0x3: {  	_ = 	snop  }
0x4: {  	_ = 	snop  }
0x5: {  	_ = 	snop  }
0x6: {  	_ = 	snop  }
0x7: {  	_ = 	snop  }
__scs_overlays_trampoline_lowered:
0x8: {  	[smem:$0x3FA4] =	sst s0  }
0x9: {  	[smem:$0x3FA5] =	sst s1  }
0xa: {  	[smem:$0x3FA6] =	sst s2  }
0xb: {  	[smem:$0x3FA7] =	sst s3  }
0xc: {  	[smem:$0x3FA8] =	sst s4  }
0xd: {  	[smem:$0x3FA9] =	sst s5  }
0xe: {  	[smem:$0x3FAA] =	sst s6  }
0xf: {  	[smem:$0x3FAB] =	sst s7  }
0x10: {  	[smem:$0x3FAC] =	sst s8  }
0x11: {  	[smem:$0x3FAD] =	sst s9;
	s0 =	simm.s32 @!p0 $0x0  }
0x12: {  	s1 =	sld [smem:$0x3F93];
	s0 =	simm.s32 @p0 $0x1  }
0x13: {  	[smem:$0x3FAE] =	sst s0;
	s0 =	simm.s32 @!p1 $0x0  }
0x14: {  	s2 =	sld [smem:$0x3F92];
	s0 =	simm.s32 @p1 $0x1  }
0x15: {  	[smem:$0x3FAF] =	sst s0;
	s0 =	simm.s32 @!p2 $0x0  }
0x16: {  	s3 =	sld [smem:$0x3FDB];
	s0 =	simm.s32 @p2 $0x1  }
0x17: {  	s4 =	simm.s32 $0x1BF5;
	[smem:$0x3FB1] =	sst s0  }
0x18: {  	s0 =	sld [smem:$0x3F94];
	_ =	swait.ge [sflag:s4], $0x0  }
0x19: {  	s7 =	sld [smem:$0x3F95]  }
0x1a: {  	s8 =	sadd.s32 $0xFFFFE003, lr  }
0x1b: {  	s9 =	sadd.s32 $0xFFFFFEF7, lr;
	s5 =	simm.s32 $0xFFFFFFFF;
	p2 =	slt.u32 s8, $0xFFFFF086  }
0x1c: {  	p1 =	slt.u32 s9, $0xF7A;
	s5 =	simm.s32 @!p2 $0x0  }
0x1d: {  	s5 =	simm.s32 @p1 $0x1;
	p0 =	seq.s32 s7, s2  }
0x1e: {  	s7 =	smul.u32 @!p0 $0xF7A, s2;
	p2 =	seq.s32 @!p0 s5, $0x0  }
0x1f: {  	s9 =	smul.u32 $0xF7A, s1;
	s8 =	simm.s32 @!p0 $0x1BF5;
	p2 =	por !p2, p0  }
0x20: {  	[sflag:s8] =	ssyncset.s32 @!p0 $0xFFFFF086;
	s6 =	sadd.s32 @!p0 s3, s7;
	s7 =	simm.s32 @!p0 $0x108  }
0x21: {  	s3 =	sadd.s32 s3, s9;
	s6 =	sadd.s32 @!p0 $0x88, s6;
	s7 =	simm.s32 @p2 $0x1082  }
0x22: {  	[simem:s7], [sflag:s8] =	dma.local @!p0 [hbm:s6], $0xF7A  }
0x23: {  	s9 =	sor.u32 $0xD0000000, s2;
	s6 =	simm.s32 $0x108;
	_ =	swait.ge @!p0 [sflag:s8], $0x0  }
0x24: {  	s3 =	sadd.s32 $0x88, s3;
	s6 =	simm.s32 @!p1 $0x1082;
	[sflag:s4] =	ssyncset.s32 $0xFFFFF086  }
0x25: {  	[simem:s6], [sflag:s4] =	dma.local [hbm:s3], $0xF7A  }
0x26: {  	[smem:$0x3F95] =	sst s1;
	(tag) =	ssettag s2;
	_ =	strace s9  }
0x27: {  	s1 =	sld [smem:$0x3FA5]  }
0x28: {  	s2 =	sld [smem:$0x3FA6]  }
0x29: {  	s4 =	sld [smem:$0x3FA8]  }
0x2a: {  	p0 =	seq.s32 s5, $0x0;
	s5 =	sld [smem:$0x3FA9]  }
0x2b: {  	s6 =	sld [smem:$0x3FAA]  }
0x2c: {  	s7 =	sld [smem:$0x3FAB]  }
0x2d: {  	s3 =	simm.s32 $0x108;
	s8 =	sld [smem:$0x3FAC]  }
0x2e: {  	s3 =	simm.s32 @!p0 $0x1082;
	s9 =	sld [smem:$0x3FAD]  }
0x2f: {  	lr =	sadd.s32 s0, s3;
	s0 =	sld [smem:$0x3FA4]  }
0x30: {  	s3 =	sld [smem:$0x3FA7]  }
0x31: {  	[smem:$0x3FB0] =	sst s10  }
0x32: {  	s10 =	sld [smem:$0x3FAE];
	_ =	sdelay $0x3  }
0x33: {  	p0 =	seq.s32 s10, $0x1;
	s10 =	sld [smem:$0x3FB0];
	_ =	sdelay $0x3  }
0x34: {  	[smem:$0x3FB0] =	sst s10  }
0x35: {  	s10 =	sld [smem:$0x3FAF];
	_ =	sdelay $0x3  }
0x36: {  	p1 =	seq.s32 s10, $0x1;
	s10 =	sld [smem:$0x3FB0];
	_ =	sdelay $0x3  }
0x37: {  	[smem:$0x3FB0] =	sst s10  }
0x38: {  	s10 =	sld [smem:$0x3FB1]  }
0x39: {  	_ = 	snop;
	(pc) =	sbr.ind lr, $3  }
0x3a: {  	_ = 	snop  }
0x3b: {  	_ = 	snop  }
0x3c: {  	p2 =	seq.s32 s10, $0x1;
	s10 =	sld [smem:$0x3FB0]  }
0x3d: {  	_ =	shalt  }
0x3e: {  	_ =	shalt  }
0x3f: {  	_ =	shalt  }
0x40: {  	_ =	shalt  }
0x41: {  	_ =	shalt  }
0x42: {  	_ =	shalt  }
0x43: {  	_ =	shalt  }
0x44: {  	_ =	shalt  }
0x45: {  	_ =	shalt  }
0x46: {  	_ =	shalt  }
0x47: {  	_ =	shalt  }
0x48: {  	_ =	shalt  }
0x49: {  	_ =	shalt  }
0x4a: {  	_ =	shalt  }
0x4b: {  	_ =	shalt  }
0x4c: {  	_ =	shalt  }
0x4d: {  	_ =	shalt  }
0x4e: {  	_ =	shalt  }
0x4f: {  	_ =	shalt  }
0x50: {  	_ =	shalt  }
0x51: {  	_ =	shalt  }
0x52: {  	_ =	shalt  }
0x53: {  	_ =	shalt  }
0x54: {  	_ =	shalt  }
0x55: {  	_ =	shalt  }
0x56: {  	_ =	shalt  }
0x57: {  	_ =	shalt  }
0x58: {  	_ =	shalt  }
0x59: {  	_ =	shalt  }
0x5a: {  	_ =	shalt  }
0x5b: {  	_ =	shalt  }
0x5c: {  	_ =	shalt  }
0x5d: {  	_ =	shalt  }
0x5e: {  	_ =	shalt  }
0x5f: {  	_ =	shalt  }
0x60: {  	_ =	shalt  }
0x61: {  	_ =	shalt  }
0x62: {  	_ =	shalt  }
0x63: {  	_ =	shalt  }
0x64: {  	_ =	shalt  }
0x65: {  	_ =	shalt  }
0x66: {  	_ =	shalt  }
0x67: {  	_ =	shalt  }
0x68: {  	_ =	shalt  }
0x69: {  	_ =	shalt  }
0x6a: {  	_ =	shalt  }
0x6b: {  	_ =	shalt  }
0x6c: {  	_ =	shalt  }
0x6d: {  	_ =	shalt  }
0x6e: {  	_ =	shalt  }
0x6f: {  	_ =	shalt  }
0x70: {  	_ =	shalt  }
0x71: {  	_ =	shalt  }
0x72: {  	_ =	shalt  }
0x73: {  	_ =	shalt  }
0x74: {  	_ =	shalt  }
0x75: {  	_ =	shalt  }
0x76: {  	_ =	shalt  }
0x77: {  	_ =	shalt  }
0x78: {  	_ =	shalt  }
0x79: {  	_ =	shalt  }
0x7a: {  	_ =	shalt  }
0x7b: {  	_ =	shalt  }
0x7c: {  	_ =	shalt  }
0x7d: {  	_ =	shalt  }
0x7e: {  	_ =	shalt  }
0x7f: {  	_ =	shalt  }
0x80: {  	_ =	shalt  }
0x81: {  	_ =	shalt  }
0x82: {  	_ =	shalt  }
0x83: {  	_ =	shalt  }
0x84: {  	_ =	shalt  }
0x85: {  	_ =	shalt  }
0x86: {  	_ =	shalt  }
0x87: {  	_ =	shalt  }
.Lfunc_end0:
.L_simem_size_0:
called_computation.3_lowered:
.L_overlay_start_0:
0x88: {  	s2 =	sld [smem:$0x3FD9]  }
0x89: {  	s3 =	sld [smem:$0x3FFE];
	_ =	sdelay $0x1  }
0x8a: {  	s1 =	srdreg.scid  }
0x8b: {  	s0 =	sand.u32 $0x1, s1  }
0x8c: {  	s16 =	sshll.u32 s0, $0xA;
	s2 =	sadd.s32 s3, s2  }
0x8d: {  	s2 =	sadd.s32 s2, s16  }
0x8e: {  	[smem:$0x3FBC] =	sst s2  }
0x8f: {  	_ = 	snop  }
0x90: {  	(tm) =	ssettm $0x1  }
0x91: {  	s17 =	sld [smem:$0x3FFB];
	_ =	sdelay $0x3  }
0x92: {  	_ =	strace s17  }
0x93: {  	s2 =	sld [smem:$0x3FFC];
	_ =	sdelay $0x3  }
0x94: {  	_ =	strace s2  }
0x95: {  	s2 =	sld [smem:$0x3FFD];
	_ =	sdelay $0x3  }
0x96: {  	_ =	strace s2  }
0x97: {  	_ =	strace $0x8FFFFFFF  }
0x98: {  	s18 =	sld [smem:$0x3FDB];
	_ =	sdelay $0x1  }
0x99: {  	s19 =	simm.s32 $_scs_section_size  }
0x9a: {  	s4 =	simm.s32 $_size__tile_overlayer_lowered;
	s5 =	simm.s32 $_tile_overlayer_lowered  }
0x9b: {  	s22 =	simm.s32 $0x1BFF;
	s21 =	sshll.u32 s5, $0x1;
	s2 =	sadd.s32 s19, s18  }
0x9c: {  	s6 =	simm.s32 $0x0;
	s20 =	sshll.u32 s4, $0x1;
	s4 =	sadd.s32 s21, s2  }
0x9d: {  	[timem:s6], [sflag:s22] =	dma.local [hbm:s4], s20  }
0x9e: {  	_ =	swait.ge [sflag:s22], s20  }
0x9f: {  	s3 =	ssub.s32 $0x0, s20;
	[sflag:s22] =	ssyncset.done $0x0  }
0xa0: {  	[sflag:s22] =	ssyncadd.s32 s3;
	_ =	sdelay $0x1  }
0xa1: {  	s23 =	simm.s32 $0x1B8B  }
0xa2: {  	_ =	swait.ge [sflag:s23], $0x1  }
0xa3: {  	[sflag:s23] =	ssyncset.done $0x0  }
0xa4: {  	s25 =	simm.s32 $0x1B8E;
	s24 =	sld [smem:$0x3FFE];
	[sflag:s23] =	ssyncadd.s32 $0xFFFFFFFF  }
0xa5: {  	s26 =	simm.s32 $execute0_lowered;
	[smem:$0x3FD2] =	sst s25  }
0xa6: {  	s4 =	sshll.u32 s26, $0x1;
	_ =	strace $0x8000004F;
	[dreg:$0x1] =	wrdreg $0xFFFFFFFF  }
0xa7: {  	s28 =	simm.s32 $_size_execute0_lowered;
	s2 =	sadd.s32 s2, s4;
	[dreg:$0x0] =	wrdreg $0x0  }
0xa8: {  	s4 =	sshll.u32 s28, $0x1;
	[dreg:$0x2] =	wrdreg s2  }
0xa9: {  	[dreg:$0x3] =	wrdreg s4  }
0xaa: {  	[dreg:$0x4] =	wrdreg $0xC0  }
0xab: {  	_ =	task [dreg:s6], $0x5FFFF  }
0xac: {  	[dreg:$0x1] =	wrdreg $0xFFFFFFFF  }
0xad: {  	[dreg:$0x0] =	wrdreg $0x60  }
0xae: {  	[dreg:$0x2] =	wrdreg s24  }
0xaf: {  	[dreg:$0x3] =	wrdreg $0x90000  }
0xb0: {  	[dreg:$0x4] =	wrdreg $0x9  }
0xb1: {  	_ =	task.clear_ibuf [dreg:s6], $0x5FFFF;
	_ =	strace $0x9000004F  }
0xb2: {  	s29 =	simm.s32 $0x9;
	_ =	strace $0x80000051  }
0xb3: {  	_ =	swait.ge [sflag:s29], $0x1  }
0xb4: {  	[sflag:s29] =	ssyncadd.s32 $0xFFFFFFFF  }
0xb5: {  	_ =	strace $0x90000051  }
0xb6: {  	_ =	sfence  }
0xb7: {  	s30 =	sld [smem:$0x0];
	_ =	sdelay $0x2  }
0xb8: {  	s31 =	sshll.u32 s1, $0xD;
	s1 =	sshrl.u32 s1, $0x2  }
0xb9: {  	s3 =	sand.u32 $0x4000, s31;
	s1 =	sadd.s32 s1, s30  }
0xba: {  	s0 =	sor.u32 s3, s0;
	s1 =	sshll.u32 s1, $0x11  }
0xbb: {  	s0 =	sor.u32 s1, s0  }
0xbc: {  	s0 =	sadd.s32 $0x8F2B, s0  }
0xbd: {  	[sflag:s0] =	ssyncadd.remote.s32 $0x1  }
0xbe: {  	_ =	sfence.sel $0xFFFF  }
0xbf: {  	[dreg:$0x0] =	wrdreg $0xFFFFFFFF;
	(pc) =	sbr.abs _section_cstart, $3  }
0xc0: {  	[dreg:$0x1] =	wrdreg $0xFFFFFFFF  }
0xc1: {  	_ =	task.clear_ibuf [dreg:s6], $0x2FFFF;
	_ =	strace $0x9FFFFFFF  }
0xc2: {  	(tm) =	ssettm $0x7FFFFFFF  }
0xc3: {  	_ =	shalt  }
tec
execute0_lowered:
.L_overlay_start_1:
0x0: {  	(tag) =	ssettag $0x1  }
0x1: {  	s0 =	rddreg [dreg:$0x0]  }
0x2: {  	s1 =	rddreg [dreg:$0x1];
	s2 =	srdreg.scid;
	s3 =	simm.s32 $0x0  }
0x3: {  	s9 =	stileid.u32;
	s14 =	simm.s32 $0x100;
	s15 =	simm.s32 $0x880  }
0x4: {  	s17 =	simm.s32 $0x180;
	[smem:$0x7FF] =	sst s3;
	s8 =	sadd.s32 $0x16400, s0  }
0x5: {  	s18 =	simm.s32 $0x900;
	_ =	strace $0x80000050;
	[dreg:$0x11] =	wrdreg s8  }
0x6: {  	s19 =	simm.s32 $0x200;
	s20 =	simm.s32 $0x980;
	[dreg:$0x5] =	wrdreg s14  }
0x7: {  	s21 =	simm.s32 $0x280;
	s22 =	simm.s32 $0xA00;
	[dreg:$0x6] =	wrdreg s15  }
0x8: {  	s23 =	simm.s32 $0x300;
	s24 =	simm.s32 $0xA80;
	[dreg:$0x7] =	wrdreg s17  }
0x9: {  	s25 =	simm.s32 $0x380;
	s28 =	simm.s32 $0x680;
	[dreg:$0x8] =	wrdreg s18  }
0xa: {  	s29 =	simm.s32 $0xE00;
	s30 =	simm.s32 $0x700;
	[dreg:$0x9] =	wrdreg s19  }
0xb: {  	s31 =	simm.s32 $0xE80;
	s6 =	smul.u32 $0x14000, s9;
	[dreg:$0xa] =	wrdreg s20  }
0xc: {  	s2 =	sand.u32 $0x1, s2;
	s26 =	smul.u32 $0x500, s9;
	[dreg:$0xb] =	wrdreg s21  }
0xd: {  	s4 =	sadd.s32 $0xCA600, s0;
	s11 =	smul.u32 $0x50000, s9;
	[dreg:$0xc] =	wrdreg s22  }
0xe: {  	s16 =	sshll.u32 s9, $0x6;
	s5 =	smul.u32 $0x140000, s2;
	[dreg:$0xd] =	wrdreg s23  }
0xf: {  	s9 =	simm.s32 $0x0;
	s7 =	smul.u32 $0x5000, s2;
	[dreg:$0xe] =	wrdreg s24  }
0x10: {  	s2 =	ssub.s32 $0x2, s2;
	s14 =	simm.s32 $0x1;
	[dreg:$0xf] =	wrdreg s25  }
0x11: {  	s15 =	simm.s32 $0x5000;
	s17 =	simm.s32 $0x400;
	s18 =	simm.s32 $0xB80  }
0x12: {  	s19 =	simm.s32 $0x480;
	s20 =	simm.s32 $0xC00;
	s21 =	simm.s32 $0x500  }
0x13: {  	s22 =	simm.s32 $0xC80;
	s23 =	simm.s32 $0x580;
	s24 =	simm.s32 $0xD00  }
0x14: {  	s25 =	simm.s32 $0x600;
	s10 =	sshrl.u32 s2, $0x1;
	s13 =	sshrl.u32 s11, $0x2  }
0x15: {  	s11 =	simm.s32 $0x800;
	s5 =	sadd.s32 s6, s5;
	s7 =	sadd.s32 s7, s0  }
0x16: {  	s2 =	ssub.s32 s2, s10;
	s6 =	sadd.s32 s13, s1;
	s10 =	simm.s32 $0x3  }
0x17: {  	s13 =	simm.s32 $0x1000;
	s5 =	sshrl.u32 s5, $0x3;
	s2 =	smax.u32 s2, $0x1  }
0x18: {  	s7 =	sadd.s32 s26, s7;
	s26 =	simm.s32 $0xB00;
	[dreg:$0x14] =	wrdreg s2  }
0x19: {  	s8 =	sshrl.u32 s6, $0x3;
	s0 =	sadd.s32 s5, s0;
	[dreg:$0x10] =	wrdreg s26  }
0x1a: {  	s12 =	sadd.s32 $0xC400, s7;
	s5 =	sadd.s32 $0x2400, s7;
	[dreg:$0x15] =	wrdreg s8  }
0x1b: {  	s7 =	sor.u32 $0x1C03, s16;
	s16 =	simm.s32 $0x2;
	[dreg:$0x3] =	wrdreg s12  }
0x1c: {  	s26 =	simm.s32 $0xD80;
	s2 =	simm.s32 $0xF00;
	[dreg:$0x4] =	wrdreg s5  }
0x1d: {  	s0 =	sadd.s32 $0xF2600, s0;
	s12 =	simm.s32 $0x80;
	[dreg:$0x12] =	wrdreg s7  }
0x1e: {  	s5 =	simm.s32 $0xF80;
	[dreg:$0x13] =	wrdreg s0;
	s0 =	simm.s32 $0x780  }
.LBB2_1:
0x1f: {  	[dreg:$0x16] =	wrdreg s9  }
0x20: {  	s6 =	rddreg [dreg:$0x11]  }
0x21: {  	[spmem:s8], [sflag:s7] =	dma.local [hbm:s6], $0x2800  }
0x22: {  	_ =	swait.ge [sflag:s10], $0x2800  }
0x23: {  	[sflag:s10] =	ssyncset.done $0x0  }
0x24: {  	[sflag:s10] =	ssyncadd.s32 $0xFFFFD800  }
0x25: {  	[bflag:$0x0] =	sbarrier.arrive $0xFFFF  }
0x26: {  	s7 =	rddreg [dreg:$0x3]  }
0x27: {  	s6 =	sadd.s32 $0x0, s7  }
0x28: {  	[tilespmem:s3], [sflag:$0x3] =	stream.linear.gather [hbm4b:s6+s3], $0x800, $0x38;
	[tilespmem:$0x1D000] =	vst v63  }
0x29: {  	_ =	swait.ge [sflag:s10], $0x800  }
0x2a: {  	s8 =	rddreg [dreg:$0x4];
	[sflag:s10] =	ssyncset.done $0x0  }
0x2b: {  	[sflag:s10] =	ssyncadd.s32 $0xFFFFF800;
	s6 =	sadd.s32 $0x0, s8  }
0x2c: {  	[tilespmem:s11], [sflag:$0x3] =	stream.linear.gather [hbm4b:s6+s3], $0x800, $0x38;
	[tilespmem:$0x1D000] =	vst v63  }
0x2d: {  	_ =	swait.ge [sflag:s10], $0x800  }
0x2e: {  	[sflag:s10] =	ssyncset.done $0x0  }
0x2f: {  	[sflag:s10] =	ssyncadd.s32 $0xFFFFF800  }
0x30: {  	[tilespmem:s13], [sflag:$0x1] =	stream.indirect.gather [hbm4b:s4+s12], $0x80, s3, s12, $0xb8;
	[tilespmem:$0x1D000] =	vst v63  }
0x31: {  	_ =	swait.ge [sflag:s14], $0x4000  }
0x32: {  	[sflag:s14] =	ssyncset.done $0x0  }
0x33: {  	[sflag:s14] =	ssyncadd.s32 $0xFFFFC000  }
0x34: {  	[tilespmem:s15], [sflag:$0x2] =	stream.indirect.gather [hbm4b:s4+s12], $0x80, s12, s12, $0xb8;
	[tilespmem:$0x1D000] =	vst v63  }
0x35: {  	_ = 	snop  }
0x36: {  	[spmem:s1] =	stream.indirect.scatter.add.f32 [tilespmem:s13], [sflag:$0x3], $0x80, s11, s12, $0xb8;
	[tilespmem:$0x1D000] =	vst v63  }
0x37: {  	_ =	swait.ge [sflag:s10], $0x4000  }
0x38: {  	[sflag:s10] =	ssyncset.done $0x0  }
0x39: {  	[sflag:s10] =	ssyncadd.s32 $0xFFFFC000  }
0x3a: {  	_ =	swait.ge [sflag:s16], $0x4000  }
0x3b: {  	[sflag:s16] =	ssyncset.done $0x0  }
0x3c: {  	s9 =	rddreg [dreg:$0x5];
	[sflag:s16] =	ssyncadd.s32 $0xFFFFC000  }
0x3d: {  	[tilespmem:s13], [sflag:$0x1] =	stream.indirect.gather [hbm4b:s4+s12], $0x80, s9, s12, $0xb8;
	[tilespmem:$0x1D000] =	vst v63  }
0x3e: {  	s7 =	rddreg [dreg:$0x6]  }
0x3f: {  	[spmem:s1] =	stream.indirect.scatter.add.f32 [tilespmem:s15], [sflag:$0x3], $0x80, s7, s12, $0xb8;
	[tilespmem:$0x1D000] =	vst v63  }
0x40: {  	_ =	swait.ge [sflag:s10], $0x4000  }
0x41: {  	[sflag:s10] =	ssyncset.done $0x0  }
0x42: {  	[sflag:s10] =	ssyncadd.s32 $0xFFFFC000  }
0x43: {  	_ =	swait.ge [sflag:s14], $0x4000  }
0x44: {  	[sflag:s14] =	ssyncset.done $0x0  }
0x45: {  	s9 =	rddreg [dreg:$0x7];
	[sflag:s14] =	ssyncadd.s32 $0xFFFFC000  }
0x46: {  	[tilespmem:s15], [sflag:$0x2] =	stream.indirect.gather [hbm4b:s4+s12], $0x80, s9, s12, $0xb8;
	[tilespmem:$0x1D000] =	vst v63  }
0x47: {  	s7 =	rddreg [dreg:$0x8]  }
0x48: {  	[spmem:s1] =	stream.indirect.scatter.add.f32 [tilespmem:s13], [sflag:$0x3], $0x80, s7, s12, $0xb8;
	[tilespmem:$0x1D000] =	vst v63  }
0x49: {  	_ =	swait.ge [sflag:s10], $0x4000  }
0x4a: {  	[sflag:s10] =	ssyncset.done $0x0  }
0x4b: {  	[sflag:s10] =	ssyncadd.s32 $0xFFFFC000  }
0x4c: {  	_ =	swait.ge [sflag:s16], $0x4000  }
0x4d: {  	[sflag:s16] =	ssyncset.done $0x0  }
0x4e: {  	s9 =	rddreg [dreg:$0x9];
	[sflag:s16] =	ssyncadd.s32 $0xFFFFC000  }
0x4f: {  	[tilespmem:s13], [sflag:$0x1] =	stream.indirect.gather [hbm4b:s4+s12], $0x80, s9, s12, $0xb8;
	[tilespmem:$0x1D000] =	vst v63  }
0x50: {  	s7 =	rddreg [dreg:$0xa]  }
0x51: {  	[spmem:s1] =	stream.indirect.scatter.add.f32 [tilespmem:s15], [sflag:$0x3], $0x80, s7, s12, $0xb8;
	[tilespmem:$0x1D000] =	vst v63  }
0x52: {  	_ =	swait.ge [sflag:s10], $0x4000  }
0x53: {  	[sflag:s10] =	ssyncset.done $0x0  }
0x54: {  	[sflag:s10] =	ssyncadd.s32 $0xFFFFC000  }
0x55: {  	_ =	swait.ge [sflag:s14], $0x4000  }
0x56: {  	[sflag:s14] =	ssyncset.done $0x0  }
0x57: {  	s9 =	rddreg [dreg:$0xb];
	[sflag:s14] =	ssyncadd.s32 $0xFFFFC000  }
0x58: {  	[tilespmem:s15], [sflag:$0x2] =	stream.indirect.gather [hbm4b:s4+s12], $0x80, s9, s12, $0xb8;
	[tilespmem:$0x1D000] =	vst v63  }
0x59: {  	s7 =	rddreg [dreg:$0xc]  }
0x5a: {  	[spmem:s1] =	stream.indirect.scatter.add.f32 [tilespmem:s13], [sflag:$0x3], $0x80, s7, s12, $0xb8;
	[tilespmem:$0x1D000] =	vst v63  }
0x5b: {  	_ =	swait.ge [sflag:s10], $0x4000  }
0x5c: {  	[sflag:s10] =	ssyncset.done $0x0  }
0x5d: {  	[sflag:s10] =	ssyncadd.s32 $0xFFFFC000  }
0x5e: {  	_ =	swait.ge [sflag:s16], $0x4000  }
0x5f: {  	[sflag:s16] =	ssyncset.done $0x0  }
0x60: {  	s9 =	rddreg [dreg:$0xd];
	[sflag:s16] =	ssyncadd.s32 $0xFFFFC000  }
0x61: {  	[tilespmem:s13], [sflag:$0x1] =	stream.indirect.gather [hbm4b:s4+s12], $0x80, s9, s12, $0xb8;
	[tilespmem:$0x1D000] =	vst v63  }
0x62: {  	s7 =	rddreg [dreg:$0xe]  }
0x63: {  	[spmem:s1] =	stream.indirect.scatter.add.f32 [tilespmem:s15], [sflag:$0x3], $0x80, s7, s12, $0xb8;
	[tilespmem:$0x1D000] =	vst v63  }
0x64: {  	_ =	swait.ge [sflag:s10], $0x4000  }
0x65: {  	[sflag:s10] =	ssyncset.done $0x0  }
0x66: {  	[sflag:s10] =	ssyncadd.s32 $0xFFFFC000  }
0x67: {  	_ =	swait.ge [sflag:s14], $0x4000  }
0x68: {  	[sflag:s14] =	ssyncset.done $0x0  }
0x69: {  	s8 =	rddreg [dreg:$0xf];
	[sflag:s14] =	ssyncadd.s32 $0xFFFFC000  }
0x6a: {  	[tilespmem:s15], [sflag:$0x2] =	stream.indirect.gather [hbm4b:s4+s12], $0x80, s8, s12, $0xb8;
	[tilespmem:$0x1D000] =	vst v63  }
0x6b: {  	s9 =	rddreg [dreg:$0x10]  }
0x6c: {  	[spmem:s1] =	stream.indirect.scatter.add.f32 [tilespmem:s13], [sflag:$0x3], $0x80, s9, s12, $0xb8;
	[tilespmem:$0x1D000] =	vst v63  }
0x6d: {  	_ =	swait.ge [sflag:s10], $0x4000  }
0x6e: {  	[sflag:s10] =	ssyncset.done $0x0  }
0x6f: {  	[sflag:s10] =	ssyncadd.s32 $0xFFFFC000  }
0x70: {  	_ =	swait.ge [sflag:s16], $0x4000  }
0x71: {  	[sflag:s16] =	ssyncset.done $0x0  }
0x72: {  	[sflag:s16] =	ssyncadd.s32 $0xFFFFC000  }
0x73: {  	[tilespmem:s13], [sflag:$0x1] =	stream.indirect.gather [hbm4b:s4+s12], $0x80, s17, s12, $0xb8;
	[tilespmem:$0x1D000] =	vst v63  }
0x74: {  	_ = 	snop  }
0x75: {  	[spmem:s1] =	stream.indirect.scatter.add.f32 [tilespmem:s15], [sflag:$0x3], $0x80, s18, s12, $0xb8;
	[tilespmem:$0x1D000] =	vst v63  }
0x76: {  	_ =	swait.ge [sflag:s10], $0x4000  }
0x77: {  	[sflag:s10] =	ssyncset.done $0x0  }
0x78: {  	[sflag:s10] =	ssyncadd.s32 $0xFFFFC000  }
0x79: {  	_ =	swait.ge [sflag:s14], $0x4000  }
0x7a: {  	[sflag:s14] =	ssyncset.done $0x0  }
0x7b: {  	[sflag:s14] =	ssyncadd.s32 $0xFFFFC000  }
0x7c: {  	[tilespmem:s15], [sflag:$0x2] =	stream.indirect.gather [hbm4b:s4+s12], $0x80, s19, s12, $0xb8;
	[tilespmem:$0x1D000] =	vst v63  }
0x7d: {  	_ = 	snop  }
0x7e: {  	[spmem:s1] =	stream.indirect.scatter.add.f32 [tilespmem:s13], [sflag:$0x3], $0x80, s20, s12, $0xb8;
	[tilespmem:$0x1D000] =	vst v63  }
0x7f: {  	_ =	swait.ge [sflag:s10], $0x4000  }
0x80: {  	[sflag:s10] =	ssyncset.done $0x0  }
0x81: {  	[sflag:s10] =	ssyncadd.s32 $0xFFFFC000  }
0x82: {  	_ =	swait.ge [sflag:s16], $0x4000  }
0x83: {  	[sflag:s16] =	ssyncset.done $0x0  }
0x84: {  	[sflag:s16] =	ssyncadd.s32 $0xFFFFC000  }
0x85: {  	[tilespmem:s13], [sflag:$0x1] =	stream.indirect.gather [hbm4b:s4+s12], $0x80, s21, s12, $0xb8;
	[tilespmem:$0x1D000] =	vst v63  }
0x86: {  	_ = 	snop  }
0x87: {  	[spmem:s1] =	stream.indirect.scatter.add.f32 [tilespmem:s15], [sflag:$0x3], $0x80, s22, s12, $0xb8;
	[tilespmem:$0x1D000] =	vst v63  }
0x88: {  	_ =	swait.ge [sflag:s10], $0x4000  }
0x89: {  	[sflag:s10] =	ssyncset.done $0x0  }
0x8a: {  	[sflag:s10] =	ssyncadd.s32 $0xFFFFC000  }
0x8b: {  	_ =	swait.ge [sflag:s14], $0x4000  }
0x8c: {  	[sflag:s14] =	ssyncset.done $0x0  }
0x8d: {  	[sflag:s14] =	ssyncadd.s32 $0xFFFFC000  }
0x8e: {  	[tilespmem:s15], [sflag:$0x2] =	stream.indirect.gather [hbm4b:s4+s12], $0x80, s23, s12, $0xb8;
	[tilespmem:$0x1D000] =	vst v63  }
0x8f: {  	_ = 	snop  }
0x90: {  	[spmem:s1] =	stream.indirect.scatter.add.f32 [tilespmem:s13], [sflag:$0x3], $0x80, s24, s12, $0xb8;
	[tilespmem:$0x1D000] =	vst v63  }
0x91: {  	_ =	swait.ge [sflag:s10], $0x4000  }
0x92: {  	[sflag:s10] =	ssyncset.done $0x0  }
0x93: {  	[sflag:s10] =	ssyncadd.s32 $0xFFFFC000  }
0x94: {  	_ =	swait.ge [sflag:s16], $0x4000  }
0x95: {  	[sflag:s16] =	ssyncset.done $0x0  }
0x96: {  	[sflag:s16] =	ssyncadd.s32 $0xFFFFC000  }
0x97: {  	[tilespmem:s13], [sflag:$0x1] =	stream.indirect.gather [hbm4b:s4+s12], $0x80, s25, s12, $0xb8;
	[tilespmem:$0x1D000] =	vst v63  }
0x98: {  	_ = 	snop  }
0x99: {  	[spmem:s1] =	stream.indirect.scatter.add.f32 [tilespmem:s15], [sflag:$0x3], $0x80, s26, s12, $0xb8;
	[tilespmem:$0x1D000] =	vst v63  }
0x9a: {  	_ =	swait.ge [sflag:s10], $0x4000  }
0x9b: {  	[sflag:s10] =	ssyncset.done $0x0  }
0x9c: {  	[sflag:s10] =	ssyncadd.s32 $0xFFFFC000  }
0x9d: {  	_ =	swait.ge [sflag:s14], $0x4000  }
0x9e: {  	[sflag:s14] =	ssyncset.done $0x0  }
0x9f: {  	[sflag:s14] =	ssyncadd.s32 $0xFFFFC000  }
0xa0: {  	[tilespmem:s15], [sflag:$0x2] =	stream.indirect.gather [hbm4b:s4+s12], $0x80, s28, s12, $0xb8;
	[tilespmem:$0x1D000] =	vst v63  }
0xa1: {  	_ = 	snop  }
0xa2: {  	[spmem:s1] =	stream.indirect.scatter.add.f32 [tilespmem:s13], [sflag:$0x3], $0x80, s29, s12, $0xb8;
	[tilespmem:$0x1D000] =	vst v63  }
0xa3: {  	_ =	swait.ge [sflag:s10], $0x4000  }
0xa4: {  	[sflag:s10] =	ssyncset.done $0x0  }
0xa5: {  	[sflag:s10] =	ssyncadd.s32 $0xFFFFC000  }
0xa6: {  	_ =	swait.ge [sflag:s16], $0x4000  }
0xa7: {  	[sflag:s16] =	ssyncset.done $0x0  }
0xa8: {  	[sflag:s16] =	ssyncadd.s32 $0xFFFFC000  }
0xa9: {  	[tilespmem:s13], [sflag:$0x1] =	stream.indirect.gather [hbm4b:s4+s12], $0x80, s30, s12, $0xb8;
	[tilespmem:$0x1D000] =	vst v63  }
0xaa: {  	_ = 	snop  }
0xab: {  	[spmem:s1] =	stream.indirect.scatter.add.f32 [tilespmem:s15], [sflag:$0x3], $0x80, s31, s12, $0xb8;
	[tilespmem:$0x1D000] =	vst v63  }
0xac: {  	_ =	swait.ge [sflag:s10], $0x4000  }
0xad: {  	[sflag:s10] =	ssyncset.done $0x0  }
0xae: {  	[sflag:s10] =	ssyncadd.s32 $0xFFFFC000  }
0xaf: {  	_ =	swait.ge [sflag:s14], $0x4000  }
0xb0: {  	[sflag:s14] =	ssyncset.done $0x0  }
0xb1: {  	[sflag:s14] =	ssyncadd.s32 $0xFFFFC000  }
0xb2: {  	[tilespmem:s15], [sflag:$0x2] =	stream.indirect.gather [hbm4b:s4+s12], $0x80, s0, s12, $0xb8;
	[tilespmem:$0x1D000] =	vst v63  }
0xb3: {  	_ = 	snop  }
0xb4: {  	[spmem:s1] =	stream.indirect.scatter.add.f32 [tilespmem:s13], [sflag:$0x3], $0x80, s2, s12, $0xb8;
	[tilespmem:$0x1D000] =	vst v63  }
0xb5: {  	_ =	swait.ge [sflag:s10], $0x4000  }
0xb6: {  	[sflag:s10] =	ssyncset.done $0x0  }
0xb7: {  	[sflag:s10] =	ssyncadd.s32 $0xFFFFC000  }
0xb8: {  	_ =	swait.ge [sflag:s16], $0x4000  }
0xb9: {  	[sflag:s16] =	ssyncset.done $0x0  }
0xba: {  	[sflag:s16] =	ssyncadd.s32 $0xFFFFC000  }
0xbb: {  	[spmem:s1] =	stream.indirect.scatter.add.f32 [tilespmem:s15], [sflag:$0x3], $0x80, s5, s12, $0xb8;
	[tilespmem:$0x1D000] =	vst v63  }
0xbc: {  	s6 =	simm.s32 $0x200;
	_ =	swait.ge [sflag:s10], $0x4000  }
0xbd: {  	s8 =	simm.s32 $0x100;
	s9 =	rddreg [dreg:$0x3];
	[sflag:s10] =	ssyncset.done $0x0  }
.LBB2_2:
0xbe: {  	[sflag:s10] =	ssyncadd.s32 $0xFFFFC000;
	s9 =	sadd.s32 s8, s9  }
0xbf: {  	[tilespmem:s3], [sflag:$0x3] =	stream.linear.gather [hbm4b:s9+s3], $0x800, $0x38;
	[tilespmem:$0x1D000] =	vst v63  }
0xc0: {  	_ =	swait.ge [sflag:s10], $0x800  }
0xc1: {  	s9 =	rddreg [dreg:$0x4];
	[sflag:s10] =	ssyncset.done $0x0  }
0xc2: {  	[sflag:s10] =	ssyncadd.s32 $0xFFFFF800;
	s9 =	sadd.s32 s8, s9  }
0xc3: {  	[tilespmem:s11], [sflag:$0x3] =	stream.linear.gather [hbm4b:s9+s3], $0x800, $0x38;
	[tilespmem:$0x1D000] =	vst v63  }
0xc4: {  	_ =	swait.ge [sflag:s10], $0x800  }
0xc5: {  	[sflag:s10] =	ssyncset.done $0x0  }
0xc6: {  	[sflag:s10] =	ssyncadd.s32 $0xFFFFF800  }
0xc7: {  	[tilespmem:s13], [sflag:$0x1] =	stream.indirect.gather [hbm4b:s4+s12], $0x80, s3, s12, $0xb8;
	[tilespmem:$0x1D000] =	vst v63  }
0xc8: {  	_ =	swait.ge [sflag:s14], $0x4000  }
0xc9: {  	[sflag:s14] =	ssyncset.done $0x0  }
0xca: {  	[sflag:s14] =	ssyncadd.s32 $0xFFFFC000  }
0xcb: {  	[tilespmem:s15], [sflag:$0x2] =	stream.indirect.gather [hbm4b:s4+s12], $0x80, s12, s12, $0xb8;
	[tilespmem:$0x1D000] =	vst v63  }
0xcc: {  	_ = 	snop  }
0xcd: {  	[spmem:s1] =	stream.indirect.scatter.add.f32 [tilespmem:s13], [sflag:$0x3], $0x80, s11, s12, $0xb8;
	[tilespmem:$0x1D000] =	vst v63  }
0xce: {  	_ =	swait.ge [sflag:s10], $0x4000  }
0xcf: {  	[sflag:s10] =	ssyncset.done $0x0  }
0xd0: {  	[sflag:s10] =	ssyncadd.s32 $0xFFFFC000  }
0xd1: {  	_ =	swait.ge [sflag:s16], $0x4000  }
0xd2: {  	s7 =	smov.u32 s6;
	[sflag:s16] =	ssyncset.done $0x0  }
0xd3: {  	s8 =	smov.u32 s7;
	s7 =	rddreg [dreg:$0x5];
	[sflag:s16] =	ssyncadd.s32 $0xFFFFC000  }
0xd4: {  	[tilespmem:s13], [sflag:$0x1] =	stream.indirect.gather [hbm4b:s4+s12], $0x80, s7, s12, $0xb8;
	[tilespmem:$0x1D000] =	vst v63  }
0xd5: {  	s9 =	rddreg [dreg:$0x6]  }
0xd6: {  	[spmem:s1] =	stream.indirect.scatter.add.f32 [tilespmem:s15], [sflag:$0x3], $0x80, s9, s12, $0xb8;
	[tilespmem:$0x1D000] =	vst v63  }
0xd7: {  	_ =	swait.ge [sflag:s10], $0x4000  }
0xd8: {  	[sflag:s10] =	ssyncset.done $0x0  }
0xd9: {  	[sflag:s10] =	ssyncadd.s32 $0xFFFFC000  }
0xda: {  	_ =	swait.ge [sflag:s14], $0x4000  }
0xdb: {  	[sflag:s14] =	ssyncset.done $0x0  }
0xdc: {  	s7 =	rddreg [dreg:$0x7];
	[sflag:s14] =	ssyncadd.s32 $0xFFFFC000  }
0xdd: {  	[tilespmem:s15], [sflag:$0x2] =	stream.indirect.gather [hbm4b:s4+s12], $0x80, s7, s12, $0xb8;
	[tilespmem:$0x1D000] =	vst v63  }
0xde: {  	s9 =	rddreg [dreg:$0x8]  }
0xdf: {  	[spmem:s1] =	stream.indirect.scatter.add.f32 [tilespmem:s13], [sflag:$0x3], $0x80, s9, s12, $0xb8;
	[tilespmem:$0x1D000] =	vst v63  }
0xe0: {  	_ =	swait.ge [sflag:s10], $0x4000  }
0xe1: {  	[sflag:s10] =	ssyncset.done $0x0  }
0xe2: {  	[sflag:s10] =	ssyncadd.s32 $0xFFFFC000  }
0xe3: {  	_ =	swait.ge [sflag:s16], $0x4000  }
0xe4: {  	[sflag:s16] =	ssyncset.done $0x0  }
0xe5: {  	s7 =	rddreg [dreg:$0x9];
	[sflag:s16] =	ssyncadd.s32 $0xFFFFC000  }
0xe6: {  	[tilespmem:s13], [sflag:$0x1] =	stream.indirect.gather [hbm4b:s4+s12], $0x80, s7, s12, $0xb8;
	[tilespmem:$0x1D000] =	vst v63  }
0xe7: {  	s9 =	rddreg [dreg:$0xa]  }
0xe8: {  	[spmem:s1] =	stream.indirect.scatter.add.f32 [tilespmem:s15], [sflag:$0x3], $0x80, s9, s12, $0xb8;
	[tilespmem:$0x1D000] =	vst v63  }
0xe9: {  	_ =	swait.ge [sflag:s10], $0x4000  }
0xea: {  	[sflag:s10] =	ssyncset.done $0x0  }
0xeb: {  	[sflag:s10] =	ssyncadd.s32 $0xFFFFC000  }
0xec: {  	_ =	swait.ge [sflag:s14], $0x4000  }
0xed: {  	[sflag:s14] =	ssyncset.done $0x0  }
0xee: {  	s7 =	rddreg [dreg:$0xb];
	[sflag:s14] =	ssyncadd.s32 $0xFFFFC000  }
0xef: {  	[tilespmem:s15], [sflag:$0x2] =	stream.indirect.gather [hbm4b:s4+s12], $0x80, s7, s12, $0xb8;
	[tilespmem:$0x1D000] =	vst v63  }
0xf0: {  	s9 =	rddreg [dreg:$0xc]  }
0xf1: {  	[spmem:s1] =	stream.indirect.scatter.add.f32 [tilespmem:s13], [sflag:$0x3], $0x80, s9, s12, $0xb8;
	[tilespmem:$0x1D000] =	vst v63  }
0xf2: {  	_ =	swait.ge [sflag:s10], $0x4000  }
0xf3: {  	[sflag:s10] =	ssyncset.done $0x0  }
0xf4: {  	[sflag:s10] =	ssyncadd.s32 $0xFFFFC000  }
0xf5: {  	_ =	swait.ge [sflag:s16], $0x4000  }
0xf6: {  	[sflag:s16] =	ssyncset.done $0x0  }
0xf7: {  	s7 =	rddreg [dreg:$0xd];
	[sflag:s16] =	ssyncadd.s32 $0xFFFFC000  }
0xf8: {  	[tilespmem:s13], [sflag:$0x1] =	stream.indirect.gather [hbm4b:s4+s12], $0x80, s7, s12, $0xb8;
	[tilespmem:$0x1D000] =	vst v63  }
0xf9: {  	s9 =	rddreg [dreg:$0xe]  }
0xfa: {  	[spmem:s1] =	stream.indirect.scatter.add.f32 [tilespmem:s15], [sflag:$0x3], $0x80, s9, s12, $0xb8;
	[tilespmem:$0x1D000] =	vst v63  }
0xfb: {  	_ =	swait.ge [sflag:s10], $0x4000  }
0xfc: {  	[sflag:s10] =	ssyncset.done $0x0  }
0xfd: {  	[sflag:s10] =	ssyncadd.s32 $0xFFFFC000  }
0xfe: {  	_ =	swait.ge [sflag:s14], $0x4000  }
0xff: {  	[sflag:s14] =	ssyncset.done $0x0  }
0x100: {  	s7 =	rddreg [dreg:$0xf];
	[sflag:s14] =	ssyncadd.s32 $0xFFFFC000  }
0x101: {  	[tilespmem:s15], [sflag:$0x2] =	stream.indirect.gather [hbm4b:s4+s12], $0x80, s7, s12, $0xb8;
	[tilespmem:$0x1D000] =	vst v63  }
0x102: {  	s9 =	rddreg [dreg:$0x10]  }
0x103: {  	[spmem:s1] =	stream.indirect.scatter.add.f32 [tilespmem:s13], [sflag:$0x3], $0x80, s9, s12, $0xb8;
	[tilespmem:$0x1D000] =	vst v63  }
0x104: {  	_ =	swait.ge [sflag:s10], $0x4000  }
0x105: {  	[sflag:s10] =	ssyncset.done $0x0  }
0x106: {  	[sflag:s10] =	ssyncadd.s32 $0xFFFFC000  }
0x107: {  	_ =	swait.ge [sflag:s16], $0x4000  }
0x108: {  	[sflag:s16] =	ssyncset.done $0x0  }
0x109: {  	[sflag:s16] =	ssyncadd.s32 $0xFFFFC000  }
0x10a: {  	[tilespmem:s13], [sflag:$0x1] =	stream.indirect.gather [hbm4b:s4+s12], $0x80, s17, s12, $0xb8;
	[tilespmem:$0x1D000] =	vst v63  }
0x10b: {  	_ = 	snop  }
0x10c: {  	[spmem:s1] =	stream.indirect.scatter.add.f32 [tilespmem:s15], [sflag:$0x3], $0x80, s18, s12, $0xb8;
	[tilespmem:$0x1D000] =	vst v63  }
0x10d: {  	_ =	swait.ge [sflag:s10], $0x4000  }
0x10e: {  	[sflag:s10] =	ssyncset.done $0x0  }
0x10f: {  	[sflag:s10] =	ssyncadd.s32 $0xFFFFC000  }
0x110: {  	_ =	swait.ge [sflag:s14], $0x4000  }
0x111: {  	[sflag:s14] =	ssyncset.done $0x0  }
0x112: {  	[sflag:s14] =	ssyncadd.s32 $0xFFFFC000  }
0x113: {  	[tilespmem:s15], [sflag:$0x2] =	stream.indirect.gather [hbm4b:s4+s12], $0x80, s19, s12, $0xb8;
	[tilespmem:$0x1D000] =	vst v63  }
0x114: {  	_ = 	snop  }
0x115: {  	[spmem:s1] =	stream.indirect.scatter.add.f32 [tilespmem:s13], [sflag:$0x3], $0x80, s20, s12, $0xb8;
	[tilespmem:$0x1D000] =	vst v63  }
0x116: {  	_ =	swait.ge [sflag:s10], $0x4000  }
0x117: {  	[sflag:s10] =	ssyncset.done $0x0  }
0x118: {  	[sflag:s10] =	ssyncadd.s32 $0xFFFFC000  }
0x119: {  	_ =	swait.ge [sflag:s16], $0x4000  }
0x11a: {  	[sflag:s16] =	ssyncset.done $0x0  }
0x11b: {  	[sflag:s16] =	ssyncadd.s32 $0xFFFFC000  }
0x11c: {  	[tilespmem:s13], [sflag:$0x1] =	stream.indirect.gather [hbm4b:s4+s12], $0x80, s21, s12, $0xb8;
	[tilespmem:$0x1D000] =	vst v63  }
0x11d: {  	_ = 	snop  }
0x11e: {  	[spmem:s1] =	stream.indirect.scatter.add.f32 [tilespmem:s15], [sflag:$0x3], $0x80, s22, s12, $0xb8;
	[tilespmem:$0x1D000] =	vst v63  }
0x11f: {  	_ =	swait.ge [sflag:s10], $0x4000  }
0x120: {  	[sflag:s10] =	ssyncset.done $0x0  }
0x121: {  	[sflag:s10] =	ssyncadd.s32 $0xFFFFC000  }
0x122: {  	_ =	swait.ge [sflag:s14], $0x4000  }
0x123: {  	[sflag:s14] =	ssyncset.done $0x0  }
0x124: {  	[sflag:s14] =	ssyncadd.s32 $0xFFFFC000  }
0x125: {  	[tilespmem:s15], [sflag:$0x2] =	stream.indirect.gather [hbm4b:s4+s12], $0x80, s23, s12, $0xb8;
	[tilespmem:$0x1D000] =	vst v63  }
0x126: {  	_ = 	snop  }
0x127: {  	[spmem:s1] =	stream.indirect.scatter.add.f32 [tilespmem:s13], [sflag:$0x3], $0x80, s24, s12, $0xb8;
	[tilespmem:$0x1D000] =	vst v63  }
0x128: {  	_ =	swait.ge [sflag:s10], $0x4000  }
0x129: {  	[sflag:s10] =	ssyncset.done $0x0  }
0x12a: {  	[sflag:s10] =	ssyncadd.s32 $0xFFFFC000  }
0x12b: {  	_ =	swait.ge [sflag:s16], $0x4000  }
0x12c: {  	[sflag:s16] =	ssyncset.done $0x0  }
0x12d: {  	[sflag:s16] =	ssyncadd.s32 $0xFFFFC000  }
0x12e: {  	[tilespmem:s13], [sflag:$0x1] =	stream.indirect.gather [hbm4b:s4+s12], $0x80, s25, s12, $0xb8;
	[tilespmem:$0x1D000] =	vst v63  }
0x12f: {  	_ = 	snop  }
0x130: {  	[spmem:s1] =	stream.indirect.scatter.add.f32 [tilespmem:s15], [sflag:$0x3], $0x80, s26, s12, $0xb8;
	[tilespmem:$0x1D000] =	vst v63  }
0x131: {  	_ =	swait.ge [sflag:s10], $0x4000  }
0x132: {  	[sflag:s10] =	ssyncset.done $0x0  }
0x133: {  	[sflag:s10] =	ssyncadd.s32 $0xFFFFC000  }
0x134: {  	_ =	swait.ge [sflag:s14], $0x4000  }
0x135: {  	[sflag:s14] =	ssyncset.done $0x0  }
0x136: {  	[sflag:s14] =	ssyncadd.s32 $0xFFFFC000  }
0x137: {  	[tilespmem:s15], [sflag:$0x2] =	stream.indirect.gather [hbm4b:s4+s12], $0x80, s28, s12, $0xb8;
	[tilespmem:$0x1D000] =	vst v63  }
0x138: {  	_ = 	snop  }
0x139: {  	[spmem:s1] =	stream.indirect.scatter.add.f32 [tilespmem:s13], [sflag:$0x3], $0x80, s29, s12, $0xb8;
	[tilespmem:$0x1D000] =	vst v63  }
0x13a: {  	_ =	swait.ge [sflag:s10], $0x4000  }
0x13b: {  	[sflag:s10] =	ssyncset.done $0x0  }
0x13c: {  	[sflag:s10] =	ssyncadd.s32 $0xFFFFC000  }
0x13d: {  	_ =	swait.ge [sflag:s16], $0x4000  }
0x13e: {  	[sflag:s16] =	ssyncset.done $0x0  }
0x13f: {  	[sflag:s16] =	ssyncadd.s32 $0xFFFFC000  }
0x140: {  	[tilespmem:s13], [sflag:$0x1] =	stream.indirect.gather [hbm4b:s4+s12], $0x80, s30, s12, $0xb8;
	[tilespmem:$0x1D000] =	vst v63  }
0x141: {  	_ = 	snop  }
0x142: {  	[spmem:s1] =	stream.indirect.scatter.add.f32 [tilespmem:s15], [sflag:$0x3], $0x80, s31, s12, $0xb8;
	[tilespmem:$0x1D000] =	vst v63  }
0x143: {  	_ =	swait.ge [sflag:s10], $0x4000  }
0x144: {  	[sflag:s10] =	ssyncset.done $0x0  }
0x145: {  	[sflag:s10] =	ssyncadd.s32 $0xFFFFC000  }
0x146: {  	_ =	swait.ge [sflag:s14], $0x4000  }
0x147: {  	[sflag:s14] =	ssyncset.done $0x0  }
0x148: {  	[sflag:s14] =	ssyncadd.s32 $0xFFFFC000  }
0x149: {  	[tilespmem:s15], [sflag:$0x2] =	stream.indirect.gather [hbm4b:s4+s12], $0x80, s0, s12, $0xb8;
	[tilespmem:$0x1D000] =	vst v63  }
0x14a: {  	_ = 	snop  }
0x14b: {  	[spmem:s1] =	stream.indirect.scatter.add.f32 [tilespmem:s13], [sflag:$0x3], $0x80, s2, s12, $0xb8;
	[tilespmem:$0x1D000] =	vst v63  }
0x14c: {  	_ =	swait.ge [sflag:s10], $0x4000  }
0x14d: {  	[sflag:s10] =	ssyncset.done $0x0  }
0x14e: {  	[sflag:s10] =	ssyncadd.s32 $0xFFFFC000  }
0x14f: {  	p0 =	sne.s32 s6, $0x400;
	_ =	swait.ge [sflag:s16], $0x4000  }
.Ltmp0:
0x150: {  	[sflag:s16] =	ssyncset.done $0x0;
	(pc) =	sbr.rel @p0 .LBB2_2-.Ltmp0, $4  }
0x151: {  	[sflag:s16] =	ssyncadd.s32 $0xFFFFC000  }
0x152: {  	[spmem:s1] =	stream.indirect.scatter.add.f32 [tilespmem:s15], [sflag:$0x3], $0x80, s5, s12, $0xb8;
	[tilespmem:$0x1D000] =	vst v63  }
0x153: {  	_ =	swait.ge [sflag:s10], $0x4000  }
0x154: {  	s6 =	sadd.s32 $0x100, s6;
	s9 =	rddreg [dreg:$0x3];
	[sflag:s10] =	ssyncset.done $0x0  }
0x155: {  	[sflag:s10] =	ssyncadd.s32 $0xFFFFC000;
	s6 =	sadd.s32 s8, s9  }
0x156: {  	[tilespmem:s3], [sflag:$0x3] =	stream.linear.gather [hbm4b:s6+s3], $0x800, $0x38;
	[tilespmem:$0x1D000] =	vst v63  }
0x157: {  	_ =	swait.ge [sflag:s10], $0x800  }
0x158: {  	s7 =	rddreg [dreg:$0x4];
	[sflag:s10] =	ssyncset.done $0x0  }
0x159: {  	[sflag:s10] =	ssyncadd.s32 $0xFFFFF800;
	s6 =	sadd.s32 s8, s7  }
0x15a: {  	[tilespmem:s11], [sflag:$0x3] =	stream.linear.gather [hbm4b:s6+s3], $0x800, $0x38;
	[tilespmem:$0x1D000] =	vst v63  }
0x15b: {  	_ =	swait.ge [sflag:s10], $0x800  }
0x15c: {  	[sflag:s10] =	ssyncset.done $0x0  }
0x15d: {  	[sflag:s10] =	ssyncadd.s32 $0xFFFFF800  }
0x15e: {  	[tilespmem:s13], [sflag:$0x1] =	stream.indirect.gather [hbm4b:s4+s12], $0x80, s3, s12, $0xb8;
	[tilespmem:$0x1D000] =	vst v63  }
0x15f: {  	_ =	swait.ge [sflag:s14], $0x4000  }
0x160: {  	[sflag:s14] =	ssyncset.done $0x0  }
0x161: {  	[sflag:s14] =	ssyncadd.s32 $0xFFFFC000  }
0x162: {  	[tilespmem:s15], [sflag:$0x2] =	stream.indirect.gather [hbm4b:s4+s12], $0x80, s12, s12, $0xb8;
	[tilespmem:$0x1D000] =	vst v63  }
0x163: {  	_ = 	snop  }
0x164: {  	[spmem:s1] =	stream.indirect.scatter.add.f32 [tilespmem:s13], [sflag:$0x3], $0x80, s11, s12, $0xb8;
	[tilespmem:$0x1D000] =	vst v63  }
0x165: {  	_ =	swait.ge [sflag:s10], $0x4000  }
0x166: {  	[sflag:s10] =	ssyncset.done $0x0  }
0x167: {  	[sflag:s10] =	ssyncadd.s32 $0xFFFFC000  }
0x168: {  	_ =	swait.ge [sflag:s16], $0x4000  }
0x169: {  	[sflag:s16] =	ssyncset.done $0x0  }
0x16a: {  	s9 =	rddreg [dreg:$0x5];
	[sflag:s16] =	ssyncadd.s32 $0xFFFFC000  }
0x16b: {  	[tilespmem:s13], [sflag:$0x1] =	stream.indirect.gather [hbm4b:s4+s12], $0x80, s9, s12, $0xb8;
	[tilespmem:$0x1D000] =	vst v63  }
0x16c: {  	s7 =	rddreg [dreg:$0x6]  }
0x16d: {  	[spmem:s1] =	stream.indirect.scatter.add.f32 [tilespmem:s15], [sflag:$0x3], $0x80, s7, s12, $0xb8;
	[tilespmem:$0x1D000] =	vst v63  }
0x16e: {  	_ =	swait.ge [sflag:s10], $0x4000  }
0x16f: {  	[sflag:s10] =	ssyncset.done $0x0  }
0x170: {  	[sflag:s10] =	ssyncadd.s32 $0xFFFFC000  }
0x171: {  	_ =	swait.ge [sflag:s14], $0x4000  }
0x172: {  	[sflag:s14] =	ssyncset.done $0x0  }
0x173: {  	s8 =	rddreg [dreg:$0x7];
	[sflag:s14] =	ssyncadd.s32 $0xFFFFC000  }
0x174: {  	[tilespmem:s15], [sflag:$0x2] =	stream.indirect.gather [hbm4b:s4+s12], $0x80, s8, s12, $0xb8;
	[tilespmem:$0x1D000] =	vst v63  }
0x175: {  	s9 =	rddreg [dreg:$0x8]  }
0x176: {  	[spmem:s1] =	stream.indirect.scatter.add.f32 [tilespmem:s13], [sflag:$0x3], $0x80, s9, s12, $0xb8;
	[tilespmem:$0x1D000] =	vst v63  }
0x177: {  	_ =	swait.ge [sflag:s10], $0x4000  }
0x178: {  	[sflag:s10] =	ssyncset.done $0x0  }
0x179: {  	[sflag:s10] =	ssyncadd.s32 $0xFFFFC000  }
0x17a: {  	_ =	swait.ge [sflag:s16], $0x4000  }
0x17b: {  	[sflag:s16] =	ssyncset.done $0x0  }
0x17c: {  	s8 =	rddreg [dreg:$0x9];
	[sflag:s16] =	ssyncadd.s32 $0xFFFFC000  }
0x17d: {  	[tilespmem:s13], [sflag:$0x1] =	stream.indirect.gather [hbm4b:s4+s12], $0x80, s8, s12, $0xb8;
	[tilespmem:$0x1D000] =	vst v63  }
0x17e: {  	s9 =	rddreg [dreg:$0xa]  }
0x17f: {  	[spmem:s1] =	stream.indirect.scatter.add.f32 [tilespmem:s15], [sflag:$0x3], $0x80, s9, s12, $0xb8;
	[tilespmem:$0x1D000] =	vst v63  }
0x180: {  	_ =	swait.ge [sflag:s10], $0x4000  }
0x181: {  	[sflag:s10] =	ssyncset.done $0x0  }
0x182: {  	[sflag:s10] =	ssyncadd.s32 $0xFFFFC000  }
0x183: {  	_ =	swait.ge [sflag:s14], $0x4000  }
0x184: {  	[sflag:s14] =	ssyncset.done $0x0  }
0x185: {  	s8 =	rddreg [dreg:$0xb];
	[sflag:s14] =	ssyncadd.s32 $0xFFFFC000  }
0x186: {  	[tilespmem:s15], [sflag:$0x2] =	stream.indirect.gather [hbm4b:s4+s12], $0x80, s8, s12, $0xb8;
	[tilespmem:$0x1D000] =	vst v63  }
0x187: {  	s9 =	rddreg [dreg:$0xc]  }
0x188: {  	[spmem:s1] =	stream.indirect.scatter.add.f32 [tilespmem:s13], [sflag:$0x3], $0x80, s9, s12, $0xb8;
	[tilespmem:$0x1D000] =	vst v63  }
0x189: {  	_ =	swait.ge [sflag:s10], $0x4000  }
0x18a: {  	[sflag:s10] =	ssyncset.done $0x0  }
0x18b: {  	[sflag:s10] =	ssyncadd.s32 $0xFFFFC000  }
0x18c: {  	_ =	swait.ge [sflag:s16], $0x4000  }
0x18d: {  	[sflag:s16] =	ssyncset.done $0x0  }
0x18e: {  	s8 =	rddreg [dreg:$0xd];
	[sflag:s16] =	ssyncadd.s32 $0xFFFFC000  }
0x18f: {  	[tilespmem:s13], [sflag:$0x1] =	stream.indirect.gather [hbm4b:s4+s12], $0x80, s8, s12, $0xb8;
	[tilespmem:$0x1D000] =	vst v63  }
0x190: {  	s9 =	rddreg [dreg:$0xe]  }
0x191: {  	[spmem:s1] =	stream.indirect.scatter.add.f32 [tilespmem:s15], [sflag:$0x3], $0x80, s9, s12, $0xb8;
	[tilespmem:$0x1D000] =	vst v63  }
0x192: {  	_ =	swait.ge [sflag:s10], $0x4000  }
0x193: {  	[sflag:s10] =	ssyncset.done $0x0  }
0x194: {  	[sflag:s10] =	ssyncadd.s32 $0xFFFFC000  }
0x195: {  	_ =	swait.ge [sflag:s14], $0x4000  }
0x196: {  	[sflag:s14] =	ssyncset.done $0x0  }
0x197: {  	s7 =	rddreg [dreg:$0xf];
	[sflag:s14] =	ssyncadd.s32 $0xFFFFC000  }
0x198: {  	[tilespmem:s15], [sflag:$0x2] =	stream.indirect.gather [hbm4b:s4+s12], $0x80, s7, s12, $0xb8;
	[tilespmem:$0x1D000] =	vst v63  }
0x199: {  	s8 =	rddreg [dreg:$0x10]  }
0x19a: {  	[spmem:s1] =	stream.indirect.scatter.add.f32 [tilespmem:s13], [sflag:$0x3], $0x80, s8, s12, $0xb8;
	[tilespmem:$0x1D000] =	vst v63  }
0x19b: {  	_ =	swait.ge [sflag:s10], $0x4000  }
0x19c: {  	[sflag:s10] =	ssyncset.done $0x0  }
0x19d: {  	[sflag:s10] =	ssyncadd.s32 $0xFFFFC000  }
0x19e: {  	_ =	swait.ge [sflag:s16], $0x4000  }
0x19f: {  	[sflag:s16] =	ssyncset.done $0x0  }
0x1a0: {  	[sflag:s16] =	ssyncadd.s32 $0xFFFFC000  }
0x1a1: {  	[tilespmem:s13], [sflag:$0x1] =	stream.indirect.gather [hbm4b:s4+s12], $0x80, s17, s12, $0xb8;
	[tilespmem:$0x1D000] =	vst v63  }
0x1a2: {  	_ = 	snop  }
0x1a3: {  	[spmem:s1] =	stream.indirect.scatter.add.f32 [tilespmem:s15], [sflag:$0x3], $0x80, s18, s12, $0xb8;
	[tilespmem:$0x1D000] =	vst v63  }
0x1a4: {  	_ =	swait.ge [sflag:s10], $0x4000  }
0x1a5: {  	[sflag:s10] =	ssyncset.done $0x0  }
0x1a6: {  	[sflag:s10] =	ssyncadd.s32 $0xFFFFC000  }
0x1a7: {  	_ =	swait.ge [sflag:s14], $0x4000  }
0x1a8: {  	[sflag:s14] =	ssyncset.done $0x0  }
0x1a9: {  	[sflag:s14] =	ssyncadd.s32 $0xFFFFC000  }
0x1aa: {  	[tilespmem:s15], [sflag:$0x2] =	stream.indirect.gather [hbm4b:s4+s12], $0x80, s19, s12, $0xb8;
	[tilespmem:$0x1D000] =	vst v63  }
0x1ab: {  	_ = 	snop  }
0x1ac: {  	[spmem:s1] =	stream.indirect.scatter.add.f32 [tilespmem:s13], [sflag:$0x3], $0x80, s20, s12, $0xb8;
	[tilespmem:$0x1D000] =	vst v63  }
0x1ad: {  	_ =	swait.ge [sflag:s10], $0x4000  }
0x1ae: {  	[sflag:s10] =	ssyncset.done $0x0  }
0x1af: {  	[sflag:s10] =	ssyncadd.s32 $0xFFFFC000  }
0x1b0: {  	_ =	swait.ge [sflag:s16], $0x4000  }
0x1b1: {  	[sflag:s16] =	ssyncset.done $0x0  }
0x1b2: {  	[sflag:s16] =	ssyncadd.s32 $0xFFFFC000  }
0x1b3: {  	[tilespmem:s13], [sflag:$0x1] =	stream.indirect.gather [hbm4b:s4+s12], $0x80, s21, s12, $0xb8;
	[tilespmem:$0x1D000] =	vst v63  }
0x1b4: {  	_ = 	snop  }
0x1b5: {  	[spmem:s1] =	stream.indirect.scatter.add.f32 [tilespmem:s15], [sflag:$0x3], $0x80, s22, s12, $0xb8;
	[tilespmem:$0x1D000] =	vst v63  }
0x1b6: {  	_ =	swait.ge [sflag:s10], $0x4000  }
0x1b7: {  	[sflag:s10] =	ssyncset.done $0x0  }
0x1b8: {  	[sflag:s10] =	ssyncadd.s32 $0xFFFFC000  }
0x1b9: {  	_ =	swait.ge [sflag:s14], $0x4000  }
0x1ba: {  	[sflag:s14] =	ssyncset.done $0x0  }
0x1bb: {  	[sflag:s14] =	ssyncadd.s32 $0xFFFFC000  }
0x1bc: {  	[tilespmem:s15], [sflag:$0x2] =	stream.indirect.gather [hbm4b:s4+s12], $0x80, s23, s12, $0xb8;
	[tilespmem:$0x1D000] =	vst v63  }
0x1bd: {  	_ = 	snop  }
0x1be: {  	[spmem:s1] =	stream.indirect.scatter.add.f32 [tilespmem:s13], [sflag:$0x3], $0x80, s24, s12, $0xb8;
	[tilespmem:$0x1D000] =	vst v63  }
0x1bf: {  	_ =	swait.ge [sflag:s10], $0x4000  }
0x1c0: {  	[sflag:s10] =	ssyncset.done $0x0  }
0x1c1: {  	[sflag:s10] =	ssyncadd.s32 $0xFFFFC000  }
0x1c2: {  	_ =	swait.ge [sflag:s16], $0x4000  }
0x1c3: {  	[sflag:s16] =	ssyncset.done $0x0  }
0x1c4: {  	[sflag:s16] =	ssyncadd.s32 $0xFFFFC000  }
0x1c5: {  	[tilespmem:s13], [sflag:$0x1] =	stream.indirect.gather [hbm4b:s4+s12], $0x80, s25, s12, $0xb8;
	[tilespmem:$0x1D000] =	vst v63  }
0x1c6: {  	_ = 	snop  }
0x1c7: {  	[spmem:s1] =	stream.indirect.scatter.add.f32 [tilespmem:s15], [sflag:$0x3], $0x80, s26, s12, $0xb8;
	[tilespmem:$0x1D000] =	vst v63  }
0x1c8: {  	_ =	swait.ge [sflag:s10], $0x4000  }
0x1c9: {  	[sflag:s10] =	ssyncset.done $0x0  }
0x1ca: {  	[sflag:s10] =	ssyncadd.s32 $0xFFFFC000  }
0x1cb: {  	_ =	swait.ge [sflag:s14], $0x4000  }
0x1cc: {  	[sflag:s14] =	ssyncset.done $0x0  }
0x1cd: {  	[sflag:s14] =	ssyncadd.s32 $0xFFFFC000  }
0x1ce: {  	[tilespmem:s15], [sflag:$0x2] =	stream.indirect.gather [hbm4b:s4+s12], $0x80, s28, s12, $0xb8;
	[tilespmem:$0x1D000] =	vst v63  }
0x1cf: {  	_ = 	snop  }
0x1d0: {  	[spmem:s1] =	stream.indirect.scatter.add.f32 [tilespmem:s13], [sflag:$0x3], $0x80, s29, s12, $0xb8;
	[tilespmem:$0x1D000] =	vst v63  }
0x1d1: {  	_ =	swait.ge [sflag:s10], $0x4000  }
0x1d2: {  	[sflag:s10] =	ssyncset.done $0x0  }
0x1d3: {  	[sflag:s10] =	ssyncadd.s32 $0xFFFFC000  }
0x1d4: {  	_ =	swait.ge [sflag:s16], $0x4000  }
0x1d5: {  	[sflag:s16] =	ssyncset.done $0x0  }
0x1d6: {  	[sflag:s16] =	ssyncadd.s32 $0xFFFFC000  }
0x1d7: {  	[tilespmem:s13], [sflag:$0x1] =	stream.indirect.gather [hbm4b:s4+s12], $0x80, s30, s12, $0xb8;
	[tilespmem:$0x1D000] =	vst v63  }
0x1d8: {  	_ = 	snop  }
0x1d9: {  	[spmem:s1] =	stream.indirect.scatter.add.f32 [tilespmem:s15], [sflag:$0x3], $0x80, s31, s12, $0xb8;
	[tilespmem:$0x1D000] =	vst v63  }
0x1da: {  	_ =	swait.ge [sflag:s10], $0x4000  }
0x1db: {  	[sflag:s10] =	ssyncset.done $0x0  }
0x1dc: {  	[sflag:s10] =	ssyncadd.s32 $0xFFFFC000  }
0x1dd: {  	_ =	swait.ge [sflag:s14], $0x4000  }
0x1de: {  	[sflag:s14] =	ssyncset.done $0x0  }
0x1df: {  	[sflag:s14] =	ssyncadd.s32 $0xFFFFC000  }
0x1e0: {  	[tilespmem:s15], [sflag:$0x2] =	stream.indirect.gather [hbm4b:s4+s12], $0x80, s0, s12, $0xb8;
	[tilespmem:$0x1D000] =	vst v63  }
0x1e1: {  	_ = 	snop  }
0x1e2: {  	[spmem:s1] =	stream.indirect.scatter.add.f32 [tilespmem:s13], [sflag:$0x3], $0x80, s2, s12, $0xb8;
	[tilespmem:$0x1D000] =	vst v63  }
0x1e3: {  	_ =	swait.ge [sflag:s10], $0x4000  }
0x1e4: {  	[sflag:s10] =	ssyncset.done $0x0  }
0x1e5: {  	[sflag:s10] =	ssyncadd.s32 $0xFFFFC000  }
0x1e6: {  	_ =	swait.ge [sflag:s16], $0x4000  }
0x1e7: {  	[sflag:s16] =	ssyncset.done $0x0  }
0x1e8: {  	[sflag:s16] =	ssyncadd.s32 $0xFFFFC000  }
0x1e9: {  	[spmem:s1] =	stream.indirect.scatter.add.f32 [tilespmem:s15], [sflag:$0x3], $0x80, s5, s12, $0xb8;
	[tilespmem:$0x1D000] =	vst v63  }
0x1ea: {  	_ =	swait.ge [sflag:s10], $0x4000  }
0x1eb: {  	[sflag:s10] =	ssyncset.done $0x0  }
0x1ec: {  	[sflag:s10] =	ssyncadd.s32 $0xFFFFC000  }
0x1ed: {  	[bflag:$0x0] =	sbarrier.arrive $0xFFFF  }
0x1ee: {  	s7 =	rddreg [dreg:$0x12]  }
0x1ef: {  	s9 =	rddreg [dreg:$0x13]  }
0x1f0: {  	s8 =	rddreg [dreg:$0x15]  }
0x1f1: {  	[hbm:s9], [sflag:s7] =	dma.local [spmem:s8], $0x2800  }
0x1f2: {  	_ =	swait.ge [sflag:s10], $0x2800  }
0x1f3: {  	s6 =	rddreg [dreg:$0x16]  }
0x1f4: {  	s9 =	sadd.s32 $0x1, s6;
	s6 =	rddreg [dreg:$0x14]  }
0x1f5: {  	p0 =	sne.s32 s9, s6  }
.Ltmp1:
0x1f6: {  	_ = 	snop;
	(pc) =	sbr.rel @p0 .LBB2_1-.Ltmp1, $3  }
0x1f7: {  	_ =	sdelay $0x1  }
0x1f8: {  	[sflag:s10] =	ssyncset.done $0x0  }
0x1f9: {  	[sflag:s10] =	ssyncadd.s32 $0xFFFFD800  }
0x1fa: {  	_ =	sfence.sel $0x180000  }
0x1fb: {  	[bflag:$0x0] =	sbarrier.arrive $0xFFFF  }
0x1fc: {  	_ =	strace $0x90000050  }
0x1fd: {  	s0 =	stileid.u32;
	[bflag:$0x2] =	sbarrier.arrive $0xFFFF  }
0x1fe: {  	p0 =	sne.s32 s0, $0x0;
	s0 =	rddreg [dreg:$0x2]  }
0x1ff: {  	s0 =	sadd.s32 @!p0 $0x100000, s0  }
0x200: {  	[sflag:s0] =	ssyncadd.tile.s32 @!p0 $0x1;
	_ =	shalt  }
.Lfunc_end2:
_tile_overlayer_lowered:
.L_overlay_start_2:
0x201: {  	(tag) =	ssettag $0x2  }
0x202: {  	s0 =	rddreg [dreg:$0x0];
	s2 =	stileid.u32  }
0x203: {  	s1 =	rddreg [dreg:$0x1];
	p0 =	sne.s32 s2, $0x0  }
0x204: {  	s3 =	rddreg [dreg:$0x2];
	[bflag:$0x3] =	sbarrier.arrive $0xFFFF;
	s2 =	simm.s32 @!p0 $0x1C03  }
0x205: {  	[timem:s3], [sflag:s2] =	dma.local @!p0 [hbm:s0], s1  }
0x206: {  	s0 =	simm.s32 @!p0 $0x3  }
0x207: {  	_ =	swait.ge @!p0 [sflag:s0], s1  }
0x208: {  	s1 =	ssub.s32 @!p0 $0x0, s1;
	[sflag:s0] =	ssyncset.done @!p0 $0x0  }
0x209: {  	[sflag:s0] =	ssyncadd.s32 @!p0 s1  }
0x20a: {  	[bflag:$0x3] =	sbarrier.arrive $0xFFFF  }
0x20b: {  	_ =	shalt  }

</sc_bundles>
